<compile_context>
chip_gen: v7x
topology: tpu7x:2x2x1
jax: 0.10.2.dev20260603
libtpu: 0.0.44.dev20260713+nightly
codegen_flags: <defaults>
</compile_context>

<pallas_src>
import functools

import jax
import jax.numpy as jnp
from jax import lax
from jax.experimental import pallas as pl
from jax.experimental.pallas import tpu as pltpu
from jax.experimental.pallas import tpu_sc as plsc

_L = 16
_C = 128


def _newton_rsqrt(x):
    i = lax.bitcast_convert_type(x, jnp.int32)
    i = jnp.int32(0x5F3759DF) - lax.shift_right_logical(i, 1)
    y = lax.bitcast_convert_type(i, jnp.float32)
    for _ in range(3):
        y = y * (jnp.float32(1.5) - jnp.float32(0.5) * x * y * y)
    return y


def _make_sc_kernel(total_rows, vocab, seq_len, num_types, d):
    info = plsc.get_sparse_core_info()
    nc, ns = info.num_cores, info.num_subcores
    nw = nc * ns
    assert total_rows % (nw * 2 * _C) == 0
    rpw = total_rows // nw
    n_chunks = rpw // _C
    nv = d // _L
    inv_d = jnp.float32(1.0 / d)
    eps = jnp.float32(1e-3)

    mesh = plsc.VectorSubcoreMesh(core_axis_name="c", subcore_axis_name="s")

    @functools.partial(
        pl.kernel,
        out_type=jax.ShapeDtypeStruct((total_rows, d), jnp.float32),
        mesh=mesh,
        scratch_types=[
            pltpu.VMEM((rpw,), jnp.int32),
            pltpu.VMEM((rpw,), jnp.int32),
            pltpu.VMEM((4, _C), jnp.int32),
            pltpu.VMEM((4, _C, d), jnp.float32),
            pltpu.VMEM((d,), jnp.float32),
            pltpu.VMEM((d,), jnp.float32),
        ] + [pltpu.SemaphoreType.DMA] * 12,
    )
    def sc_kernel(ids_hbm, tids_hbm, table_hbm, bias_hbm, gamma_hbm, beta_hbm,
                  out_hbm, idx_v, tid_v, bidx_v, tok_v, g_v, b_v, *sems):
        wid = lax.axis_index("s") * nc + lax.axis_index("c")
        base = wid * rpw
        sem_t = sems[0:4]
        sem_b = sems[4:8]
        sem_o = sems[8:12]

        pltpu.sync_copy(ids_hbm.at[pl.ds(base, rpw)], idx_v)
        pltpu.sync_copy(tids_hbm.at[pl.ds(base, rpw)], tid_v)
        pltpu.sync_copy(gamma_hbm, g_v)
        pltpu.sync_copy(beta_hbm, b_v)

        g_regs = [g_v[pl.ds(k * _L, _L)] for k in range(nv)]
        b_regs = [b_v[pl.ds(k * _L, _L)] for k in range(nv)]
        lane = jnp.arange(_L, dtype=jnp.int32)
        bfly = [lax.bitwise_xor(lane, jnp.int32(1 << i)) for i in range(4)]

        def lane_sum(v):
            for ix in bfly:
                v = v + v.at[ix].get(mode="promise_in_bounds")
            return v

        def fire_tok(c, bf):
            off = c * _C
            g0 = base + off
            for v in range(_C // _L):
                t = tid_v[pl.ds(off + v * _L, _L)]
                p = lax.rem(g0 + v * _L + lane, jnp.int32(seq_len))
                bidx_v[bf, pl.ds(v * _L, _L)] = p * jnp.int32(num_types) + t
            pltpu.async_copy(
                table_hbm.at[idx_v.at[pl.ds(off, _C)]], tok_v.at[bf],
                sem_t[bf])

        def wait_tok_fire_bias(c, bf):
            off = c * _C
            pltpu.make_async_copy(
                table_hbm.at[idx_v.at[pl.ds(off, _C)]], tok_v.at[bf],
                sem_t[bf]).wait()
            pltpu.async_copy(bias_hbm.at[bidx_v.at[bf]], tok_v.at[bf],
                             sem_b[bf], add=True)

        def chunk_step(c, s):
            s1 = (s + 1) % 4
            s2 = (s + 2) % 4

            @pl.when(c + 1 < n_chunks)
            def _():
                wait_tok_fire_bias(c + 1, s1)

            @pl.when(c + 2 < n_chunks)
            def _():
                @pl.when(c >= 2)
                def _():
                    wait_out(c - 2, s2)
                fire_tok(c + 2, s2)

            wait_bias(s)
            lax.fori_loop(0, _C, row_body(s), 0, unroll=2)
            fire_out(c, s)

        def wait_bias(bf):
            pltpu.make_async_copy(bias_hbm.at[bidx_v.at[bf]], tok_v.at[bf],
                                  sem_b[bf]).wait()

        def fire_out(c, bf):
            pltpu.async_copy(
                tok_v.at[bf], out_hbm.at[pl.ds(base + c * _C, _C)], sem_o[bf])

        def wait_out(c, bf):
            pltpu.make_async_copy(
                tok_v.at[bf], out_hbm.at[pl.ds(base + c * _C, _C)],
                sem_o[bf]).wait()

        def row_body(bf):
            def body(j, _):
                xs = []
                for k in range(nv):
                    sl = pl.ds(k * _L, _L)
                    xs.append(tok_v[bf, j, sl])
                s = xs[0]
                q = xs[0] * xs[0]
                for x in xs[1:]:
                    s = s + x
                    q = q + x * x
                m = lane_sum(s) * inv_d
                var = lane_sum(q) * inv_d - m * m
                inv = _newton_rsqrt(var + eps)
                for k in range(nv):
                    sl = pl.ds(k * _L, _L)
                    tok_v[bf, j, sl] = (xs[k] - m) * inv * g_regs[k] + b_regs[k]
                return 0
            return body

        def quad_body(q, _):
            c0 = 4 * q
            for i in range(4):
                chunk_step(c0 + i, i)
            return 0

        assert n_chunks % 4 == 0
        fire_tok(0, 0)
        fire_tok(1, 1)
        wait_tok_fire_bias(0, 0)
        lax.fori_loop(0, n_chunks // 4, quad_body, 0)
        for i in range(4):
            wait_out(n_chunks - 4 + i, i)

    return sc_kernel


def kernel(input_ids, token_type_ids, token_embedding, position_table,
           type_table, gamma, beta):
    b, s = input_ids.shape
    vocab, d = token_embedding.shape
    num_types = type_table.shape[0]
    total = b * s

    ids = input_ids.reshape(total).astype(jnp.int32)
    tids = token_type_ids.reshape(total).astype(jnp.int32)
    bias_table = (position_table[:s, None, :] + type_table[None, :, :]
                  ).reshape(s * num_types, d)

    sc = _make_sc_kernel(total, vocab, s, num_types, d)
    out = sc(ids, tids, token_embedding, bias_table,
             gamma.astype(jnp.float32), beta.astype(jnp.float32))
    return out.reshape(b, s, d), token_embedding

# --- scband reference (transcript-rebuilt; emitter-appended) ---
"""Pipeline reference for scband-embedding-layer-6794638263029 (READ-ONLY COPY).

The authoritative reference and input builder live on the scoring server;
editing this copy changes nothing except your own understanding.
"""

import jax, jax.numpy as jnp
import numpy as np

VOCAB = 100000
MAXPOS = 512
EMB = 128
TYPES = 2
B = 1024
S = 512
EPS = 1e-3  # keras LayerNormalization default epsilon


def setup_inputs(seed: int = 0) -> dict:
    key = jax.random.key(seed)
    k1, k2, k3, k4, k5 = jax.random.split(key, 5)
    input_ids = jax.random.randint(k1, (B, S), 0, VOCAB)
    token_type_ids = jax.random.randint(k2, (B, S), 0, TYPES)
    token_embedding = jax.random.normal(k3, (VOCAB, EMB), dtype=jnp.float32) * 0.02
    position_table = jax.random.normal(k4, (MAXPOS, EMB), dtype=jnp.float32) * 0.02
    type_table = jax.random.normal(k5, (TYPES, EMB), dtype=jnp.float32) * 0.02
    gamma = jnp.ones((EMB,), dtype=jnp.float32)
    beta = jnp.zeros((EMB,), dtype=jnp.float32)
    return {
        "input_ids": input_ids,
        "token_type_ids": token_type_ids,
        "token_embedding": token_embedding,
        "position_table": position_table,
        "type_table": type_table,
        "gamma": gamma,
        "beta": beta,
    }


def reference(input_ids, token_type_ids, token_embedding, position_table, type_table, gamma, beta):
    seq_len = input_ids.shape[-1]
    position_ids = jnp.arange(seq_len, dtype=jnp.int32)[None, :]  # [1, S]
    position_embeddings = jnp.take(position_table, position_ids, axis=0)  # [1, S, D]
    token_type_embeddings = jnp.take(type_table, token_type_ids, axis=0)  # [B, S, D]
    token_embeddings = jnp.take(token_embedding, input_ids, axis=0)  # [B, S, D]
    embeddings = token_embeddings + token_type_embeddings + position_embeddings
    mean = jnp.mean(embeddings, axis=-1, keepdims=True)
    var = jnp.mean(jnp.square(embeddings - mean), axis=-1, keepdims=True)
    normed = (embeddings - mean) / jnp.sqrt(var + EPS)
    out = normed * gamma + beta
    # dropout is identity in inference mode (training=None)
    return (out, token_embedding)

if __name__ == "__main__":
    import jax
    _d = setup_inputs()
    print(jax.jit(kernel)(*tuple(_d.values())))

</pallas_src>

<mosaic_0001>
#map = affine_map<(d0, d1) -> (0)>
#map1 = affine_map<(d0, d1) -> (0, 0)>
module attributes {stable_mosaic.version = 14 : i64} {
  func.func @_rewritten_body(%arg0: i32, %arg1: i32, %arg2: memref<524288xi32, #tpu.memory_space<hbm>>, %arg3: memref<524288xi32, #tpu.memory_space<hbm>>, %arg4: memref<100000x128xf32, #tpu.memory_space<hbm>>, %arg5: memref<1024x128xf32, #tpu.memory_space<hbm>>, %arg6: memref<128xf32, #tpu.memory_space<hbm>>, %arg7: memref<128xf32, #tpu.memory_space<hbm>>, %arg8: memref<1xf32, #tpu.memory_space<hbm>>, %arg9: memref<1xf32, #tpu.memory_space<hbm>>, %arg10: memref<524288x128xf32, #tpu.memory_space<hbm>>, %arg11: memref<16384xi32, #tpu.memory_space<vmem>>, %arg12: memref<16384xi32, #tpu.memory_space<vmem>>, %arg13: memref<4x128xi32, #tpu.memory_space<vmem>>, %arg14: memref<4x128x128xf32, #tpu.memory_space<vmem>>, %arg15: memref<128xf32, #tpu.memory_space<vmem>>, %arg16: memref<128xf32, #tpu.memory_space<vmem>>, %arg17: memref<!tpu.dma_semaphore, #tpu.memory_space<semaphore_mem>>, %arg18: memref<!tpu.dma_semaphore, #tpu.memory_space<semaphore_mem>>, %arg19: memref<!tpu.dma_semaphore, #tpu.memory_space<semaphore_mem>>, %arg20: memref<!tpu.dma_semaphore, #tpu.memory_space<semaphore_mem>>, %arg21: memref<!tpu.dma_semaphore, #tpu.memory_space<semaphore_mem>>, %arg22: memref<!tpu.dma_semaphore, #tpu.memory_space<semaphore_mem>>, %arg23: memref<!tpu.dma_semaphore, #tpu.memory_space<semaphore_mem>>, %arg24: memref<!tpu.dma_semaphore, #tpu.memory_space<semaphore_mem>>, %arg25: memref<!tpu.dma_semaphore, #tpu.memory_space<semaphore_mem>>, %arg26: memref<!tpu.dma_semaphore, #tpu.memory_space<semaphore_mem>>, %arg27: memref<!tpu.dma_semaphore, #tpu.memory_space<semaphore_mem>>, %arg28: memref<!tpu.dma_semaphore, #tpu.memory_space<semaphore_mem>>) attributes {dimension_semantics = [#tpu.dimension_semantics<core_parallel>, #tpu.dimension_semantics<subcore_parallel>], iteration_bounds = array<i64: 2, 16>, scalar_prefetch = 0 : i64, scratch_operands = 18 : i64, tpu.core_type = #tpu.core_type<sc_vector_subcore>, window_params = [{transform_indices = #map}, {transform_indices = #map}, {transform_indices = #map1}, {transform_indices = #map1}, {transform_indices = #map}, {transform_indices = #map}, {transform_indices = #map}, {transform_indices = #map}, {transform_indices = #map1}]} {
    %empty_ref3A = memref.alloca() : memref<16xf32, #tpu.memory_space<vmem>>
    %empty_ref3A_0 = memref.alloca() : memref<16xf32, #tpu.memory_space<vmem>>
    "tpu.region"() ({
      %run_scoped3A = tpu.sem_alloc : memref<!tpu.dma_semaphore, #tpu.memory_space<semaphore_mem>>
      %dma_start3A_498 = arith.constant 0 : i32
      %dma_start3A_499 = tpu.memref_slice %empty_ref3A[%dma_start3A_498] : memref<16xf32, #tpu.memory_space<vmem>> -> memref<1xf32, #tpu.memory_space<vmem>>
      %dma_start3A_500 = arith.constant 0 : i32
      %dma_start3A_501 = tpu.memref_slice %empty_ref3A[%dma_start3A_500] : memref<16xf32, #tpu.memory_space<vmem>> -> memref<1xf32, #tpu.memory_space<vmem>>
      tpu.enqueue_dma source(%arg8 : memref<1xf32, #tpu.memory_space<hbm>>) target(%dma_start3A_501 : memref<1xf32, #tpu.memory_space<vmem>>) target_semaphore(%run_scoped3A : memref<!tpu.dma_semaphore, #tpu.memory_space<semaphore_mem>>)
      %dma_start3A_502 = arith.constant 0 : i32
      %dma_start3A_503 = tpu.memref_slice %empty_ref3A_0[%dma_start3A_502] : memref<16xf32, #tpu.memory_space<vmem>> -> memref<1xf32, #tpu.memory_space<vmem>>
      %dma_start3A_504 = arith.constant 0 : i32
      %dma_start3A_505 = tpu.memref_slice %empty_ref3A_0[%dma_start3A_504] : memref<16xf32, #tpu.memory_space<vmem>> -> memref<1xf32, #tpu.memory_space<vmem>>
      tpu.enqueue_dma source(%arg9 : memref<1xf32, #tpu.memory_space<hbm>>) target(%dma_start3A_505 : memref<1xf32, #tpu.memory_space<vmem>>) target_semaphore(%run_scoped3A : memref<!tpu.dma_semaphore, #tpu.memory_space<semaphore_mem>>)
      %dma_wait3A_506 = arith.constant 0 : i32
      %dma_wait3A_507 = tpu.memref_slice %empty_ref3A[%dma_wait3A_506] : memref<16xf32, #tpu.memory_space<vmem>> -> memref<1xf32, #tpu.memory_space<vmem>>
      %dma_wait3A_508 = arith.constant 0 : i32
      %dma_wait3A_509 = tpu.memref_slice %empty_ref3A[%dma_wait3A_508] : memref<16xf32, #tpu.memory_space<vmem>> -> memref<1xf32, #tpu.memory_space<vmem>>
      tpu.wait_dma2 semaphore(%run_scoped3A : memref<!tpu.dma_semaphore, #tpu.memory_space<semaphore_mem>>) src(%arg8 : memref<1xf32, #tpu.memory_space<hbm>>) dst(%dma_wait3A_509 : memref<1xf32, #tpu.memory_space<vmem>>)
      %dma_wait3A_510 = arith.constant 0 : i32
      %dma_wait3A_511 = tpu.memref_slice %empty_ref3A_0[%dma_wait3A_510] : memref<16xf32, #tpu.memory_space<vmem>> -> memref<1xf32, #tpu.memory_space<vmem>>
      %dma_wait3A_512 = arith.constant 0 : i32
      %dma_wait3A_513 = tpu.memref_slice %empty_ref3A_0[%dma_wait3A_512] : memref<16xf32, #tpu.memory_space<vmem>> -> memref<1xf32, #tpu.memory_space<vmem>>
      tpu.wait_dma2 semaphore(%run_scoped3A : memref<!tpu.dma_semaphore, #tpu.memory_space<semaphore_mem>>) src(%arg9 : memref<1xf32, #tpu.memory_space<hbm>>) dst(%dma_wait3A_513 : memref<1xf32, #tpu.memory_space<vmem>>)
      tpu.yield
    }) : () -> ()
    %get3A = arith.constant 0 : index
    %get3A_1 = tpu.vector_load %empty_ref3A[%get3A] {strides = array<i32>} : memref<16xf32, #tpu.memory_space<vmem>>, vector<16xf32>,
    %get3A_2 = vector.shape_cast %get3A_1 : vector<16xf32> to vector<16xf32>
    %slice3A = vector.extract_strided_slice %get3A_2 {offsets = [0], sizes = [1], strides = [1]} : vector<16xf32> to vector<1xf32>
    %squeeze3A = vector.extract %slice3A[0] : f32 from vector<1xf32>
    %get3A_3 = arith.constant 0 : index
    %get3A_4 = tpu.vector_load %empty_ref3A_0[%get3A_3] {strides = array<i32>} : memref<16xf32, #tpu.memory_space<vmem>>, vector<16xf32>,
    %get3A_5 = vector.shape_cast %get3A_4 : vector<16xf32> to vector<16xf32>
    %slice3A_6 = vector.extract_strided_slice %get3A_5 {offsets = [0], sizes = [1], strides = [1]} : vector<16xf32> to vector<1xf32>
    %squeeze3A_7 = vector.extract %slice3A_6[0] : f32 from vector<1xf32>
    %mul3A = arith.constant 2 : i32
    %mul3A_8 = arith.muli %arg1, %mul3A : i32
    %add3A = arith.addi %mul3A_8, %arg0 : i32
    %mul3A_9 = arith.constant 16384 : i32
    %mul3A_10 = arith.muli %add3A, %mul3A_9 : i32
    "tpu.region"() ({
      %run_scoped3A = tpu.sem_alloc : memref<!tpu.dma_semaphore, #tpu.memory_space<semaphore_mem>>
      %dma_start3A_498 = tpu.memref_slice %arg2[%mul3A_10] : memref<524288xi32, #tpu.memory_space<hbm>> -> memref<16384xi32, #tpu.memory_space<hbm>>
      %dma_start3A_499 = tpu.memref_slice %arg2[%mul3A_10] : memref<524288xi32, #tpu.memory_space<hbm>> -> memref<16384xi32, #tpu.memory_space<hbm>>
      tpu.enqueue_dma source(%dma_start3A_499 : memref<16384xi32, #tpu.memory_space<hbm>>) target(%arg11 : memref<16384xi32, #tpu.memory_space<vmem>>) target_semaphore(%run_scoped3A : memref<!tpu.dma_semaphore, #tpu.memory_space<semaphore_mem>>)
      %dma_wait3A_500 = tpu.memref_slice %arg2[%mul3A_10] : memref<524288xi32, #tpu.memory_space<hbm>> -> memref<16384xi32, #tpu.memory_space<hbm>>
      %dma_wait3A_501 = tpu.memref_slice %arg2[%mul3A_10] : memref<524288xi32, #tpu.memory_space<hbm>> -> memref<16384xi32, #tpu.memory_space<hbm>>
      tpu.wait_dma2 semaphore(%run_scoped3A : memref<!tpu.dma_semaphore, #tpu.memory_space<semaphore_mem>>) src(%dma_wait3A_501 : memref<16384xi32, #tpu.memory_space<hbm>>) dst(%arg11 : memref<16384xi32, #tpu.memory_space<vmem>>)
      tpu.yield
    }) : () -> ()
    "tpu.region"() ({
      %run_scoped3A = tpu.sem_alloc : memref<!tpu.dma_semaphore, #tpu.memory_space<semaphore_mem>>
      %dma_start3A_498 = tpu.memref_slice %arg3[%mul3A_10] : memref<524288xi32, #tpu.memory_space<hbm>> -> memref<16384xi32, #tpu.memory_space<hbm>>
      %dma_start3A_499 = tpu.memref_slice %arg3[%mul3A_10] : memref<524288xi32, #tpu.memory_space<hbm>> -> memref<16384xi32, #tpu.memory_space<hbm>>
      tpu.enqueue_dma source(%dma_start3A_499 : memref<16384xi32, #tpu.memory_space<hbm>>) target(%arg12 : memref<16384xi32, #tpu.memory_space<vmem>>) target_semaphore(%run_scoped3A : memref<!tpu.dma_semaphore, #tpu.memory_space<semaphore_mem>>)
      %dma_wait3A_500 = tpu.memref_slice %arg3[%mul3A_10] : memref<524288xi32, #tpu.memory_space<hbm>> -> memref<16384xi32, #tpu.memory_space<hbm>>
      %dma_wait3A_501 = tpu.memref_slice %arg3[%mul3A_10] : memref<524288xi32, #tpu.memory_space<hbm>> -> memref<16384xi32, #tpu.memory_space<hbm>>
      tpu.wait_dma2 semaphore(%run_scoped3A : memref<!tpu.dma_semaphore, #tpu.memory_space<semaphore_mem>>) src(%dma_wait3A_501 : memref<16384xi32, #tpu.memory_space<hbm>>) dst(%arg12 : memref<16384xi32, #tpu.memory_space<vmem>>)
      tpu.yield
    }) : () -> ()
    "tpu.region"() ({
      %run_scoped3A = tpu.sem_alloc : memref<!tpu.dma_semaphore, #tpu.memory_space<semaphore_mem>>
      tpu.enqueue_dma source(%arg6 : memref<128xf32, #tpu.memory_space<hbm>>) target(%arg15 : memref<128xf32, #tpu.memory_space<vmem>>) target_semaphore(%run_scoped3A : memref<!tpu.dma_semaphore, #tpu.memory_space<semaphore_mem>>)
      tpu.wait_dma2 semaphore(%run_scoped3A : memref<!tpu.dma_semaphore, #tpu.memory_space<semaphore_mem>>) src(%arg6 : memref<128xf32, #tpu.memory_space<hbm>>) dst(%arg15 : memref<128xf32, #tpu.memory_space<vmem>>)
      tpu.yield
    }) : () -> ()
    "tpu.region"() ({
      %run_scoped3A = tpu.sem_alloc : memref<!tpu.dma_semaphore, #tpu.memory_space<semaphore_mem>>
      tpu.enqueue_dma source(%arg7 : memref<128xf32, #tpu.memory_space<hbm>>) target(%arg16 : memref<128xf32, #tpu.memory_space<vmem>>) target_semaphore(%run_scoped3A : memref<!tpu.dma_semaphore, #tpu.memory_space<semaphore_mem>>)
      tpu.wait_dma2 semaphore(%run_scoped3A : memref<!tpu.dma_semaphore, #tpu.memory_space<semaphore_mem>>) src(%arg7 : memref<128xf32, #tpu.memory_space<hbm>>) dst(%arg16 : memref<128xf32, #tpu.memory_space<vmem>>)
      tpu.yield
    }) : () -> ()
    %get3A_11 = arith.constant 0 : index
    %get3A_12 = tpu.vector_load %arg15[%get3A_11] {strides = array<i32>} : memref<128xf32, #tpu.memory_space<vmem>>, vector<16xf32>,
    %get3A_13 = vector.shape_cast %get3A_12 : vector<16xf32> to vector<16xf32>
    %get3A_14 = arith.constant 16 : index
    %get3A_15 = tpu.vector_load %arg15[%get3A_14] {strides = array<i32>} : memref<128xf32, #tpu.memory_space<vmem>>, vector<16xf32>,
    %get3A_16 = vector.shape_cast %get3A_15 : vector<16xf32> to vector<16xf32>
    %get3A_17 = arith.constant 32 : index
    %get3A_18 = tpu.vector_load %arg15[%get3A_17] {strides = array<i32>} : memref<128xf32, #tpu.memory_space<vmem>>, vector<16xf32>,
    %get3A_19 = vector.shape_cast %get3A_18 : vector<16xf32> to vector<16xf32>
    %get3A_20 = arith.constant 48 : index
    %get3A_21 = tpu.vector_load %arg15[%get3A_20] {strides = array<i32>} : memref<128xf32, #tpu.memory_space<vmem>>, vector<16xf32>,
    %get3A_22 = vector.shape_cast %get3A_21 : vector<16xf32> to vector<16xf32>
    %get3A_23 = arith.constant 64 : index
    %get3A_24 = tpu.vector_load %arg15[%get3A_23] {strides = array<i32>} : memref<128xf32, #tpu.memory_space<vmem>>, vector<16xf32>,
    %get3A_25 = vector.shape_cast %get3A_24 : vector<16xf32> to vector<16xf32>
    %get3A_26 = arith.constant 80 : index
    %get3A_27 = tpu.vector_load %arg15[%get3A_26] {strides = array<i32>} : memref<128xf32, #tpu.memory_space<vmem>>, vector<16xf32>,
    %get3A_28 = vector.shape_cast %get3A_27 : vector<16xf32> to vector<16xf32>
    %get3A_29 = arith.constant 96 : index
    %get3A_30 = tpu.vector_load %arg15[%get3A_29] {strides = array<i32>} : memref<128xf32, #tpu.memory_space<vmem>>, vector<16xf32>,
    %get3A_31 = vector.shape_cast %get3A_30 : vector<16xf32> to vector<16xf32>
    %get3A_32 = arith.constant 112 : index
    %get3A_33 = tpu.vector_load %arg15[%get3A_32] {strides = array<i32>} : memref<128xf32, #tpu.memory_space<vmem>>, vector<16xf32>,
    %get3A_34 = vector.shape_cast %get3A_33 : vector<16xf32> to vector<16xf32>
    %get3A_35 = arith.constant 0 : index
    %get3A_36 = tpu.vector_load %arg16[%get3A_35] {strides = array<i32>} : memref<128xf32, #tpu.memory_space<vmem>>, vector<16xf32>,
    %get3A_37 = vector.shape_cast %get3A_36 : vector<16xf32> to vector<16xf32>
    %get3A_38 = arith.constant 16 : index
    %get3A_39 = tpu.vector_load %arg16[%get3A_38] {strides = array<i32>} : memref<128xf32, #tpu.memory_space<vmem>>, vector<16xf32>,
    %get3A_40 = vector.shape_cast %get3A_39 : vector<16xf32> to vector<16xf32>
    %get3A_41 = arith.constant 32 : index
    %get3A_42 = tpu.vector_load %arg16[%get3A_41] {strides = array<i32>} : memref<128xf32, #tpu.memory_space<vmem>>, vector<16xf32>,
    %get3A_43 = vector.shape_cast %get3A_42 : vector<16xf32> to vector<16xf32>
    %get3A_44 = arith.constant 48 : index
    %get3A_45 = tpu.vector_load %arg16[%get3A_44] {strides = array<i32>} : memref<128xf32, #tpu.memory_space<vmem>>, vector<16xf32>,
    %get3A_46 = vector.shape_cast %get3A_45 : vector<16xf32> to vector<16xf32>
    %get3A_47 = arith.constant 64 : index
    %get3A_48 = tpu.vector_load %arg16[%get3A_47] {strides = array<i32>} : memref<128xf32, #tpu.memory_space<vmem>>, vector<16xf32>,
    %get3A_49 = vector.shape_cast %get3A_48 : vector<16xf32> to vector<16xf32>
    %get3A_50 = arith.constant 80 : index
    %get3A_51 = tpu.vector_load %arg16[%get3A_50] {strides = array<i32>} : memref<128xf32, #tpu.memory_space<vmem>>, vector<16xf32>,
    %get3A_52 = vector.shape_cast %get3A_51 : vector<16xf32> to vector<16xf32>
    %get3A_53 = arith.constant 96 : index
    %get3A_54 = tpu.vector_load %arg16[%get3A_53] {strides = array<i32>} : memref<128xf32, #tpu.memory_space<vmem>>, vector<16xf32>,
    %get3A_55 = vector.shape_cast %get3A_54 : vector<16xf32> to vector<16xf32>
    %get3A_56 = arith.constant 112 : index
    %get3A_57 = tpu.vector_load %arg16[%get3A_56] {strides = array<i32>} : memref<128xf32, #tpu.memory_space<vmem>>, vector<16xf32>,
    %get3A_58 = vector.shape_cast %get3A_57 : vector<16xf32> to vector<16xf32>
    %iota3A = tpu.iota {dimensions = array<i32: 0>} : vector<16xi32>
    %xor3A = arith.constant 1 : i32
    %xor3A_59 = vector.broadcast %xor3A : i32 to vector<16xi32>
    %xor3A_60 = arith.xori %iota3A, %xor3A_59 : vector<16xi32>
    %xor3A_61 = arith.constant 2 : i32
    %xor3A_62 = vector.broadcast %xor3A_61 : i32 to vector<16xi32>
    %xor3A_63 = arith.xori %iota3A, %xor3A_62 : vector<16xi32>
    %xor3A_64 = arith.constant 4 : i32
    %xor3A_65 = vector.broadcast %xor3A_64 : i32 to vector<16xi32>
    %xor3A_66 = arith.xori %iota3A, %xor3A_65 : vector<16xi32>
    %xor3A_67 = arith.constant 8 : i32
    %xor3A_68 = vector.broadcast %xor3A_67 : i32 to vector<16xi32>
    %xor3A_69 = arith.xori %iota3A, %xor3A_68 : vector<16xi32>
    %add3A_70 = arith.constant 0 : i32
    %add3A_71 = arith.addi %mul3A_10, %add3A_70 : i32
    %get3A_72 = arith.constant 0 : index
    %get3A_73 = tpu.vector_load %arg12[%get3A_72] {strides = array<i32>} : memref<16384xi32, #tpu.memory_space<vmem>>, vector<16xi32>,
    %get3A_74 = vector.shape_cast %get3A_73 : vector<16xi32> to vector<16xi32>
    %add3A_75 = arith.constant 0 : i32
    %add3A_76 = arith.addi %add3A_71, %add3A_75 : i32
    %add3A_77 = vector.broadcast %add3A_76 : i32 to vector<16xi32>
    %add3A_78 = arith.addi %add3A_77, %iota3A : vector<16xi32>
    %rem3A = arith.constant 512 : i32
    %rem3A_79 = vector.broadcast %rem3A : i32 to vector<16xi32>
    %rem3A_80 = arith.remsi %add3A_78, %rem3A_79 : vector<16xi32>
    %mul3A_81 = arith.constant 2 : i32
    %mul3A_82 = vector.broadcast %mul3A_81 : i32 to vector<16xi32>
    %mul3A_83 = arith.muli %rem3A_80, %mul3A_82 : vector<16xi32>
    %add3A_84 = arith.addi %mul3A_83, %get3A_74 : vector<16xi32>
    %swap3A = arith.constant 0 : i32
    %swap3A_85 = arith.index_cast %swap3A : i32 to index
    %swap3A_86 = arith.constant 0 : index
    %swap3A_87 = tpu.vector_load %arg13[%swap3A_85, %swap3A_86] {strides = array<i32>} : memref<4x128xi32, #tpu.memory_space<vmem>>, vector<1x16xi32>,
    %swap3A_88 = vector.shape_cast %swap3A_87 : vector<1x16xi32> to vector<16xi32>
    %swap3A_89 = vector.shape_cast %add3A_84 : vector<16xi32> to vector<1x16xi32>
    tpu.vector_store %arg13[%swap3A_85, %swap3A_86], %swap3A_89 {strides = array<i32>} : memref<4x128xi32, #tpu.memory_space<vmem>>, vector<1x16xi32>,
    %get3A_90 = arith.constant 16 : index
    %get3A_91 = tpu.vector_load %arg12[%get3A_90] {strides = array<i32>} : memref<16384xi32, #tpu.memory_space<vmem>>, vector<16xi32>,
    %get3A_92 = vector.shape_cast %get3A_91 : vector<16xi32> to vector<16xi32>
    %add3A_93 = arith.constant 16 : i32
    %add3A_94 = arith.addi %add3A_71, %add3A_93 : i32
    %add3A_95 = vector.broadcast %add3A_94 : i32 to vector<16xi32>
    %add3A_96 = arith.addi %add3A_95, %iota3A : vector<16xi32>
    %rem3A_97 = arith.constant 512 : i32
    %rem3A_98 = vector.broadcast %rem3A_97 : i32 to vector<16xi32>
    %rem3A_99 = arith.remsi %add3A_96, %rem3A_98 : vector<16xi32>
    %mul3A_100 = arith.constant 2 : i32
    %mul3A_101 = vector.broadcast %mul3A_100 : i32 to vector<16xi32>
    %mul3A_102 = arith.muli %rem3A_99, %mul3A_101 : vector<16xi32>
    %add3A_103 = arith.addi %mul3A_102, %get3A_92 : vector<16xi32>
    %swap3A_104 = arith.constant 0 : i32
    %swap3A_105 = arith.index_cast %swap3A_104 : i32 to index
    %swap3A_106 = arith.constant 16 : index
    %swap3A_107 = tpu.vector_load %arg13[%swap3A_105, %swap3A_106] {strides = array<i32>} : memref<4x128xi32, #tpu.memory_space<vmem>>, vector<1x16xi32>,
    %swap3A_108 = vector.shape_cast %swap3A_107 : vector<1x16xi32> to vector<16xi32>
    %swap3A_109 = vector.shape_cast %add3A_103 : vector<16xi32> to vector<1x16xi32>
    tpu.vector_store %arg13[%swap3A_105, %swap3A_106], %swap3A_109 {strides = array<i32>} : memref<4x128xi32, #tpu.memory_space<vmem>>, vector<1x16xi32>,
    %get3A_110 = arith.constant 32 : index
    %get3A_111 = tpu.vector_load %arg12[%get3A_110] {strides = array<i32>} : memref<16384xi32, #tpu.memory_space<vmem>>, vector<16xi32>,
    %get3A_112 = vector.shape_cast %get3A_111 : vector<16xi32> to vector<16xi32>
    %add3A_113 = arith.constant 32 : i32
    %add3A_114 = arith.addi %add3A_71, %add3A_113 : i32
    %add3A_115 = vector.broadcast %add3A_114 : i32 to vector<16xi32>
    %add3A_116 = arith.addi %add3A_115, %iota3A : vector<16xi32>
    %rem3A_117 = arith.constant 512 : i32
    %rem3A_118 = vector.broadcast %rem3A_117 : i32 to vector<16xi32>
    %rem3A_119 = arith.remsi %add3A_116, %rem3A_118 : vector<16xi32>
    %mul3A_120 = arith.constant 2 : i32
    %mul3A_121 = vector.broadcast %mul3A_120 : i32 to vector<16xi32>
    %mul3A_122 = arith.muli %rem3A_119, %mul3A_121 : vector<16xi32>
    %add3A_123 = arith.addi %mul3A_122, %get3A_112 : vector<16xi32>
    %swap3A_124 = arith.constant 0 : i32
    %swap3A_125 = arith.index_cast %swap3A_124 : i32 to index
    %swap3A_126 = arith.constant 32 : index
    %swap3A_127 = tpu.vector_load %arg13[%swap3A_125, %swap3A_126] {strides = array<i32>} : memref<4x128xi32, #tpu.memory_space<vmem>>, vector<1x16xi32>,
    %swap3A_128 = vector.shape_cast %swap3A_127 : vector<1x16xi32> to vector<16xi32>
    %swap3A_129 = vector.shape_cast %add3A_123 : vector<16xi32> to vector<1x16xi32>
    tpu.vector_store %arg13[%swap3A_125, %swap3A_126], %swap3A_129 {strides = array<i32>} : memref<4x128xi32, #tpu.memory_space<vmem>>, vector<1x16xi32>,
    %get3A_130 = arith.constant 48 : index
    %get3A_131 = tpu.vector_load %arg12[%get3A_130] {strides = array<i32>} : memref<16384xi32, #tpu.memory_space<vmem>>, vector<16xi32>,
    %get3A_132 = vector.shape_cast %get3A_131 : vector<16xi32> to vector<16xi32>
    %add3A_133 = arith.constant 48 : i32
    %add3A_134 = arith.addi %add3A_71, %add3A_133 : i32
    %add3A_135 = vector.broadcast %add3A_134 : i32 to vector<16xi32>
    %add3A_136 = arith.addi %add3A_135, %iota3A : vector<16xi32>
    %rem3A_137 = arith.constant 512 : i32
    %rem3A_138 = vector.broadcast %rem3A_137 : i32 to vector<16xi32>
    %rem3A_139 = arith.remsi %add3A_136, %rem3A_138 : vector<16xi32>
    %mul3A_140 = arith.constant 2 : i32
    %mul3A_141 = vector.broadcast %mul3A_140 : i32 to vector<16xi32>
    %mul3A_142 = arith.muli %rem3A_139, %mul3A_141 : vector<16xi32>
    %add3A_143 = arith.addi %mul3A_142, %get3A_132 : vector<16xi32>
    %swap3A_144 = arith.constant 0 : i32
    %swap3A_145 = arith.index_cast %swap3A_144 : i32 to index
    %swap3A_146 = arith.constant 48 : index
    %swap3A_147 = tpu.vector_load %arg13[%swap3A_145, %swap3A_146] {strides = array<i32>} : memref<4x128xi32, #tpu.memory_space<vmem>>, vector<1x16xi32>,
    %swap3A_148 = vector.shape_cast %swap3A_147 : vector<1x16xi32> to vector<16xi32>
    %swap3A_149 = vector.shape_cast %add3A_143 : vector<16xi32> to vector<1x16xi32>
    tpu.vector_store %arg13[%swap3A_145, %swap3A_146], %swap3A_149 {strides = array<i32>} : memref<4x128xi32, #tpu.memory_space<vmem>>, vector<1x16xi32>,
    %get3A_150 = arith.constant 64 : index
    %get3A_151 = tpu.vector_load %arg12[%get3A_150] {strides = array<i32>} : memref<16384xi32, #tpu.memory_space<vmem>>, vector<16xi32>,
    %get3A_152 = vector.shape_cast %get3A_151 : vector<16xi32> to vector<16xi32>
    %add3A_153 = arith.constant 64 : i32
    %add3A_154 = arith.addi %add3A_71, %add3A_153 : i32
    %add3A_155 = vector.broadcast %add3A_154 : i32 to vector<16xi32>
    %add3A_156 = arith.addi %add3A_155, %iota3A : vector<16xi32>
    %rem3A_157 = arith.constant 512 : i32
    %rem3A_158 = vector.broadcast %rem3A_157 : i32 to vector<16xi32>
    %rem3A_159 = arith.remsi %add3A_156, %rem3A_158 : vector<16xi32>
    %mul3A_160 = arith.constant 2 : i32
    %mul3A_161 = vector.broadcast %mul3A_160 : i32 to vector<16xi32>
    %mul3A_162 = arith.muli %rem3A_159, %mul3A_161 : vector<16xi32>
    %add3A_163 = arith.addi %mul3A_162, %get3A_152 : vector<16xi32>
    %swap3A_164 = arith.constant 0 : i32
    %swap3A_165 = arith.index_cast %swap3A_164 : i32 to index
    %swap3A_166 = arith.constant 64 : index
    %swap3A_167 = tpu.vector_load %arg13[%swap3A_165, %swap3A_166] {strides = array<i32>} : memref<4x128xi32, #tpu.memory_space<vmem>>, vector<1x16xi32>,
    %swap3A_168 = vector.shape_cast %swap3A_167 : vector<1x16xi32> to vector<16xi32>
    %swap3A_169 = vector.shape_cast %add3A_163 : vector<16xi32> to vector<1x16xi32>
    tpu.vector_store %arg13[%swap3A_165, %swap3A_166], %swap3A_169 {strides = array<i32>} : memref<4x128xi32, #tpu.memory_space<vmem>>, vector<1x16xi32>,
    %get3A_170 = arith.constant 80 : index
    %get3A_171 = tpu.vector_load %arg12[%get3A_170] {strides = array<i32>} : memref<16384xi32, #tpu.memory_space<vmem>>, vector<16xi32>,
    %get3A_172 = vector.shape_cast %get3A_171 : vector<16xi32> to vector<16xi32>
    %add3A_173 = arith.constant 80 : i32
    %add3A_174 = arith.addi %add3A_71, %add3A_173 : i32
    %add3A_175 = vector.broadcast %add3A_174 : i32 to vector<16xi32>
    %add3A_176 = arith.addi %add3A_175, %iota3A : vector<16xi32>
    %rem3A_177 = arith.constant 512 : i32
    %rem3A_178 = vector.broadcast %rem3A_177 : i32 to vector<16xi32>
    %rem3A_179 = arith.remsi %add3A_176, %rem3A_178 : vector<16xi32>
    %mul3A_180 = arith.constant 2 : i32
    %mul3A_181 = vector.broadcast %mul3A_180 : i32 to vector<16xi32>
    %mul3A_182 = arith.muli %rem3A_179, %mul3A_181 : vector<16xi32>
    %add3A_183 = arith.addi %mul3A_182, %get3A_172 : vector<16xi32>
    %swap3A_184 = arith.constant 0 : i32
    %swap3A_185 = arith.index_cast %swap3A_184 : i32 to index
    %swap3A_186 = arith.constant 80 : index
    %swap3A_187 = tpu.vector_load %arg13[%swap3A_185, %swap3A_186] {strides = array<i32>} : memref<4x128xi32, #tpu.memory_space<vmem>>, vector<1x16xi32>,
    %swap3A_188 = vector.shape_cast %swap3A_187 : vector<1x16xi32> to vector<16xi32>
    %swap3A_189 = vector.shape_cast %add3A_183 : vector<16xi32> to vector<1x16xi32>
    tpu.vector_store %arg13[%swap3A_185, %swap3A_186], %swap3A_189 {strides = array<i32>} : memref<4x128xi32, #tpu.memory_space<vmem>>, vector<1x16xi32>,
    %get3A_190 = arith.constant 96 : index
    %get3A_191 = tpu.vector_load %arg12[%get3A_190] {strides = array<i32>} : memref<16384xi32, #tpu.memory_space<vmem>>, vector<16xi32>,
    %get3A_192 = vector.shape_cast %get3A_191 : vector<16xi32> to vector<16xi32>
    %add3A_193 = arith.constant 96 : i32
    %add3A_194 = arith.addi %add3A_71, %add3A_193 : i32
    %add3A_195 = vector.broadcast %add3A_194 : i32 to vector<16xi32>
    %add3A_196 = arith.addi %add3A_195, %iota3A : vector<16xi32>
    %rem3A_197 = arith.constant 512 : i32
    %rem3A_198 = vector.broadcast %rem3A_197 : i32 to vector<16xi32>
    %rem3A_199 = arith.remsi %add3A_196, %rem3A_198 : vector<16xi32>
    %mul3A_200 = arith.constant 2 : i32
    %mul3A_201 = vector.broadcast %mul3A_200 : i32 to vector<16xi32>
    %mul3A_202 = arith.muli %rem3A_199, %mul3A_201 : vector<16xi32>
    %add3A_203 = arith.addi %mul3A_202, %get3A_192 : vector<16xi32>
    %swap3A_204 = arith.constant 0 : i32
    %swap3A_205 = arith.index_cast %swap3A_204 : i32 to index
    %swap3A_206 = arith.constant 96 : index
    %swap3A_207 = tpu.vector_load %arg13[%swap3A_205, %swap3A_206] {strides = array<i32>} : memref<4x128xi32, #tpu.memory_space<vmem>>, vector<1x16xi32>,
    %swap3A_208 = vector.shape_cast %swap3A_207 : vector<1x16xi32> to vector<16xi32>
    %swap3A_209 = vector.shape_cast %add3A_203 : vector<16xi32> to vector<1x16xi32>
    tpu.vector_store %arg13[%swap3A_205, %swap3A_206], %swap3A_209 {strides = array<i32>} : memref<4x128xi32, #tpu.memory_space<vmem>>, vector<1x16xi32>,
    %get3A_210 = arith.constant 112 : index
    %get3A_211 = tpu.vector_load %arg12[%get3A_210] {strides = array<i32>} : memref<16384xi32, #tpu.memory_space<vmem>>, vector<16xi32>,
    %get3A_212 = vector.shape_cast %get3A_211 : vector<16xi32> to vector<16xi32>
    %add3A_213 = arith.constant 112 : i32
    %add3A_214 = arith.addi %add3A_71, %add3A_213 : i32
    %add3A_215 = vector.broadcast %add3A_214 : i32 to vector<16xi32>
    %add3A_216 = arith.addi %add3A_215, %iota3A : vector<16xi32>
    %rem3A_217 = arith.constant 512 : i32
    %rem3A_218 = vector.broadcast %rem3A_217 : i32 to vector<16xi32>
    %rem3A_219 = arith.remsi %add3A_216, %rem3A_218 : vector<16xi32>
    %mul3A_220 = arith.constant 2 : i32
    %mul3A_221 = vector.broadcast %mul3A_220 : i32 to vector<16xi32>
    %mul3A_222 = arith.muli %rem3A_219, %mul3A_221 : vector<16xi32>
    %add3A_223 = arith.addi %mul3A_222, %get3A_212 : vector<16xi32>
    %swap3A_224 = arith.constant 0 : i32
    %swap3A_225 = arith.index_cast %swap3A_224 : i32 to index
    %swap3A_226 = arith.constant 112 : index
    %swap3A_227 = tpu.vector_load %arg13[%swap3A_225, %swap3A_226] {strides = array<i32>} : memref<4x128xi32, #tpu.memory_space<vmem>>, vector<1x16xi32>,
    %swap3A_228 = vector.shape_cast %swap3A_227 : vector<1x16xi32> to vector<16xi32>
    %swap3A_229 = vector.shape_cast %add3A_223 : vector<16xi32> to vector<1x16xi32>
    tpu.vector_store %arg13[%swap3A_225, %swap3A_226], %swap3A_229 {strides = array<i32>} : memref<4x128xi32, #tpu.memory_space<vmem>>, vector<1x16xi32>,
    %dma_start3A = arith.constant 0 : i32
    %dma_start3A_230 = arith.constant 0 : i32
    %dma_start3A_231 = arith.constant 0 : i32
    %dma_start3A_232 = tpu.memref_slice %arg14[%dma_start3A, %dma_start3A_230, %dma_start3A_231] : memref<4x128x128xf32, #tpu.memory_space<vmem>> -> memref<1x128x128xf32, #tpu.memory_space<vmem>>
    %dma_start3A_233 = tpu.memref_squeeze %dma_start3A_232 : memref<1x128x128xf32, #tpu.memory_space<vmem>> -> memref<128x128xf32, #tpu.memory_space<vmem>>
    %dma_start3A_234 = arith.constant 0 : i32
    %dma_start3A_235 = tpu.memref_slice %arg11[%dma_start3A_234] : memref<16384xi32, #tpu.memory_space<vmem>> -> memref<128xi32, #tpu.memory_space<vmem>>
    %dma_start3A_236 = arith.constant 0 : i32
    %dma_start3A_237 = arith.constant 0 : i32
    %dma_start3A_238 = tpu.memref_slice %arg4[%dma_start3A_236, %dma_start3A_237] : memref<100000x128xf32, #tpu.memory_space<hbm>> -> memref<100000x128xf32, #tpu.memory_space<hbm>>
    tpu.enqueue_indirect_dma source(%dma_start3A_238 : memref<100000x128xf32, #tpu.memory_space<hbm>>) target(%dma_start3A_233 : memref<128x128xf32, #tpu.memory_space<vmem>>) offsets(%dma_start3A_235 : memref<128xi32, #tpu.memory_space<vmem>>) semaphore(%arg17 : memref<!tpu.dma_semaphore, #tpu.memory_space<semaphore_mem>>)
    %add3A_239 = arith.constant 128 : i32
    %add3A_240 = arith.addi %mul3A_10, %add3A_239 : i32
    %get3A_241 = arith.constant 128 : index
    %get3A_242 = tpu.vector_load %arg12[%get3A_241] {strides = array<i32>} : memref<16384xi32, #tpu.memory_space<vmem>>, vector<16xi32>,
    %get3A_243 = vector.shape_cast %get3A_242 : vector<16xi32> to vector<16xi32>
    %add3A_244 = arith.constant 0 : i32
    %add3A_245 = arith.addi %add3A_240, %add3A_244 : i32
    %add3A_246 = vector.broadcast %add3A_245 : i32 to vector<16xi32>
    %add3A_247 = arith.addi %add3A_246, %iota3A : vector<16xi32>
    %rem3A_248 = arith.constant 512 : i32
    %rem3A_249 = vector.broadcast %rem3A_248 : i32 to vector<16xi32>
    %rem3A_250 = arith.remsi %add3A_247, %rem3A_249 : vector<16xi32>
    %mul3A_251 = arith.constant 2 : i32
    %mul3A_252 = vector.broadcast %mul3A_251 : i32 to vector<16xi32>
    %mul3A_253 = arith.muli %rem3A_250, %mul3A_252 : vector<16xi32>
    %add3A_254 = arith.addi %mul3A_253, %get3A_243 : vector<16xi32>
    %swap3A_255 = arith.constant 1 : i32
    %swap3A_256 = arith.index_cast %swap3A_255 : i32 to index
    %swap3A_257 = arith.constant 0 : index
    %swap3A_258 = tpu.vector_load %arg13[%swap3A_256, %swap3A_257] {strides = array<i32>} : memref<4x128xi32, #tpu.memory_space<vmem>>, vector<1x16xi32>,
    %swap3A_259 = vector.shape_cast %swap3A_258 : vector<1x16xi32> to vector<16xi32>
    %swap3A_260 = vector.shape_cast %add3A_254 : vector<16xi32> to vector<1x16xi32>
    tpu.vector_store %arg13[%swap3A_256, %swap3A_257], %swap3A_260 {strides = array<i32>} : memref<4x128xi32, #tpu.memory_space<vmem>>, vector<1x16xi32>,
    %get3A_261 = arith.constant 144 : index
    %get3A_262 = tpu.vector_load %arg12[%get3A_261] {strides = array<i32>} : memref<16384xi32, #tpu.memory_space<vmem>>, vector<16xi32>,
    %get3A_263 = vector.shape_cast %get3A_262 : vector<16xi32> to vector<16xi32>
    %add3A_264 = arith.constant 16 : i32
    %add3A_265 = arith.addi %add3A_240, %add3A_264 : i32
    %add3A_266 = vector.broadcast %add3A_265 : i32 to vector<16xi32>
    %add3A_267 = arith.addi %add3A_266, %iota3A : vector<16xi32>
    %rem3A_268 = arith.constant 512 : i32
    %rem3A_269 = vector.broadcast %rem3A_268 : i32 to vector<16xi32>
    %rem3A_270 = arith.remsi %add3A_267, %rem3A_269 : vector<16xi32>
    %mul3A_271 = arith.constant 2 : i32
    %mul3A_272 = vector.broadcast %mul3A_271 : i32 to vector<16xi32>
    %mul3A_273 = arith.muli %rem3A_270, %mul3A_272 : vector<16xi32>
    %add3A_274 = arith.addi %mul3A_273, %get3A_263 : vector<16xi32>
    %swap3A_275 = arith.constant 1 : i32
    %swap3A_276 = arith.index_cast %swap3A_275 : i32 to index
    %swap3A_277 = arith.constant 16 : index
    %swap3A_278 = tpu.vector_load %arg13[%swap3A_276, %swap3A_277] {strides = array<i32>} : memref<4x128xi32, #tpu.memory_space<vmem>>, vector<1x16xi32>,
    %swap3A_279 = vector.shape_cast %swap3A_278 : vector<1x16xi32> to vector<16xi32>
    %swap3A_280 = vector.shape_cast %add3A_274 : vector<16xi32> to vector<1x16xi32>
    tpu.vector_store %arg13[%swap3A_276, %swap3A_277], %swap3A_280 {strides = array<i32>} : memref<4x128xi32, #tpu.memory_space<vmem>>, vector<1x16xi32>,
    %get3A_281 = arith.constant 160 : index
    %get3A_282 = tpu.vector_load %arg12[%get3A_281] {strides = array<i32>} : memref<16384xi32, #tpu.memory_space<vmem>>, vector<16xi32>,
    %get3A_283 = vector.shape_cast %get3A_282 : vector<16xi32> to vector<16xi32>
    %add3A_284 = arith.constant 32 : i32
    %add3A_285 = arith.addi %add3A_240, %add3A_284 : i32
    %add3A_286 = vector.broadcast %add3A_285 : i32 to vector<16xi32>
    %add3A_287 = arith.addi %add3A_286, %iota3A : vector<16xi32>
    %rem3A_288 = arith.constant 512 : i32
    %rem3A_289 = vector.broadcast %rem3A_288 : i32 to vector<16xi32>
    %rem3A_290 = arith.remsi %add3A_287, %rem3A_289 : vector<16xi32>
    %mul3A_291 = arith.constant 2 : i32
    %mul3A_292 = vector.broadcast %mul3A_291 : i32 to vector<16xi32>
    %mul3A_293 = arith.muli %rem3A_290, %mul3A_292 : vector<16xi32>
    %add3A_294 = arith.addi %mul3A_293, %get3A_283 : vector<16xi32>
    %swap3A_295 = arith.constant 1 : i32
    %swap3A_296 = arith.index_cast %swap3A_295 : i32 to index
    %swap3A_297 = arith.constant 32 : index
    %swap3A_298 = tpu.vector_load %arg13[%swap3A_296, %swap3A_297] {strides = array<i32>} : memref<4x128xi32, #tpu.memory_space<vmem>>, vector<1x16xi32>,
    %swap3A_299 = vector.shape_cast %swap3A_298 : vector<1x16xi32> to vector<16xi32>
    %swap3A_300 = vector.shape_cast %add3A_294 : vector<16xi32> to vector<1x16xi32>
    tpu.vector_store %arg13[%swap3A_296, %swap3A_297], %swap3A_300 {strides = array<i32>} : memref<4x128xi32, #tpu.memory_space<vmem>>, vector<1x16xi32>,
    %get3A_301 = arith.constant 176 : index
    %get3A_302 = tpu.vector_load %arg12[%get3A_301] {strides = array<i32>} : memref<16384xi32, #tpu.memory_space<vmem>>, vector<16xi32>,
    %get3A_303 = vector.shape_cast %get3A_302 : vector<16xi32> to vector<16xi32>
    %add3A_304 = arith.constant 48 : i32
    %add3A_305 = arith.addi %add3A_240, %add3A_304 : i32
    %add3A_306 = vector.broadcast %add3A_305 : i32 to vector<16xi32>
    %add3A_307 = arith.addi %add3A_306, %iota3A : vector<16xi32>
    %rem3A_308 = arith.constant 512 : i32
    %rem3A_309 = vector.broadcast %rem3A_308 : i32 to vector<16xi32>
    %rem3A_310 = arith.remsi %add3A_307, %rem3A_309 : vector<16xi32>
    %mul3A_311 = arith.constant 2 : i32
    %mul3A_312 = vector.broadcast %mul3A_311 : i32 to vector<16xi32>
    %mul3A_313 = arith.muli %rem3A_310, %mul3A_312 : vector<16xi32>
    %add3A_314 = arith.addi %mul3A_313, %get3A_303 : vector<16xi32>
    %swap3A_315 = arith.constant 1 : i32
    %swap3A_316 = arith.index_cast %swap3A_315 : i32 to index
    %swap3A_317 = arith.constant 48 : index
    %swap3A_318 = tpu.vector_load %arg13[%swap3A_316, %swap3A_317] {strides = array<i32>} : memref<4x128xi32, #tpu.memory_space<vmem>>, vector<1x16xi32>,
    %swap3A_319 = vector.shape_cast %swap3A_318 : vector<1x16xi32> to vector<16xi32>
    %swap3A_320 = vector.shape_cast %add3A_314 : vector<16xi32> to vector<1x16xi32>
    tpu.vector_store %arg13[%swap3A_316, %swap3A_317], %swap3A_320 {strides = array<i32>} : memref<4x128xi32, #tpu.memory_space<vmem>>, vector<1x16xi32>,
    %get3A_321 = arith.constant 192 : index
    %get3A_322 = tpu.vector_load %arg12[%get3A_321] {strides = array<i32>} : memref<16384xi32, #tpu.memory_space<vmem>>, vector<16xi32>,
    %get3A_323 = vector.shape_cast %get3A_322 : vector<16xi32> to vector<16xi32>
    %add3A_324 = arith.constant 64 : i32
    %add3A_325 = arith.addi %add3A_240, %add3A_324 : i32
    %add3A_326 = vector.broadcast %add3A_325 : i32 to vector<16xi32>
    %add3A_327 = arith.addi %add3A_326, %iota3A : vector<16xi32>
    %rem3A_328 = arith.constant 512 : i32
    %rem3A_329 = vector.broadcast %rem3A_328 : i32 to vector<16xi32>
    %rem3A_330 = arith.remsi %add3A_327, %rem3A_329 : vector<16xi32>
    %mul3A_331 = arith.constant 2 : i32
    %mul3A_332 = vector.broadcast %mul3A_331 : i32 to vector<16xi32>
    %mul3A_333 = arith.muli %rem3A_330, %mul3A_332 : vector<16xi32>
    %add3A_334 = arith.addi %mul3A_333, %get3A_323 : vector<16xi32>
    %swap3A_335 = arith.constant 1 : i32
    %swap3A_336 = arith.index_cast %swap3A_335 : i32 to index
    %swap3A_337 = arith.constant 64 : index
    %swap3A_338 = tpu.vector_load %arg13[%swap3A_336, %swap3A_337] {strides = array<i32>} : memref<4x128xi32, #tpu.memory_space<vmem>>, vector<1x16xi32>,
    %swap3A_339 = vector.shape_cast %swap3A_338 : vector<1x16xi32> to vector<16xi32>
    %swap3A_340 = vector.shape_cast %add3A_334 : vector<16xi32> to vector<1x16xi32>
    tpu.vector_store %arg13[%swap3A_336, %swap3A_337], %swap3A_340 {strides = array<i32>} : memref<4x128xi32, #tpu.memory_space<vmem>>, vector<1x16xi32>,
    %get3A_341 = arith.constant 208 : index
    %get3A_342 = tpu.vector_load %arg12[%get3A_341] {strides = array<i32>} : memref<16384xi32, #tpu.memory_space<vmem>>, vector<16xi32>,
    %get3A_343 = vector.shape_cast %get3A_342 : vector<16xi32> to vector<16xi32>
    %add3A_344 = arith.constant 80 : i32
    %add3A_345 = arith.addi %add3A_240, %add3A_344 : i32
    %add3A_346 = vector.broadcast %add3A_345 : i32 to vector<16xi32>
    %add3A_347 = arith.addi %add3A_346, %iota3A : vector<16xi32>
    %rem3A_348 = arith.constant 512 : i32
    %rem3A_349 = vector.broadcast %rem3A_348 : i32 to vector<16xi32>
    %rem3A_350 = arith.remsi %add3A_347, %rem3A_349 : vector<16xi32>
    %mul3A_351 = arith.constant 2 : i32
    %mul3A_352 = vector.broadcast %mul3A_351 : i32 to vector<16xi32>
    %mul3A_353 = arith.muli %rem3A_350, %mul3A_352 : vector<16xi32>
    %add3A_354 = arith.addi %mul3A_353, %get3A_343 : vector<16xi32>
    %swap3A_355 = arith.constant 1 : i32
    %swap3A_356 = arith.index_cast %swap3A_355 : i32 to index
    %swap3A_357 = arith.constant 80 : index
    %swap3A_358 = tpu.vector_load %arg13[%swap3A_356, %swap3A_357] {strides = array<i32>} : memref<4x128xi32, #tpu.memory_space<vmem>>, vector<1x16xi32>,
    %swap3A_359 = vector.shape_cast %swap3A_358 : vector<1x16xi32> to vector<16xi32>
    %swap3A_360 = vector.shape_cast %add3A_354 : vector<16xi32> to vector<1x16xi32>
    tpu.vector_store %arg13[%swap3A_356, %swap3A_357], %swap3A_360 {strides = array<i32>} : memref<4x128xi32, #tpu.memory_space<vmem>>, vector<1x16xi32>,
    %get3A_361 = arith.constant 224 : index
    %get3A_362 = tpu.vector_load %arg12[%get3A_361] {strides = array<i32>} : memref<16384xi32, #tpu.memory_space<vmem>>, vector<16xi32>,
    %get3A_363 = vector.shape_cast %get3A_362 : vector<16xi32> to vector<16xi32>
    %add3A_364 = arith.constant 96 : i32
    %add3A_365 = arith.addi %add3A_240, %add3A_364 : i32
    %add3A_366 = vector.broadcast %add3A_365 : i32 to vector<16xi32>
    %add3A_367 = arith.addi %add3A_366, %iota3A : vector<16xi32>
    %rem3A_368 = arith.constant 512 : i32
    %rem3A_369 = vector.broadcast %rem3A_368 : i32 to vector<16xi32>
    %rem3A_370 = arith.remsi %add3A_367, %rem3A_369 : vector<16xi32>
    %mul3A_371 = arith.constant 2 : i32
    %mul3A_372 = vector.broadcast %mul3A_371 : i32 to vector<16xi32>
    %mul3A_373 = arith.muli %rem3A_370, %mul3A_372 : vector<16xi32>
    %add3A_374 = arith.addi %mul3A_373, %get3A_363 : vector<16xi32>
    %swap3A_375 = arith.constant 1 : i32
    %swap3A_376 = arith.index_cast %swap3A_375 : i32 to index
    %swap3A_377 = arith.constant 96 : index
    %swap3A_378 = tpu.vector_load %arg13[%swap3A_376, %swap3A_377] {strides = array<i32>} : memref<4x128xi32, #tpu.memory_space<vmem>>, vector<1x16xi32>,
    %swap3A_379 = vector.shape_cast %swap3A_378 : vector<1x16xi32> to vector<16xi32>
    %swap3A_380 = vector.shape_cast %add3A_374 : vector<16xi32> to vector<1x16xi32>
    tpu.vector_store %arg13[%swap3A_376, %swap3A_377], %swap3A_380 {strides = array<i32>} : memref<4x128xi32, #tpu.memory_space<vmem>>, vector<1x16xi32>,
    %get3A_381 = arith.constant 240 : index
    %get3A_382 = tpu.vector_load %arg12[%get3A_381] {strides = array<i32>} : memref<16384xi32, #tpu.memory_space<vmem>>, vector<16xi32>,
    %get3A_383 = vector.shape_cast %get3A_382 : vector<16xi32> to vector<16xi32>
    %add3A_384 = arith.constant 112 : i32
    %add3A_385 = arith.addi %add3A_240, %add3A_384 : i32
    %add3A_386 = vector.broadcast %add3A_385 : i32 to vector<16xi32>
    %add3A_387 = arith.addi %add3A_386, %iota3A : vector<16xi32>
    %rem3A_388 = arith.constant 512 : i32
    %rem3A_389 = vector.broadcast %rem3A_388 : i32 to vector<16xi32>
    %rem3A_390 = arith.remsi %add3A_387, %rem3A_389 : vector<16xi32>
    %mul3A_391 = arith.constant 2 : i32
    %mul3A_392 = vector.broadcast %mul3A_391 : i32 to vector<16xi32>
    %mul3A_393 = arith.muli %rem3A_390, %mul3A_392 : vector<16xi32>
    %add3A_394 = arith.addi %mul3A_393, %get3A_383 : vector<16xi32>
    %swap3A_395 = arith.constant 1 : i32
    %swap3A_396 = arith.index_cast %swap3A_395 : i32 to index
    %swap3A_397 = arith.constant 112 : index
    %swap3A_398 = tpu.vector_load %arg13[%swap3A_396, %swap3A_397] {strides = array<i32>} : memref<4x128xi32, #tpu.memory_space<vmem>>, vector<1x16xi32>,
    %swap3A_399 = vector.shape_cast %swap3A_398 : vector<1x16xi32> to vector<16xi32>
    %swap3A_400 = vector.shape_cast %add3A_394 : vector<16xi32> to vector<1x16xi32>
    tpu.vector_store %arg13[%swap3A_396, %swap3A_397], %swap3A_400 {strides = array<i32>} : memref<4x128xi32, #tpu.memory_space<vmem>>, vector<1x16xi32>,
    %dma_start3A_401 = arith.constant 1 : i32
    %dma_start3A_402 = arith.constant 0 : i32
    %dma_start3A_403 = arith.constant 0 : i32
    %dma_start3A_404 = tpu.memref_slice %arg14[%dma_start3A_401, %dma_start3A_402, %dma_start3A_403] : memref<4x128x128xf32, #tpu.memory_space<vmem>> -> memref<1x128x128xf32, #tpu.memory_space<vmem>>
    %dma_start3A_405 = tpu.memref_squeeze %dma_start3A_404 : memref<1x128x128xf32, #tpu.memory_space<vmem>> -> memref<128x128xf32, #tpu.memory_space<vmem>>
    %dma_start3A_406 = arith.constant 128 : i32
    %dma_start3A_407 = tpu.memref_slice %arg11[%dma_start3A_406] : memref<16384xi32, #tpu.memory_space<vmem>> -> memref<128xi32, #tpu.memory_space<vmem>>
    %dma_start3A_408 = arith.constant 0 : i32
    %dma_start3A_409 = arith.constant 0 : i32
    %dma_start3A_410 = tpu.memref_slice %arg4[%dma_start3A_408, %dma_start3A_409] : memref<100000x128xf32, #tpu.memory_space<hbm>> -> memref<100000x128xf32, #tpu.memory_space<hbm>>
    tpu.enqueue_indirect_dma source(%dma_start3A_410 : memref<100000x128xf32, #tpu.memory_space<hbm>>) target(%dma_start3A_405 : memref<128x128xf32, #tpu.memory_space<vmem>>) offsets(%dma_start3A_407 : memref<128xi32, #tpu.memory_space<vmem>>) semaphore(%arg18 : memref<!tpu.dma_semaphore, #tpu.memory_space<semaphore_mem>>)
    %dma_wait3A = arith.constant 0 : i32
    %dma_wait3A_411 = arith.constant 0 : i32
    %dma_wait3A_412 = arith.constant 0 : i32
    %dma_wait3A_413 = tpu.memref_slice %arg14[%dma_wait3A, %dma_wait3A_411, %dma_wait3A_412] : memref<4x128x128xf32, #tpu.memory_space<vmem>> -> memref<1x128x128xf32, #tpu.memory_space<vmem>>
    %dma_wait3A_414 = tpu.memref_squeeze %dma_wait3A_413 : memref<1x128x128xf32, #tpu.memory_space<vmem>> -> memref<128x128xf32, #tpu.memory_space<vmem>>
    %dma_wait3A_415 = arith.constant 0 : i32
    %dma_wait3A_416 = tpu.memref_slice %arg11[%dma_wait3A_415] : memref<16384xi32, #tpu.memory_space<vmem>> -> memref<128xi32, #tpu.memory_space<vmem>>
    %dma_wait3A_417 = arith.constant 0 : i32
    %dma_wait3A_418 = arith.constant 0 : i32
    %dma_wait3A_419 = tpu.memref_slice %arg4[%dma_wait3A_417, %dma_wait3A_418] : memref<100000x128xf32, #tpu.memory_space<hbm>> -> memref<100000x128xf32, #tpu.memory_space<hbm>>
    tpu.wait_indirect_dma semaphore(%arg17 : memref<!tpu.dma_semaphore, #tpu.memory_space<semaphore_mem>>) src(%dma_wait3A_419 : memref<100000x128xf32, #tpu.memory_space<hbm>>) dst(%dma_wait3A_414 : memref<128x128xf32, #tpu.memory_space<vmem>>)
    %dma_start3A_420 = arith.constant 0 : i32
    %dma_start3A_421 = arith.constant 0 : i32
    %dma_start3A_422 = arith.constant 0 : i32
    %dma_start3A_423 = arith.constant 0 : i32
    %dma_start3A_424 = tpu.memref_slice %arg14[%dma_start3A_421, %dma_start3A_422, %dma_start3A_423] : memref<4x128x128xf32, #tpu.memory_space<vmem>> -> memref<1x128x128xf32, #tpu.memory_space<vmem>>
    %dma_start3A_425 = tpu.memref_squeeze %dma_start3A_424 : memref<1x128x128xf32, #tpu.memory_space<vmem>> -> memref<128x128xf32, #tpu.memory_space<vmem>>
    %dma_start3A_426 = arith.constant 0 : i32
    %dma_start3A_427 = tpu.memref_slice %arg13[%dma_start3A_420, %dma_start3A_426] : memref<4x128xi32, #tpu.memory_space<vmem>> -> memref<1x128xi32, #tpu.memory_space<vmem>>
    %dma_start3A_428 = tpu.memref_squeeze %dma_start3A_427 : memref<1x128xi32, #tpu.memory_space<vmem>> -> memref<128xi32, #tpu.memory_space<vmem>>
    %dma_start3A_429 = arith.constant 0 : i32
    %dma_start3A_430 = arith.constant 0 : i32
    %dma_start3A_431 = tpu.memref_slice %arg5[%dma_start3A_429, %dma_start3A_430] : memref<1024x128xf32, #tpu.memory_space<hbm>> -> memref<1024x128xf32, #tpu.memory_space<hbm>>
    tpu.enqueue_indirect_dma source(%dma_start3A_431 : memref<1024x128xf32, #tpu.memory_space<hbm>>) target(%dma_start3A_425 : memref<128x128xf32, #tpu.memory_space<vmem>>) offsets(%dma_start3A_428 : memref<128xi32, #tpu.memory_space<vmem>>) semaphore(%arg21 : memref<!tpu.dma_semaphore, #tpu.memory_space<semaphore_mem>>) {add = true}
    %scan3A = arith.constant 0 : i32
    %scan3A_432 = arith.constant 0 : i32
    %scan3A_433 = arith.constant 32 : i32
    %scan3A_434 = arith.addi %scan3A_432, %scan3A_433 : i32
    %scan3A_435 = arith.constant 1 : i32
    %scan3A_436 = scf.for %scan3A_498 = %scan3A_432 to %scan3A_434 step %scan3A_435 iter_args(%scan3A_499 = %scan3A) -> (i32)  : i32 {
      %mul3A_500 = arith.constant 4 : i32
      %mul3A_501 = arith.muli %mul3A_500, %scan3A_498 : i32
      %add3A_502 = arith.constant 0 : i32
      %add3A_503 = arith.addi %mul3A_501, %add3A_502 : i32
      %add3A_504 = arith.constant 1 : i32
      %add3A_505 = arith.addi %add3A_503, %add3A_504 : i32
      %lt3A = arith.constant 128 : i32
      %lt3A_506 = arith.cmpi slt, %add3A_505, %lt3A : i32
      %convert_element_type3A = arith.extui %lt3A_506 : i1 to i32
      %cond3A = arith.constant 0 : i32
      %cond3A_507 = arith.cmpi ne, %convert_element_type3A, %cond3A : i32
      scf.if %cond3A_507 {
        %add3A_704 = arith.constant 1 : i32
        %add3A_705 = arith.addi %add3A_503, %add3A_704 : i32
        %mul3A_706 = arith.constant 128 : i32
        %mul3A_707 = arith.muli %add3A_705, %mul3A_706 : i32
        %dma_wait3A_708 = arith.constant 1 : i32
        %dma_wait3A_709 = arith.constant 0 : i32
        %dma_wait3A_710 = arith.constant 0 : i32
        %dma_wait3A_711 = tpu.memref_slice %arg14[%dma_wait3A_708, %dma_wait3A_709, %dma_wait3A_710] : memref<4x128x128xf32, #tpu.memory_space<vmem>> -> memref<1x128x128xf32, #tpu.memory_space<vmem>>
        %dma_wait3A_712 = tpu.memref_squeeze %dma_wait3A_711 : memref<1x128x128xf32, #tpu.memory_space<vmem>> -> memref<128x128xf32, #tpu.memory_space<vmem>>
        %dma_wait3A_713 = tpu.memref_slice %arg11[%mul3A_707] : memref<16384xi32, #tpu.memory_space<vmem>> -> memref<128xi32, #tpu.memory_space<vmem>>
        %dma_wait3A_714 = arith.constant 0 : i32
        %dma_wait3A_715 = arith.constant 0 : i32
        %dma_wait3A_716 = tpu.memref_slice %arg4[%dma_wait3A_714, %dma_wait3A_715] : memref<100000x128xf32, #tpu.memory_space<hbm>> -> memref<100000x128xf32, #tpu.memory_space<hbm>>
        tpu.wait_indirect_dma semaphore(%arg18 : memref<!tpu.dma_semaphore, #tpu.memory_space<semaphore_mem>>) src(%dma_wait3A_716 : memref<100000x128xf32, #tpu.memory_space<hbm>>) dst(%dma_wait3A_712 : memref<128x128xf32, #tpu.memory_space<vmem>>)
        %dma_start3A_717 = arith.constant 1 : i32
        %dma_start3A_718 = arith.constant 1 : i32
        %dma_start3A_719 = arith.constant 0 : i32
        %dma_start3A_720 = arith.constant 0 : i32
        %dma_start3A_721 = tpu.memref_slice %arg14[%dma_start3A_718, %dma_start3A_719, %dma_start3A_720] : memref<4x128x128xf32, #tpu.memory_space<vmem>> -> memref<1x128x128xf32, #tpu.memory_space<vmem>>
        %dma_start3A_722 = tpu.memref_squeeze %dma_start3A_721 : memref<1x128x128xf32, #tpu.memory_space<vmem>> -> memref<128x128xf32, #tpu.memory_space<vmem>>
        %dma_start3A_723 = arith.constant 0 : i32
        %dma_start3A_724 = tpu.memref_slice %arg13[%dma_start3A_717, %dma_start3A_723] : memref<4x128xi32, #tpu.memory_space<vmem>> -> memref<1x128xi32, #tpu.memory_space<vmem>>
        %dma_start3A_725 = tpu.memref_squeeze %dma_start3A_724 : memref<1x128xi32, #tpu.memory_space<vmem>> -> memref<128xi32, #tpu.memory_space<vmem>>
        %dma_start3A_726 = arith.constant 0 : i32
        %dma_start3A_727 = arith.constant 0 : i32
        %dma_start3A_728 = tpu.memref_slice %arg5[%dma_start3A_726, %dma_start3A_727] : memref<1024x128xf32, #tpu.memory_space<hbm>> -> memref<1024x128xf32, #tpu.memory_space<hbm>>
        tpu.enqueue_indirect_dma source(%dma_start3A_728 : memref<1024x128xf32, #tpu.memory_space<hbm>>) target(%dma_start3A_722 : memref<128x128xf32, #tpu.memory_space<vmem>>) offsets(%dma_start3A_725 : memref<128xi32, #tpu.memory_space<vmem>>) semaphore(%arg22 : memref<!tpu.dma_semaphore, #tpu.memory_space<semaphore_mem>>) {add = true}
      } else {
      }
      %add3A_508 = arith.constant 2 : i32
      %add3A_509 = arith.addi %add3A_503, %add3A_508 : i32
      %lt3A_510 = arith.constant 128 : i32
      %lt3A_511 = arith.cmpi slt, %add3A_509, %lt3A_510 : i32
      %convert_element_type3A_512 = arith.extui %lt3A_511 : i1 to i32
      %cond3A_513 = arith.constant 0 : i32
      %cond3A_514 = arith.cmpi ne, %convert_element_type3A_512, %cond3A_513 : i32
      scf.if %cond3A_514 {
        %ge3A = arith.constant 2 : i32
        %ge3A_704 = arith.cmpi sge, %add3A_503, %ge3A : i32
        %convert_element_type3A_705 = arith.extui %ge3A_704 : i1 to i32
        %cond3A_706 = arith.constant 0 : i32
        %cond3A_707 = arith.cmpi ne, %convert_element_type3A_705, %cond3A_706 : i32
        scf.if %cond3A_707 {
          %sub3A = arith.constant 2 : i32
          %sub3A_898 = arith.subi %add3A_503, %sub3A : i32
          %mul3A_899 = arith.constant 128 : i32
          %mul3A_900 = arith.muli %sub3A_898, %mul3A_899 : i32
          %add3A_901 = arith.addi %mul3A_10, %mul3A_900 : i32
          %dma_wait3A_902 = arith.constant 2 : i32
          %dma_wait3A_903 = arith.constant 0 : i32
          %dma_wait3A_904 = arith.constant 0 : i32
          %dma_wait3A_905 = tpu.memref_slice %arg14[%dma_wait3A_902, %dma_wait3A_903, %dma_wait3A_904] : memref<4x128x128xf32, #tpu.memory_space<vmem>> -> memref<1x128x128xf32, #tpu.memory_space<vmem>>
          %dma_wait3A_906 = tpu.memref_squeeze %dma_wait3A_905 : memref<1x128x128xf32, #tpu.memory_space<vmem>> -> memref<128x128xf32, #tpu.memory_space<vmem>>
          %dma_wait3A_907 = arith.constant 0 : i32
          %dma_wait3A_908 = tpu.memref_slice %arg10[%add3A_901, %dma_wait3A_907] : memref<524288x128xf32, #tpu.memory_space<hbm>> -> memref<128x128xf32, #tpu.memory_space<hbm>>
          %dma_wait3A_909 = arith.constant 0 : i32
          %dma_wait3A_910 = tpu.memref_slice %arg10[%add3A_901, %dma_wait3A_909] : memref<524288x128xf32, #tpu.memory_space<hbm>> -> memref<128x128xf32, #tpu.memory_space<hbm>>
          %dma_wait3A_911 = arith.constant 0 : i32
          %dma_wait3A_912 = arith.constant 0 : i32
          %dma_wait3A_913 = tpu.memref_slice %arg14[%dma_wait3A_902, %dma_wait3A_911, %dma_wait3A_912] : memref<4x128x128xf32, #tpu.memory_space<vmem>> -> memref<1x128x128xf32, #tpu.memory_space<vmem>>
          %dma_wait3A_914 = tpu.memref_squeeze %dma_wait3A_913 : memref<1x128x128xf32, #tpu.memory_space<vmem>> -> memref<128x128xf32, #tpu.memory_space<vmem>>
          tpu.wait_dma2 semaphore(%arg27 : memref<!tpu.dma_semaphore, #tpu.memory_space<semaphore_mem>>) src(%dma_wait3A_914 : memref<128x128xf32, #tpu.memory_space<vmem>>) dst(%dma_wait3A_910 : memref<128x128xf32, #tpu.memory_space<hbm>>)
        } else {
        }
        %add3A_708 = arith.constant 2 : i32
        %add3A_709 = arith.addi %add3A_503, %add3A_708 : i32
        %mul3A_710 = arith.constant 128 : i32
        %mul3A_711 = arith.muli %add3A_709, %mul3A_710 : i32
        %add3A_712 = arith.addi %mul3A_10, %mul3A_711 : i32
        %add3A_713 = arith.constant 0 : i32
        %add3A_714 = arith.addi %mul3A_711, %add3A_713 : i32
        %get3A_715 = arith.index_cast %add3A_714 : i32 to index
        %get3A_716 = tpu.vector_load %arg12[%get3A_715] {strides = array<i32>} : memref<16384xi32, #tpu.memory_space<vmem>>, vector<16xi32>,
        %get3A_717 = vector.shape_cast %get3A_716 : vector<16xi32> to vector<16xi32>
        %add3A_718 = arith.constant 0 : i32
        %add3A_719 = arith.addi %add3A_712, %add3A_718 : i32
        %add3A_720 = vector.broadcast %add3A_719 : i32 to vector<16xi32>
        %add3A_721 = arith.addi %add3A_720, %iota3A : vector<16xi32>
        %rem3A_722 = arith.constant 512 : i32
        %rem3A_723 = vector.broadcast %rem3A_722 : i32 to vector<16xi32>
        %rem3A_724 = arith.remsi %add3A_721, %rem3A_723 : vector<16xi32>
        %mul3A_725 = arith.constant 2 : i32
        %mul3A_726 = vector.broadcast %mul3A_725 : i32 to vector<16xi32>
        %mul3A_727 = arith.muli %rem3A_724, %mul3A_726 : vector<16xi32>
        %add3A_728 = arith.addi %mul3A_727, %get3A_717 : vector<16xi32>
        %swap3A_729 = arith.constant 2 : i32
        %swap3A_730 = arith.index_cast %swap3A_729 : i32 to index
        %swap3A_731 = arith.constant 0 : index
        %swap3A_732 = tpu.vector_load %arg13[%swap3A_730, %swap3A_731] {strides = array<i32>} : memref<4x128xi32, #tpu.memory_space<vmem>>, vector<1x16xi32>,
        %swap3A_733 = vector.shape_cast %swap3A_732 : vector<1x16xi32> to vector<16xi32>
        %swap3A_734 = vector.shape_cast %add3A_728 : vector<16xi32> to vector<1x16xi32>
        tpu.vector_store %arg13[%swap3A_730, %swap3A_731], %swap3A_734 {strides = array<i32>} : memref<4x128xi32, #tpu.memory_space<vmem>>, vector<1x16xi32>,
        %add3A_735 = arith.constant 16 : i32
        %add3A_736 = arith.addi %mul3A_711, %add3A_735 : i32
        %get3A_737 = arith.index_cast %add3A_736 : i32 to index
        %get3A_738 = tpu.vector_load %arg12[%get3A_737] {strides = array<i32>} : memref<16384xi32, #tpu.memory_space<vmem>>, vector<16xi32>,
        %get3A_739 = vector.shape_cast %get3A_738 : vector<16xi32> to vector<16xi32>
        %add3A_740 = arith.constant 16 : i32
        %add3A_741 = arith.addi %add3A_712, %add3A_740 : i32
        %add3A_742 = vector.broadcast %add3A_741 : i32 to vector<16xi32>
        %add3A_743 = arith.addi %add3A_742, %iota3A : vector<16xi32>
        %rem3A_744 = arith.constant 512 : i32
        %rem3A_745 = vector.broadcast %rem3A_744 : i32 to vector<16xi32>
        %rem3A_746 = arith.remsi %add3A_743, %rem3A_745 : vector<16xi32>
        %mul3A_747 = arith.constant 2 : i32
        %mul3A_748 = vector.broadcast %mul3A_747 : i32 to vector<16xi32>
        %mul3A_749 = arith.muli %rem3A_746, %mul3A_748 : vector<16xi32>
        %add3A_750 = arith.addi %mul3A_749, %get3A_739 : vector<16xi32>
        %swap3A_751 = arith.constant 2 : i32
        %swap3A_752 = arith.index_cast %swap3A_751 : i32 to index
        %swap3A_753 = arith.constant 16 : index
        %swap3A_754 = tpu.vector_load %arg13[%swap3A_752, %swap3A_753] {strides = array<i32>} : memref<4x128xi32, #tpu.memory_space<vmem>>, vector<1x16xi32>,
        %swap3A_755 = vector.shape_cast %swap3A_754 : vector<1x16xi32> to vector<16xi32>
        %swap3A_756 = vector.shape_cast %add3A_750 : vector<16xi32> to vector<1x16xi32>
        tpu.vector_store %arg13[%swap3A_752, %swap3A_753], %swap3A_756 {strides = array<i32>} : memref<4x128xi32, #tpu.memory_space<vmem>>, vector<1x16xi32>,
        %add3A_757 = arith.constant 32 : i32
        %add3A_758 = arith.addi %mul3A_711, %add3A_757 : i32
        %get3A_759 = arith.index_cast %add3A_758 : i32 to index
        %get3A_760 = tpu.vector_load %arg12[%get3A_759] {strides = array<i32>} : memref<16384xi32, #tpu.memory_space<vmem>>, vector<16xi32>,
        %get3A_761 = vector.shape_cast %get3A_760 : vector<16xi32> to vector<16xi32>
        %add3A_762 = arith.constant 32 : i32
        %add3A_763 = arith.addi %add3A_712, %add3A_762 : i32
        %add3A_764 = vector.broadcast %add3A_763 : i32 to vector<16xi32>
        %add3A_765 = arith.addi %add3A_764, %iota3A : vector<16xi32>
        %rem3A_766 = arith.constant 512 : i32
        %rem3A_767 = vector.broadcast %rem3A_766 : i32 to vector<16xi32>
        %rem3A_768 = arith.remsi %add3A_765, %rem3A_767 : vector<16xi32>
        %mul3A_769 = arith.constant 2 : i32
        %mul3A_770 = vector.broadcast %mul3A_769 : i32 to vector<16xi32>
        %mul3A_771 = arith.muli %rem3A_768, %mul3A_770 : vector<16xi32>
        %add3A_772 = arith.addi %mul3A_771, %get3A_761 : vector<16xi32>
        %swap3A_773 = arith.constant 2 : i32
        %swap3A_774 = arith.index_cast %swap3A_773 : i32 to index
        %swap3A_775 = arith.constant 32 : index
        %swap3A_776 = tpu.vector_load %arg13[%swap3A_774, %swap3A_775] {strides = array<i32>} : memref<4x128xi32, #tpu.memory_space<vmem>>, vector<1x16xi32>,
        %swap3A_777 = vector.shape_cast %swap3A_776 : vector<1x16xi32> to vector<16xi32>
        %swap3A_778 = vector.shape_cast %add3A_772 : vector<16xi32> to vector<1x16xi32>
        tpu.vector_store %arg13[%swap3A_774, %swap3A_775], %swap3A_778 {strides = array<i32>} : memref<4x128xi32, #tpu.memory_space<vmem>>, vector<1x16xi32>,
        %add3A_779 = arith.constant 48 : i32
        %add3A_780 = arith.addi %mul3A_711, %add3A_779 : i32
        %get3A_781 = arith.index_cast %add3A_780 : i32 to index
        %get3A_782 = tpu.vector_load %arg12[%get3A_781] {strides = array<i32>} : memref<16384xi32, #tpu.memory_space<vmem>>, vector<16xi32>,
        %get3A_783 = vector.shape_cast %get3A_782 : vector<16xi32> to vector<16xi32>
        %add3A_784 = arith.constant 48 : i32
        %add3A_785 = arith.addi %add3A_712, %add3A_784 : i32
        %add3A_786 = vector.broadcast %add3A_785 : i32 to vector<16xi32>
        %add3A_787 = arith.addi %add3A_786, %iota3A : vector<16xi32>
        %rem3A_788 = arith.constant 512 : i32
        %rem3A_789 = vector.broadcast %rem3A_788 : i32 to vector<16xi32>
        %rem3A_790 = arith.remsi %add3A_787, %rem3A_789 : vector<16xi32>
        %mul3A_791 = arith.constant 2 : i32
        %mul3A_792 = vector.broadcast %mul3A_791 : i32 to vector<16xi32>
        %mul3A_793 = arith.muli %rem3A_790, %mul3A_792 : vector<16xi32>
        %add3A_794 = arith.addi %mul3A_793, %get3A_783 : vector<16xi32>
        %swap3A_795 = arith.constant 2 : i32
        %swap3A_796 = arith.index_cast %swap3A_795 : i32 to index
        %swap3A_797 = arith.constant 48 : index
        %swap3A_798 = tpu.vector_load %arg13[%swap3A_796, %swap3A_797] {strides = array<i32>} : memref<4x128xi32, #tpu.memory_space<vmem>>, vector<1x16xi32>,
        %swap3A_799 = vector.shape_cast %swap3A_798 : vector<1x16xi32> to vector<16xi32>
        %swap3A_800 = vector.shape_cast %add3A_794 : vector<16xi32> to vector<1x16xi32>
        tpu.vector_store %arg13[%swap3A_796, %swap3A_797], %swap3A_800 {strides = array<i32>} : memref<4x128xi32, #tpu.memory_space<vmem>>, vector<1x16xi32>,
        %add3A_801 = arith.constant 64 : i32
        %add3A_802 = arith.addi %mul3A_711, %add3A_801 : i32
        %get3A_803 = arith.index_cast %add3A_802 : i32 to index
        %get3A_804 = tpu.vector_load %arg12[%get3A_803] {strides = array<i32>} : memref<16384xi32, #tpu.memory_space<vmem>>, vector<16xi32>,
        %get3A_805 = vector.shape_cast %get3A_804 : vector<16xi32> to vector<16xi32>
        %add3A_806 = arith.constant 64 : i32
        %add3A_807 = arith.addi %add3A_712, %add3A_806 : i32
        %add3A_808 = vector.broadcast %add3A_807 : i32 to vector<16xi32>
        %add3A_809 = arith.addi %add3A_808, %iota3A : vector<16xi32>
        %rem3A_810 = arith.constant 512 : i32
        %rem3A_811 = vector.broadcast %rem3A_810 : i32 to vector<16xi32>
        %rem3A_812 = arith.remsi %add3A_809, %rem3A_811 : vector<16xi32>
        %mul3A_813 = arith.constant 2 : i32
        %mul3A_814 = vector.broadcast %mul3A_813 : i32 to vector<16xi32>
        %mul3A_815 = arith.muli %rem3A_812, %mul3A_814 : vector<16xi32>
        %add3A_816 = arith.addi %mul3A_815, %get3A_805 : vector<16xi32>
        %swap3A_817 = arith.constant 2 : i32
        %swap3A_818 = arith.index_cast %swap3A_817 : i32 to index
        %swap3A_819 = arith.constant 64 : index
        %swap3A_820 = tpu.vector_load %arg13[%swap3A_818, %swap3A_819] {strides = array<i32>} : memref<4x128xi32, #tpu.memory_space<vmem>>, vector<1x16xi32>,
        %swap3A_821 = vector.shape_cast %swap3A_820 : vector<1x16xi32> to vector<16xi32>
        %swap3A_822 = vector.shape_cast %add3A_816 : vector<16xi32> to vector<1x16xi32>
        tpu.vector_store %arg13[%swap3A_818, %swap3A_819], %swap3A_822 {strides = array<i32>} : memref<4x128xi32, #tpu.memory_space<vmem>>, vector<1x16xi32>,
        %add3A_823 = arith.constant 80 : i32
        %add3A_824 = arith.addi %mul3A_711, %add3A_823 : i32
        %get3A_825 = arith.index_cast %add3A_824 : i32 to index
        %get3A_826 = tpu.vector_load %arg12[%get3A_825] {strides = array<i32>} : memref<16384xi32, #tpu.memory_space<vmem>>, vector<16xi32>,
        %get3A_827 = vector.shape_cast %get3A_826 : vector<16xi32> to vector<16xi32>
        %add3A_828 = arith.constant 80 : i32
        %add3A_829 = arith.addi %add3A_712, %add3A_828 : i32
        %add3A_830 = vector.broadcast %add3A_829 : i32 to vector<16xi32>
        %add3A_831 = arith.addi %add3A_830, %iota3A : vector<16xi32>
        %rem3A_832 = arith.constant 512 : i32
        %rem3A_833 = vector.broadcast %rem3A_832 : i32 to vector<16xi32>
        %rem3A_834 = arith.remsi %add3A_831, %rem3A_833 : vector<16xi32>
        %mul3A_835 = arith.constant 2 : i32
        %mul3A_836 = vector.broadcast %mul3A_835 : i32 to vector<16xi32>
        %mul3A_837 = arith.muli %rem3A_834, %mul3A_836 : vector<16xi32>
        %add3A_838 = arith.addi %mul3A_837, %get3A_827 : vector<16xi32>
        %swap3A_839 = arith.constant 2 : i32
        %swap3A_840 = arith.index_cast %swap3A_839 : i32 to index
        %swap3A_841 = arith.constant 80 : index
        %swap3A_842 = tpu.vector_load %arg13[%swap3A_840, %swap3A_841] {strides = array<i32>} : memref<4x128xi32, #tpu.memory_space<vmem>>, vector<1x16xi32>,
        %swap3A_843 = vector.shape_cast %swap3A_842 : vector<1x16xi32> to vector<16xi32>
        %swap3A_844 = vector.shape_cast %add3A_838 : vector<16xi32> to vector<1x16xi32>
        tpu.vector_store %arg13[%swap3A_840, %swap3A_841], %swap3A_844 {strides = array<i32>} : memref<4x128xi32, #tpu.memory_space<vmem>>, vector<1x16xi32>,
        %add3A_845 = arith.constant 96 : i32
        %add3A_846 = arith.addi %mul3A_711, %add3A_845 : i32
        %get3A_847 = arith.index_cast %add3A_846 : i32 to index
        %get3A_848 = tpu.vector_load %arg12[%get3A_847] {strides = array<i32>} : memref<16384xi32, #tpu.memory_space<vmem>>, vector<16xi32>,
        %get3A_849 = vector.shape_cast %get3A_848 : vector<16xi32> to vector<16xi32>
        %add3A_850 = arith.constant 96 : i32
        %add3A_851 = arith.addi %add3A_712, %add3A_850 : i32
        %add3A_852 = vector.broadcast %add3A_851 : i32 to vector<16xi32>
        %add3A_853 = arith.addi %add3A_852, %iota3A : vector<16xi32>
        %rem3A_854 = arith.constant 512 : i32
        %rem3A_855 = vector.broadcast %rem3A_854 : i32 to vector<16xi32>
        %rem3A_856 = arith.remsi %add3A_853, %rem3A_855 : vector<16xi32>
        %mul3A_857 = arith.constant 2 : i32
        %mul3A_858 = vector.broadcast %mul3A_857 : i32 to vector<16xi32>
        %mul3A_859 = arith.muli %rem3A_856, %mul3A_858 : vector<16xi32>
        %add3A_860 = arith.addi %mul3A_859, %get3A_849 : vector<16xi32>
        %swap3A_861 = arith.constant 2 : i32
        %swap3A_862 = arith.index_cast %swap3A_861 : i32 to index
        %swap3A_863 = arith.constant 96 : index
        %swap3A_864 = tpu.vector_load %arg13[%swap3A_862, %swap3A_863] {strides = array<i32>} : memref<4x128xi32, #tpu.memory_space<vmem>>, vector<1x16xi32>,
        %swap3A_865 = vector.shape_cast %swap3A_864 : vector<1x16xi32> to vector<16xi32>
        %swap3A_866 = vector.shape_cast %add3A_860 : vector<16xi32> to vector<1x16xi32>
        tpu.vector_store %arg13[%swap3A_862, %swap3A_863], %swap3A_866 {strides = array<i32>} : memref<4x128xi32, #tpu.memory_space<vmem>>, vector<1x16xi32>,
        %add3A_867 = arith.constant 112 : i32
        %add3A_868 = arith.addi %mul3A_711, %add3A_867 : i32
        %get3A_869 = arith.index_cast %add3A_868 : i32 to index
        %get3A_870 = tpu.vector_load %arg12[%get3A_869] {strides = array<i32>} : memref<16384xi32, #tpu.memory_space<vmem>>, vector<16xi32>,
        %get3A_871 = vector.shape_cast %get3A_870 : vector<16xi32> to vector<16xi32>
        %add3A_872 = arith.constant 112 : i32
        %add3A_873 = arith.addi %add3A_712, %add3A_872 : i32
        %add3A_874 = vector.broadcast %add3A_873 : i32 to vector<16xi32>
        %add3A_875 = arith.addi %add3A_874, %iota3A : vector<16xi32>
        %rem3A_876 = arith.constant 512 : i32
        %rem3A_877 = vector.broadcast %rem3A_876 : i32 to vector<16xi32>
        %rem3A_878 = arith.remsi %add3A_875, %rem3A_877 : vector<16xi32>
        %mul3A_879 = arith.constant 2 : i32
        %mul3A_880 = vector.broadcast %mul3A_879 : i32 to vector<16xi32>
        %mul3A_881 = arith.muli %rem3A_878, %mul3A_880 : vector<16xi32>
        %add3A_882 = arith.addi %mul3A_881, %get3A_871 : vector<16xi32>
        %swap3A_883 = arith.constant 2 : i32
        %swap3A_884 = arith.index_cast %swap3A_883 : i32 to index
        %swap3A_885 = arith.constant 112 : index
        %swap3A_886 = tpu.vector_load %arg13[%swap3A_884, %swap3A_885] {strides = array<i32>} : memref<4x128xi32, #tpu.memory_space<vmem>>, vector<1x16xi32>,
        %swap3A_887 = vector.shape_cast %swap3A_886 : vector<1x16xi32> to vector<16xi32>
        %swap3A_888 = vector.shape_cast %add3A_882 : vector<16xi32> to vector<1x16xi32>
        tpu.vector_store %arg13[%swap3A_884, %swap3A_885], %swap3A_888 {strides = array<i32>} : memref<4x128xi32, #tpu.memory_space<vmem>>, vector<1x16xi32>,
        %dma_start3A_889 = arith.constant 2 : i32
        %dma_start3A_890 = arith.constant 0 : i32
        %dma_start3A_891 = arith.constant 0 : i32
        %dma_start3A_892 = tpu.memref_slice %arg14[%dma_start3A_889, %dma_start3A_890, %dma_start3A_891] : memref<4x128x128xf32, #tpu.memory_space<vmem>> -> memref<1x128x128xf32, #tpu.memory_space<vmem>>
        %dma_start3A_893 = tpu.memref_squeeze %dma_start3A_892 : memref<1x128x128xf32, #tpu.memory_space<vmem>> -> memref<128x128xf32, #tpu.memory_space<vmem>>
        %dma_start3A_894 = tpu.memref_slice %arg11[%mul3A_711] : memref<16384xi32, #tpu.memory_space<vmem>> -> memref<128xi32, #tpu.memory_space<vmem>>
        %dma_start3A_895 = arith.constant 0 : i32
        %dma_start3A_896 = arith.constant 0 : i32
        %dma_start3A_897 = tpu.memref_slice %arg4[%dma_start3A_895, %dma_start3A_896] : memref<100000x128xf32, #tpu.memory_space<hbm>> -> memref<100000x128xf32, #tpu.memory_space<hbm>>
        tpu.enqueue_indirect_dma source(%dma_start3A_897 : memref<100000x128xf32, #tpu.memory_space<hbm>>) target(%dma_start3A_893 : memref<128x128xf32, #tpu.memory_space<vmem>>) offsets(%dma_start3A_894 : memref<128xi32, #tpu.memory_space<vmem>>) semaphore(%arg19 : memref<!tpu.dma_semaphore, #tpu.memory_space<semaphore_mem>>)
      } else {
      }
      %dma_wait3A_515 = arith.constant 0 : i32
      %dma_wait3A_516 = arith.constant 0 : i32
      %dma_wait3A_517 = arith.constant 0 : i32
      %dma_wait3A_518 = arith.constant 0 : i32
      %dma_wait3A_519 = tpu.memref_slice %arg14[%dma_wait3A_516, %dma_wait3A_517, %dma_wait3A_518] : memref<4x128x128xf32, #tpu.memory_space<vmem>> -> memref<1x128x128xf32, #tpu.memory_space<vmem>>
      %dma_wait3A_520 = tpu.memref_squeeze %dma_wait3A_519 : memref<1x128x128xf32, #tpu.memory_space<vmem>> -> memref<128x128xf32, #tpu.memory_space<vmem>>
      %dma_wait3A_521 = arith.constant 0 : i32
      %dma_wait3A_522 = tpu.memref_slice %arg13[%dma_wait3A_515, %dma_wait3A_521] : memref<4x128xi32, #tpu.memory_space<vmem>> -> memref<1x128xi32, #tpu.memory_space<vmem>>
      %dma_wait3A_523 = tpu.memref_squeeze %dma_wait3A_522 : memref<1x128xi32, #tpu.memory_space<vmem>> -> memref<128xi32, #tpu.memory_space<vmem>>
      %dma_wait3A_524 = arith.constant 0 : i32
      %dma_wait3A_525 = arith.constant 0 : i32
      %dma_wait3A_526 = tpu.memref_slice %arg5[%dma_wait3A_524, %dma_wait3A_525] : memref<1024x128xf32, #tpu.memory_space<hbm>> -> memref<1024x128xf32, #tpu.memory_space<hbm>>
      tpu.wait_indirect_dma semaphore(%arg21 : memref<!tpu.dma_semaphore, #tpu.memory_space<semaphore_mem>>) src(%dma_wait3A_526 : memref<1024x128xf32, #tpu.memory_space<hbm>>) dst(%dma_wait3A_520 : memref<128x128xf32, #tpu.memory_space<vmem>>)
      %scan3A_527 = arith.constant 0 : i32
      %scan3A_528 = arith.constant 0 : i32
      %scan3A_529 = arith.constant 128 : i32
      %scan3A_530 = arith.addi %scan3A_528, %scan3A_529 : i32
      %scan3A_531 = arith.constant 2 : i32
      %scan3A_532 = scf.for %scan3A_704 = %scan3A_528 to %scan3A_530 step %scan3A_531 iter_args(%scan3A_705 = %scan3A_527) -> (i32)  : i32 {
        %get3A_706 = arith.constant 0 : i32
        %get3A_707 = arith.index_cast %get3A_706 : i32 to index
        %get3A_708 = arith.index_cast %scan3A_704 : i32 to index
        %get3A_709 = arith.constant 0 : index
        %get3A_710 = tpu.vector_load %arg14[%get3A_707, %get3A_708, %get3A_709] {strides = array<i32>} : memref<4x128x128xf32, #tpu.memory_space<vmem>>, vector<1x1x16xf32>,
        %get3A_711 = vector.shape_cast %get3A_710 : vector<1x1x16xf32> to vector<16xf32>
        %get3A_712 = arith.constant 0 : i32
        %get3A_713 = arith.index_cast %get3A_712 : i32 to index
        %get3A_714 = arith.index_cast %scan3A_704 : i32 to index
        %get3A_715 = arith.constant 16 : index
        %get3A_716 = tpu.vector_load %arg14[%get3A_713, %get3A_714, %get3A_715] {strides = array<i32>} : memref<4x128x128xf32, #tpu.memory_space<vmem>>, vector<1x1x16xf32>,
        %get3A_717 = vector.shape_cast %get3A_716 : vector<1x1x16xf32> to vector<16xf32>
        %get3A_718 = arith.constant 0 : i32
        %get3A_719 = arith.index_cast %get3A_718 : i32 to index
        %get3A_720 = arith.index_cast %scan3A_704 : i32 to index
        %get3A_721 = arith.constant 32 : index
        %get3A_722 = tpu.vector_load %arg14[%get3A_719, %get3A_720, %get3A_721] {strides = array<i32>} : memref<4x128x128xf32, #tpu.memory_space<vmem>>, vector<1x1x16xf32>,
        %get3A_723 = vector.shape_cast %get3A_722 : vector<1x1x16xf32> to vector<16xf32>
        %get3A_724 = arith.constant 0 : i32
        %get3A_725 = arith.index_cast %get3A_724 : i32 to index
        %get3A_726 = arith.index_cast %scan3A_704 : i32 to index
        %get3A_727 = arith.constant 48 : index
        %get3A_728 = tpu.vector_load %arg14[%get3A_725, %get3A_726, %get3A_727] {strides = array<i32>} : memref<4x128x128xf32, #tpu.memory_space<vmem>>, vector<1x1x16xf32>,
        %get3A_729 = vector.shape_cast %get3A_728 : vector<1x1x16xf32> to vector<16xf32>
        %get3A_730 = arith.constant 0 : i32
        %get3A_731 = arith.index_cast %get3A_730 : i32 to index
        %get3A_732 = arith.index_cast %scan3A_704 : i32 to index
        %get3A_733 = arith.constant 64 : index
        %get3A_734 = tpu.vector_load %arg14[%get3A_731, %get3A_732, %get3A_733] {strides = array<i32>} : memref<4x128x128xf32, #tpu.memory_space<vmem>>, vector<1x1x16xf32>,
        %get3A_735 = vector.shape_cast %get3A_734 : vector<1x1x16xf32> to vector<16xf32>
        %get3A_736 = arith.constant 0 : i32
        %get3A_737 = arith.index_cast %get3A_736 : i32 to index
        %get3A_738 = arith.index_cast %scan3A_704 : i32 to index
        %get3A_739 = arith.constant 80 : index
        %get3A_740 = tpu.vector_load %arg14[%get3A_737, %get3A_738, %get3A_739] {strides = array<i32>} : memref<4x128x128xf32, #tpu.memory_space<vmem>>, vector<1x1x16xf32>,
        %get3A_741 = vector.shape_cast %get3A_740 : vector<1x1x16xf32> to vector<16xf32>
        %get3A_742 = arith.constant 0 : i32
        %get3A_743 = arith.index_cast %get3A_742 : i32 to index
        %get3A_744 = arith.index_cast %scan3A_704 : i32 to index
        %get3A_745 = arith.constant 96 : index
        %get3A_746 = tpu.vector_load %arg14[%get3A_743, %get3A_744, %get3A_745] {strides = array<i32>} : memref<4x128x128xf32, #tpu.memory_space<vmem>>, vector<1x1x16xf32>,
        %get3A_747 = vector.shape_cast %get3A_746 : vector<1x1x16xf32> to vector<16xf32>
        %get3A_748 = arith.constant 0 : i32
        %get3A_749 = arith.index_cast %get3A_748 : i32 to index
        %get3A_750 = arith.index_cast %scan3A_704 : i32 to index
        %get3A_751 = arith.constant 112 : index
        %get3A_752 = tpu.vector_load %arg14[%get3A_749, %get3A_750, %get3A_751] {strides = array<i32>} : memref<4x128x128xf32, #tpu.memory_space<vmem>>, vector<1x1x16xf32>,
        %get3A_753 = vector.shape_cast %get3A_752 : vector<1x1x16xf32> to vector<16xf32>
        %mul3A_754 = arith.mulf %get3A_711, %get3A_711 : vector<16xf32>
        %add3A_755 = arith.addf %get3A_711, %get3A_717 : vector<16xf32>
        %mul3A_756 = arith.mulf %get3A_717, %get3A_717 : vector<16xf32>
        %add3A_757 = arith.addf %mul3A_754, %mul3A_756 : vector<16xf32>
        %add3A_758 = arith.addf %add3A_755, %get3A_723 : vector<16xf32>
        %mul3A_759 = arith.mulf %get3A_723, %get3A_723 : vector<16xf32>
        %add3A_760 = arith.addf %add3A_757, %mul3A_759 : vector<16xf32>
        %add3A_761 = arith.addf %add3A_758, %get3A_729 : vector<16xf32>
        %mul3A_762 = arith.mulf %get3A_729, %get3A_729 : vector<16xf32>
        %add3A_763 = arith.addf %add3A_760, %mul3A_762 : vector<16xf32>
        %add3A_764 = arith.addf %add3A_761, %get3A_735 : vector<16xf32>
        %mul3A_765 = arith.mulf %get3A_735, %get3A_735 : vector<16xf32>
        %add3A_766 = arith.addf %add3A_763, %mul3A_765 : vector<16xf32>
        %add3A_767 = arith.addf %add3A_764, %get3A_741 : vector<16xf32>
        %mul3A_768 = arith.mulf %get3A_741, %get3A_741 : vector<16xf32>
        %add3A_769 = arith.addf %add3A_766, %mul3A_768 : vector<16xf32>
        %add3A_770 = arith.addf %add3A_767, %get3A_747 : vector<16xf32>
        %mul3A_771 = arith.mulf %get3A_747, %get3A_747 : vector<16xf32>
        %add3A_772 = arith.addf %add3A_769, %mul3A_771 : vector<16xf32>
        %add3A_773 = arith.addf %add3A_770, %get3A_753 : vector<16xf32>
        %mul3A_774 = arith.mulf %get3A_753, %get3A_753 : vector<16xf32>
        %add3A_775 = arith.addf %add3A_772, %mul3A_774 : vector<16xf32>
        %lt3A_776 = arith.constant 0 : i32
        %lt3A_777 = vector.broadcast %lt3A_776 : i32 to vector<16xi32>
        %lt3A_778 = arith.cmpi slt, %xor3A_60, %lt3A_777 : vector<16xi32>
        %add3A_779 = arith.constant 16 : i32
        %add3A_780 = vector.broadcast %add3A_779 : i32 to vector<16xi32>
        %add3A_781 = arith.addi %xor3A_60, %add3A_780 : vector<16xi32>
        %select_n3A = arith.select %lt3A_778, %add3A_781, %xor3A_60 : vector<16xi1>, vector<16xi32>
        %broadcast_in_dim3A = vector.shape_cast %select_n3A : vector<16xi32> to vector<16x1xi32>
        %gather3A = vector.shape_cast %broadcast_in_dim3A : vector<16x1xi32> to vector<16xi32>
        %gather3A_782 = tpu.dynamic_gather %add3A_773[%gather3A] in [0] : vector<16xf32>, vector<16xi32> -> vector<16xf32>
        %add3A_783 = arith.addf %add3A_773, %gather3A_782 : vector<16xf32>
        %lt3A_784 = arith.constant 0 : i32
        %lt3A_785 = vector.broadcast %lt3A_784 : i32 to vector<16xi32>
        %lt3A_786 = arith.cmpi slt, %xor3A_63, %lt3A_785 : vector<16xi32>
        %add3A_787 = arith.constant 16 : i32
        %add3A_788 = vector.broadcast %add3A_787 : i32 to vector<16xi32>
        %add3A_789 = arith.addi %xor3A_63, %add3A_788 : vector<16xi32>
        %select_n3A_790 = arith.select %lt3A_786, %add3A_789, %xor3A_63 : vector<16xi1>, vector<16xi32>
        %broadcast_in_dim3A_791 = vector.shape_cast %select_n3A_790 : vector<16xi32> to vector<16x1xi32>
        %gather3A_792 = vector.shape_cast %broadcast_in_dim3A_791 : vector<16x1xi32> to vector<16xi32>
        %gather3A_793 = tpu.dynamic_gather %add3A_783[%gather3A_792] in [0] : vector<16xf32>, vector<16xi32> -> vector<16xf32>
        %add3A_794 = arith.addf %add3A_783, %gather3A_793 : vector<16xf32>
        %lt3A_795 = arith.constant 0 : i32
        %lt3A_796 = vector.broadcast %lt3A_795 : i32 to vector<16xi32>
        %lt3A_797 = arith.cmpi slt, %xor3A_66, %lt3A_796 : vector<16xi32>
        %add3A_798 = arith.constant 16 : i32
        %add3A_799 = vector.broadcast %add3A_798 : i32 to vector<16xi32>
        %add3A_800 = arith.addi %xor3A_66, %add3A_799 : vector<16xi32>
        %select_n3A_801 = arith.select %lt3A_797, %add3A_800, %xor3A_66 : vector<16xi1>, vector<16xi32>
        %broadcast_in_dim3A_802 = vector.shape_cast %select_n3A_801 : vector<16xi32> to vector<16x1xi32>
        %gather3A_803 = vector.shape_cast %broadcast_in_dim3A_802 : vector<16x1xi32> to vector<16xi32>
        %gather3A_804 = tpu.dynamic_gather %add3A_794[%gather3A_803] in [0] : vector<16xf32>, vector<16xi32> -> vector<16xf32>
        %add3A_805 = arith.addf %add3A_794, %gather3A_804 : vector<16xf32>
        %lt3A_806 = arith.constant 0 : i32
        %lt3A_807 = vector.broadcast %lt3A_806 : i32 to vector<16xi32>
        %lt3A_808 = arith.cmpi slt, %xor3A_69, %lt3A_807 : vector<16xi32>
        %add3A_809 = arith.constant 16 : i32
        %add3A_810 = vector.broadcast %add3A_809 : i32 to vector<16xi32>
        %add3A_811 = arith.addi %xor3A_69, %add3A_810 : vector<16xi32>
        %select_n3A_812 = arith.select %lt3A_808, %add3A_811, %xor3A_69 : vector<16xi1>, vector<16xi32>
        %broadcast_in_dim3A_813 = vector.shape_cast %select_n3A_812 : vector<16xi32> to vector<16x1xi32>
        %gather3A_814 = vector.shape_cast %broadcast_in_dim3A_813 : vector<16x1xi32> to vector<16xi32>
        %gather3A_815 = tpu.dynamic_gather %add3A_805[%gather3A_814] in [0] : vector<16xf32>, vector<16xi32> -> vector<16xf32>
        %add3A_816 = arith.addf %add3A_805, %gather3A_815 : vector<16xf32>
        %mul3A_817 = vector.broadcast %squeeze3A : f32 to vector<16xf32>
        %mul3A_818 = arith.mulf %add3A_816, %mul3A_817 : vector<16xf32>
        %lt3A_819 = arith.constant 0 : i32
        %lt3A_820 = vector.broadcast %lt3A_819 : i32 to vector<16xi32>
        %lt3A_821 = arith.cmpi slt, %xor3A_60, %lt3A_820 : vector<16xi32>
        %add3A_822 = arith.constant 16 : i32
        %add3A_823 = vector.broadcast %add3A_822 : i32 to vector<16xi32>
        %add3A_824 = arith.addi %xor3A_60, %add3A_823 : vector<16xi32>
        %select_n3A_825 = arith.select %lt3A_821, %add3A_824, %xor3A_60 : vector<16xi1>, vector<16xi32>
        %broadcast_in_dim3A_826 = vector.shape_cast %select_n3A_825 : vector<16xi32> to vector<16x1xi32>
        %gather3A_827 = vector.shape_cast %broadcast_in_dim3A_826 : vector<16x1xi32> to vector<16xi32>
        %gather3A_828 = tpu.dynamic_gather %add3A_775[%gather3A_827] in [0] : vector<16xf32>, vector<16xi32> -> vector<16xf32>
        %add3A_829 = arith.addf %add3A_775, %gather3A_828 : vector<16xf32>
        %lt3A_830 = arith.constant 0 : i32
        %lt3A_831 = vector.broadcast %lt3A_830 : i32 to vector<16xi32>
        %lt3A_832 = arith.cmpi slt, %xor3A_63, %lt3A_831 : vector<16xi32>
        %add3A_833 = arith.constant 16 : i32
        %add3A_834 = vector.broadcast %add3A_833 : i32 to vector<16xi32>
        %add3A_835 = arith.addi %xor3A_63, %add3A_834 : vector<16xi32>
        %select_n3A_836 = arith.select %lt3A_832, %add3A_835, %xor3A_63 : vector<16xi1>, vector<16xi32>
        %broadcast_in_dim3A_837 = vector.shape_cast %select_n3A_836 : vector<16xi32> to vector<16x1xi32>
        %gather3A_838 = vector.shape_cast %broadcast_in_dim3A_837 : vector<16x1xi32> to vector<16xi32>
        %gather3A_839 = tpu.dynamic_gather %add3A_829[%gather3A_838] in [0] : vector<16xf32>, vector<16xi32> -> vector<16xf32>
        %add3A_840 = arith.addf %add3A_829, %gather3A_839 : vector<16xf32>
        %lt3A_841 = arith.constant 0 : i32
        %lt3A_842 = vector.broadcast %lt3A_841 : i32 to vector<16xi32>
        %lt3A_843 = arith.cmpi slt, %xor3A_66, %lt3A_842 : vector<16xi32>
        %add3A_844 = arith.constant 16 : i32
        %add3A_845 = vector.broadcast %add3A_844 : i32 to vector<16xi32>
        %add3A_846 = arith.addi %xor3A_66, %add3A_845 : vector<16xi32>
        %select_n3A_847 = arith.select %lt3A_843, %add3A_846, %xor3A_66 : vector<16xi1>, vector<16xi32>
        %broadcast_in_dim3A_848 = vector.shape_cast %select_n3A_847 : vector<16xi32> to vector<16x1xi32>
        %gather3A_849 = vector.shape_cast %broadcast_in_dim3A_848 : vector<16x1xi32> to vector<16xi32>
        %gather3A_850 = tpu.dynamic_gather %add3A_840[%gather3A_849] in [0] : vector<16xf32>, vector<16xi32> -> vector<16xf32>
        %add3A_851 = arith.addf %add3A_840, %gather3A_850 : vector<16xf32>
        %lt3A_852 = arith.constant 0 : i32
        %lt3A_853 = vector.broadcast %lt3A_852 : i32 to vector<16xi32>
        %lt3A_854 = arith.cmpi slt, %xor3A_69, %lt3A_853 : vector<16xi32>
        %add3A_855 = arith.constant 16 : i32
        %add3A_856 = vector.broadcast %add3A_855 : i32 to vector<16xi32>
        %add3A_857 = arith.addi %xor3A_69, %add3A_856 : vector<16xi32>
        %select_n3A_858 = arith.select %lt3A_854, %add3A_857, %xor3A_69 : vector<16xi1>, vector<16xi32>
        %broadcast_in_dim3A_859 = vector.shape_cast %select_n3A_858 : vector<16xi32> to vector<16x1xi32>
        %gather3A_860 = vector.shape_cast %broadcast_in_dim3A_859 : vector<16x1xi32> to vector<16xi32>
        %gather3A_861 = tpu.dynamic_gather %add3A_851[%gather3A_860] in [0] : vector<16xf32>, vector<16xi32> -> vector<16xf32>
        %add3A_862 = arith.addf %add3A_851, %gather3A_861 : vector<16xf32>
        %mul3A_863 = vector.broadcast %squeeze3A : f32 to vector<16xf32>
        %mul3A_864 = arith.mulf %add3A_862, %mul3A_863 : vector<16xf32>
        %mul3A_865 = arith.mulf %mul3A_818, %mul3A_818 : vector<16xf32>
        %sub3A = arith.subf %mul3A_864, %mul3A_865 : vector<16xf32>
        %add3A_866 = vector.broadcast %squeeze3A_7 : f32 to vector<16xf32>
        %add3A_867 = arith.addf %sub3A, %add3A_866 : vector<16xf32>
        %bitcast_convert_type3A = tpu.bitcast %add3A_867 : vector<16xf32> -> vector<16xi32>
        %shift_right_logical3A = arith.constant 1 : i32
        %shift_right_logical3A_868 = vector.broadcast %shift_right_logical3A : i32 to vector<16xi32>
        %shift_right_logical3A_869 = arith.shrui %bitcast_convert_type3A, %shift_right_logical3A_868 : vector<16xi32>
        %sub3A_870 = arith.constant 1597463007 : i32
        %sub3A_871 = vector.broadcast %sub3A_870 : i32 to vector<16xi32>
        %sub3A_872 = arith.subi %sub3A_871, %shift_right_logical3A_869 : vector<16xi32>
        %bitcast_convert_type3A_873 = tpu.bitcast %sub3A_872 : vector<16xi32> -> vector<16xf32>
        %mul3A_874 = arith.constant 5.000000e-01 : f32
        %mul3A_875 = vector.broadcast %mul3A_874 : f32 to vector<16xf32>
        %mul3A_876 = arith.mulf %mul3A_875, %add3A_867 : vector<16xf32>
        %mul3A_877 = arith.mulf %mul3A_876, %bitcast_convert_type3A_873 : vector<16xf32>
        %mul3A_878 = arith.mulf %mul3A_877, %bitcast_convert_type3A_873 : vector<16xf32>
        %sub3A_879 = arith.constant 1.500000e+00 : f32
        %sub3A_880 = vector.broadcast %sub3A_879 : f32 to vector<16xf32>
        %sub3A_881 = arith.subf %sub3A_880, %mul3A_878 : vector<16xf32>
        %mul3A_882 = arith.mulf %bitcast_convert_type3A_873, %sub3A_881 : vector<16xf32>
        %mul3A_883 = arith.constant 5.000000e-01 : f32
        %mul3A_884 = vector.broadcast %mul3A_883 : f32 to vector<16xf32>
        %mul3A_885 = arith.mulf %mul3A_884, %add3A_867 : vector<16xf32>
        %mul3A_886 = arith.mulf %mul3A_885, %mul3A_882 : vector<16xf32>
        %mul3A_887 = arith.mulf %mul3A_886, %mul3A_882 : vector<16xf32>
        %sub3A_888 = arith.constant 1.500000e+00 : f32
        %sub3A_889 = vector.broadcast %sub3A_888 : f32 to vector<16xf32>
        %sub3A_890 = arith.subf %sub3A_889, %mul3A_887 : vector<16xf32>
        %mul3A_891 = arith.mulf %mul3A_882, %sub3A_890 : vector<16xf32>
        %mul3A_892 = arith.constant 5.000000e-01 : f32
        %mul3A_893 = vector.broadcast %mul3A_892 : f32 to vector<16xf32>
        %mul3A_894 = arith.mulf %mul3A_893, %add3A_867 : vector<16xf32>
        %mul3A_895 = arith.mulf %mul3A_894, %mul3A_891 : vector<16xf32>
        %mul3A_896 = arith.mulf %mul3A_895, %mul3A_891 : vector<16xf32>
        %sub3A_897 = arith.constant 1.500000e+00 : f32
        %sub3A_898 = vector.broadcast %sub3A_897 : f32 to vector<16xf32>
        %sub3A_899 = arith.subf %sub3A_898, %mul3A_896 : vector<16xf32>
        %mul3A_900 = arith.mulf %mul3A_891, %sub3A_899 : vector<16xf32>
        %sub3A_901 = arith.subf %get3A_711, %mul3A_818 : vector<16xf32>
        %mul3A_902 = arith.mulf %sub3A_901, %mul3A_900 : vector<16xf32>
        %mul3A_903 = arith.mulf %mul3A_902, %get3A_13 : vector<16xf32>
        %add3A_904 = arith.addf %mul3A_903, %get3A_37 : vector<16xf32>
        %swap3A_905 = arith.constant 0 : i32
        %swap3A_906 = arith.index_cast %swap3A_905 : i32 to index
        %swap3A_907 = arith.index_cast %scan3A_704 : i32 to index
        %swap3A_908 = arith.constant 0 : index
        %swap3A_909 = tpu.vector_load %arg14[%swap3A_906, %swap3A_907, %swap3A_908] {strides = array<i32>} : memref<4x128x128xf32, #tpu.memory_space<vmem>>, vector<1x1x16xf32>,
        %swap3A_910 = vector.shape_cast %swap3A_909 : vector<1x1x16xf32> to vector<16xf32>
        %swap3A_911 = vector.shape_cast %add3A_904 : vector<16xf32> to vector<1x1x16xf32>
        tpu.vector_store %arg14[%swap3A_906, %swap3A_907, %swap3A_908], %swap3A_911 {strides = array<i32>} : memref<4x128x128xf32, #tpu.memory_space<vmem>>, vector<1x1x16xf32>,
        %sub3A_912 = arith.subf %get3A_717, %mul3A_818 : vector<16xf32>
        %mul3A_913 = arith.mulf %sub3A_912, %mul3A_900 : vector<16xf32>
        %mul3A_914 = arith.mulf %mul3A_913, %get3A_16 : vector<16xf32>
        %add3A_915 = arith.addf %mul3A_914, %get3A_40 : vector<16xf32>
        %swap3A_916 = arith.constant 0 : i32
        %swap3A_917 = arith.index_cast %swap3A_916 : i32 to index
        %swap3A_918 = arith.index_cast %scan3A_704 : i32 to index
        %swap3A_919 = arith.constant 16 : index
        %swap3A_920 = tpu.vector_load %arg14[%swap3A_917, %swap3A_918, %swap3A_919] {strides = array<i32>} : memref<4x128x128xf32, #tpu.memory_space<vmem>>, vector<1x1x16xf32>,
        %swap3A_921 = vector.shape_cast %swap3A_920 : vector<1x1x16xf32> to vector<16xf32>
        %swap3A_922 = vector.shape_cast %add3A_915 : vector<16xf32> to vector<1x1x16xf32>
        tpu.vector_store %arg14[%swap3A_917, %swap3A_918, %swap3A_919], %swap3A_922 {strides = array<i32>} : memref<4x128x128xf32, #tpu.memory_space<vmem>>, vector<1x1x16xf32>,
        %sub3A_923 = arith.subf %get3A_723, %mul3A_818 : vector<16xf32>
        %mul3A_924 = arith.mulf %sub3A_923, %mul3A_900 : vector<16xf32>
        %mul3A_925 = arith.mulf %mul3A_924, %get3A_19 : vector<16xf32>
        %add3A_926 = arith.addf %mul3A_925, %get3A_43 : vector<16xf32>
        %swap3A_927 = arith.constant 0 : i32
        %swap3A_928 = arith.index_cast %swap3A_927 : i32 to index
        %swap3A_929 = arith.index_cast %scan3A_704 : i32 to index
        %swap3A_930 = arith.constant 32 : index
        %swap3A_931 = tpu.vector_load %arg14[%swap3A_928, %swap3A_929, %swap3A_930] {strides = array<i32>} : memref<4x128x128xf32, #tpu.memory_space<vmem>>, vector<1x1x16xf32>,
        %swap3A_932 = vector.shape_cast %swap3A_931 : vector<1x1x16xf32> to vector<16xf32>
        %swap3A_933 = vector.shape_cast %add3A_926 : vector<16xf32> to vector<1x1x16xf32>
        tpu.vector_store %arg14[%swap3A_928, %swap3A_929, %swap3A_930], %swap3A_933 {strides = array<i32>} : memref<4x128x128xf32, #tpu.memory_space<vmem>>, vector<1x1x16xf32>,
        %sub3A_934 = arith.subf %get3A_729, %mul3A_818 : vector<16xf32>
        %mul3A_935 = arith.mulf %sub3A_934, %mul3A_900 : vector<16xf32>
        %mul3A_936 = arith.mulf %mul3A_935, %get3A_22 : vector<16xf32>
        %add3A_937 = arith.addf %mul3A_936, %get3A_46 : vector<16xf32>
        %swap3A_938 = arith.constant 0 : i32
        %swap3A_939 = arith.index_cast %swap3A_938 : i32 to index
        %swap3A_940 = arith.index_cast %scan3A_704 : i32 to index
        %swap3A_941 = arith.constant 48 : index
        %swap3A_942 = tpu.vector_load %arg14[%swap3A_939, %swap3A_940, %swap3A_941] {strides = array<i32>} : memref<4x128x128xf32, #tpu.memory_space<vmem>>, vector<1x1x16xf32>,
        %swap3A_943 = vector.shape_cast %swap3A_942 : vector<1x1x16xf32> to vector<16xf32>
        %swap3A_944 = vector.shape_cast %add3A_937 : vector<16xf32> to vector<1x1x16xf32>
        tpu.vector_store %arg14[%swap3A_939, %swap3A_940, %swap3A_941], %swap3A_944 {strides = array<i32>} : memref<4x128x128xf32, #tpu.memory_space<vmem>>, vector<1x1x16xf32>,
        %sub3A_945 = arith.subf %get3A_735, %mul3A_818 : vector<16xf32>
        %mul3A_946 = arith.mulf %sub3A_945, %mul3A_900 : vector<16xf32>
        %mul3A_947 = arith.mulf %mul3A_946, %get3A_25 : vector<16xf32>
        %add3A_948 = arith.addf %mul3A_947, %get3A_49 : vector<16xf32>
        %swap3A_949 = arith.constant 0 : i32
        %swap3A_950 = arith.index_cast %swap3A_949 : i32 to index
        %swap3A_951 = arith.index_cast %scan3A_704 : i32 to index
        %swap3A_952 = arith.constant 64 : index
        %swap3A_953 = tpu.vector_load %arg14[%swap3A_950, %swap3A_951, %swap3A_952] {strides = array<i32>} : memref<4x128x128xf32, #tpu.memory_space<vmem>>, vector<1x1x16xf32>,
        %swap3A_954 = vector.shape_cast %swap3A_953 : vector<1x1x16xf32> to vector<16xf32>
        %swap3A_955 = vector.shape_cast %add3A_948 : vector<16xf32> to vector<1x1x16xf32>
        tpu.vector_store %arg14[%swap3A_950, %swap3A_951, %swap3A_952], %swap3A_955 {strides = array<i32>} : memref<4x128x128xf32, #tpu.memory_space<vmem>>, vector<1x1x16xf32>,
        %sub3A_956 = arith.subf %get3A_741, %mul3A_818 : vector<16xf32>
        %mul3A_957 = arith.mulf %sub3A_956, %mul3A_900 : vector<16xf32>
        %mul3A_958 = arith.mulf %mul3A_957, %get3A_28 : vector<16xf32>
        %add3A_959 = arith.addf %mul3A_958, %get3A_52 : vector<16xf32>
        %swap3A_960 = arith.constant 0 : i32
        %swap3A_961 = arith.index_cast %swap3A_960 : i32 to index
        %swap3A_962 = arith.index_cast %scan3A_704 : i32 to index
        %swap3A_963 = arith.constant 80 : index
        %swap3A_964 = tpu.vector_load %arg14[%swap3A_961, %swap3A_962, %swap3A_963] {strides = array<i32>} : memref<4x128x128xf32, #tpu.memory_space<vmem>>, vector<1x1x16xf32>,
        %swap3A_965 = vector.shape_cast %swap3A_964 : vector<1x1x16xf32> to vector<16xf32>
        %swap3A_966 = vector.shape_cast %add3A_959 : vector<16xf32> to vector<1x1x16xf32>
        tpu.vector_store %arg14[%swap3A_961, %swap3A_962, %swap3A_963], %swap3A_966 {strides = array<i32>} : memref<4x128x128xf32, #tpu.memory_space<vmem>>, vector<1x1x16xf32>,
        %sub3A_967 = arith.subf %get3A_747, %mul3A_818 : vector<16xf32>
        %mul3A_968 = arith.mulf %sub3A_967, %mul3A_900 : vector<16xf32>
        %mul3A_969 = arith.mulf %mul3A_968, %get3A_31 : vector<16xf32>
        %add3A_970 = arith.addf %mul3A_969, %get3A_55 : vector<16xf32>
        %swap3A_971 = arith.constant 0 : i32
        %swap3A_972 = arith.index_cast %swap3A_971 : i32 to index
        %swap3A_973 = arith.index_cast %scan3A_704 : i32 to index
        %swap3A_974 = arith.constant 96 : index
        %swap3A_975 = tpu.vector_load %arg14[%swap3A_972, %swap3A_973, %swap3A_974] {strides = array<i32>} : memref<4x128x128xf32, #tpu.memory_space<vmem>>, vector<1x1x16xf32>,
        %swap3A_976 = vector.shape_cast %swap3A_975 : vector<1x1x16xf32> to vector<16xf32>
        %swap3A_977 = vector.shape_cast %add3A_970 : vector<16xf32> to vector<1x1x16xf32>
        tpu.vector_store %arg14[%swap3A_972, %swap3A_973, %swap3A_974], %swap3A_977 {strides = array<i32>} : memref<4x128x128xf32, #tpu.memory_space<vmem>>, vector<1x1x16xf32>,
        %sub3A_978 = arith.subf %get3A_753, %mul3A_818 : vector<16xf32>
        %mul3A_979 = arith.mulf %sub3A_978, %mul3A_900 : vector<16xf32>
        %mul3A_980 = arith.mulf %mul3A_979, %get3A_34 : vector<16xf32>
        %add3A_981 = arith.addf %mul3A_980, %get3A_58 : vector<16xf32>
        %swap3A_982 = arith.constant 0 : i32
        %swap3A_983 = arith.index_cast %swap3A_982 : i32 to index
        %swap3A_984 = arith.index_cast %scan3A_704 : i32 to index
        %swap3A_985 = arith.constant 112 : index
        %swap3A_986 = tpu.vector_load %arg14[%swap3A_983, %swap3A_984, %swap3A_985] {strides = array<i32>} : memref<4x128x128xf32, #tpu.memory_space<vmem>>, vector<1x1x16xf32>,
        %swap3A_987 = vector.shape_cast %swap3A_986 : vector<1x1x16xf32> to vector<16xf32>
        %swap3A_988 = vector.shape_cast %add3A_981 : vector<16xf32> to vector<1x1x16xf32>
        tpu.vector_store %arg14[%swap3A_983, %swap3A_984, %swap3A_985], %swap3A_988 {strides = array<i32>} : memref<4x128x128xf32, #tpu.memory_space<vmem>>, vector<1x1x16xf32>,
        %scan3A_989 = arith.constant 0 : i32
        %scan3A_990 = arith.constant 1 : i32
        %scan3A_991 = arith.addi %scan3A_704, %scan3A_990 : i32
        %get3A_992 = arith.constant 0 : i32
        %get3A_993 = arith.index_cast %get3A_992 : i32 to index
        %get3A_994 = arith.index_cast %scan3A_991 : i32 to index
        %get3A_995 = arith.constant 0 : index
        %get3A_996 = tpu.vector_load %arg14[%get3A_993, %get3A_994, %get3A_995] {strides = array<i32>} : memref<4x128x128xf32, #tpu.memory_space<vmem>>, vector<1x1x16xf32>,
        %get3A_997 = vector.shape_cast %get3A_996 : vector<1x1x16xf32> to vector<16xf32>
        %get3A_998 = arith.constant 0 : i32
        %get3A_999 = arith.index_cast %get3A_998 : i32 to index
        %get3A_1000 = arith.index_cast %scan3A_991 : i32 to index
        %get3A_1001 = arith.constant 16 : index
        %get3A_1002 = tpu.vector_load %arg14[%get3A_999, %get3A_1000, %get3A_1001] {strides = array<i32>} : memref<4x128x128xf32, #tpu.memory_space<vmem>>, vector<1x1x16xf32>,
        %get3A_1003 = vector.shape_cast %get3A_1002 : vector<1x1x16xf32> to vector<16xf32>
        %get3A_1004 = arith.constant 0 : i32
        %get3A_1005 = arith.index_cast %get3A_1004 : i32 to index
        %get3A_1006 = arith.index_cast %scan3A_991 : i32 to index
        %get3A_1007 = arith.constant 32 : index
        %get3A_1008 = tpu.vector_load %arg14[%get3A_1005, %get3A_1006, %get3A_1007] {strides = array<i32>} : memref<4x128x128xf32, #tpu.memory_space<vmem>>, vector<1x1x16xf32>,
        %get3A_1009 = vector.shape_cast %get3A_1008 : vector<1x1x16xf32> to vector<16xf32>
        %get3A_1010 = arith.constant 0 : i32
        %get3A_1011 = arith.index_cast %get3A_1010 : i32 to index
        %get3A_1012 = arith.index_cast %scan3A_991 : i32 to index
        %get3A_1013 = arith.constant 48 : index
        %get3A_1014 = tpu.vector_load %arg14[%get3A_1011, %get3A_1012, %get3A_1013] {strides = array<i32>} : memref<4x128x128xf32, #tpu.memory_space<vmem>>, vector<1x1x16xf32>,
        %get3A_1015 = vector.shape_cast %get3A_1014 : vector<1x1x16xf32> to vector<16xf32>
        %get3A_1016 = arith.constant 0 : i32
        %get3A_1017 = arith.index_cast %get3A_1016 : i32 to index
        %get3A_1018 = arith.index_cast %scan3A_991 : i32 to index
        %get3A_1019 = arith.constant 64 : index
        %get3A_1020 = tpu.vector_load %arg14[%get3A_1017, %get3A_1018, %get3A_1019] {strides = array<i32>} : memref<4x128x128xf32, #tpu.memory_space<vmem>>, vector<1x1x16xf32>,
        %get3A_1021 = vector.shape_cast %get3A_1020 : vector<1x1x16xf32> to vector<16xf32>
        %get3A_1022 = arith.constant 0 : i32
        %get3A_1023 = arith.index_cast %get3A_1022 : i32 to index
        %get3A_1024 = arith.index_cast %scan3A_991 : i32 to index
        %get3A_1025 = arith.constant 80 : index
        %get3A_1026 = tpu.vector_load %arg14[%get3A_1023, %get3A_1024, %get3A_1025] {strides = array<i32>} : memref<4x128x128xf32, #tpu.memory_space<vmem>>, vector<1x1x16xf32>,
        %get3A_1027 = vector.shape_cast %get3A_1026 : vector<1x1x16xf32> to vector<16xf32>
        %get3A_1028 = arith.constant 0 : i32
        %get3A_1029 = arith.index_cast %get3A_1028 : i32 to index
        %get3A_1030 = arith.index_cast %scan3A_991 : i32 to index
        %get3A_1031 = arith.constant 96 : index
        %get3A_1032 = tpu.vector_load %arg14[%get3A_1029, %get3A_1030, %get3A_1031] {strides = array<i32>} : memref<4x128x128xf32, #tpu.memory_space<vmem>>, vector<1x1x16xf32>,
        %get3A_1033 = vector.shape_cast %get3A_1032 : vector<1x1x16xf32> to vector<16xf32>
        %get3A_1034 = arith.constant 0 : i32
        %get3A_1035 = arith.index_cast %get3A_1034 : i32 to index
        %get3A_1036 = arith.index_cast %scan3A_991 : i32 to index
        %get3A_1037 = arith.constant 112 : index
        %get3A_1038 = tpu.vector_load %arg14[%get3A_1035, %get3A_1036, %get3A_1037] {strides = array<i32>} : memref<4x128x128xf32, #tpu.memory_space<vmem>>, vector<1x1x16xf32>,
        %get3A_1039 = vector.shape_cast %get3A_1038 : vector<1x1x16xf32> to vector<16xf32>
        %mul3A_1040 = arith.mulf %get3A_997, %get3A_997 : vector<16xf32>
        %add3A_1041 = arith.addf %get3A_997, %get3A_1003 : vector<16xf32>
        %mul3A_1042 = arith.mulf %get3A_1003, %get3A_1003 : vector<16xf32>
        %add3A_1043 = arith.addf %mul3A_1040, %mul3A_1042 : vector<16xf32>
        %add3A_1044 = arith.addf %add3A_1041, %get3A_1009 : vector<16xf32>
        %mul3A_1045 = arith.mulf %get3A_1009, %get3A_1009 : vector<16xf32>
        %add3A_1046 = arith.addf %add3A_1043, %mul3A_1045 : vector<16xf32>
        %add3A_1047 = arith.addf %add3A_1044, %get3A_1015 : vector<16xf32>
        %mul3A_1048 = arith.mulf %get3A_1015, %get3A_1015 : vector<16xf32>
        %add3A_1049 = arith.addf %add3A_1046, %mul3A_1048 : vector<16xf32>
        %add3A_1050 = arith.addf %add3A_1047, %get3A_1021 : vector<16xf32>
        %mul3A_1051 = arith.mulf %get3A_1021, %get3A_1021 : vector<16xf32>
        %add3A_1052 = arith.addf %add3A_1049, %mul3A_1051 : vector<16xf32>
        %add3A_1053 = arith.addf %add3A_1050, %get3A_1027 : vector<16xf32>
        %mul3A_1054 = arith.mulf %get3A_1027, %get3A_1027 : vector<16xf32>
        %add3A_1055 = arith.addf %add3A_1052, %mul3A_1054 : vector<16xf32>
        %add3A_1056 = arith.addf %add3A_1053, %get3A_1033 : vector<16xf32>
        %mul3A_1057 = arith.mulf %get3A_1033, %get3A_1033 : vector<16xf32>
        %add3A_1058 = arith.addf %add3A_1055, %mul3A_1057 : vector<16xf32>
        %add3A_1059 = arith.addf %add3A_1056, %get3A_1039 : vector<16xf32>
        %mul3A_1060 = arith.mulf %get3A_1039, %get3A_1039 : vector<16xf32>
        %add3A_1061 = arith.addf %add3A_1058, %mul3A_1060 : vector<16xf32>
        %lt3A_1062 = arith.constant 0 : i32
        %lt3A_1063 = vector.broadcast %lt3A_1062 : i32 to vector<16xi32>
        %lt3A_1064 = arith.cmpi slt, %xor3A_60, %lt3A_1063 : vector<16xi32>
        %add3A_1065 = arith.constant 16 : i32
        %add3A_1066 = vector.broadcast %add3A_1065 : i32 to vector<16xi32>
        %add3A_1067 = arith.addi %xor3A_60, %add3A_1066 : vector<16xi32>
        %select_n3A_1068 = arith.select %lt3A_1064, %add3A_1067, %xor3A_60 : vector<16xi1>, vector<16xi32>
        %broadcast_in_dim3A_1069 = vector.shape_cast %select_n3A_1068 : vector<16xi32> to vector<16x1xi32>
        %gather3A_1070 = vector.shape_cast %broadcast_in_dim3A_1069 : vector<16x1xi32> to vector<16xi32>
        %gather3A_1071 = tpu.dynamic_gather %add3A_1059[%gather3A_1070] in [0] : vector<16xf32>, vector<16xi32> -> vector<16xf32>
        %add3A_1072 = arith.addf %add3A_1059, %gather3A_1071 : vector<16xf32>
        %lt3A_1073 = arith.constant 0 : i32
        %lt3A_1074 = vector.broadcast %lt3A_1073 : i32 to vector<16xi32>
        %lt3A_1075 = arith.cmpi slt, %xor3A_63, %lt3A_1074 : vector<16xi32>
        %add3A_1076 = arith.constant 16 : i32
        %add3A_1077 = vector.broadcast %add3A_1076 : i32 to vector<16xi32>
        %add3A_1078 = arith.addi %xor3A_63, %add3A_1077 : vector<16xi32>
        %select_n3A_1079 = arith.select %lt3A_1075, %add3A_1078, %xor3A_63 : vector<16xi1>, vector<16xi32>
        %broadcast_in_dim3A_1080 = vector.shape_cast %select_n3A_1079 : vector<16xi32> to vector<16x1xi32>
        %gather3A_1081 = vector.shape_cast %broadcast_in_dim3A_1080 : vector<16x1xi32> to vector<16xi32>
        %gather3A_1082 = tpu.dynamic_gather %add3A_1072[%gather3A_1081] in [0] : vector<16xf32>, vector<16xi32> -> vector<16xf32>
        %add3A_1083 = arith.addf %add3A_1072, %gather3A_1082 : vector<16xf32>
        %lt3A_1084 = arith.constant 0 : i32
        %lt3A_1085 = vector.broadcast %lt3A_1084 : i32 to vector<16xi32>
        %lt3A_1086 = arith.cmpi slt, %xor3A_66, %lt3A_1085 : vector<16xi32>
        %add3A_1087 = arith.constant 16 : i32
        %add3A_1088 = vector.broadcast %add3A_1087 : i32 to vector<16xi32>
        %add3A_1089 = arith.addi %xor3A_66, %add3A_1088 : vector<16xi32>
        %select_n3A_1090 = arith.select %lt3A_1086, %add3A_1089, %xor3A_66 : vector<16xi1>, vector<16xi32>
        %broadcast_in_dim3A_1091 = vector.shape_cast %select_n3A_1090 : vector<16xi32> to vector<16x1xi32>
        %gather3A_1092 = vector.shape_cast %broadcast_in_dim3A_1091 : vector<16x1xi32> to vector<16xi32>
        %gather3A_1093 = tpu.dynamic_gather %add3A_1083[%gather3A_1092] in [0] : vector<16xf32>, vector<16xi32> -> vector<16xf32>
        %add3A_1094 = arith.addf %add3A_1083, %gather3A_1093 : vector<16xf32>
        %lt3A_1095 = arith.constant 0 : i32
        %lt3A_1096 = vector.broadcast %lt3A_1095 : i32 to vector<16xi32>
        %lt3A_1097 = arith.cmpi slt, %xor3A_69, %lt3A_1096 : vector<16xi32>
        %add3A_1098 = arith.constant 16 : i32
        %add3A_1099 = vector.broadcast %add3A_1098 : i32 to vector<16xi32>
        %add3A_1100 = arith.addi %xor3A_69, %add3A_1099 : vector<16xi32>
        %select_n3A_1101 = arith.select %lt3A_1097, %add3A_1100, %xor3A_69 : vector<16xi1>, vector<16xi32>
        %broadcast_in_dim3A_1102 = vector.shape_cast %select_n3A_1101 : vector<16xi32> to vector<16x1xi32>
        %gather3A_1103 = vector.shape_cast %broadcast_in_dim3A_1102 : vector<16x1xi32> to vector<16xi32>
        %gather3A_1104 = tpu.dynamic_gather %add3A_1094[%gather3A_1103] in [0] : vector<16xf32>, vector<16xi32> -> vector<16xf32>
        %add3A_1105 = arith.addf %add3A_1094, %gather3A_1104 : vector<16xf32>
        %mul3A_1106 = vector.broadcast %squeeze3A : f32 to vector<16xf32>
        %mul3A_1107 = arith.mulf %add3A_1105, %mul3A_1106 : vector<16xf32>
        %lt3A_1108 = arith.constant 0 : i32
        %lt3A_1109 = vector.broadcast %lt3A_1108 : i32 to vector<16xi32>
        %lt3A_1110 = arith.cmpi slt, %xor3A_60, %lt3A_1109 : vector<16xi32>
        %add3A_1111 = arith.constant 16 : i32
        %add3A_1112 = vector.broadcast %add3A_1111 : i32 to vector<16xi32>
        %add3A_1113 = arith.addi %xor3A_60, %add3A_1112 : vector<16xi32>
        %select_n3A_1114 = arith.select %lt3A_1110, %add3A_1113, %xor3A_60 : vector<16xi1>, vector<16xi32>
        %broadcast_in_dim3A_1115 = vector.shape_cast %select_n3A_1114 : vector<16xi32> to vector<16x1xi32>
        %gather3A_1116 = vector.shape_cast %broadcast_in_dim3A_1115 : vector<16x1xi32> to vector<16xi32>
        %gather3A_1117 = tpu.dynamic_gather %add3A_1061[%gather3A_1116] in [0] : vector<16xf32>, vector<16xi32> -> vector<16xf32>
        %add3A_1118 = arith.addf %add3A_1061, %gather3A_1117 : vector<16xf32>
        %lt3A_1119 = arith.constant 0 : i32
        %lt3A_1120 = vector.broadcast %lt3A_1119 : i32 to vector<16xi32>
        %lt3A_1121 = arith.cmpi slt, %xor3A_63, %lt3A_1120 : vector<16xi32>
        %add3A_1122 = arith.constant 16 : i32
        %add3A_1123 = vector.broadcast %add3A_1122 : i32 to vector<16xi32>
        %add3A_1124 = arith.addi %xor3A_63, %add3A_1123 : vector<16xi32>
        %select_n3A_1125 = arith.select %lt3A_1121, %add3A_1124, %xor3A_63 : vector<16xi1>, vector<16xi32>
        %broadcast_in_dim3A_1126 = vector.shape_cast %select_n3A_1125 : vector<16xi32> to vector<16x1xi32>
        %gather3A_1127 = vector.shape_cast %broadcast_in_dim3A_1126 : vector<16x1xi32> to vector<16xi32>
        %gather3A_1128 = tpu.dynamic_gather %add3A_1118[%gather3A_1127] in [0] : vector<16xf32>, vector<16xi32> -> vector<16xf32>
        %add3A_1129 = arith.addf %add3A_1118, %gather3A_1128 : vector<16xf32>
        %lt3A_1130 = arith.constant 0 : i32
        %lt3A_1131 = vector.broadcast %lt3A_1130 : i32 to vector<16xi32>
        %lt3A_1132 = arith.cmpi slt, %xor3A_66, %lt3A_1131 : vector<16xi32>
        %add3A_1133 = arith.constant 16 : i32
        %add3A_1134 = vector.broadcast %add3A_1133 : i32 to vector<16xi32>
        %add3A_1135 = arith.addi %xor3A_66, %add3A_1134 : vector<16xi32>
        %select_n3A_1136 = arith.select %lt3A_1132, %add3A_1135, %xor3A_66 : vector<16xi1>, vector<16xi32>
        %broadcast_in_dim3A_1137 = vector.shape_cast %select_n3A_1136 : vector<16xi32> to vector<16x1xi32>
        %gather3A_1138 = vector.shape_cast %broadcast_in_dim3A_1137 : vector<16x1xi32> to vector<16xi32>
        %gather3A_1139 = tpu.dynamic_gather %add3A_1129[%gather3A_1138] in [0] : vector<16xf32>, vector<16xi32> -> vector<16xf32>
        %add3A_1140 = arith.addf %add3A_1129, %gather3A_1139 : vector<16xf32>
        %lt3A_1141 = arith.constant 0 : i32
        %lt3A_1142 = vector.broadcast %lt3A_1141 : i32 to vector<16xi32>
        %lt3A_1143 = arith.cmpi slt, %xor3A_69, %lt3A_1142 : vector<16xi32>
        %add3A_1144 = arith.constant 16 : i32
        %add3A_1145 = vector.broadcast %add3A_1144 : i32 to vector<16xi32>
        %add3A_1146 = arith.addi %xor3A_69, %add3A_1145 : vector<16xi32>
        %select_n3A_1147 = arith.select %lt3A_1143, %add3A_1146, %xor3A_69 : vector<16xi1>, vector<16xi32>
        %broadcast_in_dim3A_1148 = vector.shape_cast %select_n3A_1147 : vector<16xi32> to vector<16x1xi32>
        %gather3A_1149 = vector.shape_cast %broadcast_in_dim3A_1148 : vector<16x1xi32> to vector<16xi32>
        %gather3A_1150 = tpu.dynamic_gather %add3A_1140[%gather3A_1149] in [0] : vector<16xf32>, vector<16xi32> -> vector<16xf32>
        %add3A_1151 = arith.addf %add3A_1140, %gather3A_1150 : vector<16xf32>
        %mul3A_1152 = vector.broadcast %squeeze3A : f32 to vector<16xf32>
        %mul3A_1153 = arith.mulf %add3A_1151, %mul3A_1152 : vector<16xf32>
        %mul3A_1154 = arith.mulf %mul3A_1107, %mul3A_1107 : vector<16xf32>
        %sub3A_1155 = arith.subf %mul3A_1153, %mul3A_1154 : vector<16xf32>
        %add3A_1156 = vector.broadcast %squeeze3A_7 : f32 to vector<16xf32>
        %add3A_1157 = arith.addf %sub3A_1155, %add3A_1156 : vector<16xf32>
        %bitcast_convert_type3A_1158 = tpu.bitcast %add3A_1157 : vector<16xf32> -> vector<16xi32>
        %shift_right_logical3A_1159 = arith.constant 1 : i32
        %shift_right_logical3A_1160 = vector.broadcast %shift_right_logical3A_1159 : i32 to vector<16xi32>
        %shift_right_logical3A_1161 = arith.shrui %bitcast_convert_type3A_1158, %shift_right_logical3A_1160 : vector<16xi32>
        %sub3A_1162 = arith.constant 1597463007 : i32
        %sub3A_1163 = vector.broadcast %sub3A_1162 : i32 to vector<16xi32>
        %sub3A_1164 = arith.subi %sub3A_1163, %shift_right_logical3A_1161 : vector<16xi32>
        %bitcast_convert_type3A_1165 = tpu.bitcast %sub3A_1164 : vector<16xi32> -> vector<16xf32>
        %mul3A_1166 = arith.constant 5.000000e-01 : f32
        %mul3A_1167 = vector.broadcast %mul3A_1166 : f32 to vector<16xf32>
        %mul3A_1168 = arith.mulf %mul3A_1167, %add3A_1157 : vector<16xf32>
        %mul3A_1169 = arith.mulf %mul3A_1168, %bitcast_convert_type3A_1165 : vector<16xf32>
        %mul3A_1170 = arith.mulf %mul3A_1169, %bitcast_convert_type3A_1165 : vector<16xf32>
        %sub3A_1171 = arith.constant 1.500000e+00 : f32
        %sub3A_1172 = vector.broadcast %sub3A_1171 : f32 to vector<16xf32>
        %sub3A_1173 = arith.subf %sub3A_1172, %mul3A_1170 : vector<16xf32>
        %mul3A_1174 = arith.mulf %bitcast_convert_type3A_1165, %sub3A_1173 : vector<16xf32>
        %mul3A_1175 = arith.constant 5.000000e-01 : f32
        %mul3A_1176 = vector.broadcast %mul3A_1175 : f32 to vector<16xf32>
        %mul3A_1177 = arith.mulf %mul3A_1176, %add3A_1157 : vector<16xf32>
        %mul3A_1178 = arith.mulf %mul3A_1177, %mul3A_1174 : vector<16xf32>
        %mul3A_1179 = arith.mulf %mul3A_1178, %mul3A_1174 : vector<16xf32>
        %sub3A_1180 = arith.constant 1.500000e+00 : f32
        %sub3A_1181 = vector.broadcast %sub3A_1180 : f32 to vector<16xf32>
        %sub3A_1182 = arith.subf %sub3A_1181, %mul3A_1179 : vector<16xf32>
        %mul3A_1183 = arith.mulf %mul3A_1174, %sub3A_1182 : vector<16xf32>
        %mul3A_1184 = arith.constant 5.000000e-01 : f32
        %mul3A_1185 = vector.broadcast %mul3A_1184 : f32 to vector<16xf32>
        %mul3A_1186 = arith.mulf %mul3A_1185, %add3A_1157 : vector<16xf32>
        %mul3A_1187 = arith.mulf %mul3A_1186, %mul3A_1183 : vector<16xf32>
        %mul3A_1188 = arith.mulf %mul3A_1187, %mul3A_1183 : vector<16xf32>
        %sub3A_1189 = arith.constant 1.500000e+00 : f32
        %sub3A_1190 = vector.broadcast %sub3A_1189 : f32 to vector<16xf32>
        %sub3A_1191 = arith.subf %sub3A_1190, %mul3A_1188 : vector<16xf32>
        %mul3A_1192 = arith.mulf %mul3A_1183, %sub3A_1191 : vector<16xf32>
        %sub3A_1193 = arith.subf %get3A_997, %mul3A_1107 : vector<16xf32>
        %mul3A_1194 = arith.mulf %sub3A_1193, %mul3A_1192 : vector<16xf32>
        %mul3A_1195 = arith.mulf %mul3A_1194, %get3A_13 : vector<16xf32>
        %add3A_1196 = arith.addf %mul3A_1195, %get3A_37 : vector<16xf32>
        %swap3A_1197 = arith.constant 0 : i32
        %swap3A_1198 = arith.index_cast %swap3A_1197 : i32 to index
        %swap3A_1199 = arith.index_cast %scan3A_991 : i32 to index
        %swap3A_1200 = arith.constant 0 : index
        %swap3A_1201 = tpu.vector_load %arg14[%swap3A_1198, %swap3A_1199, %swap3A_1200] {strides = array<i32>} : memref<4x128x128xf32, #tpu.memory_space<vmem>>, vector<1x1x16xf32>,
        %swap3A_1202 = vector.shape_cast %swap3A_1201 : vector<1x1x16xf32> to vector<16xf32>
        %swap3A_1203 = vector.shape_cast %add3A_1196 : vector<16xf32> to vector<1x1x16xf32>
        tpu.vector_store %arg14[%swap3A_1198, %swap3A_1199, %swap3A_1200], %swap3A_1203 {strides = array<i32>} : memref<4x128x128xf32, #tpu.memory_space<vmem>>, vector<1x1x16xf32>,
        %sub3A_1204 = arith.subf %get3A_1003, %mul3A_1107 : vector<16xf32>
        %mul3A_1205 = arith.mulf %sub3A_1204, %mul3A_1192 : vector<16xf32>
        %mul3A_1206 = arith.mulf %mul3A_1205, %get3A_16 : vector<16xf32>
        %add3A_1207 = arith.addf %mul3A_1206, %get3A_40 : vector<16xf32>
        %swap3A_1208 = arith.constant 0 : i32
        %swap3A_1209 = arith.index_cast %swap3A_1208 : i32 to index
        %swap3A_1210 = arith.index_cast %scan3A_991 : i32 to index
        %swap3A_1211 = arith.constant 16 : index
        %swap3A_1212 = tpu.vector_load %arg14[%swap3A_1209, %swap3A_1210, %swap3A_1211] {strides = array<i32>} : memref<4x128x128xf32, #tpu.memory_space<vmem>>, vector<1x1x16xf32>,
        %swap3A_1213 = vector.shape_cast %swap3A_1212 : vector<1x1x16xf32> to vector<16xf32>
        %swap3A_1214 = vector.shape_cast %add3A_1207 : vector<16xf32> to vector<1x1x16xf32>
        tpu.vector_store %arg14[%swap3A_1209, %swap3A_1210, %swap3A_1211], %swap3A_1214 {strides = array<i32>} : memref<4x128x128xf32, #tpu.memory_space<vmem>>, vector<1x1x16xf32>,
        %sub3A_1215 = arith.subf %get3A_1009, %mul3A_1107 : vector<16xf32>
        %mul3A_1216 = arith.mulf %sub3A_1215, %mul3A_1192 : vector<16xf32>
        %mul3A_1217 = arith.mulf %mul3A_1216, %get3A_19 : vector<16xf32>
        %add3A_1218 = arith.addf %mul3A_1217, %get3A_43 : vector<16xf32>
        %swap3A_1219 = arith.constant 0 : i32
        %swap3A_1220 = arith.index_cast %swap3A_1219 : i32 to index
        %swap3A_1221 = arith.index_cast %scan3A_991 : i32 to index
        %swap3A_1222 = arith.constant 32 : index
        %swap3A_1223 = tpu.vector_load %arg14[%swap3A_1220, %swap3A_1221, %swap3A_1222] {strides = array<i32>} : memref<4x128x128xf32, #tpu.memory_space<vmem>>, vector<1x1x16xf32>,
        %swap3A_1224 = vector.shape_cast %swap3A_1223 : vector<1x1x16xf32> to vector<16xf32>
        %swap3A_1225 = vector.shape_cast %add3A_1218 : vector<16xf32> to vector<1x1x16xf32>
        tpu.vector_store %arg14[%swap3A_1220, %swap3A_1221, %swap3A_1222], %swap3A_1225 {strides = array<i32>} : memref<4x128x128xf32, #tpu.memory_space<vmem>>, vector<1x1x16xf32>,
        %sub3A_1226 = arith.subf %get3A_1015, %mul3A_1107 : vector<16xf32>
        %mul3A_1227 = arith.mulf %sub3A_1226, %mul3A_1192 : vector<16xf32>
        %mul3A_1228 = arith.mulf %mul3A_1227, %get3A_22 : vector<16xf32>
        %add3A_1229 = arith.addf %mul3A_1228, %get3A_46 : vector<16xf32>
        %swap3A_1230 = arith.constant 0 : i32
        %swap3A_1231 = arith.index_cast %swap3A_1230 : i32 to index
        %swap3A_1232 = arith.index_cast %scan3A_991 : i32 to index
        %swap3A_1233 = arith.constant 48 : index
        %swap3A_1234 = tpu.vector_load %arg14[%swap3A_1231, %swap3A_1232, %swap3A_1233] {strides = array<i32>} : memref<4x128x128xf32, #tpu.memory_space<vmem>>, vector<1x1x16xf32>,
        %swap3A_1235 = vector.shape_cast %swap3A_1234 : vector<1x1x16xf32> to vector<16xf32>
        %swap3A_1236 = vector.shape_cast %add3A_1229 : vector<16xf32> to vector<1x1x16xf32>
        tpu.vector_store %arg14[%swap3A_1231, %swap3A_1232, %swap3A_1233], %swap3A_1236 {strides = array<i32>} : memref<4x128x128xf32, #tpu.memory_space<vmem>>, vector<1x1x16xf32>,
        %sub3A_1237 = arith.subf %get3A_1021, %mul3A_1107 : vector<16xf32>
        %mul3A_1238 = arith.mulf %sub3A_1237, %mul3A_1192 : vector<16xf32>
        %mul3A_1239 = arith.mulf %mul3A_1238, %get3A_25 : vector<16xf32>
        %add3A_1240 = arith.addf %mul3A_1239, %get3A_49 : vector<16xf32>
        %swap3A_1241 = arith.constant 0 : i32
        %swap3A_1242 = arith.index_cast %swap3A_1241 : i32 to index
        %swap3A_1243 = arith.index_cast %scan3A_991 : i32 to index
        %swap3A_1244 = arith.constant 64 : index
        %swap3A_1245 = tpu.vector_load %arg14[%swap3A_1242, %swap3A_1243, %swap3A_1244] {strides = array<i32>} : memref<4x128x128xf32, #tpu.memory_space<vmem>>, vector<1x1x16xf32>,
        %swap3A_1246 = vector.shape_cast %swap3A_1245 : vector<1x1x16xf32> to vector<16xf32>
        %swap3A_1247 = vector.shape_cast %add3A_1240 : vector<16xf32> to vector<1x1x16xf32>
        tpu.vector_store %arg14[%swap3A_1242, %swap3A_1243, %swap3A_1244], %swap3A_1247 {strides = array<i32>} : memref<4x128x128xf32, #tpu.memory_space<vmem>>, vector<1x1x16xf32>,
        %sub3A_1248 = arith.subf %get3A_1027, %mul3A_1107 : vector<16xf32>
        %mul3A_1249 = arith.mulf %sub3A_1248, %mul3A_1192 : vector<16xf32>
        %mul3A_1250 = arith.mulf %mul3A_1249, %get3A_28 : vector<16xf32>
        %add3A_1251 = arith.addf %mul3A_1250, %get3A_52 : vector<16xf32>
        %swap3A_1252 = arith.constant 0 : i32
        %swap3A_1253 = arith.index_cast %swap3A_1252 : i32 to index
        %swap3A_1254 = arith.index_cast %scan3A_991 : i32 to index
        %swap3A_1255 = arith.constant 80 : index
        %swap3A_1256 = tpu.vector_load %arg14[%swap3A_1253, %swap3A_1254, %swap3A_1255] {strides = array<i32>} : memref<4x128x128xf32, #tpu.memory_space<vmem>>, vector<1x1x16xf32>,
        %swap3A_1257 = vector.shape_cast %swap3A_1256 : vector<1x1x16xf32> to vector<16xf32>
        %swap3A_1258 = vector.shape_cast %add3A_1251 : vector<16xf32> to vector<1x1x16xf32>
        tpu.vector_store %arg14[%swap3A_1253, %swap3A_1254, %swap3A_1255], %swap3A_1258 {strides = array<i32>} : memref<4x128x128xf32, #tpu.memory_space<vmem>>, vector<1x1x16xf32>,
        %sub3A_1259 = arith.subf %get3A_1033, %mul3A_1107 : vector<16xf32>
        %mul3A_1260 = arith.mulf %sub3A_1259, %mul3A_1192 : vector<16xf32>
        %mul3A_1261 = arith.mulf %mul3A_1260, %get3A_31 : vector<16xf32>
        %add3A_1262 = arith.addf %mul3A_1261, %get3A_55 : vector<16xf32>
        %swap3A_1263 = arith.constant 0 : i32
        %swap3A_1264 = arith.index_cast %swap3A_1263 : i32 to index
        %swap3A_1265 = arith.index_cast %scan3A_991 : i32 to index
        %swap3A_1266 = arith.constant 96 : index
        %swap3A_1267 = tpu.vector_load %arg14[%swap3A_1264, %swap3A_1265, %swap3A_1266] {strides = array<i32>} : memref<4x128x128xf32, #tpu.memory_space<vmem>>, vector<1x1x16xf32>,
        %swap3A_1268 = vector.shape_cast %swap3A_1267 : vector<1x1x16xf32> to vector<16xf32>
        %swap3A_1269 = vector.shape_cast %add3A_1262 : vector<16xf32> to vector<1x1x16xf32>
        tpu.vector_store %arg14[%swap3A_1264, %swap3A_1265, %swap3A_1266], %swap3A_1269 {strides = array<i32>} : memref<4x128x128xf32, #tpu.memory_space<vmem>>, vector<1x1x16xf32>,
        %sub3A_1270 = arith.subf %get3A_1039, %mul3A_1107 : vector<16xf32>
        %mul3A_1271 = arith.mulf %sub3A_1270, %mul3A_1192 : vector<16xf32>
        %mul3A_1272 = arith.mulf %mul3A_1271, %get3A_34 : vector<16xf32>
        %add3A_1273 = arith.addf %mul3A_1272, %get3A_58 : vector<16xf32>
        %swap3A_1274 = arith.constant 0 : i32
        %swap3A_1275 = arith.index_cast %swap3A_1274 : i32 to index
        %swap3A_1276 = arith.index_cast %scan3A_991 : i32 to index
        %swap3A_1277 = arith.constant 112 : index
        %swap3A_1278 = tpu.vector_load %arg14[%swap3A_1275, %swap3A_1276, %swap3A_1277] {strides = array<i32>} : memref<4x128x128xf32, #tpu.memory_space<vmem>>, vector<1x1x16xf32>,
        %swap3A_1279 = vector.shape_cast %swap3A_1278 : vector<1x1x16xf32> to vector<16xf32>
        %swap3A_1280 = vector.shape_cast %add3A_1273 : vector<16xf32> to vector<1x1x16xf32>
        tpu.vector_store %arg14[%swap3A_1275, %swap3A_1276, %swap3A_1277], %swap3A_1280 {strides = array<i32>} : memref<4x128x128xf32, #tpu.memory_space<vmem>>, vector<1x1x16xf32>,
        %scan3A_1281 = arith.constant 0 : i32
        scf.yield %scan3A_1281 : i32
      }
      %scan3A_533 = arith.constant 128 : i32
      %mul3A_534 = arith.constant 128 : i32
      %mul3A_535 = arith.muli %add3A_503, %mul3A_534 : i32
      %add3A_536 = arith.addi %mul3A_10, %mul3A_535 : i32
      %dma_start3A_537 = arith.constant 0 : i32
      %dma_start3A_538 = arith.constant 0 : i32
      %dma_start3A_539 = arith.constant 0 : i32
      %dma_start3A_540 = tpu.memref_slice %arg14[%dma_start3A_537, %dma_start3A_538, %dma_start3A_539] : memref<4x128x128xf32, #tpu.memory_space<vmem>> -> memref<1x128x128xf32, #tpu.memory_space<vmem>>
      %dma_start3A_541 = tpu.memref_squeeze %dma_start3A_540 : memref<1x128x128xf32, #tpu.memory_space<vmem>> -> memref<128x128xf32, #tpu.memory_space<vmem>>
      %dma_start3A_542 = arith.constant 0 : i32
      %dma_start3A_543 = tpu.memref_slice %arg10[%add3A_536, %dma_start3A_542] : memref<524288x128xf32, #tpu.memory_space<hbm>> -> memref<128x128xf32, #tpu.memory_space<hbm>>
      %dma_start3A_544 = arith.constant 0 : i32
      %dma_start3A_545 = tpu.memref_slice %arg10[%add3A_536, %dma_start3A_544] : memref<524288x128xf32, #tpu.memory_space<hbm>> -> memref<128x128xf32, #tpu.memory_space<hbm>>
      %dma_start3A_546 = arith.constant 0 : i32
      %dma_start3A_547 = arith.constant 0 : i32
      %dma_start3A_548 = tpu.memref_slice %arg14[%dma_start3A_537, %dma_start3A_546, %dma_start3A_547] : memref<4x128x128xf32, #tpu.memory_space<vmem>> -> memref<1x128x128xf32, #tpu.memory_space<vmem>>
      %dma_start3A_549 = tpu.memref_squeeze %dma_start3A_548 : memref<1x128x128xf32, #tpu.memory_space<vmem>> -> memref<128x128xf32, #tpu.memory_space<vmem>>
      tpu.enqueue_dma source(%dma_start3A_549 : memref<128x128xf32, #tpu.memory_space<vmem>>) target(%dma_start3A_545 : memref<128x128xf32, #tpu.memory_space<hbm>>) target_semaphore(%arg25 : memref<!tpu.dma_semaphore, #tpu.memory_space<semaphore_mem>>)
      %add3A_550 = arith.constant 1 : i32
      %add3A_551 = arith.addi %mul3A_501, %add3A_550 : i32
      %add3A_552 = arith.constant 1 : i32
      %add3A_553 = arith.addi %add3A_551, %add3A_552 : i32
      %lt3A_554 = arith.constant 128 : i32
      %lt3A_555 = arith.cmpi slt, %add3A_553, %lt3A_554 : i32
      %convert_element_type3A_556 = arith.extui %lt3A_555 : i1 to i32
      %cond3A_557 = arith.constant 0 : i32
      %cond3A_558 = arith.cmpi ne, %convert_element_type3A_556, %cond3A_557 : i32
      scf.if %cond3A_558 {
        %add3A_704 = arith.constant 1 : i32
        %add3A_705 = arith.addi %add3A_551, %add3A_704 : i32
        %mul3A_706 = arith.constant 128 : i32
        %mul3A_707 = arith.muli %add3A_705, %mul3A_706 : i32
        %dma_wait3A_708 = arith.constant 2 : i32
        %dma_wait3A_709 = arith.constant 0 : i32
        %dma_wait3A_710 = arith.constant 0 : i32
        %dma_wait3A_711 = tpu.memref_slice %arg14[%dma_wait3A_708, %dma_wait3A_709, %dma_wait3A_710] : memref<4x128x128xf32, #tpu.memory_space<vmem>> -> memref<1x128x128xf32, #tpu.memory_space<vmem>>
        %dma_wait3A_712 = tpu.memref_squeeze %dma_wait3A_711 : memref<1x128x128xf32, #tpu.memory_space<vmem>> -> memref<128x128xf32, #tpu.memory_space<vmem>>
        %dma_wait3A_713 = tpu.memref_slice %arg11[%mul3A_707] : memref<16384xi32, #tpu.memory_space<vmem>> -> memref<128xi32, #tpu.memory_space<vmem>>
        %dma_wait3A_714 = arith.constant 0 : i32
        %dma_wait3A_715 = arith.constant 0 : i32
        %dma_wait3A_716 = tpu.memref_slice %arg4[%dma_wait3A_714, %dma_wait3A_715] : memref<100000x128xf32, #tpu.memory_space<hbm>> -> memref<100000x128xf32, #tpu.memory_space<hbm>>
        tpu.wait_indirect_dma semaphore(%arg19 : memref<!tpu.dma_semaphore, #tpu.memory_space<semaphore_mem>>) src(%dma_wait3A_716 : memref<100000x128xf32, #tpu.memory_space<hbm>>) dst(%dma_wait3A_712 : memref<128x128xf32, #tpu.memory_space<vmem>>)
        %dma_start3A_717 = arith.constant 2 : i32
        %dma_start3A_718 = arith.constant 2 : i32
        %dma_start3A_719 = arith.constant 0 : i32
        %dma_start3A_720 = arith.constant 0 : i32
        %dma_start3A_721 = tpu.memref_slice %arg14[%dma_start3A_718, %dma_start3A_719, %dma_start3A_720] : memref<4x128x128xf32, #tpu.memory_space<vmem>> -> memref<1x128x128xf32, #tpu.memory_space<vmem>>
        %dma_start3A_722 = tpu.memref_squeeze %dma_start3A_721 : memref<1x128x128xf32, #tpu.memory_space<vmem>> -> memref<128x128xf32, #tpu.memory_space<vmem>>
        %dma_start3A_723 = arith.constant 0 : i32
        %dma_start3A_724 = tpu.memref_slice %arg13[%dma_start3A_717, %dma_start3A_723] : memref<4x128xi32, #tpu.memory_space<vmem>> -> memref<1x128xi32, #tpu.memory_space<vmem>>
        %dma_start3A_725 = tpu.memref_squeeze %dma_start3A_724 : memref<1x128xi32, #tpu.memory_space<vmem>> -> memref<128xi32, #tpu.memory_space<vmem>>
        %dma_start3A_726 = arith.constant 0 : i32
        %dma_start3A_727 = arith.constant 0 : i32
        %dma_start3A_728 = tpu.memref_slice %arg5[%dma_start3A_726, %dma_start3A_727] : memref<1024x128xf32, #tpu.memory_space<hbm>> -> memref<1024x128xf32, #tpu.memory_space<hbm>>
        tpu.enqueue_indirect_dma source(%dma_start3A_728 : memref<1024x128xf32, #tpu.memory_space<hbm>>) target(%dma_start3A_722 : memref<128x128xf32, #tpu.memory_space<vmem>>) offsets(%dma_start3A_725 : memref<128xi32, #tpu.memory_space<vmem>>) semaphore(%arg23 : memref<!tpu.dma_semaphore, #tpu.memory_space<semaphore_mem>>) {add = true}
      } else {
      }
      %add3A_559 = arith.constant 2 : i32
      %add3A_560 = arith.addi %add3A_551, %add3A_559 : i32
      %lt3A_561 = arith.constant 128 : i32
      %lt3A_562 = arith.cmpi slt, %add3A_560, %lt3A_561 : i32
      %convert_element_type3A_563 = arith.extui %lt3A_562 : i1 to i32
      %cond3A_564 = arith.constant 0 : i32
      %cond3A_565 = arith.cmpi ne, %convert_element_type3A_563, %cond3A_564 : i32
      scf.if %cond3A_565 {
        %ge3A = arith.constant 2 : i32
        %ge3A_704 = arith.cmpi sge, %add3A_551, %ge3A : i32
        %convert_element_type3A_705 = arith.extui %ge3A_704 : i1 to i32
        %cond3A_706 = arith.constant 0 : i32
        %cond3A_707 = arith.cmpi ne, %convert_element_type3A_705, %cond3A_706 : i32
        scf.if %cond3A_707 {
          %sub3A = arith.constant 2 : i32
          %sub3A_898 = arith.subi %add3A_551, %sub3A : i32
          %mul3A_899 = arith.constant 128 : i32
          %mul3A_900 = arith.muli %sub3A_898, %mul3A_899 : i32
          %add3A_901 = arith.addi %mul3A_10, %mul3A_900 : i32
          %dma_wait3A_902 = arith.constant 3 : i32
          %dma_wait3A_903 = arith.constant 0 : i32
          %dma_wait3A_904 = arith.constant 0 : i32
          %dma_wait3A_905 = tpu.memref_slice %arg14[%dma_wait3A_902, %dma_wait3A_903, %dma_wait3A_904] : memref<4x128x128xf32, #tpu.memory_space<vmem>> -> memref<1x128x128xf32, #tpu.memory_space<vmem>>
          %dma_wait3A_906 = tpu.memref_squeeze %dma_wait3A_905 : memref<1x128x128xf32, #tpu.memory_space<vmem>> -> memref<128x128xf32, #tpu.memory_space<vmem>>
          %dma_wait3A_907 = arith.constant 0 : i32
          %dma_wait3A_908 = tpu.memref_slice %arg10[%add3A_901, %dma_wait3A_907] : memref<524288x128xf32, #tpu.memory_space<hbm>> -> memref<128x128xf32, #tpu.memory_space<hbm>>
          %dma_wait3A_909 = arith.constant 0 : i32
          %dma_wait3A_910 = tpu.memref_slice %arg10[%add3A_901, %dma_wait3A_909] : memref<524288x128xf32, #tpu.memory_space<hbm>> -> memref<128x128xf32, #tpu.memory_space<hbm>>
          %dma_wait3A_911 = arith.constant 0 : i32
          %dma_wait3A_912 = arith.constant 0 : i32
          %dma_wait3A_913 = tpu.memref_slice %arg14[%dma_wait3A_902, %dma_wait3A_911, %dma_wait3A_912] : memref<4x128x128xf32, #tpu.memory_space<vmem>> -> memref<1x128x128xf32, #tpu.memory_space<vmem>>
          %dma_wait3A_914 = tpu.memref_squeeze %dma_wait3A_913 : memref<1x128x128xf32, #tpu.memory_space<vmem>> -> memref<128x128xf32, #tpu.memory_space<vmem>>
          tpu.wait_dma2 semaphore(%arg28 : memref<!tpu.dma_semaphore, #tpu.memory_space<semaphore_mem>>) src(%dma_wait3A_914 : memref<128x128xf32, #tpu.memory_space<vmem>>) dst(%dma_wait3A_910 : memref<128x128xf32, #tpu.memory_space<hbm>>)
        } else {
        }
        %add3A_708 = arith.constant 2 : i32
        %add3A_709 = arith.addi %add3A_551, %add3A_708 : i32
        %mul3A_710 = arith.constant 128 : i32
        %mul3A_711 = arith.muli %add3A_709, %mul3A_710 : i32
        %add3A_712 = arith.addi %mul3A_10, %mul3A_711 : i32
        %add3A_713 = arith.constant 0 : i32
        %add3A_714 = arith.addi %mul3A_711, %add3A_713 : i32
        %get3A_715 = arith.index_cast %add3A_714 : i32 to index
        %get3A_716 = tpu.vector_load %arg12[%get3A_715] {strides = array<i32>} : memref<16384xi32, #tpu.memory_space<vmem>>, vector<16xi32>,
        %get3A_717 = vector.shape_cast %get3A_716 : vector<16xi32> to vector<16xi32>
        %add3A_718 = arith.constant 0 : i32
        %add3A_719 = arith.addi %add3A_712, %add3A_718 : i32
        %add3A_720 = vector.broadcast %add3A_719 : i32 to vector<16xi32>
        %add3A_721 = arith.addi %add3A_720, %iota3A : vector<16xi32>
        %rem3A_722 = arith.constant 512 : i32
        %rem3A_723 = vector.broadcast %rem3A_722 : i32 to vector<16xi32>
        %rem3A_724 = arith.remsi %add3A_721, %rem3A_723 : vector<16xi32>
        %mul3A_725 = arith.constant 2 : i32
        %mul3A_726 = vector.broadcast %mul3A_725 : i32 to vector<16xi32>
        %mul3A_727 = arith.muli %rem3A_724, %mul3A_726 : vector<16xi32>
        %add3A_728 = arith.addi %mul3A_727, %get3A_717 : vector<16xi32>
        %swap3A_729 = arith.constant 3 : i32
        %swap3A_730 = arith.index_cast %swap3A_729 : i32 to index
        %swap3A_731 = arith.constant 0 : index
        %swap3A_732 = tpu.vector_load %arg13[%swap3A_730, %swap3A_731] {strides = array<i32>} : memref<4x128xi32, #tpu.memory_space<vmem>>, vector<1x16xi32>,
        %swap3A_733 = vector.shape_cast %swap3A_732 : vector<1x16xi32> to vector<16xi32>
        %swap3A_734 = vector.shape_cast %add3A_728 : vector<16xi32> to vector<1x16xi32>
        tpu.vector_store %arg13[%swap3A_730, %swap3A_731], %swap3A_734 {strides = array<i32>} : memref<4x128xi32, #tpu.memory_space<vmem>>, vector<1x16xi32>,
        %add3A_735 = arith.constant 16 : i32
        %add3A_736 = arith.addi %mul3A_711, %add3A_735 : i32
        %get3A_737 = arith.index_cast %add3A_736 : i32 to index
        %get3A_738 = tpu.vector_load %arg12[%get3A_737] {strides = array<i32>} : memref<16384xi32, #tpu.memory_space<vmem>>, vector<16xi32>,
        %get3A_739 = vector.shape_cast %get3A_738 : vector<16xi32> to vector<16xi32>
        %add3A_740 = arith.constant 16 : i32
        %add3A_741 = arith.addi %add3A_712, %add3A_740 : i32
        %add3A_742 = vector.broadcast %add3A_741 : i32 to vector<16xi32>
        %add3A_743 = arith.addi %add3A_742, %iota3A : vector<16xi32>
        %rem3A_744 = arith.constant 512 : i32
        %rem3A_745 = vector.broadcast %rem3A_744 : i32 to vector<16xi32>
        %rem3A_746 = arith.remsi %add3A_743, %rem3A_745 : vector<16xi32>
        %mul3A_747 = arith.constant 2 : i32
        %mul3A_748 = vector.broadcast %mul3A_747 : i32 to vector<16xi32>
        %mul3A_749 = arith.muli %rem3A_746, %mul3A_748 : vector<16xi32>
        %add3A_750 = arith.addi %mul3A_749, %get3A_739 : vector<16xi32>
        %swap3A_751 = arith.constant 3 : i32
        %swap3A_752 = arith.index_cast %swap3A_751 : i32 to index
        %swap3A_753 = arith.constant 16 : index
        %swap3A_754 = tpu.vector_load %arg13[%swap3A_752, %swap3A_753] {strides = array<i32>} : memref<4x128xi32, #tpu.memory_space<vmem>>, vector<1x16xi32>,
        %swap3A_755 = vector.shape_cast %swap3A_754 : vector<1x16xi32> to vector<16xi32>
        %swap3A_756 = vector.shape_cast %add3A_750 : vector<16xi32> to vector<1x16xi32>
        tpu.vector_store %arg13[%swap3A_752, %swap3A_753], %swap3A_756 {strides = array<i32>} : memref<4x128xi32, #tpu.memory_space<vmem>>, vector<1x16xi32>,
        %add3A_757 = arith.constant 32 : i32
        %add3A_758 = arith.addi %mul3A_711, %add3A_757 : i32
        %get3A_759 = arith.index_cast %add3A_758 : i32 to index
        %get3A_760 = tpu.vector_load %arg12[%get3A_759] {strides = array<i32>} : memref<16384xi32, #tpu.memory_space<vmem>>, vector<16xi32>,
        %get3A_761 = vector.shape_cast %get3A_760 : vector<16xi32> to vector<16xi32>
        %add3A_762 = arith.constant 32 : i32
        %add3A_763 = arith.addi %add3A_712, %add3A_762 : i32
        %add3A_764 = vector.broadcast %add3A_763 : i32 to vector<16xi32>
        %add3A_765 = arith.addi %add3A_764, %iota3A : vector<16xi32>
        %rem3A_766 = arith.constant 512 : i32
        %rem3A_767 = vector.broadcast %rem3A_766 : i32 to vector<16xi32>
        %rem3A_768 = arith.remsi %add3A_765, %rem3A_767 : vector<16xi32>
        %mul3A_769 = arith.constant 2 : i32
        %mul3A_770 = vector.broadcast %mul3A_769 : i32 to vector<16xi32>
        %mul3A_771 = arith.muli %rem3A_768, %mul3A_770 : vector<16xi32>
        %add3A_772 = arith.addi %mul3A_771, %get3A_761 : vector<16xi32>
        %swap3A_773 = arith.constant 3 : i32
        %swap3A_774 = arith.index_cast %swap3A_773 : i32 to index
        %swap3A_775 = arith.constant 32 : index
        %swap3A_776 = tpu.vector_load %arg13[%swap3A_774, %swap3A_775] {strides = array<i32>} : memref<4x128xi32, #tpu.memory_space<vmem>>, vector<1x16xi32>,
        %swap3A_777 = vector.shape_cast %swap3A_776 : vector<1x16xi32> to vector<16xi32>
        %swap3A_778 = vector.shape_cast %add3A_772 : vector<16xi32> to vector<1x16xi32>
        tpu.vector_store %arg13[%swap3A_774, %swap3A_775], %swap3A_778 {strides = array<i32>} : memref<4x128xi32, #tpu.memory_space<vmem>>, vector<1x16xi32>,
        %add3A_779 = arith.constant 48 : i32
        %add3A_780 = arith.addi %mul3A_711, %add3A_779 : i32
        %get3A_781 = arith.index_cast %add3A_780 : i32 to index
        %get3A_782 = tpu.vector_load %arg12[%get3A_781] {strides = array<i32>} : memref<16384xi32, #tpu.memory_space<vmem>>, vector<16xi32>,
        %get3A_783 = vector.shape_cast %get3A_782 : vector<16xi32> to vector<16xi32>
        %add3A_784 = arith.constant 48 : i32
        %add3A_785 = arith.addi %add3A_712, %add3A_784 : i32
        %add3A_786 = vector.broadcast %add3A_785 : i32 to vector<16xi32>
        %add3A_787 = arith.addi %add3A_786, %iota3A : vector<16xi32>
        %rem3A_788 = arith.constant 512 : i32
        %rem3A_789 = vector.broadcast %rem3A_788 : i32 to vector<16xi32>
        %rem3A_790 = arith.remsi %add3A_787, %rem3A_789 : vector<16xi32>
        %mul3A_791 = arith.constant 2 : i32
        %mul3A_792 = vector.broadcast %mul3A_791 : i32 to vector<16xi32>
        %mul3A_793 = arith.muli %rem3A_790, %mul3A_792 : vector<16xi32>
        %add3A_794 = arith.addi %mul3A_793, %get3A_783 : vector<16xi32>
        %swap3A_795 = arith.constant 3 : i32
        %swap3A_796 = arith.index_cast %swap3A_795 : i32 to index
        %swap3A_797 = arith.constant 48 : index
        %swap3A_798 = tpu.vector_load %arg13[%swap3A_796, %swap3A_797] {strides = array<i32>} : memref<4x128xi32, #tpu.memory_space<vmem>>, vector<1x16xi32>,
        %swap3A_799 = vector.shape_cast %swap3A_798 : vector<1x16xi32> to vector<16xi32>
        %swap3A_800 = vector.shape_cast %add3A_794 : vector<16xi32> to vector<1x16xi32>
        tpu.vector_store %arg13[%swap3A_796, %swap3A_797], %swap3A_800 {strides = array<i32>} : memref<4x128xi32, #tpu.memory_space<vmem>>, vector<1x16xi32>,
        %add3A_801 = arith.constant 64 : i32
        %add3A_802 = arith.addi %mul3A_711, %add3A_801 : i32
        %get3A_803 = arith.index_cast %add3A_802 : i32 to index
        %get3A_804 = tpu.vector_load %arg12[%get3A_803] {strides = array<i32>} : memref<16384xi32, #tpu.memory_space<vmem>>, vector<16xi32>,
        %get3A_805 = vector.shape_cast %get3A_804 : vector<16xi32> to vector<16xi32>
        %add3A_806 = arith.constant 64 : i32
        %add3A_807 = arith.addi %add3A_712, %add3A_806 : i32
        %add3A_808 = vector.broadcast %add3A_807 : i32 to vector<16xi32>
        %add3A_809 = arith.addi %add3A_808, %iota3A : vector<16xi32>
        %rem3A_810 = arith.constant 512 : i32
        %rem3A_811 = vector.broadcast %rem3A_810 : i32 to vector<16xi32>
        %rem3A_812 = arith.remsi %add3A_809, %rem3A_811 : vector<16xi32>
        %mul3A_813 = arith.constant 2 : i32
        %mul3A_814 = vector.broadcast %mul3A_813 : i32 to vector<16xi32>
        %mul3A_815 = arith.muli %rem3A_812, %mul3A_814 : vector<16xi32>
        %add3A_816 = arith.addi %mul3A_815, %get3A_805 : vector<16xi32>
        %swap3A_817 = arith.constant 3 : i32
        %swap3A_818 = arith.index_cast %swap3A_817 : i32 to index
        %swap3A_819 = arith.constant 64 : index
        %swap3A_820 = tpu.vector_load %arg13[%swap3A_818, %swap3A_819] {strides = array<i32>} : memref<4x128xi32, #tpu.memory_space<vmem>>, vector<1x16xi32>,
        %swap3A_821 = vector.shape_cast %swap3A_820 : vector<1x16xi32> to vector<16xi32>
        %swap3A_822 = vector.shape_cast %add3A_816 : vector<16xi32> to vector<1x16xi32>
        tpu.vector_store %arg13[%swap3A_818, %swap3A_819], %swap3A_822 {strides = array<i32>} : memref<4x128xi32, #tpu.memory_space<vmem>>, vector<1x16xi32>,
        %add3A_823 = arith.constant 80 : i32
        %add3A_824 = arith.addi %mul3A_711, %add3A_823 : i32
        %get3A_825 = arith.index_cast %add3A_824 : i32 to index
        %get3A_826 = tpu.vector_load %arg12[%get3A_825] {strides = array<i32>} : memref<16384xi32, #tpu.memory_space<vmem>>, vector<16xi32>,
        %get3A_827 = vector.shape_cast %get3A_826 : vector<16xi32> to vector<16xi32>
        %add3A_828 = arith.constant 80 : i32
        %add3A_829 = arith.addi %add3A_712, %add3A_828 : i32
        %add3A_830 = vector.broadcast %add3A_829 : i32 to vector<16xi32>
        %add3A_831 = arith.addi %add3A_830, %iota3A : vector<16xi32>
        %rem3A_832 = arith.constant 512 : i32
        %rem3A_833 = vector.broadcast %rem3A_832 : i32 to vector<16xi32>
        %rem3A_834 = arith.remsi %add3A_831, %rem3A_833 : vector<16xi32>
        %mul3A_835 = arith.constant 2 : i32
        %mul3A_836 = vector.broadcast %mul3A_835 : i32 to vector<16xi32>
        %mul3A_837 = arith.muli %rem3A_834, %mul3A_836 : vector<16xi32>
        %add3A_838 = arith.addi %mul3A_837, %get3A_827 : vector<16xi32>
        %swap3A_839 = arith.constant 3 : i32
        %swap3A_840 = arith.index_cast %swap3A_839 : i32 to index
        %swap3A_841 = arith.constant 80 : index
        %swap3A_842 = tpu.vector_load %arg13[%swap3A_840, %swap3A_841] {strides = array<i32>} : memref<4x128xi32, #tpu.memory_space<vmem>>, vector<1x16xi32>,
        %swap3A_843 = vector.shape_cast %swap3A_842 : vector<1x16xi32> to vector<16xi32>
        %swap3A_844 = vector.shape_cast %add3A_838 : vector<16xi32> to vector<1x16xi32>
        tpu.vector_store %arg13[%swap3A_840, %swap3A_841], %swap3A_844 {strides = array<i32>} : memref<4x128xi32, #tpu.memory_space<vmem>>, vector<1x16xi32>,
        %add3A_845 = arith.constant 96 : i32
        %add3A_846 = arith.addi %mul3A_711, %add3A_845 : i32
        %get3A_847 = arith.index_cast %add3A_846 : i32 to index
        %get3A_848 = tpu.vector_load %arg12[%get3A_847] {strides = array<i32>} : memref<16384xi32, #tpu.memory_space<vmem>>, vector<16xi32>,
        %get3A_849 = vector.shape_cast %get3A_848 : vector<16xi32> to vector<16xi32>
        %add3A_850 = arith.constant 96 : i32
        %add3A_851 = arith.addi %add3A_712, %add3A_850 : i32
        %add3A_852 = vector.broadcast %add3A_851 : i32 to vector<16xi32>
        %add3A_853 = arith.addi %add3A_852, %iota3A : vector<16xi32>
        %rem3A_854 = arith.constant 512 : i32
        %rem3A_855 = vector.broadcast %rem3A_854 : i32 to vector<16xi32>
        %rem3A_856 = arith.remsi %add3A_853, %rem3A_855 : vector<16xi32>
        %mul3A_857 = arith.constant 2 : i32
        %mul3A_858 = vector.broadcast %mul3A_857 : i32 to vector<16xi32>
        %mul3A_859 = arith.muli %rem3A_856, %mul3A_858 : vector<16xi32>
        %add3A_860 = arith.addi %mul3A_859, %get3A_849 : vector<16xi32>
        %swap3A_861 = arith.constant 3 : i32
        %swap3A_862 = arith.index_cast %swap3A_861 : i32 to index
        %swap3A_863 = arith.constant 96 : index
        %swap3A_864 = tpu.vector_load %arg13[%swap3A_862, %swap3A_863] {strides = array<i32>} : memref<4x128xi32, #tpu.memory_space<vmem>>, vector<1x16xi32>,
        %swap3A_865 = vector.shape_cast %swap3A_864 : vector<1x16xi32> to vector<16xi32>
        %swap3A_866 = vector.shape_cast %add3A_860 : vector<16xi32> to vector<1x16xi32>
        tpu.vector_store %arg13[%swap3A_862, %swap3A_863], %swap3A_866 {strides = array<i32>} : memref<4x128xi32, #tpu.memory_space<vmem>>, vector<1x16xi32>,
        %add3A_867 = arith.constant 112 : i32
        %add3A_868 = arith.addi %mul3A_711, %add3A_867 : i32
        %get3A_869 = arith.index_cast %add3A_868 : i32 to index
        %get3A_870 = tpu.vector_load %arg12[%get3A_869] {strides = array<i32>} : memref<16384xi32, #tpu.memory_space<vmem>>, vector<16xi32>,
        %get3A_871 = vector.shape_cast %get3A_870 : vector<16xi32> to vector<16xi32>
        %add3A_872 = arith.constant 112 : i32
        %add3A_873 = arith.addi %add3A_712, %add3A_872 : i32
        %add3A_874 = vector.broadcast %add3A_873 : i32 to vector<16xi32>
        %add3A_875 = arith.addi %add3A_874, %iota3A : vector<16xi32>
        %rem3A_876 = arith.constant 512 : i32
        %rem3A_877 = vector.broadcast %rem3A_876 : i32 to vector<16xi32>
        %rem3A_878 = arith.remsi %add3A_875, %rem3A_877 : vector<16xi32>
        %mul3A_879 = arith.constant 2 : i32
        %mul3A_880 = vector.broadcast %mul3A_879 : i32 to vector<16xi32>
        %mul3A_881 = arith.muli %rem3A_878, %mul3A_880 : vector<16xi32>
        %add3A_882 = arith.addi %mul3A_881, %get3A_871 : vector<16xi32>
        %swap3A_883 = arith.constant 3 : i32
        %swap3A_884 = arith.index_cast %swap3A_883 : i32 to index
        %swap3A_885 = arith.constant 112 : index
        %swap3A_886 = tpu.vector_load %arg13[%swap3A_884, %swap3A_885] {strides = array<i32>} : memref<4x128xi32, #tpu.memory_space<vmem>>, vector<1x16xi32>,
        %swap3A_887 = vector.shape_cast %swap3A_886 : vector<1x16xi32> to vector<16xi32>
        %swap3A_888 = vector.shape_cast %add3A_882 : vector<16xi32> to vector<1x16xi32>
        tpu.vector_store %arg13[%swap3A_884, %swap3A_885], %swap3A_888 {strides = array<i32>} : memref<4x128xi32, #tpu.memory_space<vmem>>, vector<1x16xi32>,
        %dma_start3A_889 = arith.constant 3 : i32
        %dma_start3A_890 = arith.constant 0 : i32
        %dma_start3A_891 = arith.constant 0 : i32
        %dma_start3A_892 = tpu.memref_slice %arg14[%dma_start3A_889, %dma_start3A_890, %dma_start3A_891] : memref<4x128x128xf32, #tpu.memory_space<vmem>> -> memref<1x128x128xf32, #tpu.memory_space<vmem>>
        %dma_start3A_893 = tpu.memref_squeeze %dma_start3A_892 : memref<1x128x128xf32, #tpu.memory_space<vmem>> -> memref<128x128xf32, #tpu.memory_space<vmem>>
        %dma_start3A_894 = tpu.memref_slice %arg11[%mul3A_711] : memref<16384xi32, #tpu.memory_space<vmem>> -> memref<128xi32, #tpu.memory_space<vmem>>
        %dma_start3A_895 = arith.constant 0 : i32
        %dma_start3A_896 = arith.constant 0 : i32
        %dma_start3A_897 = tpu.memref_slice %arg4[%dma_start3A_895, %dma_start3A_896] : memref<100000x128xf32, #tpu.memory_space<hbm>> -> memref<100000x128xf32, #tpu.memory_space<hbm>>
        tpu.enqueue_indirect_dma source(%dma_start3A_897 : memref<100000x128xf32, #tpu.memory_space<hbm>>) target(%dma_start3A_893 : memref<128x128xf32, #tpu.memory_space<vmem>>) offsets(%dma_start3A_894 : memref<128xi32, #tpu.memory_space<vmem>>) semaphore(%arg20 : memref<!tpu.dma_semaphore, #tpu.memory_space<semaphore_mem>>)
      } else {
      }
      %dma_wait3A_566 = arith.constant 1 : i32
      %dma_wait3A_567 = arith.constant 1 : i32
      %dma_wait3A_568 = arith.constant 0 : i32
      %dma_wait3A_569 = arith.constant 0 : i32
      %dma_wait3A_570 = tpu.memref_slice %arg14[%dma_wait3A_567, %dma_wait3A_568, %dma_wait3A_569] : memref<4x128x128xf32, #tpu.memory_space<vmem>> -> memref<1x128x128xf32, #tpu.memory_space<vmem>>
      %dma_wait3A_571 = tpu.memref_squeeze %dma_wait3A_570 : memref<1x128x128xf32, #tpu.memory_space<vmem>> -> memref<128x128xf32, #tpu.memory_space<vmem>>
      %dma_wait3A_572 = arith.constant 0 : i32
      %dma_wait3A_573 = tpu.memref_slice %arg13[%dma_wait3A_566, %dma_wait3A_572] : memref<4x128xi32, #tpu.memory_space<vmem>> -> memref<1x128xi32, #tpu.memory_space<vmem>>
      %dma_wait3A_574 = tpu.memref_squeeze %dma_wait3A_573 : memref<1x128xi32, #tpu.memory_space<vmem>> -> memref<128xi32, #tpu.memory_space<vmem>>
      %dma_wait3A_575 = arith.constant 0 : i32
      %dma_wait3A_576 = arith.constant 0 : i32
      %dma_wait3A_577 = tpu.memref_slice %arg5[%dma_wait3A_575, %dma_wait3A_576] : memref<1024x128xf32, #tpu.memory_space<hbm>> -> memref<1024x128xf32, #tpu.memory_space<hbm>>
      tpu.wait_indirect_dma semaphore(%arg22 : memref<!tpu.dma_semaphore, #tpu.memory_space<semaphore_mem>>) src(%dma_wait3A_577 : memref<1024x128xf32, #tpu.memory_space<hbm>>) dst(%dma_wait3A_571 : memref<128x128xf32, #tpu.memory_space<vmem>>)
      %scan3A_578 = arith.constant 0 : i32
      %scan3A_579 = arith.constant 0 : i32
      %scan3A_580 = arith.constant 128 : i32
      %scan3A_581 = arith.addi %scan3A_579, %scan3A_580 : i32
      %scan3A_582 = arith.constant 2 : i32
      %scan3A_583 = scf.for %scan3A_704 = %scan3A_579 to %scan3A_581 step %scan3A_582 iter_args(%scan3A_705 = %scan3A_578) -> (i32)  : i32 {
        %get3A_706 = arith.constant 1 : i32
        %get3A_707 = arith.index_cast %get3A_706 : i32 to index
        %get3A_708 = arith.index_cast %scan3A_704 : i32 to index
        %get3A_709 = arith.constant 0 : index
        %get3A_710 = tpu.vector_load %arg14[%get3A_707, %get3A_708, %get3A_709] {strides = array<i32>} : memref<4x128x128xf32, #tpu.memory_space<vmem>>, vector<1x1x16xf32>,
        %get3A_711 = vector.shape_cast %get3A_710 : vector<1x1x16xf32> to vector<16xf32>
        %get3A_712 = arith.constant 1 : i32
        %get3A_713 = arith.index_cast %get3A_712 : i32 to index
        %get3A_714 = arith.index_cast %scan3A_704 : i32 to index
        %get3A_715 = arith.constant 16 : index
        %get3A_716 = tpu.vector_load %arg14[%get3A_713, %get3A_714, %get3A_715] {strides = array<i32>} : memref<4x128x128xf32, #tpu.memory_space<vmem>>, vector<1x1x16xf32>,
        %get3A_717 = vector.shape_cast %get3A_716 : vector<1x1x16xf32> to vector<16xf32>
        %get3A_718 = arith.constant 1 : i32
        %get3A_719 = arith.index_cast %get3A_718 : i32 to index
        %get3A_720 = arith.index_cast %scan3A_704 : i32 to index
        %get3A_721 = arith.constant 32 : index
        %get3A_722 = tpu.vector_load %arg14[%get3A_719, %get3A_720, %get3A_721] {strides = array<i32>} : memref<4x128x128xf32, #tpu.memory_space<vmem>>, vector<1x1x16xf32>,
        %get3A_723 = vector.shape_cast %get3A_722 : vector<1x1x16xf32> to vector<16xf32>
        %get3A_724 = arith.constant 1 : i32
        %get3A_725 = arith.index_cast %get3A_724 : i32 to index
        %get3A_726 = arith.index_cast %scan3A_704 : i32 to index
        %get3A_727 = arith.constant 48 : index
        %get3A_728 = tpu.vector_load %arg14[%get3A_725, %get3A_726, %get3A_727] {strides = array<i32>} : memref<4x128x128xf32, #tpu.memory_space<vmem>>, vector<1x1x16xf32>,
        %get3A_729 = vector.shape_cast %get3A_728 : vector<1x1x16xf32> to vector<16xf32>
        %get3A_730 = arith.constant 1 : i32
        %get3A_731 = arith.index_cast %get3A_730 : i32 to index
        %get3A_732 = arith.index_cast %scan3A_704 : i32 to index
        %get3A_733 = arith.constant 64 : index
        %get3A_734 = tpu.vector_load %arg14[%get3A_731, %get3A_732, %get3A_733] {strides = array<i32>} : memref<4x128x128xf32, #tpu.memory_space<vmem>>, vector<1x1x16xf32>,
        %get3A_735 = vector.shape_cast %get3A_734 : vector<1x1x16xf32> to vector<16xf32>
        %get3A_736 = arith.constant 1 : i32
        %get3A_737 = arith.index_cast %get3A_736 : i32 to index
        %get3A_738 = arith.index_cast %scan3A_704 : i32 to index
        %get3A_739 = arith.constant 80 : index
        %get3A_740 = tpu.vector_load %arg14[%get3A_737, %get3A_738, %get3A_739] {strides = array<i32>} : memref<4x128x128xf32, #tpu.memory_space<vmem>>, vector<1x1x16xf32>,
        %get3A_741 = vector.shape_cast %get3A_740 : vector<1x1x16xf32> to vector<16xf32>
        %get3A_742 = arith.constant 1 : i32
        %get3A_743 = arith.index_cast %get3A_742 : i32 to index
        %get3A_744 = arith.index_cast %scan3A_704 : i32 to index
        %get3A_745 = arith.constant 96 : index
        %get3A_746 = tpu.vector_load %arg14[%get3A_743, %get3A_744, %get3A_745] {strides = array<i32>} : memref<4x128x128xf32, #tpu.memory_space<vmem>>, vector<1x1x16xf32>,
        %get3A_747 = vector.shape_cast %get3A_746 : vector<1x1x16xf32> to vector<16xf32>
        %get3A_748 = arith.constant 1 : i32
        %get3A_749 = arith.index_cast %get3A_748 : i32 to index
        %get3A_750 = arith.index_cast %scan3A_704 : i32 to index
        %get3A_751 = arith.constant 112 : index
        %get3A_752 = tpu.vector_load %arg14[%get3A_749, %get3A_750, %get3A_751] {strides = array<i32>} : memref<4x128x128xf32, #tpu.memory_space<vmem>>, vector<1x1x16xf32>,
        %get3A_753 = vector.shape_cast %get3A_752 : vector<1x1x16xf32> to vector<16xf32>
        %mul3A_754 = arith.mulf %get3A_711, %get3A_711 : vector<16xf32>
        %add3A_755 = arith.addf %get3A_711, %get3A_717 : vector<16xf32>
        %mul3A_756 = arith.mulf %get3A_717, %get3A_717 : vector<16xf32>
        %add3A_757 = arith.addf %mul3A_754, %mul3A_756 : vector<16xf32>
        %add3A_758 = arith.addf %add3A_755, %get3A_723 : vector<16xf32>
        %mul3A_759 = arith.mulf %get3A_723, %get3A_723 : vector<16xf32>
        %add3A_760 = arith.addf %add3A_757, %mul3A_759 : vector<16xf32>
        %add3A_761 = arith.addf %add3A_758, %get3A_729 : vector<16xf32>
        %mul3A_762 = arith.mulf %get3A_729, %get3A_729 : vector<16xf32>
        %add3A_763 = arith.addf %add3A_760, %mul3A_762 : vector<16xf32>
        %add3A_764 = arith.addf %add3A_761, %get3A_735 : vector<16xf32>
        %mul3A_765 = arith.mulf %get3A_735, %get3A_735 : vector<16xf32>
        %add3A_766 = arith.addf %add3A_763, %mul3A_765 : vector<16xf32>
        %add3A_767 = arith.addf %add3A_764, %get3A_741 : vector<16xf32>
        %mul3A_768 = arith.mulf %get3A_741, %get3A_741 : vector<16xf32>
        %add3A_769 = arith.addf %add3A_766, %mul3A_768 : vector<16xf32>
        %add3A_770 = arith.addf %add3A_767, %get3A_747 : vector<16xf32>
        %mul3A_771 = arith.mulf %get3A_747, %get3A_747 : vector<16xf32>
        %add3A_772 = arith.addf %add3A_769, %mul3A_771 : vector<16xf32>
        %add3A_773 = arith.addf %add3A_770, %get3A_753 : vector<16xf32>
        %mul3A_774 = arith.mulf %get3A_753, %get3A_753 : vector<16xf32>
        %add3A_775 = arith.addf %add3A_772, %mul3A_774 : vector<16xf32>
        %lt3A_776 = arith.constant 0 : i32
        %lt3A_777 = vector.broadcast %lt3A_776 : i32 to vector<16xi32>
        %lt3A_778 = arith.cmpi slt, %xor3A_60, %lt3A_777 : vector<16xi32>
        %add3A_779 = arith.constant 16 : i32
        %add3A_780 = vector.broadcast %add3A_779 : i32 to vector<16xi32>
        %add3A_781 = arith.addi %xor3A_60, %add3A_780 : vector<16xi32>
        %select_n3A = arith.select %lt3A_778, %add3A_781, %xor3A_60 : vector<16xi1>, vector<16xi32>
        %broadcast_in_dim3A = vector.shape_cast %select_n3A : vector<16xi32> to vector<16x1xi32>
        %gather3A = vector.shape_cast %broadcast_in_dim3A : vector<16x1xi32> to vector<16xi32>
        %gather3A_782 = tpu.dynamic_gather %add3A_773[%gather3A] in [0] : vector<16xf32>, vector<16xi32> -> vector<16xf32>
        %add3A_783 = arith.addf %add3A_773, %gather3A_782 : vector<16xf32>
        %lt3A_784 = arith.constant 0 : i32
        %lt3A_785 = vector.broadcast %lt3A_784 : i32 to vector<16xi32>
        %lt3A_786 = arith.cmpi slt, %xor3A_63, %lt3A_785 : vector<16xi32>
        %add3A_787 = arith.constant 16 : i32
        %add3A_788 = vector.broadcast %add3A_787 : i32 to vector<16xi32>
        %add3A_789 = arith.addi %xor3A_63, %add3A_788 : vector<16xi32>
        %select_n3A_790 = arith.select %lt3A_786, %add3A_789, %xor3A_63 : vector<16xi1>, vector<16xi32>
        %broadcast_in_dim3A_791 = vector.shape_cast %select_n3A_790 : vector<16xi32> to vector<16x1xi32>
        %gather3A_792 = vector.shape_cast %broadcast_in_dim3A_791 : vector<16x1xi32> to vector<16xi32>
        %gather3A_793 = tpu.dynamic_gather %add3A_783[%gather3A_792] in [0] : vector<16xf32>, vector<16xi32> -> vector<16xf32>
        %add3A_794 = arith.addf %add3A_783, %gather3A_793 : vector<16xf32>
        %lt3A_795 = arith.constant 0 : i32
        %lt3A_796 = vector.broadcast %lt3A_795 : i32 to vector<16xi32>
        %lt3A_797 = arith.cmpi slt, %xor3A_66, %lt3A_796 : vector<16xi32>
        %add3A_798 = arith.constant 16 : i32
        %add3A_799 = vector.broadcast %add3A_798 : i32 to vector<16xi32>
        %add3A_800 = arith.addi %xor3A_66, %add3A_799 : vector<16xi32>
        %select_n3A_801 = arith.select %lt3A_797, %add3A_800, %xor3A_66 : vector<16xi1>, vector<16xi32>
        %broadcast_in_dim3A_802 = vector.shape_cast %select_n3A_801 : vector<16xi32> to vector<16x1xi32>
        %gather3A_803 = vector.shape_cast %broadcast_in_dim3A_802 : vector<16x1xi32> to vector<16xi32>
        %gather3A_804 = tpu.dynamic_gather %add3A_794[%gather3A_803] in [0] : vector<16xf32>, vector<16xi32> -> vector<16xf32>
        %add3A_805 = arith.addf %add3A_794, %gather3A_804 : vector<16xf32>
        %lt3A_806 = arith.constant 0 : i32
        %lt3A_807 = vector.broadcast %lt3A_806 : i32 to vector<16xi32>
        %lt3A_808 = arith.cmpi slt, %xor3A_69, %lt3A_807 : vector<16xi32>
        %add3A_809 = arith.constant 16 : i32
        %add3A_810 = vector.broadcast %add3A_809 : i32 to vector<16xi32>
        %add3A_811 = arith.addi %xor3A_69, %add3A_810 : vector<16xi32>
        %select_n3A_812 = arith.select %lt3A_808, %add3A_811, %xor3A_69 : vector<16xi1>, vector<16xi32>
        %broadcast_in_dim3A_813 = vector.shape_cast %select_n3A_812 : vector<16xi32> to vector<16x1xi32>
        %gather3A_814 = vector.shape_cast %broadcast_in_dim3A_813 : vector<16x1xi32> to vector<16xi32>
        %gather3A_815 = tpu.dynamic_gather %add3A_805[%gather3A_814] in [0] : vector<16xf32>, vector<16xi32> -> vector<16xf32>
        %add3A_816 = arith.addf %add3A_805, %gather3A_815 : vector<16xf32>
        %mul3A_817 = vector.broadcast %squeeze3A : f32 to vector<16xf32>
        %mul3A_818 = arith.mulf %add3A_816, %mul3A_817 : vector<16xf32>
        %lt3A_819 = arith.constant 0 : i32
        %lt3A_820 = vector.broadcast %lt3A_819 : i32 to vector<16xi32>
        %lt3A_821 = arith.cmpi slt, %xor3A_60, %lt3A_820 : vector<16xi32>
        %add3A_822 = arith.constant 16 : i32
        %add3A_823 = vector.broadcast %add3A_822 : i32 to vector<16xi32>
        %add3A_824 = arith.addi %xor3A_60, %add3A_823 : vector<16xi32>
        %select_n3A_825 = arith.select %lt3A_821, %add3A_824, %xor3A_60 : vector<16xi1>, vector<16xi32>
        %broadcast_in_dim3A_826 = vector.shape_cast %select_n3A_825 : vector<16xi32> to vector<16x1xi32>
        %gather3A_827 = vector.shape_cast %broadcast_in_dim3A_826 : vector<16x1xi32> to vector<16xi32>
        %gather3A_828 = tpu.dynamic_gather %add3A_775[%gather3A_827] in [0] : vector<16xf32>, vector<16xi32> -> vector<16xf32>
        %add3A_829 = arith.addf %add3A_775, %gather3A_828 : vector<16xf32>
        %lt3A_830 = arith.constant 0 : i32
        %lt3A_831 = vector.broadcast %lt3A_830 : i32 to vector<16xi32>
        %lt3A_832 = arith.cmpi slt, %xor3A_63, %lt3A_831 : vector<16xi32>
        %add3A_833 = arith.constant 16 : i32
        %add3A_834 = vector.broadcast %add3A_833 : i32 to vector<16xi32>
        %add3A_835 = arith.addi %xor3A_63, %add3A_834 : vector<16xi32>
        %select_n3A_836 = arith.select %lt3A_832, %add3A_835, %xor3A_63 : vector<16xi1>, vector<16xi32>
        %broadcast_in_dim3A_837 = vector.shape_cast %select_n3A_836 : vector<16xi32> to vector<16x1xi32>
        %gather3A_838 = vector.shape_cast %broadcast_in_dim3A_837 : vector<16x1xi32> to vector<16xi32>
        %gather3A_839 = tpu.dynamic_gather %add3A_829[%gather3A_838] in [0] : vector<16xf32>, vector<16xi32> -> vector<16xf32>
        %add3A_840 = arith.addf %add3A_829, %gather3A_839 : vector<16xf32>
        %lt3A_841 = arith.constant 0 : i32
        %lt3A_842 = vector.broadcast %lt3A_841 : i32 to vector<16xi32>
        %lt3A_843 = arith.cmpi slt, %xor3A_66, %lt3A_842 : vector<16xi32>
        %add3A_844 = arith.constant 16 : i32
        %add3A_845 = vector.broadcast %add3A_844 : i32 to vector<16xi32>
        %add3A_846 = arith.addi %xor3A_66, %add3A_845 : vector<16xi32>
        %select_n3A_847 = arith.select %lt3A_843, %add3A_846, %xor3A_66 : vector<16xi1>, vector<16xi32>
        %broadcast_in_dim3A_848 = vector.shape_cast %select_n3A_847 : vector<16xi32> to vector<16x1xi32>
        %gather3A_849 = vector.shape_cast %broadcast_in_dim3A_848 : vector<16x1xi32> to vector<16xi32>
        %gather3A_850 = tpu.dynamic_gather %add3A_840[%gather3A_849] in [0] : vector<16xf32>, vector<16xi32> -> vector<16xf32>
        %add3A_851 = arith.addf %add3A_840, %gather3A_850 : vector<16xf32>
        %lt3A_852 = arith.constant 0 : i32
        %lt3A_853 = vector.broadcast %lt3A_852 : i32 to vector<16xi32>
        %lt3A_854 = arith.cmpi slt, %xor3A_69, %lt3A_853 : vector<16xi32>
        %add3A_855 = arith.constant 16 : i32
        %add3A_856 = vector.broadcast %add3A_855 : i32 to vector<16xi32>
        %add3A_857 = arith.addi %xor3A_69, %add3A_856 : vector<16xi32>
        %select_n3A_858 = arith.select %lt3A_854, %add3A_857, %xor3A_69 : vector<16xi1>, vector<16xi32>
        %broadcast_in_dim3A_859 = vector.shape_cast %select_n3A_858 : vector<16xi32> to vector<16x1xi32>
        %gather3A_860 = vector.shape_cast %broadcast_in_dim3A_859 : vector<16x1xi32> to vector<16xi32>
        %gather3A_861 = tpu.dynamic_gather %add3A_851[%gather3A_860] in [0] : vector<16xf32>, vector<16xi32> -> vector<16xf32>
        %add3A_862 = arith.addf %add3A_851, %gather3A_861 : vector<16xf32>
        %mul3A_863 = vector.broadcast %squeeze3A : f32 to vector<16xf32>
        %mul3A_864 = arith.mulf %add3A_862, %mul3A_863 : vector<16xf32>
        %mul3A_865 = arith.mulf %mul3A_818, %mul3A_818 : vector<16xf32>
        %sub3A = arith.subf %mul3A_864, %mul3A_865 : vector<16xf32>
        %add3A_866 = vector.broadcast %squeeze3A_7 : f32 to vector<16xf32>
        %add3A_867 = arith.addf %sub3A, %add3A_866 : vector<16xf32>
        %bitcast_convert_type3A = tpu.bitcast %add3A_867 : vector<16xf32> -> vector<16xi32>
        %shift_right_logical3A = arith.constant 1 : i32
        %shift_right_logical3A_868 = vector.broadcast %shift_right_logical3A : i32 to vector<16xi32>
        %shift_right_logical3A_869 = arith.shrui %bitcast_convert_type3A, %shift_right_logical3A_868 : vector<16xi32>
        %sub3A_870 = arith.constant 1597463007 : i32
        %sub3A_871 = vector.broadcast %sub3A_870 : i32 to vector<16xi32>
        %sub3A_872 = arith.subi %sub3A_871, %shift_right_logical3A_869 : vector<16xi32>
        %bitcast_convert_type3A_873 = tpu.bitcast %sub3A_872 : vector<16xi32> -> vector<16xf32>
        %mul3A_874 = arith.constant 5.000000e-01 : f32
        %mul3A_875 = vector.broadcast %mul3A_874 : f32 to vector<16xf32>
        %mul3A_876 = arith.mulf %mul3A_875, %add3A_867 : vector<16xf32>
        %mul3A_877 = arith.mulf %mul3A_876, %bitcast_convert_type3A_873 : vector<16xf32>
        %mul3A_878 = arith.mulf %mul3A_877, %bitcast_convert_type3A_873 : vector<16xf32>
        %sub3A_879 = arith.constant 1.500000e+00 : f32
        %sub3A_880 = vector.broadcast %sub3A_879 : f32 to vector<16xf32>
        %sub3A_881 = arith.subf %sub3A_880, %mul3A_878 : vector<16xf32>
        %mul3A_882 = arith.mulf %bitcast_convert_type3A_873, %sub3A_881 : vector<16xf32>
        %mul3A_883 = arith.constant 5.000000e-01 : f32
        %mul3A_884 = vector.broadcast %mul3A_883 : f32 to vector<16xf32>
        %mul3A_885 = arith.mulf %mul3A_884, %add3A_867 : vector<16xf32>
        %mul3A_886 = arith.mulf %mul3A_885, %mul3A_882 : vector<16xf32>
        %mul3A_887 = arith.mulf %mul3A_886, %mul3A_882 : vector<16xf32>
        %sub3A_888 = arith.constant 1.500000e+00 : f32
        %sub3A_889 = vector.broadcast %sub3A_888 : f32 to vector<16xf32>
        %sub3A_890 = arith.subf %sub3A_889, %mul3A_887 : vector<16xf32>
        %mul3A_891 = arith.mulf %mul3A_882, %sub3A_890 : vector<16xf32>
        %mul3A_892 = arith.constant 5.000000e-01 : f32
        %mul3A_893 = vector.broadcast %mul3A_892 : f32 to vector<16xf32>
        %mul3A_894 = arith.mulf %mul3A_893, %add3A_867 : vector<16xf32>
        %mul3A_895 = arith.mulf %mul3A_894, %mul3A_891 : vector<16xf32>
        %mul3A_896 = arith.mulf %mul3A_895, %mul3A_891 : vector<16xf32>
        %sub3A_897 = arith.constant 1.500000e+00 : f32
        %sub3A_898 = vector.broadcast %sub3A_897 : f32 to vector<16xf32>
        %sub3A_899 = arith.subf %sub3A_898, %mul3A_896 : vector<16xf32>
        %mul3A_900 = arith.mulf %mul3A_891, %sub3A_899 : vector<16xf32>
        %sub3A_901 = arith.subf %get3A_711, %mul3A_818 : vector<16xf32>
        %mul3A_902 = arith.mulf %sub3A_901, %mul3A_900 : vector<16xf32>
        %mul3A_903 = arith.mulf %mul3A_902, %get3A_13 : vector<16xf32>
        %add3A_904 = arith.addf %mul3A_903, %get3A_37 : vector<16xf32>
        %swap3A_905 = arith.constant 1 : i32
        %swap3A_906 = arith.index_cast %swap3A_905 : i32 to index
        %swap3A_907 = arith.index_cast %scan3A_704 : i32 to index
        %swap3A_908 = arith.constant 0 : index
        %swap3A_909 = tpu.vector_load %arg14[%swap3A_906, %swap3A_907, %swap3A_908] {strides = array<i32>} : memref<4x128x128xf32, #tpu.memory_space<vmem>>, vector<1x1x16xf32>,
        %swap3A_910 = vector.shape_cast %swap3A_909 : vector<1x1x16xf32> to vector<16xf32>
        %swap3A_911 = vector.shape_cast %add3A_904 : vector<16xf32> to vector<1x1x16xf32>
        tpu.vector_store %arg14[%swap3A_906, %swap3A_907, %swap3A_908], %swap3A_911 {strides = array<i32>} : memref<4x128x128xf32, #tpu.memory_space<vmem>>, vector<1x1x16xf32>,
        %sub3A_912 = arith.subf %get3A_717, %mul3A_818 : vector<16xf32>
        %mul3A_913 = arith.mulf %sub3A_912, %mul3A_900 : vector<16xf32>
        %mul3A_914 = arith.mulf %mul3A_913, %get3A_16 : vector<16xf32>
        %add3A_915 = arith.addf %mul3A_914, %get3A_40 : vector<16xf32>
        %swap3A_916 = arith.constant 1 : i32
        %swap3A_917 = arith.index_cast %swap3A_916 : i32 to index
        %swap3A_918 = arith.index_cast %scan3A_704 : i32 to index
        %swap3A_919 = arith.constant 16 : index
        %swap3A_920 = tpu.vector_load %arg14[%swap3A_917, %swap3A_918, %swap3A_919] {strides = array<i32>} : memref<4x128x128xf32, #tpu.memory_space<vmem>>, vector<1x1x16xf32>,
        %swap3A_921 = vector.shape_cast %swap3A_920 : vector<1x1x16xf32> to vector<16xf32>
        %swap3A_922 = vector.shape_cast %add3A_915 : vector<16xf32> to vector<1x1x16xf32>
        tpu.vector_store %arg14[%swap3A_917, %swap3A_918, %swap3A_919], %swap3A_922 {strides = array<i32>} : memref<4x128x128xf32, #tpu.memory_space<vmem>>, vector<1x1x16xf32>,
        %sub3A_923 = arith.subf %get3A_723, %mul3A_818 : vector<16xf32>
        %mul3A_924 = arith.mulf %sub3A_923, %mul3A_900 : vector<16xf32>
        %mul3A_925 = arith.mulf %mul3A_924, %get3A_19 : vector<16xf32>
        %add3A_926 = arith.addf %mul3A_925, %get3A_43 : vector<16xf32>
        %swap3A_927 = arith.constant 1 : i32
        %swap3A_928 = arith.index_cast %swap3A_927 : i32 to index
        %swap3A_929 = arith.index_cast %scan3A_704 : i32 to index
        %swap3A_930 = arith.constant 32 : index
        %swap3A_931 = tpu.vector_load %arg14[%swap3A_928, %swap3A_929, %swap3A_930] {strides = array<i32>} : memref<4x128x128xf32, #tpu.memory_space<vmem>>, vector<1x1x16xf32>,
        %swap3A_932 = vector.shape_cast %swap3A_931 : vector<1x1x16xf32> to vector<16xf32>
        %swap3A_933 = vector.shape_cast %add3A_926 : vector<16xf32> to vector<1x1x16xf32>
        tpu.vector_store %arg14[%swap3A_928, %swap3A_929, %swap3A_930], %swap3A_933 {strides = array<i32>} : memref<4x128x128xf32, #tpu.memory_space<vmem>>, vector<1x1x16xf32>,
        %sub3A_934 = arith.subf %get3A_729, %mul3A_818 : vector<16xf32>
        %mul3A_935 = arith.mulf %sub3A_934, %mul3A_900 : vector<16xf32>
        %mul3A_936 = arith.mulf %mul3A_935, %get3A_22 : vector<16xf32>
        %add3A_937 = arith.addf %mul3A_936, %get3A_46 : vector<16xf32>
        %swap3A_938 = arith.constant 1 : i32
        %swap3A_939 = arith.index_cast %swap3A_938 : i32 to index
        %swap3A_940 = arith.index_cast %scan3A_704 : i32 to index
        %swap3A_941 = arith.constant 48 : index
        %swap3A_942 = tpu.vector_load %arg14[%swap3A_939, %swap3A_940, %swap3A_941] {strides = array<i32>} : memref<4x128x128xf32, #tpu.memory_space<vmem>>, vector<1x1x16xf32>,
        %swap3A_943 = vector.shape_cast %swap3A_942 : vector<1x1x16xf32> to vector<16xf32>
        %swap3A_944 = vector.shape_cast %add3A_937 : vector<16xf32> to vector<1x1x16xf32>
        tpu.vector_store %arg14[%swap3A_939, %swap3A_940, %swap3A_941], %swap3A_944 {strides = array<i32>} : memref<4x128x128xf32, #tpu.memory_space<vmem>>, vector<1x1x16xf32>,
        %sub3A_945 = arith.subf %get3A_735, %mul3A_818 : vector<16xf32>
        %mul3A_946 = arith.mulf %sub3A_945, %mul3A_900 : vector<16xf32>
        %mul3A_947 = arith.mulf %mul3A_946, %get3A_25 : vector<16xf32>
        %add3A_948 = arith.addf %mul3A_947, %get3A_49 : vector<16xf32>
        %swap3A_949 = arith.constant 1 : i32
        %swap3A_950 = arith.index_cast %swap3A_949 : i32 to index
        %swap3A_951 = arith.index_cast %scan3A_704 : i32 to index
        %swap3A_952 = arith.constant 64 : index
        %swap3A_953 = tpu.vector_load %arg14[%swap3A_950, %swap3A_951, %swap3A_952] {strides = array<i32>} : memref<4x128x128xf32, #tpu.memory_space<vmem>>, vector<1x1x16xf32>,
        %swap3A_954 = vector.shape_cast %swap3A_953 : vector<1x1x16xf32> to vector<16xf32>
        %swap3A_955 = vector.shape_cast %add3A_948 : vector<16xf32> to vector<1x1x16xf32>
        tpu.vector_store %arg14[%swap3A_950, %swap3A_951, %swap3A_952], %swap3A_955 {strides = array<i32>} : memref<4x128x128xf32, #tpu.memory_space<vmem>>, vector<1x1x16xf32>,
        %sub3A_956 = arith.subf %get3A_741, %mul3A_818 : vector<16xf32>
        %mul3A_957 = arith.mulf %sub3A_956, %mul3A_900 : vector<16xf32>
        %mul3A_958 = arith.mulf %mul3A_957, %get3A_28 : vector<16xf32>
        %add3A_959 = arith.addf %mul3A_958, %get3A_52 : vector<16xf32>
        %swap3A_960 = arith.constant 1 : i32
        %swap3A_961 = arith.index_cast %swap3A_960 : i32 to index
        %swap3A_962 = arith.index_cast %scan3A_704 : i32 to index
        %swap3A_963 = arith.constant 80 : index
        %swap3A_964 = tpu.vector_load %arg14[%swap3A_961, %swap3A_962, %swap3A_963] {strides = array<i32>} : memref<4x128x128xf32, #tpu.memory_space<vmem>>, vector<1x1x16xf32>,
        %swap3A_965 = vector.shape_cast %swap3A_964 : vector<1x1x16xf32> to vector<16xf32>
        %swap3A_966 = vector.shape_cast %add3A_959 : vector<16xf32> to vector<1x1x16xf32>
        tpu.vector_store %arg14[%swap3A_961, %swap3A_962, %swap3A_963], %swap3A_966 {strides = array<i32>} : memref<4x128x128xf32, #tpu.memory_space<vmem>>, vector<1x1x16xf32>,
        %sub3A_967 = arith.subf %get3A_747, %mul3A_818 : vector<16xf32>
        %mul3A_968 = arith.mulf %sub3A_967, %mul3A_900 : vector<16xf32>
        %mul3A_969 = arith.mulf %mul3A_968, %get3A_31 : vector<16xf32>
        %add3A_970 = arith.addf %mul3A_969, %get3A_55 : vector<16xf32>
        %swap3A_971 = arith.constant 1 : i32
        %swap3A_972 = arith.index_cast %swap3A_971 : i32 to index
        %swap3A_973 = arith.index_cast %scan3A_704 : i32 to index
        %swap3A_974 = arith.constant 96 : index
        %swap3A_975 = tpu.vector_load %arg14[%swap3A_972, %swap3A_973, %swap3A_974] {strides = array<i32>} : memref<4x128x128xf32, #tpu.memory_space<vmem>>, vector<1x1x16xf32>,
        %swap3A_976 = vector.shape_cast %swap3A_975 : vector<1x1x16xf32> to vector<16xf32>
        %swap3A_977 = vector.shape_cast %add3A_970 : vector<16xf32> to vector<1x1x16xf32>
        tpu.vector_store %arg14[%swap3A_972, %swap3A_973, %swap3A_974], %swap3A_977 {strides = array<i32>} : memref<4x128x128xf32, #tpu.memory_space<vmem>>, vector<1x1x16xf32>,
        %sub3A_978 = arith.subf %get3A_753, %mul3A_818 : vector<16xf32>
        %mul3A_979 = arith.mulf %sub3A_978, %mul3A_900 : vector<16xf32>
        %mul3A_980 = arith.mulf %mul3A_979, %get3A_34 : vector<16xf32>
        %add3A_981 = arith.addf %mul3A_980, %get3A_58 : vector<16xf32>
        %swap3A_982 = arith.constant 1 : i32
        %swap3A_983 = arith.index_cast %swap3A_982 : i32 to index
        %swap3A_984 = arith.index_cast %scan3A_704 : i32 to index
        %swap3A_985 = arith.constant 112 : index
        %swap3A_986 = tpu.vector_load %arg14[%swap3A_983, %swap3A_984, %swap3A_985] {strides = array<i32>} : memref<4x128x128xf32, #tpu.memory_space<vmem>>, vector<1x1x16xf32>,
        %swap3A_987 = vector.shape_cast %swap3A_986 : vector<1x1x16xf32> to vector<16xf32>
        %swap3A_988 = vector.shape_cast %add3A_981 : vector<16xf32> to vector<1x1x16xf32>
        tpu.vector_store %arg14[%swap3A_983, %swap3A_984, %swap3A_985], %swap3A_988 {strides = array<i32>} : memref<4x128x128xf32, #tpu.memory_space<vmem>>, vector<1x1x16xf32>,
        %scan3A_989 = arith.constant 0 : i32
        %scan3A_990 = arith.constant 1 : i32
        %scan3A_991 = arith.addi %scan3A_704, %scan3A_990 : i32
        %get3A_992 = arith.constant 1 : i32
        %get3A_993 = arith.index_cast %get3A_992 : i32 to index
        %get3A_994 = arith.index_cast %scan3A_991 : i32 to index
        %get3A_995 = arith.constant 0 : index
        %get3A_996 = tpu.vector_load %arg14[%get3A_993, %get3A_994, %get3A_995] {strides = array<i32>} : memref<4x128x128xf32, #tpu.memory_space<vmem>>, vector<1x1x16xf32>,
        %get3A_997 = vector.shape_cast %get3A_996 : vector<1x1x16xf32> to vector<16xf32>
        %get3A_998 = arith.constant 1 : i32
        %get3A_999 = arith.index_cast %get3A_998 : i32 to index
        %get3A_1000 = arith.index_cast %scan3A_991 : i32 to index
        %get3A_1001 = arith.constant 16 : index
        %get3A_1002 = tpu.vector_load %arg14[%get3A_999, %get3A_1000, %get3A_1001] {strides = array<i32>} : memref<4x128x128xf32, #tpu.memory_space<vmem>>, vector<1x1x16xf32>,
        %get3A_1003 = vector.shape_cast %get3A_1002 : vector<1x1x16xf32> to vector<16xf32>
        %get3A_1004 = arith.constant 1 : i32
        %get3A_1005 = arith.index_cast %get3A_1004 : i32 to index
        %get3A_1006 = arith.index_cast %scan3A_991 : i32 to index
        %get3A_1007 = arith.constant 32 : index
        %get3A_1008 = tpu.vector_load %arg14[%get3A_1005, %get3A_1006, %get3A_1007] {strides = array<i32>} : memref<4x128x128xf32, #tpu.memory_space<vmem>>, vector<1x1x16xf32>,
        %get3A_1009 = vector.shape_cast %get3A_1008 : vector<1x1x16xf32> to vector<16xf32>
        %get3A_1010 = arith.constant 1 : i32
        %get3A_1011 = arith.index_cast %get3A_1010 : i32 to index
        %get3A_1012 = arith.index_cast %scan3A_991 : i32 to index
        %get3A_1013 = arith.constant 48 : index
        %get3A_1014 = tpu.vector_load %arg14[%get3A_1011, %get3A_1012, %get3A_1013] {strides = array<i32>} : memref<4x128x128xf32, #tpu.memory_space<vmem>>, vector<1x1x16xf32>,
        %get3A_1015 = vector.shape_cast %get3A_1014 : vector<1x1x16xf32> to vector<16xf32>
        %get3A_1016 = arith.constant 1 : i32
        %get3A_1017 = arith.index_cast %get3A_1016 : i32 to index
        %get3A_1018 = arith.index_cast %scan3A_991 : i32 to index
        %get3A_1019 = arith.constant 64 : index
        %get3A_1020 = tpu.vector_load %arg14[%get3A_1017, %get3A_1018, %get3A_1019] {strides = array<i32>} : memref<4x128x128xf32, #tpu.memory_space<vmem>>, vector<1x1x16xf32>,
        %get3A_1021 = vector.shape_cast %get3A_1020 : vector<1x1x16xf32> to vector<16xf32>
        %get3A_1022 = arith.constant 1 : i32
        %get3A_1023 = arith.index_cast %get3A_1022 : i32 to index
        %get3A_1024 = arith.index_cast %scan3A_991 : i32 to index
        %get3A_1025 = arith.constant 80 : index
        %get3A_1026 = tpu.vector_load %arg14[%get3A_1023, %get3A_1024, %get3A_1025] {strides = array<i32>} : memref<4x128x128xf32, #tpu.memory_space<vmem>>, vector<1x1x16xf32>,
        %get3A_1027 = vector.shape_cast %get3A_1026 : vector<1x1x16xf32> to vector<16xf32>
        %get3A_1028 = arith.constant 1 : i32
        %get3A_1029 = arith.index_cast %get3A_1028 : i32 to index
        %get3A_1030 = arith.index_cast %scan3A_991 : i32 to index
        %get3A_1031 = arith.constant 96 : index
        %get3A_1032 = tpu.vector_load %arg14[%get3A_1029, %get3A_1030, %get3A_1031] {strides = array<i32>} : memref<4x128x128xf32, #tpu.memory_space<vmem>>, vector<1x1x16xf32>,
        %get3A_1033 = vector.shape_cast %get3A_1032 : vector<1x1x16xf32> to vector<16xf32>
        %get3A_1034 = arith.constant 1 : i32
        %get3A_1035 = arith.index_cast %get3A_1034 : i32 to index
        %get3A_1036 = arith.index_cast %scan3A_991 : i32 to index
        %get3A_1037 = arith.constant 112 : index
        %get3A_1038 = tpu.vector_load %arg14[%get3A_1035, %get3A_1036, %get3A_1037] {strides = array<i32>} : memref<4x128x128xf32, #tpu.memory_space<vmem>>, vector<1x1x16xf32>,
        %get3A_1039 = vector.shape_cast %get3A_1038 : vector<1x1x16xf32> to vector<16xf32>
        %mul3A_1040 = arith.mulf %get3A_997, %get3A_997 : vector<16xf32>
        %add3A_1041 = arith.addf %get3A_997, %get3A_1003 : vector<16xf32>
        %mul3A_1042 = arith.mulf %get3A_1003, %get3A_1003 : vector<16xf32>
        %add3A_1043 = arith.addf %mul3A_1040, %mul3A_1042 : vector<16xf32>
        %add3A_1044 = arith.addf %add3A_1041, %get3A_1009 : vector<16xf32>
        %mul3A_1045 = arith.mulf %get3A_1009, %get3A_1009 : vector<16xf32>
        %add3A_1046 = arith.addf %add3A_1043, %mul3A_1045 : vector<16xf32>
        %add3A_1047 = arith.addf %add3A_1044, %get3A_1015 : vector<16xf32>
        %mul3A_1048 = arith.mulf %get3A_1015, %get3A_1015 : vector<16xf32>
        %add3A_1049 = arith.addf %add3A_1046, %mul3A_1048 : vector<16xf32>
        %add3A_1050 = arith.addf %add3A_1047, %get3A_1021 : vector<16xf32>
        %mul3A_1051 = arith.mulf %get3A_1021, %get3A_1021 : vector<16xf32>
        %add3A_1052 = arith.addf %add3A_1049, %mul3A_1051 : vector<16xf32>
        %add3A_1053 = arith.addf %add3A_1050, %get3A_1027 : vector<16xf32>
        %mul3A_1054 = arith.mulf %get3A_1027, %get3A_1027 : vector<16xf32>
        %add3A_1055 = arith.addf %add3A_1052, %mul3A_1054 : vector<16xf32>
        %add3A_1056 = arith.addf %add3A_1053, %get3A_1033 : vector<16xf32>
        %mul3A_1057 = arith.mulf %get3A_1033, %get3A_1033 : vector<16xf32>
        %add3A_1058 = arith.addf %add3A_1055, %mul3A_1057 : vector<16xf32>
        %add3A_1059 = arith.addf %add3A_1056, %get3A_1039 : vector<16xf32>
        %mul3A_1060 = arith.mulf %get3A_1039, %get3A_1039 : vector<16xf32>
        %add3A_1061 = arith.addf %add3A_1058, %mul3A_1060 : vector<16xf32>
        %lt3A_1062 = arith.constant 0 : i32
        %lt3A_1063 = vector.broadcast %lt3A_1062 : i32 to vector<16xi32>
        %lt3A_1064 = arith.cmpi slt, %xor3A_60, %lt3A_1063 : vector<16xi32>
        %add3A_1065 = arith.constant 16 : i32
        %add3A_1066 = vector.broadcast %add3A_1065 : i32 to vector<16xi32>
        %add3A_1067 = arith.addi %xor3A_60, %add3A_1066 : vector<16xi32>
        %select_n3A_1068 = arith.select %lt3A_1064, %add3A_1067, %xor3A_60 : vector<16xi1>, vector<16xi32>
        %broadcast_in_dim3A_1069 = vector.shape_cast %select_n3A_1068 : vector<16xi32> to vector<16x1xi32>
        %gather3A_1070 = vector.shape_cast %broadcast_in_dim3A_1069 : vector<16x1xi32> to vector<16xi32>
        %gather3A_1071 = tpu.dynamic_gather %add3A_1059[%gather3A_1070] in [0] : vector<16xf32>, vector<16xi32> -> vector<16xf32>
        %add3A_1072 = arith.addf %add3A_1059, %gather3A_1071 : vector<16xf32>
        %lt3A_1073 = arith.constant 0 : i32
        %lt3A_1074 = vector.broadcast %lt3A_1073 : i32 to vector<16xi32>
        %lt3A_1075 = arith.cmpi slt, %xor3A_63, %lt3A_1074 : vector<16xi32>
        %add3A_1076 = arith.constant 16 : i32
        %add3A_1077 = vector.broadcast %add3A_1076 : i32 to vector<16xi32>
        %add3A_1078 = arith.addi %xor3A_63, %add3A_1077 : vector<16xi32>
        %select_n3A_1079 = arith.select %lt3A_1075, %add3A_1078, %xor3A_63 : vector<16xi1>, vector<16xi32>
        %broadcast_in_dim3A_1080 = vector.shape_cast %select_n3A_1079 : vector<16xi32> to vector<16x1xi32>
        %gather3A_1081 = vector.shape_cast %broadcast_in_dim3A_1080 : vector<16x1xi32> to vector<16xi32>
        %gather3A_1082 = tpu.dynamic_gather %add3A_1072[%gather3A_1081] in [0] : vector<16xf32>, vector<16xi32> -> vector<16xf32>
        %add3A_1083 = arith.addf %add3A_1072, %gather3A_1082 : vector<16xf32>
        %lt3A_1084 = arith.constant 0 : i32
        %lt3A_1085 = vector.broadcast %lt3A_1084 : i32 to vector<16xi32>
        %lt3A_1086 = arith.cmpi slt, %xor3A_66, %lt3A_1085 : vector<16xi32>
        %add3A_1087 = arith.constant 16 : i32
        %add3A_1088 = vector.broadcast %add3A_1087 : i32 to vector<16xi32>
        %add3A_1089 = arith.addi %xor3A_66, %add3A_1088 : vector<16xi32>
        %select_n3A_1090 = arith.select %lt3A_1086, %add3A_1089, %xor3A_66 : vector<16xi1>, vector<16xi32>
        %broadcast_in_dim3A_1091 = vector.shape_cast %select_n3A_1090 : vector<16xi32> to vector<16x1xi32>
        %gather3A_1092 = vector.shape_cast %broadcast_in_dim3A_1091 : vector<16x1xi32> to vector<16xi32>
        %gather3A_1093 = tpu.dynamic_gather %add3A_1083[%gather3A_1092] in [0] : vector<16xf32>, vector<16xi32> -> vector<16xf32>
        %add3A_1094 = arith.addf %add3A_1083, %gather3A_1093 : vector<16xf32>
        %lt3A_1095 = arith.constant 0 : i32
        %lt3A_1096 = vector.broadcast %lt3A_1095 : i32 to vector<16xi32>
        %lt3A_1097 = arith.cmpi slt, %xor3A_69, %lt3A_1096 : vector<16xi32>
        %add3A_1098 = arith.constant 16 : i32
        %add3A_1099 = vector.broadcast %add3A_1098 : i32 to vector<16xi32>
        %add3A_1100 = arith.addi %xor3A_69, %add3A_1099 : vector<16xi32>
        %select_n3A_1101 = arith.select %lt3A_1097, %add3A_1100, %xor3A_69 : vector<16xi1>, vector<16xi32>
        %broadcast_in_dim3A_1102 = vector.shape_cast %select_n3A_1101 : vector<16xi32> to vector<16x1xi32>
        %gather3A_1103 = vector.shape_cast %broadcast_in_dim3A_1102 : vector<16x1xi32> to vector<16xi32>
        %gather3A_1104 = tpu.dynamic_gather %add3A_1094[%gather3A_1103] in [0] : vector<16xf32>, vector<16xi32> -> vector<16xf32>
        %add3A_1105 = arith.addf %add3A_1094, %gather3A_1104 : vector<16xf32>
        %mul3A_1106 = vector.broadcast %squeeze3A : f32 to vector<16xf32>
        %mul3A_1107 = arith.mulf %add3A_1105, %mul3A_1106 : vector<16xf32>
        %lt3A_1108 = arith.constant 0 : i32
        %lt3A_1109 = vector.broadcast %lt3A_1108 : i32 to vector<16xi32>
        %lt3A_1110 = arith.cmpi slt, %xor3A_60, %lt3A_1109 : vector<16xi32>
        %add3A_1111 = arith.constant 16 : i32
        %add3A_1112 = vector.broadcast %add3A_1111 : i32 to vector<16xi32>
        %add3A_1113 = arith.addi %xor3A_60, %add3A_1112 : vector<16xi32>
        %select_n3A_1114 = arith.select %lt3A_1110, %add3A_1113, %xor3A_60 : vector<16xi1>, vector<16xi32>
        %broadcast_in_dim3A_1115 = vector.shape_cast %select_n3A_1114 : vector<16xi32> to vector<16x1xi32>
        %gather3A_1116 = vector.shape_cast %broadcast_in_dim3A_1115 : vector<16x1xi32> to vector<16xi32>
        %gather3A_1117 = tpu.dynamic_gather %add3A_1061[%gather3A_1116] in [0] : vector<16xf32>, vector<16xi32> -> vector<16xf32>
        %add3A_1118 = arith.addf %add3A_1061, %gather3A_1117 : vector<16xf32>
        %lt3A_1119 = arith.constant 0 : i32
        %lt3A_1120 = vector.broadcast %lt3A_1119 : i32 to vector<16xi32>
        %lt3A_1121 = arith.cmpi slt, %xor3A_63, %lt3A_1120 : vector<16xi32>
        %add3A_1122 = arith.constant 16 : i32
        %add3A_1123 = vector.broadcast %add3A_1122 : i32 to vector<16xi32>
        %add3A_1124 = arith.addi %xor3A_63, %add3A_1123 : vector<16xi32>
        %select_n3A_1125 = arith.select %lt3A_1121, %add3A_1124, %xor3A_63 : vector<16xi1>, vector<16xi32>
        %broadcast_in_dim3A_1126 = vector.shape_cast %select_n3A_1125 : vector<16xi32> to vector<16x1xi32>
        %gather3A_1127 = vector.shape_cast %broadcast_in_dim3A_1126 : vector<16x1xi32> to vector<16xi32>
        %gather3A_1128 = tpu.dynamic_gather %add3A_1118[%gather3A_1127] in [0] : vector<16xf32>, vector<16xi32> -> vector<16xf32>
        %add3A_1129 = arith.addf %add3A_1118, %gather3A_1128 : vector<16xf32>
        %lt3A_1130 = arith.constant 0 : i32
        %lt3A_1131 = vector.broadcast %lt3A_1130 : i32 to vector<16xi32>
        %lt3A_1132 = arith.cmpi slt, %xor3A_66, %lt3A_1131 : vector<16xi32>
        %add3A_1133 = arith.constant 16 : i32
        %add3A_1134 = vector.broadcast %add3A_1133 : i32 to vector<16xi32>
        %add3A_1135 = arith.addi %xor3A_66, %add3A_1134 : vector<16xi32>
        %select_n3A_1136 = arith.select %lt3A_1132, %add3A_1135, %xor3A_66 : vector<16xi1>, vector<16xi32>
        %broadcast_in_dim3A_1137 = vector.shape_cast %select_n3A_1136 : vector<16xi32> to vector<16x1xi32>
        %gather3A_1138 = vector.shape_cast %broadcast_in_dim3A_1137 : vector<16x1xi32> to vector<16xi32>
        %gather3A_1139 = tpu.dynamic_gather %add3A_1129[%gather3A_1138] in [0] : vector<16xf32>, vector<16xi32> -> vector<16xf32>
        %add3A_1140 = arith.addf %add3A_1129, %gather3A_1139 : vector<16xf32>
        %lt3A_1141 = arith.constant 0 : i32
        %lt3A_1142 = vector.broadcast %lt3A_1141 : i32 to vector<16xi32>
        %lt3A_1143 = arith.cmpi slt, %xor3A_69, %lt3A_1142 : vector<16xi32>
        %add3A_1144 = arith.constant 16 : i32
        %add3A_1145 = vector.broadcast %add3A_1144 : i32 to vector<16xi32>
        %add3A_1146 = arith.addi %xor3A_69, %add3A_1145 : vector<16xi32>
        %select_n3A_1147 = arith.select %lt3A_1143, %add3A_1146, %xor3A_69 : vector<16xi1>, vector<16xi32>
        %broadcast_in_dim3A_1148 = vector.shape_cast %select_n3A_1147 : vector<16xi32> to vector<16x1xi32>
        %gather3A_1149 = vector.shape_cast %broadcast_in_dim3A_1148 : vector<16x1xi32> to vector<16xi32>
        %gather3A_1150 = tpu.dynamic_gather %add3A_1140[%gather3A_1149] in [0] : vector<16xf32>, vector<16xi32> -> vector<16xf32>
        %add3A_1151 = arith.addf %add3A_1140, %gather3A_1150 : vector<16xf32>
        %mul3A_1152 = vector.broadcast %squeeze3A : f32 to vector<16xf32>
        %mul3A_1153 = arith.mulf %add3A_1151, %mul3A_1152 : vector<16xf32>
        %mul3A_1154 = arith.mulf %mul3A_1107, %mul3A_1107 : vector<16xf32>
        %sub3A_1155 = arith.subf %mul3A_1153, %mul3A_1154 : vector<16xf32>
        %add3A_1156 = vector.broadcast %squeeze3A_7 : f32 to vector<16xf32>
        %add3A_1157 = arith.addf %sub3A_1155, %add3A_1156 : vector<16xf32>
        %bitcast_convert_type3A_1158 = tpu.bitcast %add3A_1157 : vector<16xf32> -> vector<16xi32>
        %shift_right_logical3A_1159 = arith.constant 1 : i32
        %shift_right_logical3A_1160 = vector.broadcast %shift_right_logical3A_1159 : i32 to vector<16xi32>
        %shift_right_logical3A_1161 = arith.shrui %bitcast_convert_type3A_1158, %shift_right_logical3A_1160 : vector<16xi32>
        %sub3A_1162 = arith.constant 1597463007 : i32
        %sub3A_1163 = vector.broadcast %sub3A_1162 : i32 to vector<16xi32>
        %sub3A_1164 = arith.subi %sub3A_1163, %shift_right_logical3A_1161 : vector<16xi32>
        %bitcast_convert_type3A_1165 = tpu.bitcast %sub3A_1164 : vector<16xi32> -> vector<16xf32>
        %mul3A_1166 = arith.constant 5.000000e-01 : f32
        %mul3A_1167 = vector.broadcast %mul3A_1166 : f32 to vector<16xf32>
        %mul3A_1168 = arith.mulf %mul3A_1167, %add3A_1157 : vector<16xf32>
        %mul3A_1169 = arith.mulf %mul3A_1168, %bitcast_convert_type3A_1165 : vector<16xf32>
        %mul3A_1170 = arith.mulf %mul3A_1169, %bitcast_convert_type3A_1165 : vector<16xf32>
        %sub3A_1171 = arith.constant 1.500000e+00 : f32
        %sub3A_1172 = vector.broadcast %sub3A_1171 : f32 to vector<16xf32>
        %sub3A_1173 = arith.subf %sub3A_1172, %mul3A_1170 : vector<16xf32>
        %mul3A_1174 = arith.mulf %bitcast_convert_type3A_1165, %sub3A_1173 : vector<16xf32>
        %mul3A_1175 = arith.constant 5.000000e-01 : f32
        %mul3A_1176 = vector.broadcast %mul3A_1175 : f32 to vector<16xf32>
        %mul3A_1177 = arith.mulf %mul3A_1176, %add3A_1157 : vector<16xf32>
        %mul3A_1178 = arith.mulf %mul3A_1177, %mul3A_1174 : vector<16xf32>
        %mul3A_1179 = arith.mulf %mul3A_1178, %mul3A_1174 : vector<16xf32>
        %sub3A_1180 = arith.constant 1.500000e+00 : f32
        %sub3A_1181 = vector.broadcast %sub3A_1180 : f32 to vector<16xf32>
        %sub3A_1182 = arith.subf %sub3A_1181, %mul3A_1179 : vector<16xf32>
        %mul3A_1183 = arith.mulf %mul3A_1174, %sub3A_1182 : vector<16xf32>
        %mul3A_1184 = arith.constant 5.000000e-01 : f32
        %mul3A_1185 = vector.broadcast %mul3A_1184 : f32 to vector<16xf32>
        %mul3A_1186 = arith.mulf %mul3A_1185, %add3A_1157 : vector<16xf32>
        %mul3A_1187 = arith.mulf %mul3A_1186, %mul3A_1183 : vector<16xf32>
        %mul3A_1188 = arith.mulf %mul3A_1187, %mul3A_1183 : vector<16xf32>
        %sub3A_1189 = arith.constant 1.500000e+00 : f32
        %sub3A_1190 = vector.broadcast %sub3A_1189 : f32 to vector<16xf32>
        %sub3A_1191 = arith.subf %sub3A_1190, %mul3A_1188 : vector<16xf32>
        %mul3A_1192 = arith.mulf %mul3A_1183, %sub3A_1191 : vector<16xf32>
        %sub3A_1193 = arith.subf %get3A_997, %mul3A_1107 : vector<16xf32>
        %mul3A_1194 = arith.mulf %sub3A_1193, %mul3A_1192 : vector<16xf32>
        %mul3A_1195 = arith.mulf %mul3A_1194, %get3A_13 : vector<16xf32>
        %add3A_1196 = arith.addf %mul3A_1195, %get3A_37 : vector<16xf32>
        %swap3A_1197 = arith.constant 1 : i32
        %swap3A_1198 = arith.index_cast %swap3A_1197 : i32 to index
        %swap3A_1199 = arith.index_cast %scan3A_991 : i32 to index
        %swap3A_1200 = arith.constant 0 : index
        %swap3A_1201 = tpu.vector_load %arg14[%swap3A_1198, %swap3A_1199, %swap3A_1200] {strides = array<i32>} : memref<4x128x128xf32, #tpu.memory_space<vmem>>, vector<1x1x16xf32>,
        %swap3A_1202 = vector.shape_cast %swap3A_1201 : vector<1x1x16xf32> to vector<16xf32>
        %swap3A_1203 = vector.shape_cast %add3A_1196 : vector<16xf32> to vector<1x1x16xf32>
        tpu.vector_store %arg14[%swap3A_1198, %swap3A_1199, %swap3A_1200], %swap3A_1203 {strides = array<i32>} : memref<4x128x128xf32, #tpu.memory_space<vmem>>, vector<1x1x16xf32>,
        %sub3A_1204 = arith.subf %get3A_1003, %mul3A_1107 : vector<16xf32>
        %mul3A_1205 = arith.mulf %sub3A_1204, %mul3A_1192 : vector<16xf32>
        %mul3A_1206 = arith.mulf %mul3A_1205, %get3A_16 : vector<16xf32>
        %add3A_1207 = arith.addf %mul3A_1206, %get3A_40 : vector<16xf32>
        %swap3A_1208 = arith.constant 1 : i32
        %swap3A_1209 = arith.index_cast %swap3A_1208 : i32 to index
        %swap3A_1210 = arith.index_cast %scan3A_991 : i32 to index
        %swap3A_1211 = arith.constant 16 : index
        %swap3A_1212 = tpu.vector_load %arg14[%swap3A_1209, %swap3A_1210, %swap3A_1211] {strides = array<i32>} : memref<4x128x128xf32, #tpu.memory_space<vmem>>, vector<1x1x16xf32>,
        %swap3A_1213 = vector.shape_cast %swap3A_1212 : vector<1x1x16xf32> to vector<16xf32>
        %swap3A_1214 = vector.shape_cast %add3A_1207 : vector<16xf32> to vector<1x1x16xf32>
        tpu.vector_store %arg14[%swap3A_1209, %swap3A_1210, %swap3A_1211], %swap3A_1214 {strides = array<i32>} : memref<4x128x128xf32, #tpu.memory_space<vmem>>, vector<1x1x16xf32>,
        %sub3A_1215 = arith.subf %get3A_1009, %mul3A_1107 : vector<16xf32>
        %mul3A_1216 = arith.mulf %sub3A_1215, %mul3A_1192 : vector<16xf32>
        %mul3A_1217 = arith.mulf %mul3A_1216, %get3A_19 : vector<16xf32>
        %add3A_1218 = arith.addf %mul3A_1217, %get3A_43 : vector<16xf32>
        %swap3A_1219 = arith.constant 1 : i32
        %swap3A_1220 = arith.index_cast %swap3A_1219 : i32 to index
        %swap3A_1221 = arith.index_cast %scan3A_991 : i32 to index
        %swap3A_1222 = arith.constant 32 : index
        %swap3A_1223 = tpu.vector_load %arg14[%swap3A_1220, %swap3A_1221, %swap3A_1222] {strides = array<i32>} : memref<4x128x128xf32, #tpu.memory_space<vmem>>, vector<1x1x16xf32>,
        %swap3A_1224 = vector.shape_cast %swap3A_1223 : vector<1x1x16xf32> to vector<16xf32>
        %swap3A_1225 = vector.shape_cast %add3A_1218 : vector<16xf32> to vector<1x1x16xf32>
        tpu.vector_store %arg14[%swap3A_1220, %swap3A_1221, %swap3A_1222], %swap3A_1225 {strides = array<i32>} : memref<4x128x128xf32, #tpu.memory_space<vmem>>, vector<1x1x16xf32>,
        %sub3A_1226 = arith.subf %get3A_1015, %mul3A_1107 : vector<16xf32>
        %mul3A_1227 = arith.mulf %sub3A_1226, %mul3A_1192 : vector<16xf32>
        %mul3A_1228 = arith.mulf %mul3A_1227, %get3A_22 : vector<16xf32>
        %add3A_1229 = arith.addf %mul3A_1228, %get3A_46 : vector<16xf32>
        %swap3A_1230 = arith.constant 1 : i32
        %swap3A_1231 = arith.index_cast %swap3A_1230 : i32 to index
        %swap3A_1232 = arith.index_cast %scan3A_991 : i32 to index
        %swap3A_1233 = arith.constant 48 : index
        %swap3A_1234 = tpu.vector_load %arg14[%swap3A_1231, %swap3A_1232, %swap3A_1233] {strides = array<i32>} : memref<4x128x128xf32, #tpu.memory_space<vmem>>, vector<1x1x16xf32>,
        %swap3A_1235 = vector.shape_cast %swap3A_1234 : vector<1x1x16xf32> to vector<16xf32>
        %swap3A_1236 = vector.shape_cast %add3A_1229 : vector<16xf32> to vector<1x1x16xf32>
        tpu.vector_store %arg14[%swap3A_1231, %swap3A_1232, %swap3A_1233], %swap3A_1236 {strides = array<i32>} : memref<4x128x128xf32, #tpu.memory_space<vmem>>, vector<1x1x16xf32>,
        %sub3A_1237 = arith.subf %get3A_1021, %mul3A_1107 : vector<16xf32>
        %mul3A_1238 = arith.mulf %sub3A_1237, %mul3A_1192 : vector<16xf32>
        %mul3A_1239 = arith.mulf %mul3A_1238, %get3A_25 : vector<16xf32>
        %add3A_1240 = arith.addf %mul3A_1239, %get3A_49 : vector<16xf32>
        %swap3A_1241 = arith.constant 1 : i32
        %swap3A_1242 = arith.index_cast %swap3A_1241 : i32 to index
        %swap3A_1243 = arith.index_cast %scan3A_991 : i32 to index
        %swap3A_1244 = arith.constant 64 : index
        %swap3A_1245 = tpu.vector_load %arg14[%swap3A_1242, %swap3A_1243, %swap3A_1244] {strides = array<i32>} : memref<4x128x128xf32, #tpu.memory_space<vmem>>, vector<1x1x16xf32>,
        %swap3A_1246 = vector.shape_cast %swap3A_1245 : vector<1x1x16xf32> to vector<16xf32>
        %swap3A_1247 = vector.shape_cast %add3A_1240 : vector<16xf32> to vector<1x1x16xf32>
        tpu.vector_store %arg14[%swap3A_1242, %swap3A_1243, %swap3A_1244], %swap3A_1247 {strides = array<i32>} : memref<4x128x128xf32, #tpu.memory_space<vmem>>, vector<1x1x16xf32>,
        %sub3A_1248 = arith.subf %get3A_1027, %mul3A_1107 : vector<16xf32>
        %mul3A_1249 = arith.mulf %sub3A_1248, %mul3A_1192 : vector<16xf32>
        %mul3A_1250 = arith.mulf %mul3A_1249, %get3A_28 : vector<16xf32>
        %add3A_1251 = arith.addf %mul3A_1250, %get3A_52 : vector<16xf32>
        %swap3A_1252 = arith.constant 1 : i32
        %swap3A_1253 = arith.index_cast %swap3A_1252 : i32 to index
        %swap3A_1254 = arith.index_cast %scan3A_991 : i32 to index
        %swap3A_1255 = arith.constant 80 : index
        %swap3A_1256 = tpu.vector_load %arg14[%swap3A_1253, %swap3A_1254, %swap3A_1255] {strides = array<i32>} : memref<4x128x128xf32, #tpu.memory_space<vmem>>, vector<1x1x16xf32>,
        %swap3A_1257 = vector.shape_cast %swap3A_1256 : vector<1x1x16xf32> to vector<16xf32>
        %swap3A_1258 = vector.shape_cast %add3A_1251 : vector<16xf32> to vector<1x1x16xf32>
        tpu.vector_store %arg14[%swap3A_1253, %swap3A_1254, %swap3A_1255], %swap3A_1258 {strides = array<i32>} : memref<4x128x128xf32, #tpu.memory_space<vmem>>, vector<1x1x16xf32>,
        %sub3A_1259 = arith.subf %get3A_1033, %mul3A_1107 : vector<16xf32>
        %mul3A_1260 = arith.mulf %sub3A_1259, %mul3A_1192 : vector<16xf32>
        %mul3A_1261 = arith.mulf %mul3A_1260, %get3A_31 : vector<16xf32>
        %add3A_1262 = arith.addf %mul3A_1261, %get3A_55 : vector<16xf32>
        %swap3A_1263 = arith.constant 1 : i32
        %swap3A_1264 = arith.index_cast %swap3A_1263 : i32 to index
        %swap3A_1265 = arith.index_cast %scan3A_991 : i32 to index
        %swap3A_1266 = arith.constant 96 : index
        %swap3A_1267 = tpu.vector_load %arg14[%swap3A_1264, %swap3A_1265, %swap3A_1266] {strides = array<i32>} : memref<4x128x128xf32, #tpu.memory_space<vmem>>, vector<1x1x16xf32>,
        %swap3A_1268 = vector.shape_cast %swap3A_1267 : vector<1x1x16xf32> to vector<16xf32>
        %swap3A_1269 = vector.shape_cast %add3A_1262 : vector<16xf32> to vector<1x1x16xf32>
        tpu.vector_store %arg14[%swap3A_1264, %swap3A_1265, %swap3A_1266], %swap3A_1269 {strides = array<i32>} : memref<4x128x128xf32, #tpu.memory_space<vmem>>, vector<1x1x16xf32>,
        %sub3A_1270 = arith.subf %get3A_1039, %mul3A_1107 : vector<16xf32>
        %mul3A_1271 = arith.mulf %sub3A_1270, %mul3A_1192 : vector<16xf32>
        %mul3A_1272 = arith.mulf %mul3A_1271, %get3A_34 : vector<16xf32>
        %add3A_1273 = arith.addf %mul3A_1272, %get3A_58 : vector<16xf32>
        %swap3A_1274 = arith.constant 1 : i32
        %swap3A_1275 = arith.index_cast %swap3A_1274 : i32 to index
        %swap3A_1276 = arith.index_cast %scan3A_991 : i32 to index
        %swap3A_1277 = arith.constant 112 : index
        %swap3A_1278 = tpu.vector_load %arg14[%swap3A_1275, %swap3A_1276, %swap3A_1277] {strides = array<i32>} : memref<4x128x128xf32, #tpu.memory_space<vmem>>, vector<1x1x16xf32>,
        %swap3A_1279 = vector.shape_cast %swap3A_1278 : vector<1x1x16xf32> to vector<16xf32>
        %swap3A_1280 = vector.shape_cast %add3A_1273 : vector<16xf32> to vector<1x1x16xf32>
        tpu.vector_store %arg14[%swap3A_1275, %swap3A_1276, %swap3A_1277], %swap3A_1280 {strides = array<i32>} : memref<4x128x128xf32, #tpu.memory_space<vmem>>, vector<1x1x16xf32>,
        %scan3A_1281 = arith.constant 0 : i32
        scf.yield %scan3A_1281 : i32
      }
      %scan3A_584 = arith.constant 128 : i32
      %mul3A_585 = arith.constant 128 : i32
      %mul3A_586 = arith.muli %add3A_551, %mul3A_585 : i32
      %add3A_587 = arith.addi %mul3A_10, %mul3A_586 : i32
      %dma_start3A_588 = arith.constant 1 : i32
      %dma_start3A_589 = arith.constant 0 : i32
      %dma_start3A_590 = arith.constant 0 : i32
      %dma_start3A_591 = tpu.memref_slice %arg14[%dma_start3A_588, %dma_start3A_589, %dma_start3A_590] : memref<4x128x128xf32, #tpu.memory_space<vmem>> -> memref<1x128x128xf32, #tpu.memory_space<vmem>>
      %dma_start3A_592 = tpu.memref_squeeze %dma_start3A_591 : memref<1x128x128xf32, #tpu.memory_space<vmem>> -> memref<128x128xf32, #tpu.memory_space<vmem>>
      %dma_start3A_593 = arith.constant 0 : i32
      %dma_start3A_594 = tpu.memref_slice %arg10[%add3A_587, %dma_start3A_593] : memref<524288x128xf32, #tpu.memory_space<hbm>> -> memref<128x128xf32, #tpu.memory_space<hbm>>
      %dma_start3A_595 = arith.constant 0 : i32
      %dma_start3A_596 = tpu.memref_slice %arg10[%add3A_587, %dma_start3A_595] : memref<524288x128xf32, #tpu.memory_space<hbm>> -> memref<128x128xf32, #tpu.memory_space<hbm>>
      %dma_start3A_597 = arith.constant 0 : i32
      %dma_start3A_598 = arith.constant 0 : i32
      %dma_start3A_599 = tpu.memref_slice %arg14[%dma_start3A_588, %dma_start3A_597, %dma_start3A_598] : memref<4x128x128xf32, #tpu.memory_space<vmem>> -> memref<1x128x128xf32, #tpu.memory_space<vmem>>
      %dma_start3A_600 = tpu.memref_squeeze %dma_start3A_599 : memref<1x128x128xf32, #tpu.memory_space<vmem>> -> memref<128x128xf32, #tpu.memory_space<vmem>>
      tpu.enqueue_dma source(%dma_start3A_600 : memref<128x128xf32, #tpu.memory_space<vmem>>) target(%dma_start3A_596 : memref<128x128xf32, #tpu.memory_space<hbm>>) target_semaphore(%arg26 : memref<!tpu.dma_semaphore, #tpu.memory_space<semaphore_mem>>)
      %add3A_601 = arith.constant 2 : i32
      %add3A_602 = arith.addi %mul3A_501, %add3A_601 : i32
      %add3A_603 = arith.constant 1 : i32
      %add3A_604 = arith.addi %add3A_602, %add3A_603 : i32
      %lt3A_605 = arith.constant 128 : i32
      %lt3A_606 = arith.cmpi slt, %add3A_604, %lt3A_605 : i32
      %convert_element_type3A_607 = arith.extui %lt3A_606 : i1 to i32
      %cond3A_608 = arith.constant 0 : i32
      %cond3A_609 = arith.cmpi ne, %convert_element_type3A_607, %cond3A_608 : i32
      scf.if %cond3A_609 {
        %add3A_704 = arith.constant 1 : i32
        %add3A_705 = arith.addi %add3A_602, %add3A_704 : i32
        %mul3A_706 = arith.constant 128 : i32
        %mul3A_707 = arith.muli %add3A_705, %mul3A_706 : i32
        %dma_wait3A_708 = arith.constant 3 : i32
        %dma_wait3A_709 = arith.constant 0 : i32
        %dma_wait3A_710 = arith.constant 0 : i32
        %dma_wait3A_711 = tpu.memref_slice %arg14[%dma_wait3A_708, %dma_wait3A_709, %dma_wait3A_710] : memref<4x128x128xf32, #tpu.memory_space<vmem>> -> memref<1x128x128xf32, #tpu.memory_space<vmem>>
        %dma_wait3A_712 = tpu.memref_squeeze %dma_wait3A_711 : memref<1x128x128xf32, #tpu.memory_space<vmem>> -> memref<128x128xf32, #tpu.memory_space<vmem>>
        %dma_wait3A_713 = tpu.memref_slice %arg11[%mul3A_707] : memref<16384xi32, #tpu.memory_space<vmem>> -> memref<128xi32, #tpu.memory_space<vmem>>
        %dma_wait3A_714 = arith.constant 0 : i32
        %dma_wait3A_715 = arith.constant 0 : i32
        %dma_wait3A_716 = tpu.memref_slice %arg4[%dma_wait3A_714, %dma_wait3A_715] : memref<100000x128xf32, #tpu.memory_space<hbm>> -> memref<100000x128xf32, #tpu.memory_space<hbm>>
        tpu.wait_indirect_dma semaphore(%arg20 : memref<!tpu.dma_semaphore, #tpu.memory_space<semaphore_mem>>) src(%dma_wait3A_716 : memref<100000x128xf32, #tpu.memory_space<hbm>>) dst(%dma_wait3A_712 : memref<128x128xf32, #tpu.memory_space<vmem>>)
        %dma_start3A_717 = arith.constant 3 : i32
        %dma_start3A_718 = arith.constant 3 : i32
        %dma_start3A_719 = arith.constant 0 : i32
        %dma_start3A_720 = arith.constant 0 : i32
        %dma_start3A_721 = tpu.memref_slice %arg14[%dma_start3A_718, %dma_start3A_719, %dma_start3A_720] : memref<4x128x128xf32, #tpu.memory_space<vmem>> -> memref<1x128x128xf32, #tpu.memory_space<vmem>>
        %dma_start3A_722 = tpu.memref_squeeze %dma_start3A_721 : memref<1x128x128xf32, #tpu.memory_space<vmem>> -> memref<128x128xf32, #tpu.memory_space<vmem>>
        %dma_start3A_723 = arith.constant 0 : i32
        %dma_start3A_724 = tpu.memref_slice %arg13[%dma_start3A_717, %dma_start3A_723] : memref<4x128xi32, #tpu.memory_space<vmem>> -> memref<1x128xi32, #tpu.memory_space<vmem>>
        %dma_start3A_725 = tpu.memref_squeeze %dma_start3A_724 : memref<1x128xi32, #tpu.memory_space<vmem>> -> memref<128xi32, #tpu.memory_space<vmem>>
        %dma_start3A_726 = arith.constant 0 : i32
        %dma_start3A_727 = arith.constant 0 : i32
        %dma_start3A_728 = tpu.memref_slice %arg5[%dma_start3A_726, %dma_start3A_727] : memref<1024x128xf32, #tpu.memory_space<hbm>> -> memref<1024x128xf32, #tpu.memory_space<hbm>>
        tpu.enqueue_indirect_dma source(%dma_start3A_728 : memref<1024x128xf32, #tpu.memory_space<hbm>>) target(%dma_start3A_722 : memref<128x128xf32, #tpu.memory_space<vmem>>) offsets(%dma_start3A_725 : memref<128xi32, #tpu.memory_space<vmem>>) semaphore(%arg24 : memref<!tpu.dma_semaphore, #tpu.memory_space<semaphore_mem>>) {add = true}
      } else {
      }
      %add3A_610 = arith.constant 2 : i32
      %add3A_611 = arith.addi %add3A_602, %add3A_610 : i32
      %lt3A_612 = arith.constant 128 : i32
      %lt3A_613 = arith.cmpi slt, %add3A_611, %lt3A_612 : i32
      %convert_element_type3A_614 = arith.extui %lt3A_613 : i1 to i32
      %cond3A_615 = arith.constant 0 : i32
      %cond3A_616 = arith.cmpi ne, %convert_element_type3A_614, %cond3A_615 : i32
      scf.if %cond3A_616 {
        %ge3A = arith.constant 2 : i32
        %ge3A_704 = arith.cmpi sge, %add3A_602, %ge3A : i32
        %convert_element_type3A_705 = arith.extui %ge3A_704 : i1 to i32
        %cond3A_706 = arith.constant 0 : i32
        %cond3A_707 = arith.cmpi ne, %convert_element_type3A_705, %cond3A_706 : i32
        scf.if %cond3A_707 {
          %sub3A = arith.constant 2 : i32
          %sub3A_898 = arith.subi %add3A_602, %sub3A : i32
          %mul3A_899 = arith.constant 128 : i32
          %mul3A_900 = arith.muli %sub3A_898, %mul3A_899 : i32
          %add3A_901 = arith.addi %mul3A_10, %mul3A_900 : i32
          %dma_wait3A_902 = arith.constant 0 : i32
          %dma_wait3A_903 = arith.constant 0 : i32
          %dma_wait3A_904 = arith.constant 0 : i32
          %dma_wait3A_905 = tpu.memref_slice %arg14[%dma_wait3A_902, %dma_wait3A_903, %dma_wait3A_904] : memref<4x128x128xf32, #tpu.memory_space<vmem>> -> memref<1x128x128xf32, #tpu.memory_space<vmem>>
          %dma_wait3A_906 = tpu.memref_squeeze %dma_wait3A_905 : memref<1x128x128xf32, #tpu.memory_space<vmem>> -> memref<128x128xf32, #tpu.memory_space<vmem>>
          %dma_wait3A_907 = arith.constant 0 : i32
          %dma_wait3A_908 = tpu.memref_slice %arg10[%add3A_901, %dma_wait3A_907] : memref<524288x128xf32, #tpu.memory_space<hbm>> -> memref<128x128xf32, #tpu.memory_space<hbm>>
          %dma_wait3A_909 = arith.constant 0 : i32
          %dma_wait3A_910 = tpu.memref_slice %arg10[%add3A_901, %dma_wait3A_909] : memref<524288x128xf32, #tpu.memory_space<hbm>> -> memref<128x128xf32, #tpu.memory_space<hbm>>
          %dma_wait3A_911 = arith.constant 0 : i32
          %dma_wait3A_912 = arith.constant 0 : i32
          %dma_wait3A_913 = tpu.memref_slice %arg14[%dma_wait3A_902, %dma_wait3A_911, %dma_wait3A_912] : memref<4x128x128xf32, #tpu.memory_space<vmem>> -> memref<1x128x128xf32, #tpu.memory_space<vmem>>
          %dma_wait3A_914 = tpu.memref_squeeze %dma_wait3A_913 : memref<1x128x128xf32, #tpu.memory_space<vmem>> -> memref<128x128xf32, #tpu.memory_space<vmem>>
          tpu.wait_dma2 semaphore(%arg25 : memref<!tpu.dma_semaphore, #tpu.memory_space<semaphore_mem>>) src(%dma_wait3A_914 : memref<128x128xf32, #tpu.memory_space<vmem>>) dst(%dma_wait3A_910 : memref<128x128xf32, #tpu.memory_space<hbm>>)
        } else {
        }
        %add3A_708 = arith.constant 2 : i32
        %add3A_709 = arith.addi %add3A_602, %add3A_708 : i32
        %mul3A_710 = arith.constant 128 : i32
        %mul3A_711 = arith.muli %add3A_709, %mul3A_710 : i32
        %add3A_712 = arith.addi %mul3A_10, %mul3A_711 : i32
        %add3A_713 = arith.constant 0 : i32
        %add3A_714 = arith.addi %mul3A_711, %add3A_713 : i32
        %get3A_715 = arith.index_cast %add3A_714 : i32 to index
        %get3A_716 = tpu.vector_load %arg12[%get3A_715] {strides = array<i32>} : memref<16384xi32, #tpu.memory_space<vmem>>, vector<16xi32>,
        %get3A_717 = vector.shape_cast %get3A_716 : vector<16xi32> to vector<16xi32>
        %add3A_718 = arith.constant 0 : i32
        %add3A_719 = arith.addi %add3A_712, %add3A_718 : i32
        %add3A_720 = vector.broadcast %add3A_719 : i32 to vector<16xi32>
        %add3A_721 = arith.addi %add3A_720, %iota3A : vector<16xi32>
        %rem3A_722 = arith.constant 512 : i32
        %rem3A_723 = vector.broadcast %rem3A_722 : i32 to vector<16xi32>
        %rem3A_724 = arith.remsi %add3A_721, %rem3A_723 : vector<16xi32>
        %mul3A_725 = arith.constant 2 : i32
        %mul3A_726 = vector.broadcast %mul3A_725 : i32 to vector<16xi32>
        %mul3A_727 = arith.muli %rem3A_724, %mul3A_726 : vector<16xi32>
        %add3A_728 = arith.addi %mul3A_727, %get3A_717 : vector<16xi32>
        %swap3A_729 = arith.constant 0 : i32
        %swap3A_730 = arith.index_cast %swap3A_729 : i32 to index
        %swap3A_731 = arith.constant 0 : index
        %swap3A_732 = tpu.vector_load %arg13[%swap3A_730, %swap3A_731] {strides = array<i32>} : memref<4x128xi32, #tpu.memory_space<vmem>>, vector<1x16xi32>,
        %swap3A_733 = vector.shape_cast %swap3A_732 : vector<1x16xi32> to vector<16xi32>
        %swap3A_734 = vector.shape_cast %add3A_728 : vector<16xi32> to vector<1x16xi32>
        tpu.vector_store %arg13[%swap3A_730, %swap3A_731], %swap3A_734 {strides = array<i32>} : memref<4x128xi32, #tpu.memory_space<vmem>>, vector<1x16xi32>,
        %add3A_735 = arith.constant 16 : i32
        %add3A_736 = arith.addi %mul3A_711, %add3A_735 : i32
        %get3A_737 = arith.index_cast %add3A_736 : i32 to index
        %get3A_738 = tpu.vector_load %arg12[%get3A_737] {strides = array<i32>} : memref<16384xi32, #tpu.memory_space<vmem>>, vector<16xi32>,
        %get3A_739 = vector.shape_cast %get3A_738 : vector<16xi32> to vector<16xi32>
        %add3A_740 = arith.constant 16 : i32
        %add3A_741 = arith.addi %add3A_712, %add3A_740 : i32
        %add3A_742 = vector.broadcast %add3A_741 : i32 to vector<16xi32>
        %add3A_743 = arith.addi %add3A_742, %iota3A : vector<16xi32>
        %rem3A_744 = arith.constant 512 : i32
        %rem3A_745 = vector.broadcast %rem3A_744 : i32 to vector<16xi32>
        %rem3A_746 = arith.remsi %add3A_743, %rem3A_745 : vector<16xi32>
        %mul3A_747 = arith.constant 2 : i32
        %mul3A_748 = vector.broadcast %mul3A_747 : i32 to vector<16xi32>
        %mul3A_749 = arith.muli %rem3A_746, %mul3A_748 : vector<16xi32>
        %add3A_750 = arith.addi %mul3A_749, %get3A_739 : vector<16xi32>
        %swap3A_751 = arith.constant 0 : i32
        %swap3A_752 = arith.index_cast %swap3A_751 : i32 to index
        %swap3A_753 = arith.constant 16 : index
        %swap3A_754 = tpu.vector_load %arg13[%swap3A_752, %swap3A_753] {strides = array<i32>} : memref<4x128xi32, #tpu.memory_space<vmem>>, vector<1x16xi32>,
        %swap3A_755 = vector.shape_cast %swap3A_754 : vector<1x16xi32> to vector<16xi32>
        %swap3A_756 = vector.shape_cast %add3A_750 : vector<16xi32> to vector<1x16xi32>
        tpu.vector_store %arg13[%swap3A_752, %swap3A_753], %swap3A_756 {strides = array<i32>} : memref<4x128xi32, #tpu.memory_space<vmem>>, vector<1x16xi32>,
        %add3A_757 = arith.constant 32 : i32
        %add3A_758 = arith.addi %mul3A_711, %add3A_757 : i32
        %get3A_759 = arith.index_cast %add3A_758 : i32 to index
        %get3A_760 = tpu.vector_load %arg12[%get3A_759] {strides = array<i32>} : memref<16384xi32, #tpu.memory_space<vmem>>, vector<16xi32>,
        %get3A_761 = vector.shape_cast %get3A_760 : vector<16xi32> to vector<16xi32>
        %add3A_762 = arith.constant 32 : i32
        %add3A_763 = arith.addi %add3A_712, %add3A_762 : i32
        %add3A_764 = vector.broadcast %add3A_763 : i32 to vector<16xi32>
        %add3A_765 = arith.addi %add3A_764, %iota3A : vector<16xi32>
        %rem3A_766 = arith.constant 512 : i32
        %rem3A_767 = vector.broadcast %rem3A_766 : i32 to vector<16xi32>
        %rem3A_768 = arith.remsi %add3A_765, %rem3A_767 : vector<16xi32>
        %mul3A_769 = arith.constant 2 : i32
        %mul3A_770 = vector.broadcast %mul3A_769 : i32 to vector<16xi32>
        %mul3A_771 = arith.muli %rem3A_768, %mul3A_770 : vector<16xi32>
        %add3A_772 = arith.addi %mul3A_771, %get3A_761 : vector<16xi32>
        %swap3A_773 = arith.constant 0 : i32
        %swap3A_774 = arith.index_cast %swap3A_773 : i32 to index
        %swap3A_775 = arith.constant 32 : index
        %swap3A_776 = tpu.vector_load %arg13[%swap3A_774, %swap3A_775] {strides = array<i32>} : memref<4x128xi32, #tpu.memory_space<vmem>>, vector<1x16xi32>,
        %swap3A_777 = vector.shape_cast %swap3A_776 : vector<1x16xi32> to vector<16xi32>
        %swap3A_778 = vector.shape_cast %add3A_772 : vector<16xi32> to vector<1x16xi32>
        tpu.vector_store %arg13[%swap3A_774, %swap3A_775], %swap3A_778 {strides = array<i32>} : memref<4x128xi32, #tpu.memory_space<vmem>>, vector<1x16xi32>,
        %add3A_779 = arith.constant 48 : i32
        %add3A_780 = arith.addi %mul3A_711, %add3A_779 : i32
        %get3A_781 = arith.index_cast %add3A_780 : i32 to index
        %get3A_782 = tpu.vector_load %arg12[%get3A_781] {strides = array<i32>} : memref<16384xi32, #tpu.memory_space<vmem>>, vector<16xi32>,
        %get3A_783 = vector.shape_cast %get3A_782 : vector<16xi32> to vector<16xi32>
        %add3A_784 = arith.constant 48 : i32
        %add3A_785 = arith.addi %add3A_712, %add3A_784 : i32
        %add3A_786 = vector.broadcast %add3A_785 : i32 to vector<16xi32>
        %add3A_787 = arith.addi %add3A_786, %iota3A : vector<16xi32>
        %rem3A_788 = arith.constant 512 : i32
        %rem3A_789 = vector.broadcast %rem3A_788 : i32 to vector<16xi32>
        %rem3A_790 = arith.remsi %add3A_787, %rem3A_789 : vector<16xi32>
        %mul3A_791 = arith.constant 2 : i32
        %mul3A_792 = vector.broadcast %mul3A_791 : i32 to vector<16xi32>
        %mul3A_793 = arith.muli %rem3A_790, %mul3A_792 : vector<16xi32>
        %add3A_794 = arith.addi %mul3A_793, %get3A_783 : vector<16xi32>
        %swap3A_795 = arith.constant 0 : i32
        %swap3A_796 = arith.index_cast %swap3A_795 : i32 to index
        %swap3A_797 = arith.constant 48 : index
        %swap3A_798 = tpu.vector_load %arg13[%swap3A_796, %swap3A_797] {strides = array<i32>} : memref<4x128xi32, #tpu.memory_space<vmem>>, vector<1x16xi32>,
        %swap3A_799 = vector.shape_cast %swap3A_798 : vector<1x16xi32> to vector<16xi32>
        %swap3A_800 = vector.shape_cast %add3A_794 : vector<16xi32> to vector<1x16xi32>
        tpu.vector_store %arg13[%swap3A_796, %swap3A_797], %swap3A_800 {strides = array<i32>} : memref<4x128xi32, #tpu.memory_space<vmem>>, vector<1x16xi32>,
        %add3A_801 = arith.constant 64 : i32
        %add3A_802 = arith.addi %mul3A_711, %add3A_801 : i32
        %get3A_803 = arith.index_cast %add3A_802 : i32 to index
        %get3A_804 = tpu.vector_load %arg12[%get3A_803] {strides = array<i32>} : memref<16384xi32, #tpu.memory_space<vmem>>, vector<16xi32>,
        %get3A_805 = vector.shape_cast %get3A_804 : vector<16xi32> to vector<16xi32>
        %add3A_806 = arith.constant 64 : i32
        %add3A_807 = arith.addi %add3A_712, %add3A_806 : i32
        %add3A_808 = vector.broadcast %add3A_807 : i32 to vector<16xi32>
        %add3A_809 = arith.addi %add3A_808, %iota3A : vector<16xi32>
        %rem3A_810 = arith.constant 512 : i32
        %rem3A_811 = vector.broadcast %rem3A_810 : i32 to vector<16xi32>
        %rem3A_812 = arith.remsi %add3A_809, %rem3A_811 : vector<16xi32>
        %mul3A_813 = arith.constant 2 : i32
        %mul3A_814 = vector.broadcast %mul3A_813 : i32 to vector<16xi32>
        %mul3A_815 = arith.muli %rem3A_812, %mul3A_814 : vector<16xi32>
        %add3A_816 = arith.addi %mul3A_815, %get3A_805 : vector<16xi32>
        %swap3A_817 = arith.constant 0 : i32
        %swap3A_818 = arith.index_cast %swap3A_817 : i32 to index
        %swap3A_819 = arith.constant 64 : index
        %swap3A_820 = tpu.vector_load %arg13[%swap3A_818, %swap3A_819] {strides = array<i32>} : memref<4x128xi32, #tpu.memory_space<vmem>>, vector<1x16xi32>,
        %swap3A_821 = vector.shape_cast %swap3A_820 : vector<1x16xi32> to vector<16xi32>
        %swap3A_822 = vector.shape_cast %add3A_816 : vector<16xi32> to vector<1x16xi32>
        tpu.vector_store %arg13[%swap3A_818, %swap3A_819], %swap3A_822 {strides = array<i32>} : memref<4x128xi32, #tpu.memory_space<vmem>>, vector<1x16xi32>,
        %add3A_823 = arith.constant 80 : i32
        %add3A_824 = arith.addi %mul3A_711, %add3A_823 : i32
        %get3A_825 = arith.index_cast %add3A_824 : i32 to index
        %get3A_826 = tpu.vector_load %arg12[%get3A_825] {strides = array<i32>} : memref<16384xi32, #tpu.memory_space<vmem>>, vector<16xi32>,
        %get3A_827 = vector.shape_cast %get3A_826 : vector<16xi32> to vector<16xi32>
        %add3A_828 = arith.constant 80 : i32
        %add3A_829 = arith.addi %add3A_712, %add3A_828 : i32
        %add3A_830 = vector.broadcast %add3A_829 : i32 to vector<16xi32>
        %add3A_831 = arith.addi %add3A_830, %iota3A : vector<16xi32>
        %rem3A_832 = arith.constant 512 : i32
        %rem3A_833 = vector.broadcast %rem3A_832 : i32 to vector<16xi32>
        %rem3A_834 = arith.remsi %add3A_831, %rem3A_833 : vector<16xi32>
        %mul3A_835 = arith.constant 2 : i32
        %mul3A_836 = vector.broadcast %mul3A_835 : i32 to vector<16xi32>
        %mul3A_837 = arith.muli %rem3A_834, %mul3A_836 : vector<16xi32>
        %add3A_838 = arith.addi %mul3A_837, %get3A_827 : vector<16xi32>
        %swap3A_839 = arith.constant 0 : i32
        %swap3A_840 = arith.index_cast %swap3A_839 : i32 to index
        %swap3A_841 = arith.constant 80 : index
        %swap3A_842 = tpu.vector_load %arg13[%swap3A_840, %swap3A_841] {strides = array<i32>} : memref<4x128xi32, #tpu.memory_space<vmem>>, vector<1x16xi32>,
        %swap3A_843 = vector.shape_cast %swap3A_842 : vector<1x16xi32> to vector<16xi32>
        %swap3A_844 = vector.shape_cast %add3A_838 : vector<16xi32> to vector<1x16xi32>
        tpu.vector_store %arg13[%swap3A_840, %swap3A_841], %swap3A_844 {strides = array<i32>} : memref<4x128xi32, #tpu.memory_space<vmem>>, vector<1x16xi32>,
        %add3A_845 = arith.constant 96 : i32
        %add3A_846 = arith.addi %mul3A_711, %add3A_845 : i32
        %get3A_847 = arith.index_cast %add3A_846 : i32 to index
        %get3A_848 = tpu.vector_load %arg12[%get3A_847] {strides = array<i32>} : memref<16384xi32, #tpu.memory_space<vmem>>, vector<16xi32>,
        %get3A_849 = vector.shape_cast %get3A_848 : vector<16xi32> to vector<16xi32>
        %add3A_850 = arith.constant 96 : i32
        %add3A_851 = arith.addi %add3A_712, %add3A_850 : i32
        %add3A_852 = vector.broadcast %add3A_851 : i32 to vector<16xi32>
        %add3A_853 = arith.addi %add3A_852, %iota3A : vector<16xi32>
        %rem3A_854 = arith.constant 512 : i32
        %rem3A_855 = vector.broadcast %rem3A_854 : i32 to vector<16xi32>
        %rem3A_856 = arith.remsi %add3A_853, %rem3A_855 : vector<16xi32>
        %mul3A_857 = arith.constant 2 : i32
        %mul3A_858 = vector.broadcast %mul3A_857 : i32 to vector<16xi32>
        %mul3A_859 = arith.muli %rem3A_856, %mul3A_858 : vector<16xi32>
        %add3A_860 = arith.addi %mul3A_859, %get3A_849 : vector<16xi32>
        %swap3A_861 = arith.constant 0 : i32
        %swap3A_862 = arith.index_cast %swap3A_861 : i32 to index
        %swap3A_863 = arith.constant 96 : index
        %swap3A_864 = tpu.vector_load %arg13[%swap3A_862, %swap3A_863] {strides = array<i32>} : memref<4x128xi32, #tpu.memory_space<vmem>>, vector<1x16xi32>,
        %swap3A_865 = vector.shape_cast %swap3A_864 : vector<1x16xi32> to vector<16xi32>
        %swap3A_866 = vector.shape_cast %add3A_860 : vector<16xi32> to vector<1x16xi32>
        tpu.vector_store %arg13[%swap3A_862, %swap3A_863], %swap3A_866 {strides = array<i32>} : memref<4x128xi32, #tpu.memory_space<vmem>>, vector<1x16xi32>,
        %add3A_867 = arith.constant 112 : i32
        %add3A_868 = arith.addi %mul3A_711, %add3A_867 : i32
        %get3A_869 = arith.index_cast %add3A_868 : i32 to index
        %get3A_870 = tpu.vector_load %arg12[%get3A_869] {strides = array<i32>} : memref<16384xi32, #tpu.memory_space<vmem>>, vector<16xi32>,
        %get3A_871 = vector.shape_cast %get3A_870 : vector<16xi32> to vector<16xi32>
        %add3A_872 = arith.constant 112 : i32
        %add3A_873 = arith.addi %add3A_712, %add3A_872 : i32
        %add3A_874 = vector.broadcast %add3A_873 : i32 to vector<16xi32>
        %add3A_875 = arith.addi %add3A_874, %iota3A : vector<16xi32>
        %rem3A_876 = arith.constant 512 : i32
        %rem3A_877 = vector.broadcast %rem3A_876 : i32 to vector<16xi32>
        %rem3A_878 = arith.remsi %add3A_875, %rem3A_877 : vector<16xi32>
        %mul3A_879 = arith.constant 2 : i32
        %mul3A_880 = vector.broadcast %mul3A_879 : i32 to vector<16xi32>
        %mul3A_881 = arith.muli %rem3A_878, %mul3A_880 : vector<16xi32>
        %add3A_882 = arith.addi %mul3A_881, %get3A_871 : vector<16xi32>
        %swap3A_883 = arith.constant 0 : i32
        %swap3A_884 = arith.index_cast %swap3A_883 : i32 to index
        %swap3A_885 = arith.constant 112 : index
        %swap3A_886 = tpu.vector_load %arg13[%swap3A_884, %swap3A_885] {strides = array<i32>} : memref<4x128xi32, #tpu.memory_space<vmem>>, vector<1x16xi32>,
        %swap3A_887 = vector.shape_cast %swap3A_886 : vector<1x16xi32> to vector<16xi32>
        %swap3A_888 = vector.shape_cast %add3A_882 : vector<16xi32> to vector<1x16xi32>
        tpu.vector_store %arg13[%swap3A_884, %swap3A_885], %swap3A_888 {strides = array<i32>} : memref<4x128xi32, #tpu.memory_space<vmem>>, vector<1x16xi32>,
        %dma_start3A_889 = arith.constant 0 : i32
        %dma_start3A_890 = arith.constant 0 : i32
        %dma_start3A_891 = arith.constant 0 : i32
        %dma_start3A_892 = tpu.memref_slice %arg14[%dma_start3A_889, %dma_start3A_890, %dma_start3A_891] : memref<4x128x128xf32, #tpu.memory_space<vmem>> -> memref<1x128x128xf32, #tpu.memory_space<vmem>>
        %dma_start3A_893 = tpu.memref_squeeze %dma_start3A_892 : memref<1x128x128xf32, #tpu.memory_space<vmem>> -> memref<128x128xf32, #tpu.memory_space<vmem>>
        %dma_start3A_894 = tpu.memref_slice %arg11[%mul3A_711] : memref<16384xi32, #tpu.memory_space<vmem>> -> memref<128xi32, #tpu.memory_space<vmem>>
        %dma_start3A_895 = arith.constant 0 : i32
        %dma_start3A_896 = arith.constant 0 : i32
        %dma_start3A_897 = tpu.memref_slice %arg4[%dma_start3A_895, %dma_start3A_896] : memref<100000x128xf32, #tpu.memory_space<hbm>> -> memref<100000x128xf32, #tpu.memory_space<hbm>>
        tpu.enqueue_indirect_dma source(%dma_start3A_897 : memref<100000x128xf32, #tpu.memory_space<hbm>>) target(%dma_start3A_893 : memref<128x128xf32, #tpu.memory_space<vmem>>) offsets(%dma_start3A_894 : memref<128xi32, #tpu.memory_space<vmem>>) semaphore(%arg17 : memref<!tpu.dma_semaphore, #tpu.memory_space<semaphore_mem>>)
      } else {
      }
      %dma_wait3A_617 = arith.constant 2 : i32
      %dma_wait3A_618 = arith.constant 2 : i32
      %dma_wait3A_619 = arith.constant 0 : i32
      %dma_wait3A_620 = arith.constant 0 : i32
      %dma_wait3A_621 = tpu.memref_slice %arg14[%dma_wait3A_618, %dma_wait3A_619, %dma_wait3A_620] : memref<4x128x128xf32, #tpu.memory_space<vmem>> -> memref<1x128x128xf32, #tpu.memory_space<vmem>>
      %dma_wait3A_622 = tpu.memref_squeeze %dma_wait3A_621 : memref<1x128x128xf32, #tpu.memory_space<vmem>> -> memref<128x128xf32, #tpu.memory_space<vmem>>
      %dma_wait3A_623 = arith.constant 0 : i32
      %dma_wait3A_624 = tpu.memref_slice %arg13[%dma_wait3A_617, %dma_wait3A_623] : memref<4x128xi32, #tpu.memory_space<vmem>> -> memref<1x128xi32, #tpu.memory_space<vmem>>
      %dma_wait3A_625 = tpu.memref_squeeze %dma_wait3A_624 : memref<1x128xi32, #tpu.memory_space<vmem>> -> memref<128xi32, #tpu.memory_space<vmem>>
      %dma_wait3A_626 = arith.constant 0 : i32
      %dma_wait3A_627 = arith.constant 0 : i32
      %dma_wait3A_628 = tpu.memref_slice %arg5[%dma_wait3A_626, %dma_wait3A_627] : memref<1024x128xf32, #tpu.memory_space<hbm>> -> memref<1024x128xf32, #tpu.memory_space<hbm>>
      tpu.wait_indirect_dma semaphore(%arg23 : memref<!tpu.dma_semaphore, #tpu.memory_space<semaphore_mem>>) src(%dma_wait3A_628 : memref<1024x128xf32, #tpu.memory_space<hbm>>) dst(%dma_wait3A_622 : memref<128x128xf32, #tpu.memory_space<vmem>>)
      %scan3A_629 = arith.constant 0 : i32
      %scan3A_630 = arith.constant 0 : i32
      %scan3A_631 = arith.constant 128 : i32
      %scan3A_632 = arith.addi %scan3A_630, %scan3A_631 : i32
      %scan3A_633 = arith.constant 2 : i32
      %scan3A_634 = scf.for %scan3A_704 = %scan3A_630 to %scan3A_632 step %scan3A_633 iter_args(%scan3A_705 = %scan3A_629) -> (i32)  : i32 {
        %get3A_706 = arith.constant 2 : i32
        %get3A_707 = arith.index_cast %get3A_706 : i32 to index
        %get3A_708 = arith.index_cast %scan3A_704 : i32 to index
        %get3A_709 = arith.constant 0 : index
        %get3A_710 = tpu.vector_load %arg14[%get3A_707, %get3A_708, %get3A_709] {strides = array<i32>} : memref<4x128x128xf32, #tpu.memory_space<vmem>>, vector<1x1x16xf32>,
        %get3A_711 = vector.shape_cast %get3A_710 : vector<1x1x16xf32> to vector<16xf32>
        %get3A_712 = arith.constant 2 : i32
        %get3A_713 = arith.index_cast %get3A_712 : i32 to index
        %get3A_714 = arith.index_cast %scan3A_704 : i32 to index
        %get3A_715 = arith.constant 16 : index
        %get3A_716 = tpu.vector_load %arg14[%get3A_713, %get3A_714, %get3A_715] {strides = array<i32>} : memref<4x128x128xf32, #tpu.memory_space<vmem>>, vector<1x1x16xf32>,
        %get3A_717 = vector.shape_cast %get3A_716 : vector<1x1x16xf32> to vector<16xf32>
        %get3A_718 = arith.constant 2 : i32
        %get3A_719 = arith.index_cast %get3A_718 : i32 to index
        %get3A_720 = arith.index_cast %scan3A_704 : i32 to index
        %get3A_721 = arith.constant 32 : index
        %get3A_722 = tpu.vector_load %arg14[%get3A_719, %get3A_720, %get3A_721] {strides = array<i32>} : memref<4x128x128xf32, #tpu.memory_space<vmem>>, vector<1x1x16xf32>,
        %get3A_723 = vector.shape_cast %get3A_722 : vector<1x1x16xf32> to vector<16xf32>
        %get3A_724 = arith.constant 2 : i32
        %get3A_725 = arith.index_cast %get3A_724 : i32 to index
        %get3A_726 = arith.index_cast %scan3A_704 : i32 to index
        %get3A_727 = arith.constant 48 : index
        %get3A_728 = tpu.vector_load %arg14[%get3A_725, %get3A_726, %get3A_727] {strides = array<i32>} : memref<4x128x128xf32, #tpu.memory_space<vmem>>, vector<1x1x16xf32>,
        %get3A_729 = vector.shape_cast %get3A_728 : vector<1x1x16xf32> to vector<16xf32>
        %get3A_730 = arith.constant 2 : i32
        %get3A_731 = arith.index_cast %get3A_730 : i32 to index
        %get3A_732 = arith.index_cast %scan3A_704 : i32 to index
        %get3A_733 = arith.constant 64 : index
        %get3A_734 = tpu.vector_load %arg14[%get3A_731, %get3A_732, %get3A_733] {strides = array<i32>} : memref<4x128x128xf32, #tpu.memory_space<vmem>>, vector<1x1x16xf32>,
        %get3A_735 = vector.shape_cast %get3A_734 : vector<1x1x16xf32> to vector<16xf32>
        %get3A_736 = arith.constant 2 : i32
        %get3A_737 = arith.index_cast %get3A_736 : i32 to index
        %get3A_738 = arith.index_cast %scan3A_704 : i32 to index
        %get3A_739 = arith.constant 80 : index
        %get3A_740 = tpu.vector_load %arg14[%get3A_737, %get3A_738, %get3A_739] {strides = array<i32>} : memref<4x128x128xf32, #tpu.memory_space<vmem>>, vector<1x1x16xf32>,
        %get3A_741 = vector.shape_cast %get3A_740 : vector<1x1x16xf32> to vector<16xf32>
        %get3A_742 = arith.constant 2 : i32
        %get3A_743 = arith.index_cast %get3A_742 : i32 to index
        %get3A_744 = arith.index_cast %scan3A_704 : i32 to index
        %get3A_745 = arith.constant 96 : index
        %get3A_746 = tpu.vector_load %arg14[%get3A_743, %get3A_744, %get3A_745] {strides = array<i32>} : memref<4x128x128xf32, #tpu.memory_space<vmem>>, vector<1x1x16xf32>,
        %get3A_747 = vector.shape_cast %get3A_746 : vector<1x1x16xf32> to vector<16xf32>
        %get3A_748 = arith.constant 2 : i32
        %get3A_749 = arith.index_cast %get3A_748 : i32 to index
        %get3A_750 = arith.index_cast %scan3A_704 : i32 to index
        %get3A_751 = arith.constant 112 : index
        %get3A_752 = tpu.vector_load %arg14[%get3A_749, %get3A_750, %get3A_751] {strides = array<i32>} : memref<4x128x128xf32, #tpu.memory_space<vmem>>, vector<1x1x16xf32>,
        %get3A_753 = vector.shape_cast %get3A_752 : vector<1x1x16xf32> to vector<16xf32>
        %mul3A_754 = arith.mulf %get3A_711, %get3A_711 : vector<16xf32>
        %add3A_755 = arith.addf %get3A_711, %get3A_717 : vector<16xf32>
        %mul3A_756 = arith.mulf %get3A_717, %get3A_717 : vector<16xf32>
        %add3A_757 = arith.addf %mul3A_754, %mul3A_756 : vector<16xf32>
        %add3A_758 = arith.addf %add3A_755, %get3A_723 : vector<16xf32>
        %mul3A_759 = arith.mulf %get3A_723, %get3A_723 : vector<16xf32>
        %add3A_760 = arith.addf %add3A_757, %mul3A_759 : vector<16xf32>
        %add3A_761 = arith.addf %add3A_758, %get3A_729 : vector<16xf32>
        %mul3A_762 = arith.mulf %get3A_729, %get3A_729 : vector<16xf32>
        %add3A_763 = arith.addf %add3A_760, %mul3A_762 : vector<16xf32>
        %add3A_764 = arith.addf %add3A_761, %get3A_735 : vector<16xf32>
        %mul3A_765 = arith.mulf %get3A_735, %get3A_735 : vector<16xf32>
        %add3A_766 = arith.addf %add3A_763, %mul3A_765 : vector<16xf32>
        %add3A_767 = arith.addf %add3A_764, %get3A_741 : vector<16xf32>
        %mul3A_768 = arith.mulf %get3A_741, %get3A_741 : vector<16xf32>
        %add3A_769 = arith.addf %add3A_766, %mul3A_768 : vector<16xf32>
        %add3A_770 = arith.addf %add3A_767, %get3A_747 : vector<16xf32>
        %mul3A_771 = arith.mulf %get3A_747, %get3A_747 : vector<16xf32>
        %add3A_772 = arith.addf %add3A_769, %mul3A_771 : vector<16xf32>
        %add3A_773 = arith.addf %add3A_770, %get3A_753 : vector<16xf32>
        %mul3A_774 = arith.mulf %get3A_753, %get3A_753 : vector<16xf32>
        %add3A_775 = arith.addf %add3A_772, %mul3A_774 : vector<16xf32>
        %lt3A_776 = arith.constant 0 : i32
        %lt3A_777 = vector.broadcast %lt3A_776 : i32 to vector<16xi32>
        %lt3A_778 = arith.cmpi slt, %xor3A_60, %lt3A_777 : vector<16xi32>
        %add3A_779 = arith.constant 16 : i32
        %add3A_780 = vector.broadcast %add3A_779 : i32 to vector<16xi32>
        %add3A_781 = arith.addi %xor3A_60, %add3A_780 : vector<16xi32>
        %select_n3A = arith.select %lt3A_778, %add3A_781, %xor3A_60 : vector<16xi1>, vector<16xi32>
        %broadcast_in_dim3A = vector.shape_cast %select_n3A : vector<16xi32> to vector<16x1xi32>
        %gather3A = vector.shape_cast %broadcast_in_dim3A : vector<16x1xi32> to vector<16xi32>
        %gather3A_782 = tpu.dynamic_gather %add3A_773[%gather3A] in [0] : vector<16xf32>, vector<16xi32> -> vector<16xf32>
        %add3A_783 = arith.addf %add3A_773, %gather3A_782 : vector<16xf32>
        %lt3A_784 = arith.constant 0 : i32
        %lt3A_785 = vector.broadcast %lt3A_784 : i32 to vector<16xi32>
        %lt3A_786 = arith.cmpi slt, %xor3A_63, %lt3A_785 : vector<16xi32>
        %add3A_787 = arith.constant 16 : i32
        %add3A_788 = vector.broadcast %add3A_787 : i32 to vector<16xi32>
        %add3A_789 = arith.addi %xor3A_63, %add3A_788 : vector<16xi32>
        %select_n3A_790 = arith.select %lt3A_786, %add3A_789, %xor3A_63 : vector<16xi1>, vector<16xi32>
        %broadcast_in_dim3A_791 = vector.shape_cast %select_n3A_790 : vector<16xi32> to vector<16x1xi32>
        %gather3A_792 = vector.shape_cast %broadcast_in_dim3A_791 : vector<16x1xi32> to vector<16xi32>
        %gather3A_793 = tpu.dynamic_gather %add3A_783[%gather3A_792] in [0] : vector<16xf32>, vector<16xi32> -> vector<16xf32>
        %add3A_794 = arith.addf %add3A_783, %gather3A_793 : vector<16xf32>
        %lt3A_795 = arith.constant 0 : i32
        %lt3A_796 = vector.broadcast %lt3A_795 : i32 to vector<16xi32>
        %lt3A_797 = arith.cmpi slt, %xor3A_66, %lt3A_796 : vector<16xi32>
        %add3A_798 = arith.constant 16 : i32
        %add3A_799 = vector.broadcast %add3A_798 : i32 to vector<16xi32>
        %add3A_800 = arith.addi %xor3A_66, %add3A_799 : vector<16xi32>
        %select_n3A_801 = arith.select %lt3A_797, %add3A_800, %xor3A_66 : vector<16xi1>, vector<16xi32>
        %broadcast_in_dim3A_802 = vector.shape_cast %select_n3A_801 : vector<16xi32> to vector<16x1xi32>
        %gather3A_803 = vector.shape_cast %broadcast_in_dim3A_802 : vector<16x1xi32> to vector<16xi32>
        %gather3A_804 = tpu.dynamic_gather %add3A_794[%gather3A_803] in [0] : vector<16xf32>, vector<16xi32> -> vector<16xf32>
        %add3A_805 = arith.addf %add3A_794, %gather3A_804 : vector<16xf32>
        %lt3A_806 = arith.constant 0 : i32
        %lt3A_807 = vector.broadcast %lt3A_806 : i32 to vector<16xi32>
        %lt3A_808 = arith.cmpi slt, %xor3A_69, %lt3A_807 : vector<16xi32>
        %add3A_809 = arith.constant 16 : i32
        %add3A_810 = vector.broadcast %add3A_809 : i32 to vector<16xi32>
        %add3A_811 = arith.addi %xor3A_69, %add3A_810 : vector<16xi32>
        %select_n3A_812 = arith.select %lt3A_808, %add3A_811, %xor3A_69 : vector<16xi1>, vector<16xi32>
        %broadcast_in_dim3A_813 = vector.shape_cast %select_n3A_812 : vector<16xi32> to vector<16x1xi32>
        %gather3A_814 = vector.shape_cast %broadcast_in_dim3A_813 : vector<16x1xi32> to vector<16xi32>
        %gather3A_815 = tpu.dynamic_gather %add3A_805[%gather3A_814] in [0] : vector<16xf32>, vector<16xi32> -> vector<16xf32>
        %add3A_816 = arith.addf %add3A_805, %gather3A_815 : vector<16xf32>
        %mul3A_817 = vector.broadcast %squeeze3A : f32 to vector<16xf32>
        %mul3A_818 = arith.mulf %add3A_816, %mul3A_817 : vector<16xf32>
        %lt3A_819 = arith.constant 0 : i32
        %lt3A_820 = vector.broadcast %lt3A_819 : i32 to vector<16xi32>
        %lt3A_821 = arith.cmpi slt, %xor3A_60, %lt3A_820 : vector<16xi32>
        %add3A_822 = arith.constant 16 : i32
        %add3A_823 = vector.broadcast %add3A_822 : i32 to vector<16xi32>
        %add3A_824 = arith.addi %xor3A_60, %add3A_823 : vector<16xi32>
        %select_n3A_825 = arith.select %lt3A_821, %add3A_824, %xor3A_60 : vector<16xi1>, vector<16xi32>
        %broadcast_in_dim3A_826 = vector.shape_cast %select_n3A_825 : vector<16xi32> to vector<16x1xi32>
        %gather3A_827 = vector.shape_cast %broadcast_in_dim3A_826 : vector<16x1xi32> to vector<16xi32>
        %gather3A_828 = tpu.dynamic_gather %add3A_775[%gather3A_827] in [0] : vector<16xf32>, vector<16xi32> -> vector<16xf32>
        %add3A_829 = arith.addf %add3A_775, %gather3A_828 : vector<16xf32>
        %lt3A_830 = arith.constant 0 : i32
        %lt3A_831 = vector.broadcast %lt3A_830 : i32 to vector<16xi32>
        %lt3A_832 = arith.cmpi slt, %xor3A_63, %lt3A_831 : vector<16xi32>
        %add3A_833 = arith.constant 16 : i32
        %add3A_834 = vector.broadcast %add3A_833 : i32 to vector<16xi32>
        %add3A_835 = arith.addi %xor3A_63, %add3A_834 : vector<16xi32>
        %select_n3A_836 = arith.select %lt3A_832, %add3A_835, %xor3A_63 : vector<16xi1>, vector<16xi32>
        %broadcast_in_dim3A_837 = vector.shape_cast %select_n3A_836 : vector<16xi32> to vector<16x1xi32>
        %gather3A_838 = vector.shape_cast %broadcast_in_dim3A_837 : vector<16x1xi32> to vector<16xi32>
        %gather3A_839 = tpu.dynamic_gather %add3A_829[%gather3A_838] in [0] : vector<16xf32>, vector<16xi32> -> vector<16xf32>
        %add3A_840 = arith.addf %add3A_829, %gather3A_839 : vector<16xf32>
        %lt3A_841 = arith.constant 0 : i32
        %lt3A_842 = vector.broadcast %lt3A_841 : i32 to vector<16xi32>
        %lt3A_843 = arith.cmpi slt, %xor3A_66, %lt3A_842 : vector<16xi32>
        %add3A_844 = arith.constant 16 : i32
        %add3A_845 = vector.broadcast %add3A_844 : i32 to vector<16xi32>
        %add3A_846 = arith.addi %xor3A_66, %add3A_845 : vector<16xi32>
        %select_n3A_847 = arith.select %lt3A_843, %add3A_846, %xor3A_66 : vector<16xi1>, vector<16xi32>
        %broadcast_in_dim3A_848 = vector.shape_cast %select_n3A_847 : vector<16xi32> to vector<16x1xi32>
        %gather3A_849 = vector.shape_cast %broadcast_in_dim3A_848 : vector<16x1xi32> to vector<16xi32>
        %gather3A_850 = tpu.dynamic_gather %add3A_840[%gather3A_849] in [0] : vector<16xf32>, vector<16xi32> -> vector<16xf32>
        %add3A_851 = arith.addf %add3A_840, %gather3A_850 : vector<16xf32>
        %lt3A_852 = arith.constant 0 : i32
        %lt3A_853 = vector.broadcast %lt3A_852 : i32 to vector<16xi32>
        %lt3A_854 = arith.cmpi slt, %xor3A_69, %lt3A_853 : vector<16xi32>
        %add3A_855 = arith.constant 16 : i32
        %add3A_856 = vector.broadcast %add3A_855 : i32 to vector<16xi32>
        %add3A_857 = arith.addi %xor3A_69, %add3A_856 : vector<16xi32>
        %select_n3A_858 = arith.select %lt3A_854, %add3A_857, %xor3A_69 : vector<16xi1>, vector<16xi32>
        %broadcast_in_dim3A_859 = vector.shape_cast %select_n3A_858 : vector<16xi32> to vector<16x1xi32>
        %gather3A_860 = vector.shape_cast %broadcast_in_dim3A_859 : vector<16x1xi32> to vector<16xi32>
        %gather3A_861 = tpu.dynamic_gather %add3A_851[%gather3A_860] in [0] : vector<16xf32>, vector<16xi32> -> vector<16xf32>
        %add3A_862 = arith.addf %add3A_851, %gather3A_861 : vector<16xf32>
        %mul3A_863 = vector.broadcast %squeeze3A : f32 to vector<16xf32>
        %mul3A_864 = arith.mulf %add3A_862, %mul3A_863 : vector<16xf32>
        %mul3A_865 = arith.mulf %mul3A_818, %mul3A_818 : vector<16xf32>
        %sub3A = arith.subf %mul3A_864, %mul3A_865 : vector<16xf32>
        %add3A_866 = vector.broadcast %squeeze3A_7 : f32 to vector<16xf32>
        %add3A_867 = arith.addf %sub3A, %add3A_866 : vector<16xf32>
        %bitcast_convert_type3A = tpu.bitcast %add3A_867 : vector<16xf32> -> vector<16xi32>
        %shift_right_logical3A = arith.constant 1 : i32
        %shift_right_logical3A_868 = vector.broadcast %shift_right_logical3A : i32 to vector<16xi32>
        %shift_right_logical3A_869 = arith.shrui %bitcast_convert_type3A, %shift_right_logical3A_868 : vector<16xi32>
        %sub3A_870 = arith.constant 1597463007 : i32
        %sub3A_871 = vector.broadcast %sub3A_870 : i32 to vector<16xi32>
        %sub3A_872 = arith.subi %sub3A_871, %shift_right_logical3A_869 : vector<16xi32>
        %bitcast_convert_type3A_873 = tpu.bitcast %sub3A_872 : vector<16xi32> -> vector<16xf32>
        %mul3A_874 = arith.constant 5.000000e-01 : f32
        %mul3A_875 = vector.broadcast %mul3A_874 : f32 to vector<16xf32>
        %mul3A_876 = arith.mulf %mul3A_875, %add3A_867 : vector<16xf32>
        %mul3A_877 = arith.mulf %mul3A_876, %bitcast_convert_type3A_873 : vector<16xf32>
        %mul3A_878 = arith.mulf %mul3A_877, %bitcast_convert_type3A_873 : vector<16xf32>
        %sub3A_879 = arith.constant 1.500000e+00 : f32
        %sub3A_880 = vector.broadcast %sub3A_879 : f32 to vector<16xf32>
        %sub3A_881 = arith.subf %sub3A_880, %mul3A_878 : vector<16xf32>
        %mul3A_882 = arith.mulf %bitcast_convert_type3A_873, %sub3A_881 : vector<16xf32>
        %mul3A_883 = arith.constant 5.000000e-01 : f32
        %mul3A_884 = vector.broadcast %mul3A_883 : f32 to vector<16xf32>
        %mul3A_885 = arith.mulf %mul3A_884, %add3A_867 : vector<16xf32>
        %mul3A_886 = arith.mulf %mul3A_885, %mul3A_882 : vector<16xf32>
        %mul3A_887 = arith.mulf %mul3A_886, %mul3A_882 : vector<16xf32>
        %sub3A_888 = arith.constant 1.500000e+00 : f32
        %sub3A_889 = vector.broadcast %sub3A_888 : f32 to vector<16xf32>
        %sub3A_890 = arith.subf %sub3A_889, %mul3A_887 : vector<16xf32>
        %mul3A_891 = arith.mulf %mul3A_882, %sub3A_890 : vector<16xf32>
        %mul3A_892 = arith.constant 5.000000e-01 : f32
        %mul3A_893 = vector.broadcast %mul3A_892 : f32 to vector<16xf32>
        %mul3A_894 = arith.mulf %mul3A_893, %add3A_867 : vector<16xf32>
        %mul3A_895 = arith.mulf %mul3A_894, %mul3A_891 : vector<16xf32>
        %mul3A_896 = arith.mulf %mul3A_895, %mul3A_891 : vector<16xf32>
        %sub3A_897 = arith.constant 1.500000e+00 : f32
        %sub3A_898 = vector.broadcast %sub3A_897 : f32 to vector<16xf32>
        %sub3A_899 = arith.subf %sub3A_898, %mul3A_896 : vector<16xf32>
        %mul3A_900 = arith.mulf %mul3A_891, %sub3A_899 : vector<16xf32>
        %sub3A_901 = arith.subf %get3A_711, %mul3A_818 : vector<16xf32>
        %mul3A_902 = arith.mulf %sub3A_901, %mul3A_900 : vector<16xf32>
        %mul3A_903 = arith.mulf %mul3A_902, %get3A_13 : vector<16xf32>
        %add3A_904 = arith.addf %mul3A_903, %get3A_37 : vector<16xf32>
        %swap3A_905 = arith.constant 2 : i32
        %swap3A_906 = arith.index_cast %swap3A_905 : i32 to index
        %swap3A_907 = arith.index_cast %scan3A_704 : i32 to index
        %swap3A_908 = arith.constant 0 : index
        %swap3A_909 = tpu.vector_load %arg14[%swap3A_906, %swap3A_907, %swap3A_908] {strides = array<i32>} : memref<4x128x128xf32, #tpu.memory_space<vmem>>, vector<1x1x16xf32>,
        %swap3A_910 = vector.shape_cast %swap3A_909 : vector<1x1x16xf32> to vector<16xf32>
        %swap3A_911 = vector.shape_cast %add3A_904 : vector<16xf32> to vector<1x1x16xf32>
        tpu.vector_store %arg14[%swap3A_906, %swap3A_907, %swap3A_908], %swap3A_911 {strides = array<i32>} : memref<4x128x128xf32, #tpu.memory_space<vmem>>, vector<1x1x16xf32>,
        %sub3A_912 = arith.subf %get3A_717, %mul3A_818 : vector<16xf32>
        %mul3A_913 = arith.mulf %sub3A_912, %mul3A_900 : vector<16xf32>
        %mul3A_914 = arith.mulf %mul3A_913, %get3A_16 : vector<16xf32>
        %add3A_915 = arith.addf %mul3A_914, %get3A_40 : vector<16xf32>
        %swap3A_916 = arith.constant 2 : i32
        %swap3A_917 = arith.index_cast %swap3A_916 : i32 to index
        %swap3A_918 = arith.index_cast %scan3A_704 : i32 to index
        %swap3A_919 = arith.constant 16 : index
        %swap3A_920 = tpu.vector_load %arg14[%swap3A_917, %swap3A_918, %swap3A_919] {strides = array<i32>} : memref<4x128x128xf32, #tpu.memory_space<vmem>>, vector<1x1x16xf32>,
        %swap3A_921 = vector.shape_cast %swap3A_920 : vector<1x1x16xf32> to vector<16xf32>
        %swap3A_922 = vector.shape_cast %add3A_915 : vector<16xf32> to vector<1x1x16xf32>
        tpu.vector_store %arg14[%swap3A_917, %swap3A_918, %swap3A_919], %swap3A_922 {strides = array<i32>} : memref<4x128x128xf32, #tpu.memory_space<vmem>>, vector<1x1x16xf32>,
        %sub3A_923 = arith.subf %get3A_723, %mul3A_818 : vector<16xf32>
        %mul3A_924 = arith.mulf %sub3A_923, %mul3A_900 : vector<16xf32>
        %mul3A_925 = arith.mulf %mul3A_924, %get3A_19 : vector<16xf32>
        %add3A_926 = arith.addf %mul3A_925, %get3A_43 : vector<16xf32>
        %swap3A_927 = arith.constant 2 : i32
        %swap3A_928 = arith.index_cast %swap3A_927 : i32 to index
        %swap3A_929 = arith.index_cast %scan3A_704 : i32 to index
        %swap3A_930 = arith.constant 32 : index
        %swap3A_931 = tpu.vector_load %arg14[%swap3A_928, %swap3A_929, %swap3A_930] {strides = array<i32>} : memref<4x128x128xf32, #tpu.memory_space<vmem>>, vector<1x1x16xf32>,
        %swap3A_932 = vector.shape_cast %swap3A_931 : vector<1x1x16xf32> to vector<16xf32>
        %swap3A_933 = vector.shape_cast %add3A_926 : vector<16xf32> to vector<1x1x16xf32>
        tpu.vector_store %arg14[%swap3A_928, %swap3A_929, %swap3A_930], %swap3A_933 {strides = array<i32>} : memref<4x128x128xf32, #tpu.memory_space<vmem>>, vector<1x1x16xf32>,
        %sub3A_934 = arith.subf %get3A_729, %mul3A_818 : vector<16xf32>
        %mul3A_935 = arith.mulf %sub3A_934, %mul3A_900 : vector<16xf32>
        %mul3A_936 = arith.mulf %mul3A_935, %get3A_22 : vector<16xf32>
        %add3A_937 = arith.addf %mul3A_936, %get3A_46 : vector<16xf32>
        %swap3A_938 = arith.constant 2 : i32
        %swap3A_939 = arith.index_cast %swap3A_938 : i32 to index
        %swap3A_940 = arith.index_cast %scan3A_704 : i32 to index
        %swap3A_941 = arith.constant 48 : index
        %swap3A_942 = tpu.vector_load %arg14[%swap3A_939, %swap3A_940, %swap3A_941] {strides = array<i32>} : memref<4x128x128xf32, #tpu.memory_space<vmem>>, vector<1x1x16xf32>,
        %swap3A_943 = vector.shape_cast %swap3A_942 : vector<1x1x16xf32> to vector<16xf32>
        %swap3A_944 = vector.shape_cast %add3A_937 : vector<16xf32> to vector<1x1x16xf32>
        tpu.vector_store %arg14[%swap3A_939, %swap3A_940, %swap3A_941], %swap3A_944 {strides = array<i32>} : memref<4x128x128xf32, #tpu.memory_space<vmem>>, vector<1x1x16xf32>,
        %sub3A_945 = arith.subf %get3A_735, %mul3A_818 : vector<16xf32>
        %mul3A_946 = arith.mulf %sub3A_945, %mul3A_900 : vector<16xf32>
        %mul3A_947 = arith.mulf %mul3A_946, %get3A_25 : vector<16xf32>
        %add3A_948 = arith.addf %mul3A_947, %get3A_49 : vector<16xf32>
        %swap3A_949 = arith.constant 2 : i32
        %swap3A_950 = arith.index_cast %swap3A_949 : i32 to index
        %swap3A_951 = arith.index_cast %scan3A_704 : i32 to index
        %swap3A_952 = arith.constant 64 : index
        %swap3A_953 = tpu.vector_load %arg14[%swap3A_950, %swap3A_951, %swap3A_952] {strides = array<i32>} : memref<4x128x128xf32, #tpu.memory_space<vmem>>, vector<1x1x16xf32>,
        %swap3A_954 = vector.shape_cast %swap3A_953 : vector<1x1x16xf32> to vector<16xf32>
        %swap3A_955 = vector.shape_cast %add3A_948 : vector<16xf32> to vector<1x1x16xf32>
        tpu.vector_store %arg14[%swap3A_950, %swap3A_951, %swap3A_952], %swap3A_955 {strides = array<i32>} : memref<4x128x128xf32, #tpu.memory_space<vmem>>, vector<1x1x16xf32>,
        %sub3A_956 = arith.subf %get3A_741, %mul3A_818 : vector<16xf32>
        %mul3A_957 = arith.mulf %sub3A_956, %mul3A_900 : vector<16xf32>
        %mul3A_958 = arith.mulf %mul3A_957, %get3A_28 : vector<16xf32>
        %add3A_959 = arith.addf %mul3A_958, %get3A_52 : vector<16xf32>
        %swap3A_960 = arith.constant 2 : i32
        %swap3A_961 = arith.index_cast %swap3A_960 : i32 to index
        %swap3A_962 = arith.index_cast %scan3A_704 : i32 to index
        %swap3A_963 = arith.constant 80 : index
        %swap3A_964 = tpu.vector_load %arg14[%swap3A_961, %swap3A_962, %swap3A_963] {strides = array<i32>} : memref<4x128x128xf32, #tpu.memory_space<vmem>>, vector<1x1x16xf32>,
        %swap3A_965 = vector.shape_cast %swap3A_964 : vector<1x1x16xf32> to vector<16xf32>
        %swap3A_966 = vector.shape_cast %add3A_959 : vector<16xf32> to vector<1x1x16xf32>
        tpu.vector_store %arg14[%swap3A_961, %swap3A_962, %swap3A_963], %swap3A_966 {strides = array<i32>} : memref<4x128x128xf32, #tpu.memory_space<vmem>>, vector<1x1x16xf32>,
        %sub3A_967 = arith.subf %get3A_747, %mul3A_818 : vector<16xf32>
        %mul3A_968 = arith.mulf %sub3A_967, %mul3A_900 : vector<16xf32>
        %mul3A_969 = arith.mulf %mul3A_968, %get3A_31 : vector<16xf32>
        %add3A_970 = arith.addf %mul3A_969, %get3A_55 : vector<16xf32>
        %swap3A_971 = arith.constant 2 : i32
        %swap3A_972 = arith.index_cast %swap3A_971 : i32 to index
        %swap3A_973 = arith.index_cast %scan3A_704 : i32 to index
        %swap3A_974 = arith.constant 96 : index
        %swap3A_975 = tpu.vector_load %arg14[%swap3A_972, %swap3A_973, %swap3A_974] {strides = array<i32>} : memref<4x128x128xf32, #tpu.memory_space<vmem>>, vector<1x1x16xf32>,
        %swap3A_976 = vector.shape_cast %swap3A_975 : vector<1x1x16xf32> to vector<16xf32>
        %swap3A_977 = vector.shape_cast %add3A_970 : vector<16xf32> to vector<1x1x16xf32>
        tpu.vector_store %arg14[%swap3A_972, %swap3A_973, %swap3A_974], %swap3A_977 {strides = array<i32>} : memref<4x128x128xf32, #tpu.memory_space<vmem>>, vector<1x1x16xf32>,
        %sub3A_978 = arith.subf %get3A_753, %mul3A_818 : vector<16xf32>
        %mul3A_979 = arith.mulf %sub3A_978, %mul3A_900 : vector<16xf32>
        %mul3A_980 = arith.mulf %mul3A_979, %get3A_34 : vector<16xf32>
        %add3A_981 = arith.addf %mul3A_980, %get3A_58 : vector<16xf32>
        %swap3A_982 = arith.constant 2 : i32
        %swap3A_983 = arith.index_cast %swap3A_982 : i32 to index
        %swap3A_984 = arith.index_cast %scan3A_704 : i32 to index
        %swap3A_985 = arith.constant 112 : index
        %swap3A_986 = tpu.vector_load %arg14[%swap3A_983, %swap3A_984, %swap3A_985] {strides = array<i32>} : memref<4x128x128xf32, #tpu.memory_space<vmem>>, vector<1x1x16xf32>,
        %swap3A_987 = vector.shape_cast %swap3A_986 : vector<1x1x16xf32> to vector<16xf32>
        %swap3A_988 = vector.shape_cast %add3A_981 : vector<16xf32> to vector<1x1x16xf32>
        tpu.vector_store %arg14[%swap3A_983, %swap3A_984, %swap3A_985], %swap3A_988 {strides = array<i32>} : memref<4x128x128xf32, #tpu.memory_space<vmem>>, vector<1x1x16xf32>,
        %scan3A_989 = arith.constant 0 : i32
        %scan3A_990 = arith.constant 1 : i32
        %scan3A_991 = arith.addi %scan3A_704, %scan3A_990 : i32
        %get3A_992 = arith.constant 2 : i32
        %get3A_993 = arith.index_cast %get3A_992 : i32 to index
        %get3A_994 = arith.index_cast %scan3A_991 : i32 to index
        %get3A_995 = arith.constant 0 : index
        %get3A_996 = tpu.vector_load %arg14[%get3A_993, %get3A_994, %get3A_995] {strides = array<i32>} : memref<4x128x128xf32, #tpu.memory_space<vmem>>, vector<1x1x16xf32>,
        %get3A_997 = vector.shape_cast %get3A_996 : vector<1x1x16xf32> to vector<16xf32>
        %get3A_998 = arith.constant 2 : i32
        %get3A_999 = arith.index_cast %get3A_998 : i32 to index
        %get3A_1000 = arith.index_cast %scan3A_991 : i32 to index
        %get3A_1001 = arith.constant 16 : index
        %get3A_1002 = tpu.vector_load %arg14[%get3A_999, %get3A_1000, %get3A_1001] {strides = array<i32>} : memref<4x128x128xf32, #tpu.memory_space<vmem>>, vector<1x1x16xf32>,
        %get3A_1003 = vector.shape_cast %get3A_1002 : vector<1x1x16xf32> to vector<16xf32>
        %get3A_1004 = arith.constant 2 : i32
        %get3A_1005 = arith.index_cast %get3A_1004 : i32 to index
        %get3A_1006 = arith.index_cast %scan3A_991 : i32 to index
        %get3A_1007 = arith.constant 32 : index
        %get3A_1008 = tpu.vector_load %arg14[%get3A_1005, %get3A_1006, %get3A_1007] {strides = array<i32>} : memref<4x128x128xf32, #tpu.memory_space<vmem>>, vector<1x1x16xf32>,
        %get3A_1009 = vector.shape_cast %get3A_1008 : vector<1x1x16xf32> to vector<16xf32>
        %get3A_1010 = arith.constant 2 : i32
        %get3A_1011 = arith.index_cast %get3A_1010 : i32 to index
        %get3A_1012 = arith.index_cast %scan3A_991 : i32 to index
        %get3A_1013 = arith.constant 48 : index
        %get3A_1014 = tpu.vector_load %arg14[%get3A_1011, %get3A_1012, %get3A_1013] {strides = array<i32>} : memref<4x128x128xf32, #tpu.memory_space<vmem>>, vector<1x1x16xf32>,
        %get3A_1015 = vector.shape_cast %get3A_1014 : vector<1x1x16xf32> to vector<16xf32>
        %get3A_1016 = arith.constant 2 : i32
        %get3A_1017 = arith.index_cast %get3A_1016 : i32 to index
        %get3A_1018 = arith.index_cast %scan3A_991 : i32 to index
        %get3A_1019 = arith.constant 64 : index
        %get3A_1020 = tpu.vector_load %arg14[%get3A_1017, %get3A_1018, %get3A_1019] {strides = array<i32>} : memref<4x128x128xf32, #tpu.memory_space<vmem>>, vector<1x1x16xf32>,
        %get3A_1021 = vector.shape_cast %get3A_1020 : vector<1x1x16xf32> to vector<16xf32>
        %get3A_1022 = arith.constant 2 : i32
        %get3A_1023 = arith.index_cast %get3A_1022 : i32 to index
        %get3A_1024 = arith.index_cast %scan3A_991 : i32 to index
        %get3A_1025 = arith.constant 80 : index
        %get3A_1026 = tpu.vector_load %arg14[%get3A_1023, %get3A_1024, %get3A_1025] {strides = array<i32>} : memref<4x128x128xf32, #tpu.memory_space<vmem>>, vector<1x1x16xf32>,
        %get3A_1027 = vector.shape_cast %get3A_1026 : vector<1x1x16xf32> to vector<16xf32>
        %get3A_1028 = arith.constant 2 : i32
        %get3A_1029 = arith.index_cast %get3A_1028 : i32 to index
        %get3A_1030 = arith.index_cast %scan3A_991 : i32 to index
        %get3A_1031 = arith.constant 96 : index
        %get3A_1032 = tpu.vector_load %arg14[%get3A_1029, %get3A_1030, %get3A_1031] {strides = array<i32>} : memref<4x128x128xf32, #tpu.memory_space<vmem>>, vector<1x1x16xf32>,
        %get3A_1033 = vector.shape_cast %get3A_1032 : vector<1x1x16xf32> to vector<16xf32>
        %get3A_1034 = arith.constant 2 : i32
        %get3A_1035 = arith.index_cast %get3A_1034 : i32 to index
        %get3A_1036 = arith.index_cast %scan3A_991 : i32 to index
        %get3A_1037 = arith.constant 112 : index
        %get3A_1038 = tpu.vector_load %arg14[%get3A_1035, %get3A_1036, %get3A_1037] {strides = array<i32>} : memref<4x128x128xf32, #tpu.memory_space<vmem>>, vector<1x1x16xf32>,
        %get3A_1039 = vector.shape_cast %get3A_1038 : vector<1x1x16xf32> to vector<16xf32>
        %mul3A_1040 = arith.mulf %get3A_997, %get3A_997 : vector<16xf32>
        %add3A_1041 = arith.addf %get3A_997, %get3A_1003 : vector<16xf32>
        %mul3A_1042 = arith.mulf %get3A_1003, %get3A_1003 : vector<16xf32>
        %add3A_1043 = arith.addf %mul3A_1040, %mul3A_1042 : vector<16xf32>
        %add3A_1044 = arith.addf %add3A_1041, %get3A_1009 : vector<16xf32>
        %mul3A_1045 = arith.mulf %get3A_1009, %get3A_1009 : vector<16xf32>
        %add3A_1046 = arith.addf %add3A_1043, %mul3A_1045 : vector<16xf32>
        %add3A_1047 = arith.addf %add3A_1044, %get3A_1015 : vector<16xf32>
        %mul3A_1048 = arith.mulf %get3A_1015, %get3A_1015 : vector<16xf32>
        %add3A_1049 = arith.addf %add3A_1046, %mul3A_1048 : vector<16xf32>
        %add3A_1050 = arith.addf %add3A_1047, %get3A_1021 : vector<16xf32>
        %mul3A_1051 = arith.mulf %get3A_1021, %get3A_1021 : vector<16xf32>
        %add3A_1052 = arith.addf %add3A_1049, %mul3A_1051 : vector<16xf32>
        %add3A_1053 = arith.addf %add3A_1050, %get3A_1027 : vector<16xf32>
        %mul3A_1054 = arith.mulf %get3A_1027, %get3A_1027 : vector<16xf32>
        %add3A_1055 = arith.addf %add3A_1052, %mul3A_1054 : vector<16xf32>
        %add3A_1056 = arith.addf %add3A_1053, %get3A_1033 : vector<16xf32>
        %mul3A_1057 = arith.mulf %get3A_1033, %get3A_1033 : vector<16xf32>
        %add3A_1058 = arith.addf %add3A_1055, %mul3A_1057 : vector<16xf32>
        %add3A_1059 = arith.addf %add3A_1056, %get3A_1039 : vector<16xf32>
        %mul3A_1060 = arith.mulf %get3A_1039, %get3A_1039 : vector<16xf32>
        %add3A_1061 = arith.addf %add3A_1058, %mul3A_1060 : vector<16xf32>
        %lt3A_1062 = arith.constant 0 : i32
        %lt3A_1063 = vector.broadcast %lt3A_1062 : i32 to vector<16xi32>
        %lt3A_1064 = arith.cmpi slt, %xor3A_60, %lt3A_1063 : vector<16xi32>
        %add3A_1065 = arith.constant 16 : i32
        %add3A_1066 = vector.broadcast %add3A_1065 : i32 to vector<16xi32>
        %add3A_1067 = arith.addi %xor3A_60, %add3A_1066 : vector<16xi32>
        %select_n3A_1068 = arith.select %lt3A_1064, %add3A_1067, %xor3A_60 : vector<16xi1>, vector<16xi32>
        %broadcast_in_dim3A_1069 = vector.shape_cast %select_n3A_1068 : vector<16xi32> to vector<16x1xi32>
        %gather3A_1070 = vector.shape_cast %broadcast_in_dim3A_1069 : vector<16x1xi32> to vector<16xi32>
        %gather3A_1071 = tpu.dynamic_gather %add3A_1059[%gather3A_1070] in [0] : vector<16xf32>, vector<16xi32> -> vector<16xf32>
        %add3A_1072 = arith.addf %add3A_1059, %gather3A_1071 : vector<16xf32>
        %lt3A_1073 = arith.constant 0 : i32
        %lt3A_1074 = vector.broadcast %lt3A_1073 : i32 to vector<16xi32>
        %lt3A_1075 = arith.cmpi slt, %xor3A_63, %lt3A_1074 : vector<16xi32>
        %add3A_1076 = arith.constant 16 : i32
        %add3A_1077 = vector.broadcast %add3A_1076 : i32 to vector<16xi32>
        %add3A_1078 = arith.addi %xor3A_63, %add3A_1077 : vector<16xi32>
        %select_n3A_1079 = arith.select %lt3A_1075, %add3A_1078, %xor3A_63 : vector<16xi1>, vector<16xi32>
        %broadcast_in_dim3A_1080 = vector.shape_cast %select_n3A_1079 : vector<16xi32> to vector<16x1xi32>
        %gather3A_1081 = vector.shape_cast %broadcast_in_dim3A_1080 : vector<16x1xi32> to vector<16xi32>
        %gather3A_1082 = tpu.dynamic_gather %add3A_1072[%gather3A_1081] in [0] : vector<16xf32>, vector<16xi32> -> vector<16xf32>
        %add3A_1083 = arith.addf %add3A_1072, %gather3A_1082 : vector<16xf32>
        %lt3A_1084 = arith.constant 0 : i32
        %lt3A_1085 = vector.broadcast %lt3A_1084 : i32 to vector<16xi32>
        %lt3A_1086 = arith.cmpi slt, %xor3A_66, %lt3A_1085 : vector<16xi32>
        %add3A_1087 = arith.constant 16 : i32
        %add3A_1088 = vector.broadcast %add3A_1087 : i32 to vector<16xi32>
        %add3A_1089 = arith.addi %xor3A_66, %add3A_1088 : vector<16xi32>
        %select_n3A_1090 = arith.select %lt3A_1086, %add3A_1089, %xor3A_66 : vector<16xi1>, vector<16xi32>
        %broadcast_in_dim3A_1091 = vector.shape_cast %select_n3A_1090 : vector<16xi32> to vector<16x1xi32>
        %gather3A_1092 = vector.shape_cast %broadcast_in_dim3A_1091 : vector<16x1xi32> to vector<16xi32>
        %gather3A_1093 = tpu.dynamic_gather %add3A_1083[%gather3A_1092] in [0] : vector<16xf32>, vector<16xi32> -> vector<16xf32>
        %add3A_1094 = arith.addf %add3A_1083, %gather3A_1093 : vector<16xf32>
        %lt3A_1095 = arith.constant 0 : i32
        %lt3A_1096 = vector.broadcast %lt3A_1095 : i32 to vector<16xi32>
        %lt3A_1097 = arith.cmpi slt, %xor3A_69, %lt3A_1096 : vector<16xi32>
        %add3A_1098 = arith.constant 16 : i32
        %add3A_1099 = vector.broadcast %add3A_1098 : i32 to vector<16xi32>
        %add3A_1100 = arith.addi %xor3A_69, %add3A_1099 : vector<16xi32>
        %select_n3A_1101 = arith.select %lt3A_1097, %add3A_1100, %xor3A_69 : vector<16xi1>, vector<16xi32>
        %broadcast_in_dim3A_1102 = vector.shape_cast %select_n3A_1101 : vector<16xi32> to vector<16x1xi32>
        %gather3A_1103 = vector.shape_cast %broadcast_in_dim3A_1102 : vector<16x1xi32> to vector<16xi32>
        %gather3A_1104 = tpu.dynamic_gather %add3A_1094[%gather3A_1103] in [0] : vector<16xf32>, vector<16xi32> -> vector<16xf32>
        %add3A_1105 = arith.addf %add3A_1094, %gather3A_1104 : vector<16xf32>
        %mul3A_1106 = vector.broadcast %squeeze3A : f32 to vector<16xf32>
        %mul3A_1107 = arith.mulf %add3A_1105, %mul3A_1106 : vector<16xf32>
        %lt3A_1108 = arith.constant 0 : i32
        %lt3A_1109 = vector.broadcast %lt3A_1108 : i32 to vector<16xi32>
        %lt3A_1110 = arith.cmpi slt, %xor3A_60, %lt3A_1109 : vector<16xi32>
        %add3A_1111 = arith.constant 16 : i32
        %add3A_1112 = vector.broadcast %add3A_1111 : i32 to vector<16xi32>
        %add3A_1113 = arith.addi %xor3A_60, %add3A_1112 : vector<16xi32>
        %select_n3A_1114 = arith.select %lt3A_1110, %add3A_1113, %xor3A_60 : vector<16xi1>, vector<16xi32>
        %broadcast_in_dim3A_1115 = vector.shape_cast %select_n3A_1114 : vector<16xi32> to vector<16x1xi32>
        %gather3A_1116 = vector.shape_cast %broadcast_in_dim3A_1115 : vector<16x1xi32> to vector<16xi32>
        %gather3A_1117 = tpu.dynamic_gather %add3A_1061[%gather3A_1116] in [0] : vector<16xf32>, vector<16xi32> -> vector<16xf32>
        %add3A_1118 = arith.addf %add3A_1061, %gather3A_1117 : vector<16xf32>
        %lt3A_1119 = arith.constant 0 : i32
        %lt3A_1120 = vector.broadcast %lt3A_1119 : i32 to vector<16xi32>
        %lt3A_1121 = arith.cmpi slt, %xor3A_63, %lt3A_1120 : vector<16xi32>
        %add3A_1122 = arith.constant 16 : i32
        %add3A_1123 = vector.broadcast %add3A_1122 : i32 to vector<16xi32>
        %add3A_1124 = arith.addi %xor3A_63, %add3A_1123 : vector<16xi32>
        %select_n3A_1125 = arith.select %lt3A_1121, %add3A_1124, %xor3A_63 : vector<16xi1>, vector<16xi32>
        %broadcast_in_dim3A_1126 = vector.shape_cast %select_n3A_1125 : vector<16xi32> to vector<16x1xi32>
        %gather3A_1127 = vector.shape_cast %broadcast_in_dim3A_1126 : vector<16x1xi32> to vector<16xi32>
        %gather3A_1128 = tpu.dynamic_gather %add3A_1118[%gather3A_1127] in [0] : vector<16xf32>, vector<16xi32> -> vector<16xf32>
        %add3A_1129 = arith.addf %add3A_1118, %gather3A_1128 : vector<16xf32>
        %lt3A_1130 = arith.constant 0 : i32
        %lt3A_1131 = vector.broadcast %lt3A_1130 : i32 to vector<16xi32>
        %lt3A_1132 = arith.cmpi slt, %xor3A_66, %lt3A_1131 : vector<16xi32>
        %add3A_1133 = arith.constant 16 : i32
        %add3A_1134 = vector.broadcast %add3A_1133 : i32 to vector<16xi32>
        %add3A_1135 = arith.addi %xor3A_66, %add3A_1134 : vector<16xi32>
        %select_n3A_1136 = arith.select %lt3A_1132, %add3A_1135, %xor3A_66 : vector<16xi1>, vector<16xi32>
        %broadcast_in_dim3A_1137 = vector.shape_cast %select_n3A_1136 : vector<16xi32> to vector<16x1xi32>
        %gather3A_1138 = vector.shape_cast %broadcast_in_dim3A_1137 : vector<16x1xi32> to vector<16xi32>
        %gather3A_1139 = tpu.dynamic_gather %add3A_1129[%gather3A_1138] in [0] : vector<16xf32>, vector<16xi32> -> vector<16xf32>
        %add3A_1140 = arith.addf %add3A_1129, %gather3A_1139 : vector<16xf32>
        %lt3A_1141 = arith.constant 0 : i32
        %lt3A_1142 = vector.broadcast %lt3A_1141 : i32 to vector<16xi32>
        %lt3A_1143 = arith.cmpi slt, %xor3A_69, %lt3A_1142 : vector<16xi32>
        %add3A_1144 = arith.constant 16 : i32
        %add3A_1145 = vector.broadcast %add3A_1144 : i32 to vector<16xi32>
        %add3A_1146 = arith.addi %xor3A_69, %add3A_1145 : vector<16xi32>
        %select_n3A_1147 = arith.select %lt3A_1143, %add3A_1146, %xor3A_69 : vector<16xi1>, vector<16xi32>
        %broadcast_in_dim3A_1148 = vector.shape_cast %select_n3A_1147 : vector<16xi32> to vector<16x1xi32>
        %gather3A_1149 = vector.shape_cast %broadcast_in_dim3A_1148 : vector<16x1xi32> to vector<16xi32>
        %gather3A_1150 = tpu.dynamic_gather %add3A_1140[%gather3A_1149] in [0] : vector<16xf32>, vector<16xi32> -> vector<16xf32>
        %add3A_1151 = arith.addf %add3A_1140, %gather3A_1150 : vector<16xf32>
        %mul3A_1152 = vector.broadcast %squeeze3A : f32 to vector<16xf32>
        %mul3A_1153 = arith.mulf %add3A_1151, %mul3A_1152 : vector<16xf32>
        %mul3A_1154 = arith.mulf %mul3A_1107, %mul3A_1107 : vector<16xf32>
        %sub3A_1155 = arith.subf %mul3A_1153, %mul3A_1154 : vector<16xf32>
        %add3A_1156 = vector.broadcast %squeeze3A_7 : f32 to vector<16xf32>
        %add3A_1157 = arith.addf %sub3A_1155, %add3A_1156 : vector<16xf32>
        %bitcast_convert_type3A_1158 = tpu.bitcast %add3A_1157 : vector<16xf32> -> vector<16xi32>
        %shift_right_logical3A_1159 = arith.constant 1 : i32
        %shift_right_logical3A_1160 = vector.broadcast %shift_right_logical3A_1159 : i32 to vector<16xi32>
        %shift_right_logical3A_1161 = arith.shrui %bitcast_convert_type3A_1158, %shift_right_logical3A_1160 : vector<16xi32>
        %sub3A_1162 = arith.constant 1597463007 : i32
        %sub3A_1163 = vector.broadcast %sub3A_1162 : i32 to vector<16xi32>
        %sub3A_1164 = arith.subi %sub3A_1163, %shift_right_logical3A_1161 : vector<16xi32>
        %bitcast_convert_type3A_1165 = tpu.bitcast %sub3A_1164 : vector<16xi32> -> vector<16xf32>
        %mul3A_1166 = arith.constant 5.000000e-01 : f32
        %mul3A_1167 = vector.broadcast %mul3A_1166 : f32 to vector<16xf32>
        %mul3A_1168 = arith.mulf %mul3A_1167, %add3A_1157 : vector<16xf32>
        %mul3A_1169 = arith.mulf %mul3A_1168, %bitcast_convert_type3A_1165 : vector<16xf32>
        %mul3A_1170 = arith.mulf %mul3A_1169, %bitcast_convert_type3A_1165 : vector<16xf32>
        %sub3A_1171 = arith.constant 1.500000e+00 : f32
        %sub3A_1172 = vector.broadcast %sub3A_1171 : f32 to vector<16xf32>
        %sub3A_1173 = arith.subf %sub3A_1172, %mul3A_1170 : vector<16xf32>
        %mul3A_1174 = arith.mulf %bitcast_convert_type3A_1165, %sub3A_1173 : vector<16xf32>
        %mul3A_1175 = arith.constant 5.000000e-01 : f32
        %mul3A_1176 = vector.broadcast %mul3A_1175 : f32 to vector<16xf32>
        %mul3A_1177 = arith.mulf %mul3A_1176, %add3A_1157 : vector<16xf32>
        %mul3A_1178 = arith.mulf %mul3A_1177, %mul3A_1174 : vector<16xf32>
        %mul3A_1179 = arith.mulf %mul3A_1178, %mul3A_1174 : vector<16xf32>
        %sub3A_1180 = arith.constant 1.500000e+00 : f32
        %sub3A_1181 = vector.broadcast %sub3A_1180 : f32 to vector<16xf32>
        %sub3A_1182 = arith.subf %sub3A_1181, %mul3A_1179 : vector<16xf32>
        %mul3A_1183 = arith.mulf %mul3A_1174, %sub3A_1182 : vector<16xf32>
        %mul3A_1184 = arith.constant 5.000000e-01 : f32
        %mul3A_1185 = vector.broadcast %mul3A_1184 : f32 to vector<16xf32>
        %mul3A_1186 = arith.mulf %mul3A_1185, %add3A_1157 : vector<16xf32>
        %mul3A_1187 = arith.mulf %mul3A_1186, %mul3A_1183 : vector<16xf32>
        %mul3A_1188 = arith.mulf %mul3A_1187, %mul3A_1183 : vector<16xf32>
        %sub3A_1189 = arith.constant 1.500000e+00 : f32
        %sub3A_1190 = vector.broadcast %sub3A_1189 : f32 to vector<16xf32>
        %sub3A_1191 = arith.subf %sub3A_1190, %mul3A_1188 : vector<16xf32>
        %mul3A_1192 = arith.mulf %mul3A_1183, %sub3A_1191 : vector<16xf32>
        %sub3A_1193 = arith.subf %get3A_997, %mul3A_1107 : vector<16xf32>
        %mul3A_1194 = arith.mulf %sub3A_1193, %mul3A_1192 : vector<16xf32>
        %mul3A_1195 = arith.mulf %mul3A_1194, %get3A_13 : vector<16xf32>
        %add3A_1196 = arith.addf %mul3A_1195, %get3A_37 : vector<16xf32>
        %swap3A_1197 = arith.constant 2 : i32
        %swap3A_1198 = arith.index_cast %swap3A_1197 : i32 to index
        %swap3A_1199 = arith.index_cast %scan3A_991 : i32 to index
        %swap3A_1200 = arith.constant 0 : index
        %swap3A_1201 = tpu.vector_load %arg14[%swap3A_1198, %swap3A_1199, %swap3A_1200] {strides = array<i32>} : memref<4x128x128xf32, #tpu.memory_space<vmem>>, vector<1x1x16xf32>,
        %swap3A_1202 = vector.shape_cast %swap3A_1201 : vector<1x1x16xf32> to vector<16xf32>
        %swap3A_1203 = vector.shape_cast %add3A_1196 : vector<16xf32> to vector<1x1x16xf32>
        tpu.vector_store %arg14[%swap3A_1198, %swap3A_1199, %swap3A_1200], %swap3A_1203 {strides = array<i32>} : memref<4x128x128xf32, #tpu.memory_space<vmem>>, vector<1x1x16xf32>,
        %sub3A_1204 = arith.subf %get3A_1003, %mul3A_1107 : vector<16xf32>
        %mul3A_1205 = arith.mulf %sub3A_1204, %mul3A_1192 : vector<16xf32>
        %mul3A_1206 = arith.mulf %mul3A_1205, %get3A_16 : vector<16xf32>
        %add3A_1207 = arith.addf %mul3A_1206, %get3A_40 : vector<16xf32>
        %swap3A_1208 = arith.constant 2 : i32
        %swap3A_1209 = arith.index_cast %swap3A_1208 : i32 to index
        %swap3A_1210 = arith.index_cast %scan3A_991 : i32 to index
        %swap3A_1211 = arith.constant 16 : index
        %swap3A_1212 = tpu.vector_load %arg14[%swap3A_1209, %swap3A_1210, %swap3A_1211] {strides = array<i32>} : memref<4x128x128xf32, #tpu.memory_space<vmem>>, vector<1x1x16xf32>,
        %swap3A_1213 = vector.shape_cast %swap3A_1212 : vector<1x1x16xf32> to vector<16xf32>
        %swap3A_1214 = vector.shape_cast %add3A_1207 : vector<16xf32> to vector<1x1x16xf32>
        tpu.vector_store %arg14[%swap3A_1209, %swap3A_1210, %swap3A_1211], %swap3A_1214 {strides = array<i32>} : memref<4x128x128xf32, #tpu.memory_space<vmem>>, vector<1x1x16xf32>,
        %sub3A_1215 = arith.subf %get3A_1009, %mul3A_1107 : vector<16xf32>
        %mul3A_1216 = arith.mulf %sub3A_1215, %mul3A_1192 : vector<16xf32>
        %mul3A_1217 = arith.mulf %mul3A_1216, %get3A_19 : vector<16xf32>
        %add3A_1218 = arith.addf %mul3A_1217, %get3A_43 : vector<16xf32>
        %swap3A_1219 = arith.constant 2 : i32
        %swap3A_1220 = arith.index_cast %swap3A_1219 : i32 to index
        %swap3A_1221 = arith.index_cast %scan3A_991 : i32 to index
        %swap3A_1222 = arith.constant 32 : index
        %swap3A_1223 = tpu.vector_load %arg14[%swap3A_1220, %swap3A_1221, %swap3A_1222] {strides = array<i32>} : memref<4x128x128xf32, #tpu.memory_space<vmem>>, vector<1x1x16xf32>,
        %swap3A_1224 = vector.shape_cast %swap3A_1223 : vector<1x1x16xf32> to vector<16xf32>
        %swap3A_1225 = vector.shape_cast %add3A_1218 : vector<16xf32> to vector<1x1x16xf32>
        tpu.vector_store %arg14[%swap3A_1220, %swap3A_1221, %swap3A_1222], %swap3A_1225 {strides = array<i32>} : memref<4x128x128xf32, #tpu.memory_space<vmem>>, vector<1x1x16xf32>,
        %sub3A_1226 = arith.subf %get3A_1015, %mul3A_1107 : vector<16xf32>
        %mul3A_1227 = arith.mulf %sub3A_1226, %mul3A_1192 : vector<16xf32>
        %mul3A_1228 = arith.mulf %mul3A_1227, %get3A_22 : vector<16xf32>
        %add3A_1229 = arith.addf %mul3A_1228, %get3A_46 : vector<16xf32>
        %swap3A_1230 = arith.constant 2 : i32
        %swap3A_1231 = arith.index_cast %swap3A_1230 : i32 to index
        %swap3A_1232 = arith.index_cast %scan3A_991 : i32 to index
        %swap3A_1233 = arith.constant 48 : index
        %swap3A_1234 = tpu.vector_load %arg14[%swap3A_1231, %swap3A_1232, %swap3A_1233] {strides = array<i32>} : memref<4x128x128xf32, #tpu.memory_space<vmem>>, vector<1x1x16xf32>,
        %swap3A_1235 = vector.shape_cast %swap3A_1234 : vector<1x1x16xf32> to vector<16xf32>
        %swap3A_1236 = vector.shape_cast %add3A_1229 : vector<16xf32> to vector<1x1x16xf32>
        tpu.vector_store %arg14[%swap3A_1231, %swap3A_1232, %swap3A_1233], %swap3A_1236 {strides = array<i32>} : memref<4x128x128xf32, #tpu.memory_space<vmem>>, vector<1x1x16xf32>,
        %sub3A_1237 = arith.subf %get3A_1021, %mul3A_1107 : vector<16xf32>
        %mul3A_1238 = arith.mulf %sub3A_1237, %mul3A_1192 : vector<16xf32>
        %mul3A_1239 = arith.mulf %mul3A_1238, %get3A_25 : vector<16xf32>
        %add3A_1240 = arith.addf %mul3A_1239, %get3A_49 : vector<16xf32>
        %swap3A_1241 = arith.constant 2 : i32
        %swap3A_1242 = arith.index_cast %swap3A_1241 : i32 to index
        %swap3A_1243 = arith.index_cast %scan3A_991 : i32 to index
        %swap3A_1244 = arith.constant 64 : index
        %swap3A_1245 = tpu.vector_load %arg14[%swap3A_1242, %swap3A_1243, %swap3A_1244] {strides = array<i32>} : memref<4x128x128xf32, #tpu.memory_space<vmem>>, vector<1x1x16xf32>,
        %swap3A_1246 = vector.shape_cast %swap3A_1245 : vector<1x1x16xf32> to vector<16xf32>
        %swap3A_1247 = vector.shape_cast %add3A_1240 : vector<16xf32> to vector<1x1x16xf32>
        tpu.vector_store %arg14[%swap3A_1242, %swap3A_1243, %swap3A_1244], %swap3A_1247 {strides = array<i32>} : memref<4x128x128xf32, #tpu.memory_space<vmem>>, vector<1x1x16xf32>,
        %sub3A_1248 = arith.subf %get3A_1027, %mul3A_1107 : vector<16xf32>
        %mul3A_1249 = arith.mulf %sub3A_1248, %mul3A_1192 : vector<16xf32>
        %mul3A_1250 = arith.mulf %mul3A_1249, %get3A_28 : vector<16xf32>
        %add3A_1251 = arith.addf %mul3A_1250, %get3A_52 : vector<16xf32>
        %swap3A_1252 = arith.constant 2 : i32
        %swap3A_1253 = arith.index_cast %swap3A_1252 : i32 to index
        %swap3A_1254 = arith.index_cast %scan3A_991 : i32 to index
        %swap3A_1255 = arith.constant 80 : index
        %swap3A_1256 = tpu.vector_load %arg14[%swap3A_1253, %swap3A_1254, %swap3A_1255] {strides = array<i32>} : memref<4x128x128xf32, #tpu.memory_space<vmem>>, vector<1x1x16xf32>,
        %swap3A_1257 = vector.shape_cast %swap3A_1256 : vector<1x1x16xf32> to vector<16xf32>
        %swap3A_1258 = vector.shape_cast %add3A_1251 : vector<16xf32> to vector<1x1x16xf32>
        tpu.vector_store %arg14[%swap3A_1253, %swap3A_1254, %swap3A_1255], %swap3A_1258 {strides = array<i32>} : memref<4x128x128xf32, #tpu.memory_space<vmem>>, vector<1x1x16xf32>,
        %sub3A_1259 = arith.subf %get3A_1033, %mul3A_1107 : vector<16xf32>
        %mul3A_1260 = arith.mulf %sub3A_1259, %mul3A_1192 : vector<16xf32>
        %mul3A_1261 = arith.mulf %mul3A_1260, %get3A_31 : vector<16xf32>
        %add3A_1262 = arith.addf %mul3A_1261, %get3A_55 : vector<16xf32>
        %swap3A_1263 = arith.constant 2 : i32
        %swap3A_1264 = arith.index_cast %swap3A_1263 : i32 to index
        %swap3A_1265 = arith.index_cast %scan3A_991 : i32 to index
        %swap3A_1266 = arith.constant 96 : index
        %swap3A_1267 = tpu.vector_load %arg14[%swap3A_1264, %swap3A_1265, %swap3A_1266] {strides = array<i32>} : memref<4x128x128xf32, #tpu.memory_space<vmem>>, vector<1x1x16xf32>,
        %swap3A_1268 = vector.shape_cast %swap3A_1267 : vector<1x1x16xf32> to vector<16xf32>
        %swap3A_1269 = vector.shape_cast %add3A_1262 : vector<16xf32> to vector<1x1x16xf32>
        tpu.vector_store %arg14[%swap3A_1264, %swap3A_1265, %swap3A_1266], %swap3A_1269 {strides = array<i32>} : memref<4x128x128xf32, #tpu.memory_space<vmem>>, vector<1x1x16xf32>,
        %sub3A_1270 = arith.subf %get3A_1039, %mul3A_1107 : vector<16xf32>
        %mul3A_1271 = arith.mulf %sub3A_1270, %mul3A_1192 : vector<16xf32>
        %mul3A_1272 = arith.mulf %mul3A_1271, %get3A_34 : vector<16xf32>
        %add3A_1273 = arith.addf %mul3A_1272, %get3A_58 : vector<16xf32>
        %swap3A_1274 = arith.constant 2 : i32
        %swap3A_1275 = arith.index_cast %swap3A_1274 : i32 to index
        %swap3A_1276 = arith.index_cast %scan3A_991 : i32 to index
        %swap3A_1277 = arith.constant 112 : index
        %swap3A_1278 = tpu.vector_load %arg14[%swap3A_1275, %swap3A_1276, %swap3A_1277] {strides = array<i32>} : memref<4x128x128xf32, #tpu.memory_space<vmem>>, vector<1x1x16xf32>,
        %swap3A_1279 = vector.shape_cast %swap3A_1278 : vector<1x1x16xf32> to vector<16xf32>
        %swap3A_1280 = vector.shape_cast %add3A_1273 : vector<16xf32> to vector<1x1x16xf32>
        tpu.vector_store %arg14[%swap3A_1275, %swap3A_1276, %swap3A_1277], %swap3A_1280 {strides = array<i32>} : memref<4x128x128xf32, #tpu.memory_space<vmem>>, vector<1x1x16xf32>,
        %scan3A_1281 = arith.constant 0 : i32
        scf.yield %scan3A_1281 : i32
      }
      %scan3A_635 = arith.constant 128 : i32
      %mul3A_636 = arith.constant 128 : i32
      %mul3A_637 = arith.muli %add3A_602, %mul3A_636 : i32
      %add3A_638 = arith.addi %mul3A_10, %mul3A_637 : i32
      %dma_start3A_639 = arith.constant 2 : i32
      %dma_start3A_640 = arith.constant 0 : i32
      %dma_start3A_641 = arith.constant 0 : i32
      %dma_start3A_642 = tpu.memref_slice %arg14[%dma_start3A_639, %dma_start3A_640, %dma_start3A_641] : memref<4x128x128xf32, #tpu.memory_space<vmem>> -> memref<1x128x128xf32, #tpu.memory_space<vmem>>
      %dma_start3A_643 = tpu.memref_squeeze %dma_start3A_642 : memref<1x128x128xf32, #tpu.memory_space<vmem>> -> memref<128x128xf32, #tpu.memory_space<vmem>>
      %dma_start3A_644 = arith.constant 0 : i32
      %dma_start3A_645 = tpu.memref_slice %arg10[%add3A_638, %dma_start3A_644] : memref<524288x128xf32, #tpu.memory_space<hbm>> -> memref<128x128xf32, #tpu.memory_space<hbm>>
      %dma_start3A_646 = arith.constant 0 : i32
      %dma_start3A_647 = tpu.memref_slice %arg10[%add3A_638, %dma_start3A_646] : memref<524288x128xf32, #tpu.memory_space<hbm>> -> memref<128x128xf32, #tpu.memory_space<hbm>>
      %dma_start3A_648 = arith.constant 0 : i32
      %dma_start3A_649 = arith.constant 0 : i32
      %dma_start3A_650 = tpu.memref_slice %arg14[%dma_start3A_639, %dma_start3A_648, %dma_start3A_649] : memref<4x128x128xf32, #tpu.memory_space<vmem>> -> memref<1x128x128xf32, #tpu.memory_space<vmem>>
      %dma_start3A_651 = tpu.memref_squeeze %dma_start3A_650 : memref<1x128x128xf32, #tpu.memory_space<vmem>> -> memref<128x128xf32, #tpu.memory_space<vmem>>
      tpu.enqueue_dma source(%dma_start3A_651 : memref<128x128xf32, #tpu.memory_space<vmem>>) target(%dma_start3A_647 : memref<128x128xf32, #tpu.memory_space<hbm>>) target_semaphore(%arg27 : memref<!tpu.dma_semaphore, #tpu.memory_space<semaphore_mem>>)
      %add3A_652 = arith.constant 3 : i32
      %add3A_653 = arith.addi %mul3A_501, %add3A_652 : i32
      %add3A_654 = arith.constant 1 : i32
      %add3A_655 = arith.addi %add3A_653, %add3A_654 : i32
      %lt3A_656 = arith.constant 128 : i32
      %lt3A_657 = arith.cmpi slt, %add3A_655, %lt3A_656 : i32
      %convert_element_type3A_658 = arith.extui %lt3A_657 : i1 to i32
      %cond3A_659 = arith.constant 0 : i32
      %cond3A_660 = arith.cmpi ne, %convert_element_type3A_658, %cond3A_659 : i32
      scf.if %cond3A_660 {
        %add3A_704 = arith.constant 1 : i32
        %add3A_705 = arith.addi %add3A_653, %add3A_704 : i32
        %mul3A_706 = arith.constant 128 : i32
        %mul3A_707 = arith.muli %add3A_705, %mul3A_706 : i32
        %dma_wait3A_708 = arith.constant 0 : i32
        %dma_wait3A_709 = arith.constant 0 : i32
        %dma_wait3A_710 = arith.constant 0 : i32
        %dma_wait3A_711 = tpu.memref_slice %arg14[%dma_wait3A_708, %dma_wait3A_709, %dma_wait3A_710] : memref<4x128x128xf32, #tpu.memory_space<vmem>> -> memref<1x128x128xf32, #tpu.memory_space<vmem>>
        %dma_wait3A_712 = tpu.memref_squeeze %dma_wait3A_711 : memref<1x128x128xf32, #tpu.memory_space<vmem>> -> memref<128x128xf32, #tpu.memory_space<vmem>>
        %dma_wait3A_713 = tpu.memref_slice %arg11[%mul3A_707] : memref<16384xi32, #tpu.memory_space<vmem>> -> memref<128xi32, #tpu.memory_space<vmem>>
        %dma_wait3A_714 = arith.constant 0 : i32
        %dma_wait3A_715 = arith.constant 0 : i32
        %dma_wait3A_716 = tpu.memref_slice %arg4[%dma_wait3A_714, %dma_wait3A_715] : memref<100000x128xf32, #tpu.memory_space<hbm>> -> memref<100000x128xf32, #tpu.memory_space<hbm>>
        tpu.wait_indirect_dma semaphore(%arg17 : memref<!tpu.dma_semaphore, #tpu.memory_space<semaphore_mem>>) src(%dma_wait3A_716 : memref<100000x128xf32, #tpu.memory_space<hbm>>) dst(%dma_wait3A_712 : memref<128x128xf32, #tpu.memory_space<vmem>>)
        %dma_start3A_717 = arith.constant 0 : i32
        %dma_start3A_718 = arith.constant 0 : i32
        %dma_start3A_719 = arith.constant 0 : i32
        %dma_start3A_720 = arith.constant 0 : i32
        %dma_start3A_721 = tpu.memref_slice %arg14[%dma_start3A_718, %dma_start3A_719, %dma_start3A_720] : memref<4x128x128xf32, #tpu.memory_space<vmem>> -> memref<1x128x128xf32, #tpu.memory_space<vmem>>
        %dma_start3A_722 = tpu.memref_squeeze %dma_start3A_721 : memref<1x128x128xf32, #tpu.memory_space<vmem>> -> memref<128x128xf32, #tpu.memory_space<vmem>>
        %dma_start3A_723 = arith.constant 0 : i32
        %dma_start3A_724 = tpu.memref_slice %arg13[%dma_start3A_717, %dma_start3A_723] : memref<4x128xi32, #tpu.memory_space<vmem>> -> memref<1x128xi32, #tpu.memory_space<vmem>>
        %dma_start3A_725 = tpu.memref_squeeze %dma_start3A_724 : memref<1x128xi32, #tpu.memory_space<vmem>> -> memref<128xi32, #tpu.memory_space<vmem>>
        %dma_start3A_726 = arith.constant 0 : i32
        %dma_start3A_727 = arith.constant 0 : i32
        %dma_start3A_728 = tpu.memref_slice %arg5[%dma_start3A_726, %dma_start3A_727] : memref<1024x128xf32, #tpu.memory_space<hbm>> -> memref<1024x128xf32, #tpu.memory_space<hbm>>
        tpu.enqueue_indirect_dma source(%dma_start3A_728 : memref<1024x128xf32, #tpu.memory_space<hbm>>) target(%dma_start3A_722 : memref<128x128xf32, #tpu.memory_space<vmem>>) offsets(%dma_start3A_725 : memref<128xi32, #tpu.memory_space<vmem>>) semaphore(%arg21 : memref<!tpu.dma_semaphore, #tpu.memory_space<semaphore_mem>>) {add = true}
      } else {
      }
      %add3A_661 = arith.constant 2 : i32
      %add3A_662 = arith.addi %add3A_653, %add3A_661 : i32
      %lt3A_663 = arith.constant 128 : i32
      %lt3A_664 = arith.cmpi slt, %add3A_662, %lt3A_663 : i32
      %convert_element_type3A_665 = arith.extui %lt3A_664 : i1 to i32
      %cond3A_666 = arith.constant 0 : i32
      %cond3A_667 = arith.cmpi ne, %convert_element_type3A_665, %cond3A_666 : i32
      scf.if %cond3A_667 {
        %ge3A = arith.constant 2 : i32
        %ge3A_704 = arith.cmpi sge, %add3A_653, %ge3A : i32
        %convert_element_type3A_705 = arith.extui %ge3A_704 : i1 to i32
        %cond3A_706 = arith.constant 0 : i32
        %cond3A_707 = arith.cmpi ne, %convert_element_type3A_705, %cond3A_706 : i32
        scf.if %cond3A_707 {
          %sub3A = arith.constant 2 : i32
          %sub3A_898 = arith.subi %add3A_653, %sub3A : i32
          %mul3A_899 = arith.constant 128 : i32
          %mul3A_900 = arith.muli %sub3A_898, %mul3A_899 : i32
          %add3A_901 = arith.addi %mul3A_10, %mul3A_900 : i32
          %dma_wait3A_902 = arith.constant 1 : i32
          %dma_wait3A_903 = arith.constant 0 : i32
          %dma_wait3A_904 = arith.constant 0 : i32
          %dma_wait3A_905 = tpu.memref_slice %arg14[%dma_wait3A_902, %dma_wait3A_903, %dma_wait3A_904] : memref<4x128x128xf32, #tpu.memory_space<vmem>> -> memref<1x128x128xf32, #tpu.memory_space<vmem>>
          %dma_wait3A_906 = tpu.memref_squeeze %dma_wait3A_905 : memref<1x128x128xf32, #tpu.memory_space<vmem>> -> memref<128x128xf32, #tpu.memory_space<vmem>>
          %dma_wait3A_907 = arith.constant 0 : i32
          %dma_wait3A_908 = tpu.memref_slice %arg10[%add3A_901, %dma_wait3A_907] : memref<524288x128xf32, #tpu.memory_space<hbm>> -> memref<128x128xf32, #tpu.memory_space<hbm>>
          %dma_wait3A_909 = arith.constant 0 : i32
          %dma_wait3A_910 = tpu.memref_slice %arg10[%add3A_901, %dma_wait3A_909] : memref<524288x128xf32, #tpu.memory_space<hbm>> -> memref<128x128xf32, #tpu.memory_space<hbm>>
          %dma_wait3A_911 = arith.constant 0 : i32
          %dma_wait3A_912 = arith.constant 0 : i32
          %dma_wait3A_913 = tpu.memref_slice %arg14[%dma_wait3A_902, %dma_wait3A_911, %dma_wait3A_912] : memref<4x128x128xf32, #tpu.memory_space<vmem>> -> memref<1x128x128xf32, #tpu.memory_space<vmem>>
          %dma_wait3A_914 = tpu.memref_squeeze %dma_wait3A_913 : memref<1x128x128xf32, #tpu.memory_space<vmem>> -> memref<128x128xf32, #tpu.memory_space<vmem>>
          tpu.wait_dma2 semaphore(%arg26 : memref<!tpu.dma_semaphore, #tpu.memory_space<semaphore_mem>>) src(%dma_wait3A_914 : memref<128x128xf32, #tpu.memory_space<vmem>>) dst(%dma_wait3A_910 : memref<128x128xf32, #tpu.memory_space<hbm>>)
        } else {
        }
        %add3A_708 = arith.constant 2 : i32
        %add3A_709 = arith.addi %add3A_653, %add3A_708 : i32
        %mul3A_710 = arith.constant 128 : i32
        %mul3A_711 = arith.muli %add3A_709, %mul3A_710 : i32
        %add3A_712 = arith.addi %mul3A_10, %mul3A_711 : i32
        %add3A_713 = arith.constant 0 : i32
        %add3A_714 = arith.addi %mul3A_711, %add3A_713 : i32
        %get3A_715 = arith.index_cast %add3A_714 : i32 to index
        %get3A_716 = tpu.vector_load %arg12[%get3A_715] {strides = array<i32>} : memref<16384xi32, #tpu.memory_space<vmem>>, vector<16xi32>,
        %get3A_717 = vector.shape_cast %get3A_716 : vector<16xi32> to vector<16xi32>
        %add3A_718 = arith.constant 0 : i32
        %add3A_719 = arith.addi %add3A_712, %add3A_718 : i32
        %add3A_720 = vector.broadcast %add3A_719 : i32 to vector<16xi32>
        %add3A_721 = arith.addi %add3A_720, %iota3A : vector<16xi32>
        %rem3A_722 = arith.constant 512 : i32
        %rem3A_723 = vector.broadcast %rem3A_722 : i32 to vector<16xi32>
        %rem3A_724 = arith.remsi %add3A_721, %rem3A_723 : vector<16xi32>
        %mul3A_725 = arith.constant 2 : i32
        %mul3A_726 = vector.broadcast %mul3A_725 : i32 to vector<16xi32>
        %mul3A_727 = arith.muli %rem3A_724, %mul3A_726 : vector<16xi32>
        %add3A_728 = arith.addi %mul3A_727, %get3A_717 : vector<16xi32>
        %swap3A_729 = arith.constant 1 : i32
        %swap3A_730 = arith.index_cast %swap3A_729 : i32 to index
        %swap3A_731 = arith.constant 0 : index
        %swap3A_732 = tpu.vector_load %arg13[%swap3A_730, %swap3A_731] {strides = array<i32>} : memref<4x128xi32, #tpu.memory_space<vmem>>, vector<1x16xi32>,
        %swap3A_733 = vector.shape_cast %swap3A_732 : vector<1x16xi32> to vector<16xi32>
        %swap3A_734 = vector.shape_cast %add3A_728 : vector<16xi32> to vector<1x16xi32>
        tpu.vector_store %arg13[%swap3A_730, %swap3A_731], %swap3A_734 {strides = array<i32>} : memref<4x128xi32, #tpu.memory_space<vmem>>, vector<1x16xi32>,
        %add3A_735 = arith.constant 16 : i32
        %add3A_736 = arith.addi %mul3A_711, %add3A_735 : i32
        %get3A_737 = arith.index_cast %add3A_736 : i32 to index
        %get3A_738 = tpu.vector_load %arg12[%get3A_737] {strides = array<i32>} : memref<16384xi32, #tpu.memory_space<vmem>>, vector<16xi32>,
        %get3A_739 = vector.shape_cast %get3A_738 : vector<16xi32> to vector<16xi32>
        %add3A_740 = arith.constant 16 : i32
        %add3A_741 = arith.addi %add3A_712, %add3A_740 : i32
        %add3A_742 = vector.broadcast %add3A_741 : i32 to vector<16xi32>
        %add3A_743 = arith.addi %add3A_742, %iota3A : vector<16xi32>
        %rem3A_744 = arith.constant 512 : i32
        %rem3A_745 = vector.broadcast %rem3A_744 : i32 to vector<16xi32>
        %rem3A_746 = arith.remsi %add3A_743, %rem3A_745 : vector<16xi32>
        %mul3A_747 = arith.constant 2 : i32
        %mul3A_748 = vector.broadcast %mul3A_747 : i32 to vector<16xi32>
        %mul3A_749 = arith.muli %rem3A_746, %mul3A_748 : vector<16xi32>
        %add3A_750 = arith.addi %mul3A_749, %get3A_739 : vector<16xi32>
        %swap3A_751 = arith.constant 1 : i32
        %swap3A_752 = arith.index_cast %swap3A_751 : i32 to index
        %swap3A_753 = arith.constant 16 : index
        %swap3A_754 = tpu.vector_load %arg13[%swap3A_752, %swap3A_753] {strides = array<i32>} : memref<4x128xi32, #tpu.memory_space<vmem>>, vector<1x16xi32>,
        %swap3A_755 = vector.shape_cast %swap3A_754 : vector<1x16xi32> to vector<16xi32>
        %swap3A_756 = vector.shape_cast %add3A_750 : vector<16xi32> to vector<1x16xi32>
        tpu.vector_store %arg13[%swap3A_752, %swap3A_753], %swap3A_756 {strides = array<i32>} : memref<4x128xi32, #tpu.memory_space<vmem>>, vector<1x16xi32>,
        %add3A_757 = arith.constant 32 : i32
        %add3A_758 = arith.addi %mul3A_711, %add3A_757 : i32
        %get3A_759 = arith.index_cast %add3A_758 : i32 to index
        %get3A_760 = tpu.vector_load %arg12[%get3A_759] {strides = array<i32>} : memref<16384xi32, #tpu.memory_space<vmem>>, vector<16xi32>,
        %get3A_761 = vector.shape_cast %get3A_760 : vector<16xi32> to vector<16xi32>
        %add3A_762 = arith.constant 32 : i32
        %add3A_763 = arith.addi %add3A_712, %add3A_762 : i32
        %add3A_764 = vector.broadcast %add3A_763 : i32 to vector<16xi32>
        %add3A_765 = arith.addi %add3A_764, %iota3A : vector<16xi32>
        %rem3A_766 = arith.constant 512 : i32
        %rem3A_767 = vector.broadcast %rem3A_766 : i32 to vector<16xi32>
        %rem3A_768 = arith.remsi %add3A_765, %rem3A_767 : vector<16xi32>
        %mul3A_769 = arith.constant 2 : i32
        %mul3A_770 = vector.broadcast %mul3A_769 : i32 to vector<16xi32>
        %mul3A_771 = arith.muli %rem3A_768, %mul3A_770 : vector<16xi32>
        %add3A_772 = arith.addi %mul3A_771, %get3A_761 : vector<16xi32>
        %swap3A_773 = arith.constant 1 : i32
        %swap3A_774 = arith.index_cast %swap3A_773 : i32 to index
        %swap3A_775 = arith.constant 32 : index
        %swap3A_776 = tpu.vector_load %arg13[%swap3A_774, %swap3A_775] {strides = array<i32>} : memref<4x128xi32, #tpu.memory_space<vmem>>, vector<1x16xi32>,
        %swap3A_777 = vector.shape_cast %swap3A_776 : vector<1x16xi32> to vector<16xi32>
        %swap3A_778 = vector.shape_cast %add3A_772 : vector<16xi32> to vector<1x16xi32>
        tpu.vector_store %arg13[%swap3A_774, %swap3A_775], %swap3A_778 {strides = array<i32>} : memref<4x128xi32, #tpu.memory_space<vmem>>, vector<1x16xi32>,
        %add3A_779 = arith.constant 48 : i32
        %add3A_780 = arith.addi %mul3A_711, %add3A_779 : i32
        %get3A_781 = arith.index_cast %add3A_780 : i32 to index
        %get3A_782 = tpu.vector_load %arg12[%get3A_781] {strides = array<i32>} : memref<16384xi32, #tpu.memory_space<vmem>>, vector<16xi32>,
        %get3A_783 = vector.shape_cast %get3A_782 : vector<16xi32> to vector<16xi32>
        %add3A_784 = arith.constant 48 : i32
        %add3A_785 = arith.addi %add3A_712, %add3A_784 : i32
        %add3A_786 = vector.broadcast %add3A_785 : i32 to vector<16xi32>
        %add3A_787 = arith.addi %add3A_786, %iota3A : vector<16xi32>
        %rem3A_788 = arith.constant 512 : i32
        %rem3A_789 = vector.broadcast %rem3A_788 : i32 to vector<16xi32>
        %rem3A_790 = arith.remsi %add3A_787, %rem3A_789 : vector<16xi32>
        %mul3A_791 = arith.constant 2 : i32
        %mul3A_792 = vector.broadcast %mul3A_791 : i32 to vector<16xi32>
        %mul3A_793 = arith.muli %rem3A_790, %mul3A_792 : vector<16xi32>
        %add3A_794 = arith.addi %mul3A_793, %get3A_783 : vector<16xi32>
        %swap3A_795 = arith.constant 1 : i32
        %swap3A_796 = arith.index_cast %swap3A_795 : i32 to index
        %swap3A_797 = arith.constant 48 : index
        %swap3A_798 = tpu.vector_load %arg13[%swap3A_796, %swap3A_797] {strides = array<i32>} : memref<4x128xi32, #tpu.memory_space<vmem>>, vector<1x16xi32>,
        %swap3A_799 = vector.shape_cast %swap3A_798 : vector<1x16xi32> to vector<16xi32>
        %swap3A_800 = vector.shape_cast %add3A_794 : vector<16xi32> to vector<1x16xi32>
        tpu.vector_store %arg13[%swap3A_796, %swap3A_797], %swap3A_800 {strides = array<i32>} : memref<4x128xi32, #tpu.memory_space<vmem>>, vector<1x16xi32>,
        %add3A_801 = arith.constant 64 : i32
        %add3A_802 = arith.addi %mul3A_711, %add3A_801 : i32
        %get3A_803 = arith.index_cast %add3A_802 : i32 to index
        %get3A_804 = tpu.vector_load %arg12[%get3A_803] {strides = array<i32>} : memref<16384xi32, #tpu.memory_space<vmem>>, vector<16xi32>,
        %get3A_805 = vector.shape_cast %get3A_804 : vector<16xi32> to vector<16xi32>
        %add3A_806 = arith.constant 64 : i32
        %add3A_807 = arith.addi %add3A_712, %add3A_806 : i32
        %add3A_808 = vector.broadcast %add3A_807 : i32 to vector<16xi32>
        %add3A_809 = arith.addi %add3A_808, %iota3A : vector<16xi32>
        %rem3A_810 = arith.constant 512 : i32
        %rem3A_811 = vector.broadcast %rem3A_810 : i32 to vector<16xi32>
        %rem3A_812 = arith.remsi %add3A_809, %rem3A_811 : vector<16xi32>
        %mul3A_813 = arith.constant 2 : i32
        %mul3A_814 = vector.broadcast %mul3A_813 : i32 to vector<16xi32>
        %mul3A_815 = arith.muli %rem3A_812, %mul3A_814 : vector<16xi32>
        %add3A_816 = arith.addi %mul3A_815, %get3A_805 : vector<16xi32>
        %swap3A_817 = arith.constant 1 : i32
        %swap3A_818 = arith.index_cast %swap3A_817 : i32 to index
        %swap3A_819 = arith.constant 64 : index
        %swap3A_820 = tpu.vector_load %arg13[%swap3A_818, %swap3A_819] {strides = array<i32>} : memref<4x128xi32, #tpu.memory_space<vmem>>, vector<1x16xi32>,
        %swap3A_821 = vector.shape_cast %swap3A_820 : vector<1x16xi32> to vector<16xi32>
        %swap3A_822 = vector.shape_cast %add3A_816 : vector<16xi32> to vector<1x16xi32>
        tpu.vector_store %arg13[%swap3A_818, %swap3A_819], %swap3A_822 {strides = array<i32>} : memref<4x128xi32, #tpu.memory_space<vmem>>, vector<1x16xi32>,
        %add3A_823 = arith.constant 80 : i32
        %add3A_824 = arith.addi %mul3A_711, %add3A_823 : i32
        %get3A_825 = arith.index_cast %add3A_824 : i32 to index
        %get3A_826 = tpu.vector_load %arg12[%get3A_825] {strides = array<i32>} : memref<16384xi32, #tpu.memory_space<vmem>>, vector<16xi32>,
        %get3A_827 = vector.shape_cast %get3A_826 : vector<16xi32> to vector<16xi32>
        %add3A_828 = arith.constant 80 : i32
        %add3A_829 = arith.addi %add3A_712, %add3A_828 : i32
        %add3A_830 = vector.broadcast %add3A_829 : i32 to vector<16xi32>
        %add3A_831 = arith.addi %add3A_830, %iota3A : vector<16xi32>
        %rem3A_832 = arith.constant 512 : i32
        %rem3A_833 = vector.broadcast %rem3A_832 : i32 to vector<16xi32>
        %rem3A_834 = arith.remsi %add3A_831, %rem3A_833 : vector<16xi32>
        %mul3A_835 = arith.constant 2 : i32
        %mul3A_836 = vector.broadcast %mul3A_835 : i32 to vector<16xi32>
        %mul3A_837 = arith.muli %rem3A_834, %mul3A_836 : vector<16xi32>
        %add3A_838 = arith.addi %mul3A_837, %get3A_827 : vector<16xi32>
        %swap3A_839 = arith.constant 1 : i32
        %swap3A_840 = arith.index_cast %swap3A_839 : i32 to index
        %swap3A_841 = arith.constant 80 : index
        %swap3A_842 = tpu.vector_load %arg13[%swap3A_840, %swap3A_841] {strides = array<i32>} : memref<4x128xi32, #tpu.memory_space<vmem>>, vector<1x16xi32>,
        %swap3A_843 = vector.shape_cast %swap3A_842 : vector<1x16xi32> to vector<16xi32>
        %swap3A_844 = vector.shape_cast %add3A_838 : vector<16xi32> to vector<1x16xi32>
        tpu.vector_store %arg13[%swap3A_840, %swap3A_841], %swap3A_844 {strides = array<i32>} : memref<4x128xi32, #tpu.memory_space<vmem>>, vector<1x16xi32>,
        %add3A_845 = arith.constant 96 : i32
        %add3A_846 = arith.addi %mul3A_711, %add3A_845 : i32
        %get3A_847 = arith.index_cast %add3A_846 : i32 to index
        %get3A_848 = tpu.vector_load %arg12[%get3A_847] {strides = array<i32>} : memref<16384xi32, #tpu.memory_space<vmem>>, vector<16xi32>,
        %get3A_849 = vector.shape_cast %get3A_848 : vector<16xi32> to vector<16xi32>
        %add3A_850 = arith.constant 96 : i32
        %add3A_851 = arith.addi %add3A_712, %add3A_850 : i32
        %add3A_852 = vector.broadcast %add3A_851 : i32 to vector<16xi32>
        %add3A_853 = arith.addi %add3A_852, %iota3A : vector<16xi32>
        %rem3A_854 = arith.constant 512 : i32
        %rem3A_855 = vector.broadcast %rem3A_854 : i32 to vector<16xi32>
        %rem3A_856 = arith.remsi %add3A_853, %rem3A_855 : vector<16xi32>
        %mul3A_857 = arith.constant 2 : i32
        %mul3A_858 = vector.broadcast %mul3A_857 : i32 to vector<16xi32>
        %mul3A_859 = arith.muli %rem3A_856, %mul3A_858 : vector<16xi32>
        %add3A_860 = arith.addi %mul3A_859, %get3A_849 : vector<16xi32>
        %swap3A_861 = arith.constant 1 : i32
        %swap3A_862 = arith.index_cast %swap3A_861 : i32 to index
        %swap3A_863 = arith.constant 96 : index
        %swap3A_864 = tpu.vector_load %arg13[%swap3A_862, %swap3A_863] {strides = array<i32>} : memref<4x128xi32, #tpu.memory_space<vmem>>, vector<1x16xi32>,
        %swap3A_865 = vector.shape_cast %swap3A_864 : vector<1x16xi32> to vector<16xi32>
        %swap3A_866 = vector.shape_cast %add3A_860 : vector<16xi32> to vector<1x16xi32>
        tpu.vector_store %arg13[%swap3A_862, %swap3A_863], %swap3A_866 {strides = array<i32>} : memref<4x128xi32, #tpu.memory_space<vmem>>, vector<1x16xi32>,
        %add3A_867 = arith.constant 112 : i32
        %add3A_868 = arith.addi %mul3A_711, %add3A_867 : i32
        %get3A_869 = arith.index_cast %add3A_868 : i32 to index
        %get3A_870 = tpu.vector_load %arg12[%get3A_869] {strides = array<i32>} : memref<16384xi32, #tpu.memory_space<vmem>>, vector<16xi32>,
        %get3A_871 = vector.shape_cast %get3A_870 : vector<16xi32> to vector<16xi32>
        %add3A_872 = arith.constant 112 : i32
        %add3A_873 = arith.addi %add3A_712, %add3A_872 : i32
        %add3A_874 = vector.broadcast %add3A_873 : i32 to vector<16xi32>
        %add3A_875 = arith.addi %add3A_874, %iota3A : vector<16xi32>
        %rem3A_876 = arith.constant 512 : i32
        %rem3A_877 = vector.broadcast %rem3A_876 : i32 to vector<16xi32>
        %rem3A_878 = arith.remsi %add3A_875, %rem3A_877 : vector<16xi32>
        %mul3A_879 = arith.constant 2 : i32
        %mul3A_880 = vector.broadcast %mul3A_879 : i32 to vector<16xi32>
        %mul3A_881 = arith.muli %rem3A_878, %mul3A_880 : vector<16xi32>
        %add3A_882 = arith.addi %mul3A_881, %get3A_871 : vector<16xi32>
        %swap3A_883 = arith.constant 1 : i32
        %swap3A_884 = arith.index_cast %swap3A_883 : i32 to index
        %swap3A_885 = arith.constant 112 : index
        %swap3A_886 = tpu.vector_load %arg13[%swap3A_884, %swap3A_885] {strides = array<i32>} : memref<4x128xi32, #tpu.memory_space<vmem>>, vector<1x16xi32>,
        %swap3A_887 = vector.shape_cast %swap3A_886 : vector<1x16xi32> to vector<16xi32>
        %swap3A_888 = vector.shape_cast %add3A_882 : vector<16xi32> to vector<1x16xi32>
        tpu.vector_store %arg13[%swap3A_884, %swap3A_885], %swap3A_888 {strides = array<i32>} : memref<4x128xi32, #tpu.memory_space<vmem>>, vector<1x16xi32>,
        %dma_start3A_889 = arith.constant 1 : i32
        %dma_start3A_890 = arith.constant 0 : i32
        %dma_start3A_891 = arith.constant 0 : i32
        %dma_start3A_892 = tpu.memref_slice %arg14[%dma_start3A_889, %dma_start3A_890, %dma_start3A_891] : memref<4x128x128xf32, #tpu.memory_space<vmem>> -> memref<1x128x128xf32, #tpu.memory_space<vmem>>
        %dma_start3A_893 = tpu.memref_squeeze %dma_start3A_892 : memref<1x128x128xf32, #tpu.memory_space<vmem>> -> memref<128x128xf32, #tpu.memory_space<vmem>>
        %dma_start3A_894 = tpu.memref_slice %arg11[%mul3A_711] : memref<16384xi32, #tpu.memory_space<vmem>> -> memref<128xi32, #tpu.memory_space<vmem>>
        %dma_start3A_895 = arith.constant 0 : i32
        %dma_start3A_896 = arith.constant 0 : i32
        %dma_start3A_897 = tpu.memref_slice %arg4[%dma_start3A_895, %dma_start3A_896] : memref<100000x128xf32, #tpu.memory_space<hbm>> -> memref<100000x128xf32, #tpu.memory_space<hbm>>
        tpu.enqueue_indirect_dma source(%dma_start3A_897 : memref<100000x128xf32, #tpu.memory_space<hbm>>) target(%dma_start3A_893 : memref<128x128xf32, #tpu.memory_space<vmem>>) offsets(%dma_start3A_894 : memref<128xi32, #tpu.memory_space<vmem>>) semaphore(%arg18 : memref<!tpu.dma_semaphore, #tpu.memory_space<semaphore_mem>>)
      } else {
      }
      %dma_wait3A_668 = arith.constant 3 : i32
      %dma_wait3A_669 = arith.constant 3 : i32
      %dma_wait3A_670 = arith.constant 0 : i32
      %dma_wait3A_671 = arith.constant 0 : i32
      %dma_wait3A_672 = tpu.memref_slice %arg14[%dma_wait3A_669, %dma_wait3A_670, %dma_wait3A_671] : memref<4x128x128xf32, #tpu.memory_space<vmem>> -> memref<1x128x128xf32, #tpu.memory_space<vmem>>
      %dma_wait3A_673 = tpu.memref_squeeze %dma_wait3A_672 : memref<1x128x128xf32, #tpu.memory_space<vmem>> -> memref<128x128xf32, #tpu.memory_space<vmem>>
      %dma_wait3A_674 = arith.constant 0 : i32
      %dma_wait3A_675 = tpu.memref_slice %arg13[%dma_wait3A_668, %dma_wait3A_674] : memref<4x128xi32, #tpu.memory_space<vmem>> -> memref<1x128xi32, #tpu.memory_space<vmem>>
      %dma_wait3A_676 = tpu.memref_squeeze %dma_wait3A_675 : memref<1x128xi32, #tpu.memory_space<vmem>> -> memref<128xi32, #tpu.memory_space<vmem>>
      %dma_wait3A_677 = arith.constant 0 : i32
      %dma_wait3A_678 = arith.constant 0 : i32
      %dma_wait3A_679 = tpu.memref_slice %arg5[%dma_wait3A_677, %dma_wait3A_678] : memref<1024x128xf32, #tpu.memory_space<hbm>> -> memref<1024x128xf32, #tpu.memory_space<hbm>>
      tpu.wait_indirect_dma semaphore(%arg24 : memref<!tpu.dma_semaphore, #tpu.memory_space<semaphore_mem>>) src(%dma_wait3A_679 : memref<1024x128xf32, #tpu.memory_space<hbm>>) dst(%dma_wait3A_673 : memref<128x128xf32, #tpu.memory_space<vmem>>)
      %scan3A_680 = arith.constant 0 : i32
      %scan3A_681 = arith.constant 0 : i32
      %scan3A_682 = arith.constant 128 : i32
      %scan3A_683 = arith.addi %scan3A_681, %scan3A_682 : i32
      %scan3A_684 = arith.constant 2 : i32
      %scan3A_685 = scf.for %scan3A_704 = %scan3A_681 to %scan3A_683 step %scan3A_684 iter_args(%scan3A_705 = %scan3A_680) -> (i32)  : i32 {
        %get3A_706 = arith.constant 3 : i32
        %get3A_707 = arith.index_cast %get3A_706 : i32 to index
        %get3A_708 = arith.index_cast %scan3A_704 : i32 to index
        %get3A_709 = arith.constant 0 : index
        %get3A_710 = tpu.vector_load %arg14[%get3A_707, %get3A_708, %get3A_709] {strides = array<i32>} : memref<4x128x128xf32, #tpu.memory_space<vmem>>, vector<1x1x16xf32>,
        %get3A_711 = vector.shape_cast %get3A_710 : vector<1x1x16xf32> to vector<16xf32>
        %get3A_712 = arith.constant 3 : i32
        %get3A_713 = arith.index_cast %get3A_712 : i32 to index
        %get3A_714 = arith.index_cast %scan3A_704 : i32 to index
        %get3A_715 = arith.constant 16 : index
        %get3A_716 = tpu.vector_load %arg14[%get3A_713, %get3A_714, %get3A_715] {strides = array<i32>} : memref<4x128x128xf32, #tpu.memory_space<vmem>>, vector<1x1x16xf32>,
        %get3A_717 = vector.shape_cast %get3A_716 : vector<1x1x16xf32> to vector<16xf32>
        %get3A_718 = arith.constant 3 : i32
        %get3A_719 = arith.index_cast %get3A_718 : i32 to index
        %get3A_720 = arith.index_cast %scan3A_704 : i32 to index
        %get3A_721 = arith.constant 32 : index
        %get3A_722 = tpu.vector_load %arg14[%get3A_719, %get3A_720, %get3A_721] {strides = array<i32>} : memref<4x128x128xf32, #tpu.memory_space<vmem>>, vector<1x1x16xf32>,
        %get3A_723 = vector.shape_cast %get3A_722 : vector<1x1x16xf32> to vector<16xf32>
        %get3A_724 = arith.constant 3 : i32
        %get3A_725 = arith.index_cast %get3A_724 : i32 to index
        %get3A_726 = arith.index_cast %scan3A_704 : i32 to index
        %get3A_727 = arith.constant 48 : index
        %get3A_728 = tpu.vector_load %arg14[%get3A_725, %get3A_726, %get3A_727] {strides = array<i32>} : memref<4x128x128xf32, #tpu.memory_space<vmem>>, vector<1x1x16xf32>,
        %get3A_729 = vector.shape_cast %get3A_728 : vector<1x1x16xf32> to vector<16xf32>
        %get3A_730 = arith.constant 3 : i32
        %get3A_731 = arith.index_cast %get3A_730 : i32 to index
        %get3A_732 = arith.index_cast %scan3A_704 : i32 to index
        %get3A_733 = arith.constant 64 : index
        %get3A_734 = tpu.vector_load %arg14[%get3A_731, %get3A_732, %get3A_733] {strides = array<i32>} : memref<4x128x128xf32, #tpu.memory_space<vmem>>, vector<1x1x16xf32>,
        %get3A_735 = vector.shape_cast %get3A_734 : vector<1x1x16xf32> to vector<16xf32>
        %get3A_736 = arith.constant 3 : i32
        %get3A_737 = arith.index_cast %get3A_736 : i32 to index
        %get3A_738 = arith.index_cast %scan3A_704 : i32 to index
        %get3A_739 = arith.constant 80 : index
        %get3A_740 = tpu.vector_load %arg14[%get3A_737, %get3A_738, %get3A_739] {strides = array<i32>} : memref<4x128x128xf32, #tpu.memory_space<vmem>>, vector<1x1x16xf32>,
        %get3A_741 = vector.shape_cast %get3A_740 : vector<1x1x16xf32> to vector<16xf32>
        %get3A_742 = arith.constant 3 : i32
        %get3A_743 = arith.index_cast %get3A_742 : i32 to index
        %get3A_744 = arith.index_cast %scan3A_704 : i32 to index
        %get3A_745 = arith.constant 96 : index
        %get3A_746 = tpu.vector_load %arg14[%get3A_743, %get3A_744, %get3A_745] {strides = array<i32>} : memref<4x128x128xf32, #tpu.memory_space<vmem>>, vector<1x1x16xf32>,
        %get3A_747 = vector.shape_cast %get3A_746 : vector<1x1x16xf32> to vector<16xf32>
        %get3A_748 = arith.constant 3 : i32
        %get3A_749 = arith.index_cast %get3A_748 : i32 to index
        %get3A_750 = arith.index_cast %scan3A_704 : i32 to index
        %get3A_751 = arith.constant 112 : index
        %get3A_752 = tpu.vector_load %arg14[%get3A_749, %get3A_750, %get3A_751] {strides = array<i32>} : memref<4x128x128xf32, #tpu.memory_space<vmem>>, vector<1x1x16xf32>,
        %get3A_753 = vector.shape_cast %get3A_752 : vector<1x1x16xf32> to vector<16xf32>
        %mul3A_754 = arith.mulf %get3A_711, %get3A_711 : vector<16xf32>
        %add3A_755 = arith.addf %get3A_711, %get3A_717 : vector<16xf32>
        %mul3A_756 = arith.mulf %get3A_717, %get3A_717 : vector<16xf32>
        %add3A_757 = arith.addf %mul3A_754, %mul3A_756 : vector<16xf32>
        %add3A_758 = arith.addf %add3A_755, %get3A_723 : vector<16xf32>
        %mul3A_759 = arith.mulf %get3A_723, %get3A_723 : vector<16xf32>
        %add3A_760 = arith.addf %add3A_757, %mul3A_759 : vector<16xf32>
        %add3A_761 = arith.addf %add3A_758, %get3A_729 : vector<16xf32>
        %mul3A_762 = arith.mulf %get3A_729, %get3A_729 : vector<16xf32>
        %add3A_763 = arith.addf %add3A_760, %mul3A_762 : vector<16xf32>
        %add3A_764 = arith.addf %add3A_761, %get3A_735 : vector<16xf32>
        %mul3A_765 = arith.mulf %get3A_735, %get3A_735 : vector<16xf32>
        %add3A_766 = arith.addf %add3A_763, %mul3A_765 : vector<16xf32>
        %add3A_767 = arith.addf %add3A_764, %get3A_741 : vector<16xf32>
        %mul3A_768 = arith.mulf %get3A_741, %get3A_741 : vector<16xf32>
        %add3A_769 = arith.addf %add3A_766, %mul3A_768 : vector<16xf32>
        %add3A_770 = arith.addf %add3A_767, %get3A_747 : vector<16xf32>
        %mul3A_771 = arith.mulf %get3A_747, %get3A_747 : vector<16xf32>
        %add3A_772 = arith.addf %add3A_769, %mul3A_771 : vector<16xf32>
        %add3A_773 = arith.addf %add3A_770, %get3A_753 : vector<16xf32>
        %mul3A_774 = arith.mulf %get3A_753, %get3A_753 : vector<16xf32>
        %add3A_775 = arith.addf %add3A_772, %mul3A_774 : vector<16xf32>
        %lt3A_776 = arith.constant 0 : i32
        %lt3A_777 = vector.broadcast %lt3A_776 : i32 to vector<16xi32>
        %lt3A_778 = arith.cmpi slt, %xor3A_60, %lt3A_777 : vector<16xi32>
        %add3A_779 = arith.constant 16 : i32
        %add3A_780 = vector.broadcast %add3A_779 : i32 to vector<16xi32>
        %add3A_781 = arith.addi %xor3A_60, %add3A_780 : vector<16xi32>
        %select_n3A = arith.select %lt3A_778, %add3A_781, %xor3A_60 : vector<16xi1>, vector<16xi32>
        %broadcast_in_dim3A = vector.shape_cast %select_n3A : vector<16xi32> to vector<16x1xi32>
        %gather3A = vector.shape_cast %broadcast_in_dim3A : vector<16x1xi32> to vector<16xi32>
        %gather3A_782 = tpu.dynamic_gather %add3A_773[%gather3A] in [0] : vector<16xf32>, vector<16xi32> -> vector<16xf32>
        %add3A_783 = arith.addf %add3A_773, %gather3A_782 : vector<16xf32>
        %lt3A_784 = arith.constant 0 : i32
        %lt3A_785 = vector.broadcast %lt3A_784 : i32 to vector<16xi32>
        %lt3A_786 = arith.cmpi slt, %xor3A_63, %lt3A_785 : vector<16xi32>
        %add3A_787 = arith.constant 16 : i32
        %add3A_788 = vector.broadcast %add3A_787 : i32 to vector<16xi32>
        %add3A_789 = arith.addi %xor3A_63, %add3A_788 : vector<16xi32>
        %select_n3A_790 = arith.select %lt3A_786, %add3A_789, %xor3A_63 : vector<16xi1>, vector<16xi32>
        %broadcast_in_dim3A_791 = vector.shape_cast %select_n3A_790 : vector<16xi32> to vector<16x1xi32>
        %gather3A_792 = vector.shape_cast %broadcast_in_dim3A_791 : vector<16x1xi32> to vector<16xi32>
        %gather3A_793 = tpu.dynamic_gather %add3A_783[%gather3A_792] in [0] : vector<16xf32>, vector<16xi32> -> vector<16xf32>
        %add3A_794 = arith.addf %add3A_783, %gather3A_793 : vector<16xf32>
        %lt3A_795 = arith.constant 0 : i32
        %lt3A_796 = vector.broadcast %lt3A_795 : i32 to vector<16xi32>
        %lt3A_797 = arith.cmpi slt, %xor3A_66, %lt3A_796 : vector<16xi32>
        %add3A_798 = arith.constant 16 : i32
        %add3A_799 = vector.broadcast %add3A_798 : i32 to vector<16xi32>
        %add3A_800 = arith.addi %xor3A_66, %add3A_799 : vector<16xi32>
        %select_n3A_801 = arith.select %lt3A_797, %add3A_800, %xor3A_66 : vector<16xi1>, vector<16xi32>
        %broadcast_in_dim3A_802 = vector.shape_cast %select_n3A_801 : vector<16xi32> to vector<16x1xi32>
        %gather3A_803 = vector.shape_cast %broadcast_in_dim3A_802 : vector<16x1xi32> to vector<16xi32>
        %gather3A_804 = tpu.dynamic_gather %add3A_794[%gather3A_803] in [0] : vector<16xf32>, vector<16xi32> -> vector<16xf32>
        %add3A_805 = arith.addf %add3A_794, %gather3A_804 : vector<16xf32>
        %lt3A_806 = arith.constant 0 : i32
        %lt3A_807 = vector.broadcast %lt3A_806 : i32 to vector<16xi32>
        %lt3A_808 = arith.cmpi slt, %xor3A_69, %lt3A_807 : vector<16xi32>
        %add3A_809 = arith.constant 16 : i32
        %add3A_810 = vector.broadcast %add3A_809 : i32 to vector<16xi32>
        %add3A_811 = arith.addi %xor3A_69, %add3A_810 : vector<16xi32>
        %select_n3A_812 = arith.select %lt3A_808, %add3A_811, %xor3A_69 : vector<16xi1>, vector<16xi32>
        %broadcast_in_dim3A_813 = vector.shape_cast %select_n3A_812 : vector<16xi32> to vector<16x1xi32>
        %gather3A_814 = vector.shape_cast %broadcast_in_dim3A_813 : vector<16x1xi32> to vector<16xi32>
        %gather3A_815 = tpu.dynamic_gather %add3A_805[%gather3A_814] in [0] : vector<16xf32>, vector<16xi32> -> vector<16xf32>
        %add3A_816 = arith.addf %add3A_805, %gather3A_815 : vector<16xf32>
        %mul3A_817 = vector.broadcast %squeeze3A : f32 to vector<16xf32>
        %mul3A_818 = arith.mulf %add3A_816, %mul3A_817 : vector<16xf32>
        %lt3A_819 = arith.constant 0 : i32
        %lt3A_820 = vector.broadcast %lt3A_819 : i32 to vector<16xi32>
        %lt3A_821 = arith.cmpi slt, %xor3A_60, %lt3A_820 : vector<16xi32>
        %add3A_822 = arith.constant 16 : i32
        %add3A_823 = vector.broadcast %add3A_822 : i32 to vector<16xi32>
        %add3A_824 = arith.addi %xor3A_60, %add3A_823 : vector<16xi32>
        %select_n3A_825 = arith.select %lt3A_821, %add3A_824, %xor3A_60 : vector<16xi1>, vector<16xi32>
        %broadcast_in_dim3A_826 = vector.shape_cast %select_n3A_825 : vector<16xi32> to vector<16x1xi32>
        %gather3A_827 = vector.shape_cast %broadcast_in_dim3A_826 : vector<16x1xi32> to vector<16xi32>
        %gather3A_828 = tpu.dynamic_gather %add3A_775[%gather3A_827] in [0] : vector<16xf32>, vector<16xi32> -> vector<16xf32>
        %add3A_829 = arith.addf %add3A_775, %gather3A_828 : vector<16xf32>
        %lt3A_830 = arith.constant 0 : i32
        %lt3A_831 = vector.broadcast %lt3A_830 : i32 to vector<16xi32>
        %lt3A_832 = arith.cmpi slt, %xor3A_63, %lt3A_831 : vector<16xi32>
        %add3A_833 = arith.constant 16 : i32
        %add3A_834 = vector.broadcast %add3A_833 : i32 to vector<16xi32>
        %add3A_835 = arith.addi %xor3A_63, %add3A_834 : vector<16xi32>
        %select_n3A_836 = arith.select %lt3A_832, %add3A_835, %xor3A_63 : vector<16xi1>, vector<16xi32>
        %broadcast_in_dim3A_837 = vector.shape_cast %select_n3A_836 : vector<16xi32> to vector<16x1xi32>
        %gather3A_838 = vector.shape_cast %broadcast_in_dim3A_837 : vector<16x1xi32> to vector<16xi32>
        %gather3A_839 = tpu.dynamic_gather %add3A_829[%gather3A_838] in [0] : vector<16xf32>, vector<16xi32> -> vector<16xf32>
        %add3A_840 = arith.addf %add3A_829, %gather3A_839 : vector<16xf32>
        %lt3A_841 = arith.constant 0 : i32
        %lt3A_842 = vector.broadcast %lt3A_841 : i32 to vector<16xi32>
        %lt3A_843 = arith.cmpi slt, %xor3A_66, %lt3A_842 : vector<16xi32>
        %add3A_844 = arith.constant 16 : i32
        %add3A_845 = vector.broadcast %add3A_844 : i32 to vector<16xi32>
        %add3A_846 = arith.addi %xor3A_66, %add3A_845 : vector<16xi32>
        %select_n3A_847 = arith.select %lt3A_843, %add3A_846, %xor3A_66 : vector<16xi1>, vector<16xi32>
        %broadcast_in_dim3A_848 = vector.shape_cast %select_n3A_847 : vector<16xi32> to vector<16x1xi32>
        %gather3A_849 = vector.shape_cast %broadcast_in_dim3A_848 : vector<16x1xi32> to vector<16xi32>
        %gather3A_850 = tpu.dynamic_gather %add3A_840[%gather3A_849] in [0] : vector<16xf32>, vector<16xi32> -> vector<16xf32>
        %add3A_851 = arith.addf %add3A_840, %gather3A_850 : vector<16xf32>
        %lt3A_852 = arith.constant 0 : i32
        %lt3A_853 = vector.broadcast %lt3A_852 : i32 to vector<16xi32>
        %lt3A_854 = arith.cmpi slt, %xor3A_69, %lt3A_853 : vector<16xi32>
        %add3A_855 = arith.constant 16 : i32
        %add3A_856 = vector.broadcast %add3A_855 : i32 to vector<16xi32>
        %add3A_857 = arith.addi %xor3A_69, %add3A_856 : vector<16xi32>
        %select_n3A_858 = arith.select %lt3A_854, %add3A_857, %xor3A_69 : vector<16xi1>, vector<16xi32>
        %broadcast_in_dim3A_859 = vector.shape_cast %select_n3A_858 : vector<16xi32> to vector<16x1xi32>
        %gather3A_860 = vector.shape_cast %broadcast_in_dim3A_859 : vector<16x1xi32> to vector<16xi32>
        %gather3A_861 = tpu.dynamic_gather %add3A_851[%gather3A_860] in [0] : vector<16xf32>, vector<16xi32> -> vector<16xf32>
        %add3A_862 = arith.addf %add3A_851, %gather3A_861 : vector<16xf32>
        %mul3A_863 = vector.broadcast %squeeze3A : f32 to vector<16xf32>
        %mul3A_864 = arith.mulf %add3A_862, %mul3A_863 : vector<16xf32>
        %mul3A_865 = arith.mulf %mul3A_818, %mul3A_818 : vector<16xf32>
        %sub3A = arith.subf %mul3A_864, %mul3A_865 : vector<16xf32>
        %add3A_866 = vector.broadcast %squeeze3A_7 : f32 to vector<16xf32>
        %add3A_867 = arith.addf %sub3A, %add3A_866 : vector<16xf32>
        %bitcast_convert_type3A = tpu.bitcast %add3A_867 : vector<16xf32> -> vector<16xi32>
        %shift_right_logical3A = arith.constant 1 : i32
        %shift_right_logical3A_868 = vector.broadcast %shift_right_logical3A : i32 to vector<16xi32>
        %shift_right_logical3A_869 = arith.shrui %bitcast_convert_type3A, %shift_right_logical3A_868 : vector<16xi32>
        %sub3A_870 = arith.constant 1597463007 : i32
        %sub3A_871 = vector.broadcast %sub3A_870 : i32 to vector<16xi32>
        %sub3A_872 = arith.subi %sub3A_871, %shift_right_logical3A_869 : vector<16xi32>
        %bitcast_convert_type3A_873 = tpu.bitcast %sub3A_872 : vector<16xi32> -> vector<16xf32>
        %mul3A_874 = arith.constant 5.000000e-01 : f32
        %mul3A_875 = vector.broadcast %mul3A_874 : f32 to vector<16xf32>
        %mul3A_876 = arith.mulf %mul3A_875, %add3A_867 : vector<16xf32>
        %mul3A_877 = arith.mulf %mul3A_876, %bitcast_convert_type3A_873 : vector<16xf32>
        %mul3A_878 = arith.mulf %mul3A_877, %bitcast_convert_type3A_873 : vector<16xf32>
        %sub3A_879 = arith.constant 1.500000e+00 : f32
        %sub3A_880 = vector.broadcast %sub3A_879 : f32 to vector<16xf32>
        %sub3A_881 = arith.subf %sub3A_880, %mul3A_878 : vector<16xf32>
        %mul3A_882 = arith.mulf %bitcast_convert_type3A_873, %sub3A_881 : vector<16xf32>
        %mul3A_883 = arith.constant 5.000000e-01 : f32
        %mul3A_884 = vector.broadcast %mul3A_883 : f32 to vector<16xf32>
        %mul3A_885 = arith.mulf %mul3A_884, %add3A_867 : vector<16xf32>
        %mul3A_886 = arith.mulf %mul3A_885, %mul3A_882 : vector<16xf32>
        %mul3A_887 = arith.mulf %mul3A_886, %mul3A_882 : vector<16xf32>
        %sub3A_888 = arith.constant 1.500000e+00 : f32
        %sub3A_889 = vector.broadcast %sub3A_888 : f32 to vector<16xf32>
        %sub3A_890 = arith.subf %sub3A_889, %mul3A_887 : vector<16xf32>
        %mul3A_891 = arith.mulf %mul3A_882, %sub3A_890 : vector<16xf32>
        %mul3A_892 = arith.constant 5.000000e-01 : f32
        %mul3A_893 = vector.broadcast %mul3A_892 : f32 to vector<16xf32>
        %mul3A_894 = arith.mulf %mul3A_893, %add3A_867 : vector<16xf32>
        %mul3A_895 = arith.mulf %mul3A_894, %mul3A_891 : vector<16xf32>
        %mul3A_896 = arith.mulf %mul3A_895, %mul3A_891 : vector<16xf32>
        %sub3A_897 = arith.constant 1.500000e+00 : f32
        %sub3A_898 = vector.broadcast %sub3A_897 : f32 to vector<16xf32>
        %sub3A_899 = arith.subf %sub3A_898, %mul3A_896 : vector<16xf32>
        %mul3A_900 = arith.mulf %mul3A_891, %sub3A_899 : vector<16xf32>
        %sub3A_901 = arith.subf %get3A_711, %mul3A_818 : vector<16xf32>
        %mul3A_902 = arith.mulf %sub3A_901, %mul3A_900 : vector<16xf32>
        %mul3A_903 = arith.mulf %mul3A_902, %get3A_13 : vector<16xf32>
        %add3A_904 = arith.addf %mul3A_903, %get3A_37 : vector<16xf32>
        %swap3A_905 = arith.constant 3 : i32
        %swap3A_906 = arith.index_cast %swap3A_905 : i32 to index
        %swap3A_907 = arith.index_cast %scan3A_704 : i32 to index
        %swap3A_908 = arith.constant 0 : index
        %swap3A_909 = tpu.vector_load %arg14[%swap3A_906, %swap3A_907, %swap3A_908] {strides = array<i32>} : memref<4x128x128xf32, #tpu.memory_space<vmem>>, vector<1x1x16xf32>,
        %swap3A_910 = vector.shape_cast %swap3A_909 : vector<1x1x16xf32> to vector<16xf32>
        %swap3A_911 = vector.shape_cast %add3A_904 : vector<16xf32> to vector<1x1x16xf32>
        tpu.vector_store %arg14[%swap3A_906, %swap3A_907, %swap3A_908], %swap3A_911 {strides = array<i32>} : memref<4x128x128xf32, #tpu.memory_space<vmem>>, vector<1x1x16xf32>,
        %sub3A_912 = arith.subf %get3A_717, %mul3A_818 : vector<16xf32>
        %mul3A_913 = arith.mulf %sub3A_912, %mul3A_900 : vector<16xf32>
        %mul3A_914 = arith.mulf %mul3A_913, %get3A_16 : vector<16xf32>
        %add3A_915 = arith.addf %mul3A_914, %get3A_40 : vector<16xf32>
        %swap3A_916 = arith.constant 3 : i32
        %swap3A_917 = arith.index_cast %swap3A_916 : i32 to index
        %swap3A_918 = arith.index_cast %scan3A_704 : i32 to index
        %swap3A_919 = arith.constant 16 : index
        %swap3A_920 = tpu.vector_load %arg14[%swap3A_917, %swap3A_918, %swap3A_919] {strides = array<i32>} : memref<4x128x128xf32, #tpu.memory_space<vmem>>, vector<1x1x16xf32>,
        %swap3A_921 = vector.shape_cast %swap3A_920 : vector<1x1x16xf32> to vector<16xf32>
        %swap3A_922 = vector.shape_cast %add3A_915 : vector<16xf32> to vector<1x1x16xf32>
        tpu.vector_store %arg14[%swap3A_917, %swap3A_918, %swap3A_919], %swap3A_922 {strides = array<i32>} : memref<4x128x128xf32, #tpu.memory_space<vmem>>, vector<1x1x16xf32>,
        %sub3A_923 = arith.subf %get3A_723, %mul3A_818 : vector<16xf32>
        %mul3A_924 = arith.mulf %sub3A_923, %mul3A_900 : vector<16xf32>
        %mul3A_925 = arith.mulf %mul3A_924, %get3A_19 : vector<16xf32>
        %add3A_926 = arith.addf %mul3A_925, %get3A_43 : vector<16xf32>
        %swap3A_927 = arith.constant 3 : i32
        %swap3A_928 = arith.index_cast %swap3A_927 : i32 to index
        %swap3A_929 = arith.index_cast %scan3A_704 : i32 to index
        %swap3A_930 = arith.constant 32 : index
        %swap3A_931 = tpu.vector_load %arg14[%swap3A_928, %swap3A_929, %swap3A_930] {strides = array<i32>} : memref<4x128x128xf32, #tpu.memory_space<vmem>>, vector<1x1x16xf32>,
        %swap3A_932 = vector.shape_cast %swap3A_931 : vector<1x1x16xf32> to vector<16xf32>
        %swap3A_933 = vector.shape_cast %add3A_926 : vector<16xf32> to vector<1x1x16xf32>
        tpu.vector_store %arg14[%swap3A_928, %swap3A_929, %swap3A_930], %swap3A_933 {strides = array<i32>} : memref<4x128x128xf32, #tpu.memory_space<vmem>>, vector<1x1x16xf32>,
        %sub3A_934 = arith.subf %get3A_729, %mul3A_818 : vector<16xf32>
        %mul3A_935 = arith.mulf %sub3A_934, %mul3A_900 : vector<16xf32>
        %mul3A_936 = arith.mulf %mul3A_935, %get3A_22 : vector<16xf32>
        %add3A_937 = arith.addf %mul3A_936, %get3A_46 : vector<16xf32>
        %swap3A_938 = arith.constant 3 : i32
        %swap3A_939 = arith.index_cast %swap3A_938 : i32 to index
        %swap3A_940 = arith.index_cast %scan3A_704 : i32 to index
        %swap3A_941 = arith.constant 48 : index
        %swap3A_942 = tpu.vector_load %arg14[%swap3A_939, %swap3A_940, %swap3A_941] {strides = array<i32>} : memref<4x128x128xf32, #tpu.memory_space<vmem>>, vector<1x1x16xf32>,
        %swap3A_943 = vector.shape_cast %swap3A_942 : vector<1x1x16xf32> to vector<16xf32>
        %swap3A_944 = vector.shape_cast %add3A_937 : vector<16xf32> to vector<1x1x16xf32>
        tpu.vector_store %arg14[%swap3A_939, %swap3A_940, %swap3A_941], %swap3A_944 {strides = array<i32>} : memref<4x128x128xf32, #tpu.memory_space<vmem>>, vector<1x1x16xf32>,
        %sub3A_945 = arith.subf %get3A_735, %mul3A_818 : vector<16xf32>
        %mul3A_946 = arith.mulf %sub3A_945, %mul3A_900 : vector<16xf32>
        %mul3A_947 = arith.mulf %mul3A_946, %get3A_25 : vector<16xf32>
        %add3A_948 = arith.addf %mul3A_947, %get3A_49 : vector<16xf32>
        %swap3A_949 = arith.constant 3 : i32
        %swap3A_950 = arith.index_cast %swap3A_949 : i32 to index
        %swap3A_951 = arith.index_cast %scan3A_704 : i32 to index
        %swap3A_952 = arith.constant 64 : index
        %swap3A_953 = tpu.vector_load %arg14[%swap3A_950, %swap3A_951, %swap3A_952] {strides = array<i32>} : memref<4x128x128xf32, #tpu.memory_space<vmem>>, vector<1x1x16xf32>,
        %swap3A_954 = vector.shape_cast %swap3A_953 : vector<1x1x16xf32> to vector<16xf32>
        %swap3A_955 = vector.shape_cast %add3A_948 : vector<16xf32> to vector<1x1x16xf32>
        tpu.vector_store %arg14[%swap3A_950, %swap3A_951, %swap3A_952], %swap3A_955 {strides = array<i32>} : memref<4x128x128xf32, #tpu.memory_space<vmem>>, vector<1x1x16xf32>,
        %sub3A_956 = arith.subf %get3A_741, %mul3A_818 : vector<16xf32>
        %mul3A_957 = arith.mulf %sub3A_956, %mul3A_900 : vector<16xf32>
        %mul3A_958 = arith.mulf %mul3A_957, %get3A_28 : vector<16xf32>
        %add3A_959 = arith.addf %mul3A_958, %get3A_52 : vector<16xf32>
        %swap3A_960 = arith.constant 3 : i32
        %swap3A_961 = arith.index_cast %swap3A_960 : i32 to index
        %swap3A_962 = arith.index_cast %scan3A_704 : i32 to index
        %swap3A_963 = arith.constant 80 : index
        %swap3A_964 = tpu.vector_load %arg14[%swap3A_961, %swap3A_962, %swap3A_963] {strides = array<i32>} : memref<4x128x128xf32, #tpu.memory_space<vmem>>, vector<1x1x16xf32>,
        %swap3A_965 = vector.shape_cast %swap3A_964 : vector<1x1x16xf32> to vector<16xf32>
        %swap3A_966 = vector.shape_cast %add3A_959 : vector<16xf32> to vector<1x1x16xf32>
        tpu.vector_store %arg14[%swap3A_961, %swap3A_962, %swap3A_963], %swap3A_966 {strides = array<i32>} : memref<4x128x128xf32, #tpu.memory_space<vmem>>, vector<1x1x16xf32>,
        %sub3A_967 = arith.subf %get3A_747, %mul3A_818 : vector<16xf32>
        %mul3A_968 = arith.mulf %sub3A_967, %mul3A_900 : vector<16xf32>
        %mul3A_969 = arith.mulf %mul3A_968, %get3A_31 : vector<16xf32>
        %add3A_970 = arith.addf %mul3A_969, %get3A_55 : vector<16xf32>
        %swap3A_971 = arith.constant 3 : i32
        %swap3A_972 = arith.index_cast %swap3A_971 : i32 to index
        %swap3A_973 = arith.index_cast %scan3A_704 : i32 to index
        %swap3A_974 = arith.constant 96 : index
        %swap3A_975 = tpu.vector_load %arg14[%swap3A_972, %swap3A_973, %swap3A_974] {strides = array<i32>} : memref<4x128x128xf32, #tpu.memory_space<vmem>>, vector<1x1x16xf32>,
        %swap3A_976 = vector.shape_cast %swap3A_975 : vector<1x1x16xf32> to vector<16xf32>
        %swap3A_977 = vector.shape_cast %add3A_970 : vector<16xf32> to vector<1x1x16xf32>
        tpu.vector_store %arg14[%swap3A_972, %swap3A_973, %swap3A_974], %swap3A_977 {strides = array<i32>} : memref<4x128x128xf32, #tpu.memory_space<vmem>>, vector<1x1x16xf32>,
        %sub3A_978 = arith.subf %get3A_753, %mul3A_818 : vector<16xf32>
        %mul3A_979 = arith.mulf %sub3A_978, %mul3A_900 : vector<16xf32>
        %mul3A_980 = arith.mulf %mul3A_979, %get3A_34 : vector<16xf32>
        %add3A_981 = arith.addf %mul3A_980, %get3A_58 : vector<16xf32>
        %swap3A_982 = arith.constant 3 : i32
        %swap3A_983 = arith.index_cast %swap3A_982 : i32 to index
        %swap3A_984 = arith.index_cast %scan3A_704 : i32 to index
        %swap3A_985 = arith.constant 112 : index
        %swap3A_986 = tpu.vector_load %arg14[%swap3A_983, %swap3A_984, %swap3A_985] {strides = array<i32>} : memref<4x128x128xf32, #tpu.memory_space<vmem>>, vector<1x1x16xf32>,
        %swap3A_987 = vector.shape_cast %swap3A_986 : vector<1x1x16xf32> to vector<16xf32>
        %swap3A_988 = vector.shape_cast %add3A_981 : vector<16xf32> to vector<1x1x16xf32>
        tpu.vector_store %arg14[%swap3A_983, %swap3A_984, %swap3A_985], %swap3A_988 {strides = array<i32>} : memref<4x128x128xf32, #tpu.memory_space<vmem>>, vector<1x1x16xf32>,
        %scan3A_989 = arith.constant 0 : i32
        %scan3A_990 = arith.constant 1 : i32
        %scan3A_991 = arith.addi %scan3A_704, %scan3A_990 : i32
        %get3A_992 = arith.constant 3 : i32
        %get3A_993 = arith.index_cast %get3A_992 : i32 to index
        %get3A_994 = arith.index_cast %scan3A_991 : i32 to index
        %get3A_995 = arith.constant 0 : index
        %get3A_996 = tpu.vector_load %arg14[%get3A_993, %get3A_994, %get3A_995] {strides = array<i32>} : memref<4x128x128xf32, #tpu.memory_space<vmem>>, vector<1x1x16xf32>,
        %get3A_997 = vector.shape_cast %get3A_996 : vector<1x1x16xf32> to vector<16xf32>
        %get3A_998 = arith.constant 3 : i32
        %get3A_999 = arith.index_cast %get3A_998 : i32 to index
        %get3A_1000 = arith.index_cast %scan3A_991 : i32 to index
        %get3A_1001 = arith.constant 16 : index
        %get3A_1002 = tpu.vector_load %arg14[%get3A_999, %get3A_1000, %get3A_1001] {strides = array<i32>} : memref<4x128x128xf32, #tpu.memory_space<vmem>>, vector<1x1x16xf32>,
        %get3A_1003 = vector.shape_cast %get3A_1002 : vector<1x1x16xf32> to vector<16xf32>
        %get3A_1004 = arith.constant 3 : i32
        %get3A_1005 = arith.index_cast %get3A_1004 : i32 to index
        %get3A_1006 = arith.index_cast %scan3A_991 : i32 to index
        %get3A_1007 = arith.constant 32 : index
        %get3A_1008 = tpu.vector_load %arg14[%get3A_1005, %get3A_1006, %get3A_1007] {strides = array<i32>} : memref<4x128x128xf32, #tpu.memory_space<vmem>>, vector<1x1x16xf32>,
        %get3A_1009 = vector.shape_cast %get3A_1008 : vector<1x1x16xf32> to vector<16xf32>
        %get3A_1010 = arith.constant 3 : i32
        %get3A_1011 = arith.index_cast %get3A_1010 : i32 to index
        %get3A_1012 = arith.index_cast %scan3A_991 : i32 to index
        %get3A_1013 = arith.constant 48 : index
        %get3A_1014 = tpu.vector_load %arg14[%get3A_1011, %get3A_1012, %get3A_1013] {strides = array<i32>} : memref<4x128x128xf32, #tpu.memory_space<vmem>>, vector<1x1x16xf32>,
        %get3A_1015 = vector.shape_cast %get3A_1014 : vector<1x1x16xf32> to vector<16xf32>
        %get3A_1016 = arith.constant 3 : i32
        %get3A_1017 = arith.index_cast %get3A_1016 : i32 to index
        %get3A_1018 = arith.index_cast %scan3A_991 : i32 to index
        %get3A_1019 = arith.constant 64 : index
        %get3A_1020 = tpu.vector_load %arg14[%get3A_1017, %get3A_1018, %get3A_1019] {strides = array<i32>} : memref<4x128x128xf32, #tpu.memory_space<vmem>>, vector<1x1x16xf32>,
        %get3A_1021 = vector.shape_cast %get3A_1020 : vector<1x1x16xf32> to vector<16xf32>
        %get3A_1022 = arith.constant 3 : i32
        %get3A_1023 = arith.index_cast %get3A_1022 : i32 to index
        %get3A_1024 = arith.index_cast %scan3A_991 : i32 to index
        %get3A_1025 = arith.constant 80 : index
        %get3A_1026 = tpu.vector_load %arg14[%get3A_1023, %get3A_1024, %get3A_1025] {strides = array<i32>} : memref<4x128x128xf32, #tpu.memory_space<vmem>>, vector<1x1x16xf32>,
        %get3A_1027 = vector.shape_cast %get3A_1026 : vector<1x1x16xf32> to vector<16xf32>
        %get3A_1028 = arith.constant 3 : i32
        %get3A_1029 = arith.index_cast %get3A_1028 : i32 to index
        %get3A_1030 = arith.index_cast %scan3A_991 : i32 to index
        %get3A_1031 = arith.constant 96 : index
        %get3A_1032 = tpu.vector_load %arg14[%get3A_1029, %get3A_1030, %get3A_1031] {strides = array<i32>} : memref<4x128x128xf32, #tpu.memory_space<vmem>>, vector<1x1x16xf32>,
        %get3A_1033 = vector.shape_cast %get3A_1032 : vector<1x1x16xf32> to vector<16xf32>
        %get3A_1034 = arith.constant 3 : i32
        %get3A_1035 = arith.index_cast %get3A_1034 : i32 to index
        %get3A_1036 = arith.index_cast %scan3A_991 : i32 to index
        %get3A_1037 = arith.constant 112 : index
        %get3A_1038 = tpu.vector_load %arg14[%get3A_1035, %get3A_1036, %get3A_1037] {strides = array<i32>} : memref<4x128x128xf32, #tpu.memory_space<vmem>>, vector<1x1x16xf32>,
        %get3A_1039 = vector.shape_cast %get3A_1038 : vector<1x1x16xf32> to vector<16xf32>
        %mul3A_1040 = arith.mulf %get3A_997, %get3A_997 : vector<16xf32>
        %add3A_1041 = arith.addf %get3A_997, %get3A_1003 : vector<16xf32>
        %mul3A_1042 = arith.mulf %get3A_1003, %get3A_1003 : vector<16xf32>
        %add3A_1043 = arith.addf %mul3A_1040, %mul3A_1042 : vector<16xf32>
        %add3A_1044 = arith.addf %add3A_1041, %get3A_1009 : vector<16xf32>
        %mul3A_1045 = arith.mulf %get3A_1009, %get3A_1009 : vector<16xf32>
        %add3A_1046 = arith.addf %add3A_1043, %mul3A_1045 : vector<16xf32>
        %add3A_1047 = arith.addf %add3A_1044, %get3A_1015 : vector<16xf32>
        %mul3A_1048 = arith.mulf %get3A_1015, %get3A_1015 : vector<16xf32>
        %add3A_1049 = arith.addf %add3A_1046, %mul3A_1048 : vector<16xf32>
        %add3A_1050 = arith.addf %add3A_1047, %get3A_1021 : vector<16xf32>
        %mul3A_1051 = arith.mulf %get3A_1021, %get3A_1021 : vector<16xf32>
        %add3A_1052 = arith.addf %add3A_1049, %mul3A_1051 : vector<16xf32>
        %add3A_1053 = arith.addf %add3A_1050, %get3A_1027 : vector<16xf32>
        %mul3A_1054 = arith.mulf %get3A_1027, %get3A_1027 : vector<16xf32>
        %add3A_1055 = arith.addf %add3A_1052, %mul3A_1054 : vector<16xf32>
        %add3A_1056 = arith.addf %add3A_1053, %get3A_1033 : vector<16xf32>
        %mul3A_1057 = arith.mulf %get3A_1033, %get3A_1033 : vector<16xf32>
        %add3A_1058 = arith.addf %add3A_1055, %mul3A_1057 : vector<16xf32>
        %add3A_1059 = arith.addf %add3A_1056, %get3A_1039 : vector<16xf32>
        %mul3A_1060 = arith.mulf %get3A_1039, %get3A_1039 : vector<16xf32>
        %add3A_1061 = arith.addf %add3A_1058, %mul3A_1060 : vector<16xf32>
        %lt3A_1062 = arith.constant 0 : i32
        %lt3A_1063 = vector.broadcast %lt3A_1062 : i32 to vector<16xi32>
        %lt3A_1064 = arith.cmpi slt, %xor3A_60, %lt3A_1063 : vector<16xi32>
        %add3A_1065 = arith.constant 16 : i32
        %add3A_1066 = vector.broadcast %add3A_1065 : i32 to vector<16xi32>
        %add3A_1067 = arith.addi %xor3A_60, %add3A_1066 : vector<16xi32>
        %select_n3A_1068 = arith.select %lt3A_1064, %add3A_1067, %xor3A_60 : vector<16xi1>, vector<16xi32>
        %broadcast_in_dim3A_1069 = vector.shape_cast %select_n3A_1068 : vector<16xi32> to vector<16x1xi32>
        %gather3A_1070 = vector.shape_cast %broadcast_in_dim3A_1069 : vector<16x1xi32> to vector<16xi32>
        %gather3A_1071 = tpu.dynamic_gather %add3A_1059[%gather3A_1070] in [0] : vector<16xf32>, vector<16xi32> -> vector<16xf32>
        %add3A_1072 = arith.addf %add3A_1059, %gather3A_1071 : vector<16xf32>
        %lt3A_1073 = arith.constant 0 : i32
        %lt3A_1074 = vector.broadcast %lt3A_1073 : i32 to vector<16xi32>
        %lt3A_1075 = arith.cmpi slt, %xor3A_63, %lt3A_1074 : vector<16xi32>
        %add3A_1076 = arith.constant 16 : i32
        %add3A_1077 = vector.broadcast %add3A_1076 : i32 to vector<16xi32>
        %add3A_1078 = arith.addi %xor3A_63, %add3A_1077 : vector<16xi32>
        %select_n3A_1079 = arith.select %lt3A_1075, %add3A_1078, %xor3A_63 : vector<16xi1>, vector<16xi32>
        %broadcast_in_dim3A_1080 = vector.shape_cast %select_n3A_1079 : vector<16xi32> to vector<16x1xi32>
        %gather3A_1081 = vector.shape_cast %broadcast_in_dim3A_1080 : vector<16x1xi32> to vector<16xi32>
        %gather3A_1082 = tpu.dynamic_gather %add3A_1072[%gather3A_1081] in [0] : vector<16xf32>, vector<16xi32> -> vector<16xf32>
        %add3A_1083 = arith.addf %add3A_1072, %gather3A_1082 : vector<16xf32>
        %lt3A_1084 = arith.constant 0 : i32
        %lt3A_1085 = vector.broadcast %lt3A_1084 : i32 to vector<16xi32>
        %lt3A_1086 = arith.cmpi slt, %xor3A_66, %lt3A_1085 : vector<16xi32>
        %add3A_1087 = arith.constant 16 : i32
        %add3A_1088 = vector.broadcast %add3A_1087 : i32 to vector<16xi32>
        %add3A_1089 = arith.addi %xor3A_66, %add3A_1088 : vector<16xi32>
        %select_n3A_1090 = arith.select %lt3A_1086, %add3A_1089, %xor3A_66 : vector<16xi1>, vector<16xi32>
        %broadcast_in_dim3A_1091 = vector.shape_cast %select_n3A_1090 : vector<16xi32> to vector<16x1xi32>
        %gather3A_1092 = vector.shape_cast %broadcast_in_dim3A_1091 : vector<16x1xi32> to vector<16xi32>
        %gather3A_1093 = tpu.dynamic_gather %add3A_1083[%gather3A_1092] in [0] : vector<16xf32>, vector<16xi32> -> vector<16xf32>
        %add3A_1094 = arith.addf %add3A_1083, %gather3A_1093 : vector<16xf32>
        %lt3A_1095 = arith.constant 0 : i32
        %lt3A_1096 = vector.broadcast %lt3A_1095 : i32 to vector<16xi32>
        %lt3A_1097 = arith.cmpi slt, %xor3A_69, %lt3A_1096 : vector<16xi32>
        %add3A_1098 = arith.constant 16 : i32
        %add3A_1099 = vector.broadcast %add3A_1098 : i32 to vector<16xi32>
        %add3A_1100 = arith.addi %xor3A_69, %add3A_1099 : vector<16xi32>
        %select_n3A_1101 = arith.select %lt3A_1097, %add3A_1100, %xor3A_69 : vector<16xi1>, vector<16xi32>
        %broadcast_in_dim3A_1102 = vector.shape_cast %select_n3A_1101 : vector<16xi32> to vector<16x1xi32>
        %gather3A_1103 = vector.shape_cast %broadcast_in_dim3A_1102 : vector<16x1xi32> to vector<16xi32>
        %gather3A_1104 = tpu.dynamic_gather %add3A_1094[%gather3A_1103] in [0] : vector<16xf32>, vector<16xi32> -> vector<16xf32>
        %add3A_1105 = arith.addf %add3A_1094, %gather3A_1104 : vector<16xf32>
        %mul3A_1106 = vector.broadcast %squeeze3A : f32 to vector<16xf32>
        %mul3A_1107 = arith.mulf %add3A_1105, %mul3A_1106 : vector<16xf32>
        %lt3A_1108 = arith.constant 0 : i32
        %lt3A_1109 = vector.broadcast %lt3A_1108 : i32 to vector<16xi32>
        %lt3A_1110 = arith.cmpi slt, %xor3A_60, %lt3A_1109 : vector<16xi32>
        %add3A_1111 = arith.constant 16 : i32
        %add3A_1112 = vector.broadcast %add3A_1111 : i32 to vector<16xi32>
        %add3A_1113 = arith.addi %xor3A_60, %add3A_1112 : vector<16xi32>
        %select_n3A_1114 = arith.select %lt3A_1110, %add3A_1113, %xor3A_60 : vector<16xi1>, vector<16xi32>
        %broadcast_in_dim3A_1115 = vector.shape_cast %select_n3A_1114 : vector<16xi32> to vector<16x1xi32>
        %gather3A_1116 = vector.shape_cast %broadcast_in_dim3A_1115 : vector<16x1xi32> to vector<16xi32>
        %gather3A_1117 = tpu.dynamic_gather %add3A_1061[%gather3A_1116] in [0] : vector<16xf32>, vector<16xi32> -> vector<16xf32>
        %add3A_1118 = arith.addf %add3A_1061, %gather3A_1117 : vector<16xf32>
        %lt3A_1119 = arith.constant 0 : i32
        %lt3A_1120 = vector.broadcast %lt3A_1119 : i32 to vector<16xi32>
        %lt3A_1121 = arith.cmpi slt, %xor3A_63, %lt3A_1120 : vector<16xi32>
        %add3A_1122 = arith.constant 16 : i32
        %add3A_1123 = vector.broadcast %add3A_1122 : i32 to vector<16xi32>
        %add3A_1124 = arith.addi %xor3A_63, %add3A_1123 : vector<16xi32>
        %select_n3A_1125 = arith.select %lt3A_1121, %add3A_1124, %xor3A_63 : vector<16xi1>, vector<16xi32>
        %broadcast_in_dim3A_1126 = vector.shape_cast %select_n3A_1125 : vector<16xi32> to vector<16x1xi32>
        %gather3A_1127 = vector.shape_cast %broadcast_in_dim3A_1126 : vector<16x1xi32> to vector<16xi32>
        %gather3A_1128 = tpu.dynamic_gather %add3A_1118[%gather3A_1127] in [0] : vector<16xf32>, vector<16xi32> -> vector<16xf32>
        %add3A_1129 = arith.addf %add3A_1118, %gather3A_1128 : vector<16xf32>
        %lt3A_1130 = arith.constant 0 : i32
        %lt3A_1131 = vector.broadcast %lt3A_1130 : i32 to vector<16xi32>
        %lt3A_1132 = arith.cmpi slt, %xor3A_66, %lt3A_1131 : vector<16xi32>
        %add3A_1133 = arith.constant 16 : i32
        %add3A_1134 = vector.broadcast %add3A_1133 : i32 to vector<16xi32>
        %add3A_1135 = arith.addi %xor3A_66, %add3A_1134 : vector<16xi32>
        %select_n3A_1136 = arith.select %lt3A_1132, %add3A_1135, %xor3A_66 : vector<16xi1>, vector<16xi32>
        %broadcast_in_dim3A_1137 = vector.shape_cast %select_n3A_1136 : vector<16xi32> to vector<16x1xi32>
        %gather3A_1138 = vector.shape_cast %broadcast_in_dim3A_1137 : vector<16x1xi32> to vector<16xi32>
        %gather3A_1139 = tpu.dynamic_gather %add3A_1129[%gather3A_1138] in [0] : vector<16xf32>, vector<16xi32> -> vector<16xf32>
        %add3A_1140 = arith.addf %add3A_1129, %gather3A_1139 : vector<16xf32>
        %lt3A_1141 = arith.constant 0 : i32
        %lt3A_1142 = vector.broadcast %lt3A_1141 : i32 to vector<16xi32>
        %lt3A_1143 = arith.cmpi slt, %xor3A_69, %lt3A_1142 : vector<16xi32>
        %add3A_1144 = arith.constant 16 : i32
        %add3A_1145 = vector.broadcast %add3A_1144 : i32 to vector<16xi32>
        %add3A_1146 = arith.addi %xor3A_69, %add3A_1145 : vector<16xi32>
        %select_n3A_1147 = arith.select %lt3A_1143, %add3A_1146, %xor3A_69 : vector<16xi1>, vector<16xi32>
        %broadcast_in_dim3A_1148 = vector.shape_cast %select_n3A_1147 : vector<16xi32> to vector<16x1xi32>
        %gather3A_1149 = vector.shape_cast %broadcast_in_dim3A_1148 : vector<16x1xi32> to vector<16xi32>
        %gather3A_1150 = tpu.dynamic_gather %add3A_1140[%gather3A_1149] in [0] : vector<16xf32>, vector<16xi32> -> vector<16xf32>
        %add3A_1151 = arith.addf %add3A_1140, %gather3A_1150 : vector<16xf32>
        %mul3A_1152 = vector.broadcast %squeeze3A : f32 to vector<16xf32>
        %mul3A_1153 = arith.mulf %add3A_1151, %mul3A_1152 : vector<16xf32>
        %mul3A_1154 = arith.mulf %mul3A_1107, %mul3A_1107 : vector<16xf32>
        %sub3A_1155 = arith.subf %mul3A_1153, %mul3A_1154 : vector<16xf32>
        %add3A_1156 = vector.broadcast %squeeze3A_7 : f32 to vector<16xf32>
        %add3A_1157 = arith.addf %sub3A_1155, %add3A_1156 : vector<16xf32>
        %bitcast_convert_type3A_1158 = tpu.bitcast %add3A_1157 : vector<16xf32> -> vector<16xi32>
        %shift_right_logical3A_1159 = arith.constant 1 : i32
        %shift_right_logical3A_1160 = vector.broadcast %shift_right_logical3A_1159 : i32 to vector<16xi32>
        %shift_right_logical3A_1161 = arith.shrui %bitcast_convert_type3A_1158, %shift_right_logical3A_1160 : vector<16xi32>
        %sub3A_1162 = arith.constant 1597463007 : i32
        %sub3A_1163 = vector.broadcast %sub3A_1162 : i32 to vector<16xi32>
        %sub3A_1164 = arith.subi %sub3A_1163, %shift_right_logical3A_1161 : vector<16xi32>
        %bitcast_convert_type3A_1165 = tpu.bitcast %sub3A_1164 : vector<16xi32> -> vector<16xf32>
        %mul3A_1166 = arith.constant 5.000000e-01 : f32
        %mul3A_1167 = vector.broadcast %mul3A_1166 : f32 to vector<16xf32>
        %mul3A_1168 = arith.mulf %mul3A_1167, %add3A_1157 : vector<16xf32>
        %mul3A_1169 = arith.mulf %mul3A_1168, %bitcast_convert_type3A_1165 : vector<16xf32>
        %mul3A_1170 = arith.mulf %mul3A_1169, %bitcast_convert_type3A_1165 : vector<16xf32>
        %sub3A_1171 = arith.constant 1.500000e+00 : f32
        %sub3A_1172 = vector.broadcast %sub3A_1171 : f32 to vector<16xf32>
        %sub3A_1173 = arith.subf %sub3A_1172, %mul3A_1170 : vector<16xf32>
        %mul3A_1174 = arith.mulf %bitcast_convert_type3A_1165, %sub3A_1173 : vector<16xf32>
        %mul3A_1175 = arith.constant 5.000000e-01 : f32
        %mul3A_1176 = vector.broadcast %mul3A_1175 : f32 to vector<16xf32>
        %mul3A_1177 = arith.mulf %mul3A_1176, %add3A_1157 : vector<16xf32>
        %mul3A_1178 = arith.mulf %mul3A_1177, %mul3A_1174 : vector<16xf32>
        %mul3A_1179 = arith.mulf %mul3A_1178, %mul3A_1174 : vector<16xf32>
        %sub3A_1180 = arith.constant 1.500000e+00 : f32
        %sub3A_1181 = vector.broadcast %sub3A_1180 : f32 to vector<16xf32>
        %sub3A_1182 = arith.subf %sub3A_1181, %mul3A_1179 : vector<16xf32>
        %mul3A_1183 = arith.mulf %mul3A_1174, %sub3A_1182 : vector<16xf32>
        %mul3A_1184 = arith.constant 5.000000e-01 : f32
        %mul3A_1185 = vector.broadcast %mul3A_1184 : f32 to vector<16xf32>
        %mul3A_1186 = arith.mulf %mul3A_1185, %add3A_1157 : vector<16xf32>
        %mul3A_1187 = arith.mulf %mul3A_1186, %mul3A_1183 : vector<16xf32>
        %mul3A_1188 = arith.mulf %mul3A_1187, %mul3A_1183 : vector<16xf32>
        %sub3A_1189 = arith.constant 1.500000e+00 : f32
        %sub3A_1190 = vector.broadcast %sub3A_1189 : f32 to vector<16xf32>
        %sub3A_1191 = arith.subf %sub3A_1190, %mul3A_1188 : vector<16xf32>
        %mul3A_1192 = arith.mulf %mul3A_1183, %sub3A_1191 : vector<16xf32>
        %sub3A_1193 = arith.subf %get3A_997, %mul3A_1107 : vector<16xf32>
        %mul3A_1194 = arith.mulf %sub3A_1193, %mul3A_1192 : vector<16xf32>
        %mul3A_1195 = arith.mulf %mul3A_1194, %get3A_13 : vector<16xf32>
        %add3A_1196 = arith.addf %mul3A_1195, %get3A_37 : vector<16xf32>
        %swap3A_1197 = arith.constant 3 : i32
        %swap3A_1198 = arith.index_cast %swap3A_1197 : i32 to index
        %swap3A_1199 = arith.index_cast %scan3A_991 : i32 to index
        %swap3A_1200 = arith.constant 0 : index
        %swap3A_1201 = tpu.vector_load %arg14[%swap3A_1198, %swap3A_1199, %swap3A_1200] {strides = array<i32>} : memref<4x128x128xf32, #tpu.memory_space<vmem>>, vector<1x1x16xf32>,
        %swap3A_1202 = vector.shape_cast %swap3A_1201 : vector<1x1x16xf32> to vector<16xf32>
        %swap3A_1203 = vector.shape_cast %add3A_1196 : vector<16xf32> to vector<1x1x16xf32>
        tpu.vector_store %arg14[%swap3A_1198, %swap3A_1199, %swap3A_1200], %swap3A_1203 {strides = array<i32>} : memref<4x128x128xf32, #tpu.memory_space<vmem>>, vector<1x1x16xf32>,
        %sub3A_1204 = arith.subf %get3A_1003, %mul3A_1107 : vector<16xf32>
        %mul3A_1205 = arith.mulf %sub3A_1204, %mul3A_1192 : vector<16xf32>
        %mul3A_1206 = arith.mulf %mul3A_1205, %get3A_16 : vector<16xf32>
        %add3A_1207 = arith.addf %mul3A_1206, %get3A_40 : vector<16xf32>
        %swap3A_1208 = arith.constant 3 : i32
        %swap3A_1209 = arith.index_cast %swap3A_1208 : i32 to index
        %swap3A_1210 = arith.index_cast %scan3A_991 : i32 to index
        %swap3A_1211 = arith.constant 16 : index
        %swap3A_1212 = tpu.vector_load %arg14[%swap3A_1209, %swap3A_1210, %swap3A_1211] {strides = array<i32>} : memref<4x128x128xf32, #tpu.memory_space<vmem>>, vector<1x1x16xf32>,
        %swap3A_1213 = vector.shape_cast %swap3A_1212 : vector<1x1x16xf32> to vector<16xf32>
        %swap3A_1214 = vector.shape_cast %add3A_1207 : vector<16xf32> to vector<1x1x16xf32>
        tpu.vector_store %arg14[%swap3A_1209, %swap3A_1210, %swap3A_1211], %swap3A_1214 {strides = array<i32>} : memref<4x128x128xf32, #tpu.memory_space<vmem>>, vector<1x1x16xf32>,
        %sub3A_1215 = arith.subf %get3A_1009, %mul3A_1107 : vector<16xf32>
        %mul3A_1216 = arith.mulf %sub3A_1215, %mul3A_1192 : vector<16xf32>
        %mul3A_1217 = arith.mulf %mul3A_1216, %get3A_19 : vector<16xf32>
        %add3A_1218 = arith.addf %mul3A_1217, %get3A_43 : vector<16xf32>
        %swap3A_1219 = arith.constant 3 : i32
        %swap3A_1220 = arith.index_cast %swap3A_1219 : i32 to index
        %swap3A_1221 = arith.index_cast %scan3A_991 : i32 to index
        %swap3A_1222 = arith.constant 32 : index
        %swap3A_1223 = tpu.vector_load %arg14[%swap3A_1220, %swap3A_1221, %swap3A_1222] {strides = array<i32>} : memref<4x128x128xf32, #tpu.memory_space<vmem>>, vector<1x1x16xf32>,
        %swap3A_1224 = vector.shape_cast %swap3A_1223 : vector<1x1x16xf32> to vector<16xf32>
        %swap3A_1225 = vector.shape_cast %add3A_1218 : vector<16xf32> to vector<1x1x16xf32>
        tpu.vector_store %arg14[%swap3A_1220, %swap3A_1221, %swap3A_1222], %swap3A_1225 {strides = array<i32>} : memref<4x128x128xf32, #tpu.memory_space<vmem>>, vector<1x1x16xf32>,
        %sub3A_1226 = arith.subf %get3A_1015, %mul3A_1107 : vector<16xf32>
        %mul3A_1227 = arith.mulf %sub3A_1226, %mul3A_1192 : vector<16xf32>
        %mul3A_1228 = arith.mulf %mul3A_1227, %get3A_22 : vector<16xf32>
        %add3A_1229 = arith.addf %mul3A_1228, %get3A_46 : vector<16xf32>
        %swap3A_1230 = arith.constant 3 : i32
        %swap3A_1231 = arith.index_cast %swap3A_1230 : i32 to index
        %swap3A_1232 = arith.index_cast %scan3A_991 : i32 to index
        %swap3A_1233 = arith.constant 48 : index
        %swap3A_1234 = tpu.vector_load %arg14[%swap3A_1231, %swap3A_1232, %swap3A_1233] {strides = array<i32>} : memref<4x128x128xf32, #tpu.memory_space<vmem>>, vector<1x1x16xf32>,
        %swap3A_1235 = vector.shape_cast %swap3A_1234 : vector<1x1x16xf32> to vector<16xf32>
        %swap3A_1236 = vector.shape_cast %add3A_1229 : vector<16xf32> to vector<1x1x16xf32>
        tpu.vector_store %arg14[%swap3A_1231, %swap3A_1232, %swap3A_1233], %swap3A_1236 {strides = array<i32>} : memref<4x128x128xf32, #tpu.memory_space<vmem>>, vector<1x1x16xf32>,
        %sub3A_1237 = arith.subf %get3A_1021, %mul3A_1107 : vector<16xf32>
        %mul3A_1238 = arith.mulf %sub3A_1237, %mul3A_1192 : vector<16xf32>
        %mul3A_1239 = arith.mulf %mul3A_1238, %get3A_25 : vector<16xf32>
        %add3A_1240 = arith.addf %mul3A_1239, %get3A_49 : vector<16xf32>
        %swap3A_1241 = arith.constant 3 : i32
        %swap3A_1242 = arith.index_cast %swap3A_1241 : i32 to index
        %swap3A_1243 = arith.index_cast %scan3A_991 : i32 to index
        %swap3A_1244 = arith.constant 64 : index
        %swap3A_1245 = tpu.vector_load %arg14[%swap3A_1242, %swap3A_1243, %swap3A_1244] {strides = array<i32>} : memref<4x128x128xf32, #tpu.memory_space<vmem>>, vector<1x1x16xf32>,
        %swap3A_1246 = vector.shape_cast %swap3A_1245 : vector<1x1x16xf32> to vector<16xf32>
        %swap3A_1247 = vector.shape_cast %add3A_1240 : vector<16xf32> to vector<1x1x16xf32>
        tpu.vector_store %arg14[%swap3A_1242, %swap3A_1243, %swap3A_1244], %swap3A_1247 {strides = array<i32>} : memref<4x128x128xf32, #tpu.memory_space<vmem>>, vector<1x1x16xf32>,
        %sub3A_1248 = arith.subf %get3A_1027, %mul3A_1107 : vector<16xf32>
        %mul3A_1249 = arith.mulf %sub3A_1248, %mul3A_1192 : vector<16xf32>
        %mul3A_1250 = arith.mulf %mul3A_1249, %get3A_28 : vector<16xf32>
        %add3A_1251 = arith.addf %mul3A_1250, %get3A_52 : vector<16xf32>
        %swap3A_1252 = arith.constant 3 : i32
        %swap3A_1253 = arith.index_cast %swap3A_1252 : i32 to index
        %swap3A_1254 = arith.index_cast %scan3A_991 : i32 to index
        %swap3A_1255 = arith.constant 80 : index
        %swap3A_1256 = tpu.vector_load %arg14[%swap3A_1253, %swap3A_1254, %swap3A_1255] {strides = array<i32>} : memref<4x128x128xf32, #tpu.memory_space<vmem>>, vector<1x1x16xf32>,
        %swap3A_1257 = vector.shape_cast %swap3A_1256 : vector<1x1x16xf32> to vector<16xf32>
        %swap3A_1258 = vector.shape_cast %add3A_1251 : vector<16xf32> to vector<1x1x16xf32>
        tpu.vector_store %arg14[%swap3A_1253, %swap3A_1254, %swap3A_1255], %swap3A_1258 {strides = array<i32>} : memref<4x128x128xf32, #tpu.memory_space<vmem>>, vector<1x1x16xf32>,
        %sub3A_1259 = arith.subf %get3A_1033, %mul3A_1107 : vector<16xf32>
        %mul3A_1260 = arith.mulf %sub3A_1259, %mul3A_1192 : vector<16xf32>
        %mul3A_1261 = arith.mulf %mul3A_1260, %get3A_31 : vector<16xf32>
        %add3A_1262 = arith.addf %mul3A_1261, %get3A_55 : vector<16xf32>
        %swap3A_1263 = arith.constant 3 : i32
        %swap3A_1264 = arith.index_cast %swap3A_1263 : i32 to index
        %swap3A_1265 = arith.index_cast %scan3A_991 : i32 to index
        %swap3A_1266 = arith.constant 96 : index
        %swap3A_1267 = tpu.vector_load %arg14[%swap3A_1264, %swap3A_1265, %swap3A_1266] {strides = array<i32>} : memref<4x128x128xf32, #tpu.memory_space<vmem>>, vector<1x1x16xf32>,
        %swap3A_1268 = vector.shape_cast %swap3A_1267 : vector<1x1x16xf32> to vector<16xf32>
        %swap3A_1269 = vector.shape_cast %add3A_1262 : vector<16xf32> to vector<1x1x16xf32>
        tpu.vector_store %arg14[%swap3A_1264, %swap3A_1265, %swap3A_1266], %swap3A_1269 {strides = array<i32>} : memref<4x128x128xf32, #tpu.memory_space<vmem>>, vector<1x1x16xf32>,
        %sub3A_1270 = arith.subf %get3A_1039, %mul3A_1107 : vector<16xf32>
        %mul3A_1271 = arith.mulf %sub3A_1270, %mul3A_1192 : vector<16xf32>
        %mul3A_1272 = arith.mulf %mul3A_1271, %get3A_34 : vector<16xf32>
        %add3A_1273 = arith.addf %mul3A_1272, %get3A_58 : vector<16xf32>
        %swap3A_1274 = arith.constant 3 : i32
        %swap3A_1275 = arith.index_cast %swap3A_1274 : i32 to index
        %swap3A_1276 = arith.index_cast %scan3A_991 : i32 to index
        %swap3A_1277 = arith.constant 112 : index
        %swap3A_1278 = tpu.vector_load %arg14[%swap3A_1275, %swap3A_1276, %swap3A_1277] {strides = array<i32>} : memref<4x128x128xf32, #tpu.memory_space<vmem>>, vector<1x1x16xf32>,
        %swap3A_1279 = vector.shape_cast %swap3A_1278 : vector<1x1x16xf32> to vector<16xf32>
        %swap3A_1280 = vector.shape_cast %add3A_1273 : vector<16xf32> to vector<1x1x16xf32>
        tpu.vector_store %arg14[%swap3A_1275, %swap3A_1276, %swap3A_1277], %swap3A_1280 {strides = array<i32>} : memref<4x128x128xf32, #tpu.memory_space<vmem>>, vector<1x1x16xf32>,
        %scan3A_1281 = arith.constant 0 : i32
        scf.yield %scan3A_1281 : i32
      }
      %scan3A_686 = arith.constant 128 : i32
      %mul3A_687 = arith.constant 128 : i32
      %mul3A_688 = arith.muli %add3A_653, %mul3A_687 : i32
      %add3A_689 = arith.addi %mul3A_10, %mul3A_688 : i32
      %dma_start3A_690 = arith.constant 3 : i32
      %dma_start3A_691 = arith.constant 0 : i32
      %dma_start3A_692 = arith.constant 0 : i32
      %dma_start3A_693 = tpu.memref_slice %arg14[%dma_start3A_690, %dma_start3A_691, %dma_start3A_692] : memref<4x128x128xf32, #tpu.memory_space<vmem>> -> memref<1x128x128xf32, #tpu.memory_space<vmem>>
      %dma_start3A_694 = tpu.memref_squeeze %dma_start3A_693 : memref<1x128x128xf32, #tpu.memory_space<vmem>> -> memref<128x128xf32, #tpu.memory_space<vmem>>
      %dma_start3A_695 = arith.constant 0 : i32
      %dma_start3A_696 = tpu.memref_slice %arg10[%add3A_689, %dma_start3A_695] : memref<524288x128xf32, #tpu.memory_space<hbm>> -> memref<128x128xf32, #tpu.memory_space<hbm>>
      %dma_start3A_697 = arith.constant 0 : i32
      %dma_start3A_698 = tpu.memref_slice %arg10[%add3A_689, %dma_start3A_697] : memref<524288x128xf32, #tpu.memory_space<hbm>> -> memref<128x128xf32, #tpu.memory_space<hbm>>
      %dma_start3A_699 = arith.constant 0 : i32
      %dma_start3A_700 = arith.constant 0 : i32
      %dma_start3A_701 = tpu.memref_slice %arg14[%dma_start3A_690, %dma_start3A_699, %dma_start3A_700] : memref<4x128x128xf32, #tpu.memory_space<vmem>> -> memref<1x128x128xf32, #tpu.memory_space<vmem>>
      %dma_start3A_702 = tpu.memref_squeeze %dma_start3A_701 : memref<1x128x128xf32, #tpu.memory_space<vmem>> -> memref<128x128xf32, #tpu.memory_space<vmem>>
      tpu.enqueue_dma source(%dma_start3A_702 : memref<128x128xf32, #tpu.memory_space<vmem>>) target(%dma_start3A_698 : memref<128x128xf32, #tpu.memory_space<hbm>>) target_semaphore(%arg28 : memref<!tpu.dma_semaphore, #tpu.memory_space<semaphore_mem>>)
      %scan3A_703 = arith.constant 0 : i32
      scf.yield %scan3A_703 : i32
    }
    %scan3A_437 = arith.constant 32 : i32
    %add3A_438 = arith.constant 15872 : i32
    %add3A_439 = arith.addi %mul3A_10, %add3A_438 : i32
    %dma_wait3A_440 = arith.constant 0 : i32
    %dma_wait3A_441 = arith.constant 0 : i32
    %dma_wait3A_442 = arith.constant 0 : i32
    %dma_wait3A_443 = tpu.memref_slice %arg14[%dma_wait3A_440, %dma_wait3A_441, %dma_wait3A_442] : memref<4x128x128xf32, #tpu.memory_space<vmem>> -> memref<1x128x128xf32, #tpu.memory_space<vmem>>
    %dma_wait3A_444 = tpu.memref_squeeze %dma_wait3A_443 : memref<1x128x128xf32, #tpu.memory_space<vmem>> -> memref<128x128xf32, #tpu.memory_space<vmem>>
    %dma_wait3A_445 = arith.constant 0 : i32
    %dma_wait3A_446 = tpu.memref_slice %arg10[%add3A_439, %dma_wait3A_445] : memref<524288x128xf32, #tpu.memory_space<hbm>> -> memref<128x128xf32, #tpu.memory_space<hbm>>
    %dma_wait3A_447 = arith.constant 0 : i32
    %dma_wait3A_448 = tpu.memref_slice %arg10[%add3A_439, %dma_wait3A_447] : memref<524288x128xf32, #tpu.memory_space<hbm>> -> memref<128x128xf32, #tpu.memory_space<hbm>>
    %dma_wait3A_449 = arith.constant 0 : i32
    %dma_wait3A_450 = arith.constant 0 : i32
    %dma_wait3A_451 = tpu.memref_slice %arg14[%dma_wait3A_440, %dma_wait3A_449, %dma_wait3A_450] : memref<4x128x128xf32, #tpu.memory_space<vmem>> -> memref<1x128x128xf32, #tpu.memory_space<vmem>>
    %dma_wait3A_452 = tpu.memref_squeeze %dma_wait3A_451 : memref<1x128x128xf32, #tpu.memory_space<vmem>> -> memref<128x128xf32, #tpu.memory_space<vmem>>
    tpu.wait_dma2 semaphore(%arg25 : memref<!tpu.dma_semaphore, #tpu.memory_space<semaphore_mem>>) src(%dma_wait3A_452 : memref<128x128xf32, #tpu.memory_space<vmem>>) dst(%dma_wait3A_448 : memref<128x128xf32, #tpu.memory_space<hbm>>)
    %add3A_453 = arith.constant 16000 : i32
    %add3A_454 = arith.addi %mul3A_10, %add3A_453 : i32
    %dma_wait3A_455 = arith.constant 1 : i32
    %dma_wait3A_456 = arith.constant 0 : i32
    %dma_wait3A_457 = arith.constant 0 : i32
    %dma_wait3A_458 = tpu.memref_slice %arg14[%dma_wait3A_455, %dma_wait3A_456, %dma_wait3A_457] : memref<4x128x128xf32, #tpu.memory_space<vmem>> -> memref<1x128x128xf32, #tpu.memory_space<vmem>>
    %dma_wait3A_459 = tpu.memref_squeeze %dma_wait3A_458 : memref<1x128x128xf32, #tpu.memory_space<vmem>> -> memref<128x128xf32, #tpu.memory_space<vmem>>
    %dma_wait3A_460 = arith.constant 0 : i32
    %dma_wait3A_461 = tpu.memref_slice %arg10[%add3A_454, %dma_wait3A_460] : memref<524288x128xf32, #tpu.memory_space<hbm>> -> memref<128x128xf32, #tpu.memory_space<hbm>>
    %dma_wait3A_462 = arith.constant 0 : i32
    %dma_wait3A_463 = tpu.memref_slice %arg10[%add3A_454, %dma_wait3A_462] : memref<524288x128xf32, #tpu.memory_space<hbm>> -> memref<128x128xf32, #tpu.memory_space<hbm>>
    %dma_wait3A_464 = arith.constant 0 : i32
    %dma_wait3A_465 = arith.constant 0 : i32
    %dma_wait3A_466 = tpu.memref_slice %arg14[%dma_wait3A_455, %dma_wait3A_464, %dma_wait3A_465] : memref<4x128x128xf32, #tpu.memory_space<vmem>> -> memref<1x128x128xf32, #tpu.memory_space<vmem>>
    %dma_wait3A_467 = tpu.memref_squeeze %dma_wait3A_466 : memref<1x128x128xf32, #tpu.memory_space<vmem>> -> memref<128x128xf32, #tpu.memory_space<vmem>>
    tpu.wait_dma2 semaphore(%arg26 : memref<!tpu.dma_semaphore, #tpu.memory_space<semaphore_mem>>) src(%dma_wait3A_467 : memref<128x128xf32, #tpu.memory_space<vmem>>) dst(%dma_wait3A_463 : memref<128x128xf32, #tpu.memory_space<hbm>>)
    %add3A_468 = arith.constant 16128 : i32
    %add3A_469 = arith.addi %mul3A_10, %add3A_468 : i32
    %dma_wait3A_470 = arith.constant 2 : i32
    %dma_wait3A_471 = arith.constant 0 : i32
    %dma_wait3A_472 = arith.constant 0 : i32
    %dma_wait3A_473 = tpu.memref_slice %arg14[%dma_wait3A_470, %dma_wait3A_471, %dma_wait3A_472] : memref<4x128x128xf32, #tpu.memory_space<vmem>> -> memref<1x128x128xf32, #tpu.memory_space<vmem>>
    %dma_wait3A_474 = tpu.memref_squeeze %dma_wait3A_473 : memref<1x128x128xf32, #tpu.memory_space<vmem>> -> memref<128x128xf32, #tpu.memory_space<vmem>>
    %dma_wait3A_475 = arith.constant 0 : i32
    %dma_wait3A_476 = tpu.memref_slice %arg10[%add3A_469, %dma_wait3A_475] : memref<524288x128xf32, #tpu.memory_space<hbm>> -> memref<128x128xf32, #tpu.memory_space<hbm>>
    %dma_wait3A_477 = arith.constant 0 : i32
    %dma_wait3A_478 = tpu.memref_slice %arg10[%add3A_469, %dma_wait3A_477] : memref<524288x128xf32, #tpu.memory_space<hbm>> -> memref<128x128xf32, #tpu.memory_space<hbm>>
    %dma_wait3A_479 = arith.constant 0 : i32
    %dma_wait3A_480 = arith.constant 0 : i32
    %dma_wait3A_481 = tpu.memref_slice %arg14[%dma_wait3A_470, %dma_wait3A_479, %dma_wait3A_480] : memref<4x128x128xf32, #tpu.memory_space<vmem>> -> memref<1x128x128xf32, #tpu.memory_space<vmem>>
    %dma_wait3A_482 = tpu.memref_squeeze %dma_wait3A_481 : memref<1x128x128xf32, #tpu.memory_space<vmem>> -> memref<128x128xf32, #tpu.memory_space<vmem>>
    tpu.wait_dma2 semaphore(%arg27 : memref<!tpu.dma_semaphore, #tpu.memory_space<semaphore_mem>>) src(%dma_wait3A_482 : memref<128x128xf32, #tpu.memory_space<vmem>>) dst(%dma_wait3A_478 : memref<128x128xf32, #tpu.memory_space<hbm>>)
    %add3A_483 = arith.constant 16256 : i32
    %add3A_484 = arith.addi %mul3A_10, %add3A_483 : i32
    %dma_wait3A_485 = arith.constant 3 : i32
    %dma_wait3A_486 = arith.constant 0 : i32
    %dma_wait3A_487 = arith.constant 0 : i32
    %dma_wait3A_488 = tpu.memref_slice %arg14[%dma_wait3A_485, %dma_wait3A_486, %dma_wait3A_487] : memref<4x128x128xf32, #tpu.memory_space<vmem>> -> memref<1x128x128xf32, #tpu.memory_space<vmem>>
    %dma_wait3A_489 = tpu.memref_squeeze %dma_wait3A_488 : memref<1x128x128xf32, #tpu.memory_space<vmem>> -> memref<128x128xf32, #tpu.memory_space<vmem>>
    %dma_wait3A_490 = arith.constant 0 : i32
    %dma_wait3A_491 = tpu.memref_slice %arg10[%add3A_484, %dma_wait3A_490] : memref<524288x128xf32, #tpu.memory_space<hbm>> -> memref<128x128xf32, #tpu.memory_space<hbm>>
    %dma_wait3A_492 = arith.constant 0 : i32
    %dma_wait3A_493 = tpu.memref_slice %arg10[%add3A_484, %dma_wait3A_492] : memref<524288x128xf32, #tpu.memory_space<hbm>> -> memref<128x128xf32, #tpu.memory_space<hbm>>
    %dma_wait3A_494 = arith.constant 0 : i32
    %dma_wait3A_495 = arith.constant 0 : i32
    %dma_wait3A_496 = tpu.memref_slice %arg14[%dma_wait3A_485, %dma_wait3A_494, %dma_wait3A_495] : memref<4x128x128xf32, #tpu.memory_space<vmem>> -> memref<1x128x128xf32, #tpu.memory_space<vmem>>
    %dma_wait3A_497 = tpu.memref_squeeze %dma_wait3A_496 : memref<1x128x128xf32, #tpu.memory_space<vmem>> -> memref<128x128xf32, #tpu.memory_space<vmem>>
    tpu.wait_dma2 semaphore(%arg28 : memref<!tpu.dma_semaphore, #tpu.memory_space<semaphore_mem>>) src(%dma_wait3A_497 : memref<128x128xf32, #tpu.memory_space<vmem>>) dst(%dma_wait3A_493 : memref<128x128xf32, #tpu.memory_space<hbm>>)
    return
  }
}

</mosaic_0001>

<sc_bundles>
// kernel: kernel.3.cloned.1.call-start
scs
__scs_entry_jumppad:
0x0: {  	(pc) =	sbr.rel $0x88, $3  }
0x1: {  	(tag) =	ssettag $0x0;
	lr =	simm.s32 $0x1  }
0x2: {  	[smem:$0x3F9A] =	sst lr;
	_ =	strace $0xD0000000  }
0x3: {  	_ = 	snop  }
0x4: {  	_ = 	snop  }
0x5: {  	_ = 	snop  }
0x6: {  	_ = 	snop  }
0x7: {  	_ = 	snop  }
__scs_overlays_trampoline_lowered:
0x8: {  	[smem:$0x3FA9] =	sst s0  }
0x9: {  	[smem:$0x3FAA] =	sst s1  }
0xa: {  	[smem:$0x3FAB] =	sst s2  }
0xb: {  	[smem:$0x3FAC] =	sst s3  }
0xc: {  	[smem:$0x3FAD] =	sst s4  }
0xd: {  	[smem:$0x3FAE] =	sst s5  }
0xe: {  	[smem:$0x3FAF] =	sst s6  }
0xf: {  	[smem:$0x3FB0] =	sst s7  }
0x10: {  	[smem:$0x3FB1] =	sst s8  }
0x11: {  	[smem:$0x3FB2] =	sst s9;
	s0 =	simm.s32 @!p0 $0x0  }
0x12: {  	s1 =	sld [smem:$0x3F98];
	s0 =	simm.s32 @p0 $0x1  }
0x13: {  	[smem:$0x3FB3] =	sst s0;
	s0 =	simm.s32 @!p1 $0x0  }
0x14: {  	s2 =	sld [smem:$0x3F97];
	s0 =	simm.s32 @p1 $0x1  }
0x15: {  	[smem:$0x3FB4] =	sst s0;
	s0 =	simm.s32 @!p2 $0x0  }
0x16: {  	s3 =	sld [smem:$0x3FDB];
	s0 =	simm.s32 @p2 $0x1  }
0x17: {  	s4 =	simm.s32 $0x1BF5;
	[smem:$0x3FB6] =	sst s0  }
0x18: {  	s0 =	sld [smem:$0x3F99];
	_ =	swait.ge [sflag:s4], $0x0  }
0x19: {  	s7 =	sld [smem:$0x3F9A]  }
0x1a: {  	s8 =	sadd.s32 $0xFFFFE003, lr  }
0x1b: {  	s9 =	sadd.s32 $0xFFFFFEF7, lr;
	s5 =	simm.s32 $0xFFFFFFFF;
	p2 =	slt.u32 s8, $0xFFFFF086  }
0x1c: {  	p1 =	slt.u32 s9, $0xF7A;
	s5 =	simm.s32 @!p2 $0x0  }
0x1d: {  	s5 =	simm.s32 @p1 $0x1;
	p0 =	seq.s32 s7, s2  }
0x1e: {  	s7 =	smul.u32 @!p0 $0xF7A, s2;
	p2 =	seq.s32 @!p0 s5, $0x0  }
0x1f: {  	s9 =	smul.u32 $0xF7A, s1;
	s8 =	simm.s32 @!p0 $0x1BF5;
	p2 =	por !p2, p0  }
0x20: {  	[sflag:s8] =	ssyncset.s32 @!p0 $0xFFFFF086;
	s6 =	sadd.s32 @!p0 s3, s7;
	s7 =	simm.s32 @!p0 $0x108  }
0x21: {  	s3 =	sadd.s32 s3, s9;
	s6 =	sadd.s32 @!p0 $0x88, s6;
	s7 =	simm.s32 @p2 $0x1082  }
0x22: {  	[simem:s7], [sflag:s8] =	dma.local @!p0 [hbm:s6], $0xF7A  }
0x23: {  	s9 =	sor.u32 $0xD0000000, s2;
	s6 =	simm.s32 $0x108;
	_ =	swait.ge @!p0 [sflag:s8], $0x0  }
0x24: {  	s3 =	sadd.s32 $0x88, s3;
	s6 =	simm.s32 @!p1 $0x1082;
	[sflag:s4] =	ssyncset.s32 $0xFFFFF086  }
0x25: {  	[simem:s6], [sflag:s4] =	dma.local [hbm:s3], $0xF7A  }
0x26: {  	[smem:$0x3F9A] =	sst s1;
	(tag) =	ssettag s2;
	_ =	strace s9  }
0x27: {  	s1 =	sld [smem:$0x3FAA]  }
0x28: {  	s2 =	sld [smem:$0x3FAB]  }
0x29: {  	s4 =	sld [smem:$0x3FAD]  }
0x2a: {  	p0 =	seq.s32 s5, $0x0;
	s5 =	sld [smem:$0x3FAE]  }
0x2b: {  	s6 =	sld [smem:$0x3FAF]  }
0x2c: {  	s7 =	sld [smem:$0x3FB0]  }
0x2d: {  	s3 =	simm.s32 $0x108;
	s8 =	sld [smem:$0x3FB1]  }
0x2e: {  	s3 =	simm.s32 @!p0 $0x1082;
	s9 =	sld [smem:$0x3FB2]  }
0x2f: {  	lr =	sadd.s32 s0, s3;
	s0 =	sld [smem:$0x3FA9]  }
0x30: {  	s3 =	sld [smem:$0x3FAC]  }
0x31: {  	[smem:$0x3FB5] =	sst s10  }
0x32: {  	s10 =	sld [smem:$0x3FB3];
	_ =	sdelay $0x3  }
0x33: {  	p0 =	seq.s32 s10, $0x1;
	s10 =	sld [smem:$0x3FB5];
	_ =	sdelay $0x3  }
0x34: {  	[smem:$0x3FB5] =	sst s10  }
0x35: {  	s10 =	sld [smem:$0x3FB4];
	_ =	sdelay $0x3  }
0x36: {  	p1 =	seq.s32 s10, $0x1;
	s10 =	sld [smem:$0x3FB5];
	_ =	sdelay $0x3  }
0x37: {  	[smem:$0x3FB5] =	sst s10  }
0x38: {  	s10 =	sld [smem:$0x3FB6]  }
0x39: {  	_ = 	snop;
	(pc) =	sbr.ind lr, $3  }
0x3a: {  	_ = 	snop  }
0x3b: {  	_ = 	snop  }
0x3c: {  	p2 =	seq.s32 s10, $0x1;
	s10 =	sld [smem:$0x3FB5]  }
0x3d: {  	_ =	shalt  }
0x3e: {  	_ =	shalt  }
0x3f: {  	_ =	shalt  }
0x40: {  	_ =	shalt  }
0x41: {  	_ =	shalt  }
0x42: {  	_ =	shalt  }
0x43: {  	_ =	shalt  }
0x44: {  	_ =	shalt  }
0x45: {  	_ =	shalt  }
0x46: {  	_ =	shalt  }
0x47: {  	_ =	shalt  }
0x48: {  	_ =	shalt  }
0x49: {  	_ =	shalt  }
0x4a: {  	_ =	shalt  }
0x4b: {  	_ =	shalt  }
0x4c: {  	_ =	shalt  }
0x4d: {  	_ =	shalt  }
0x4e: {  	_ =	shalt  }
0x4f: {  	_ =	shalt  }
0x50: {  	_ =	shalt  }
0x51: {  	_ =	shalt  }
0x52: {  	_ =	shalt  }
0x53: {  	_ =	shalt  }
0x54: {  	_ =	shalt  }
0x55: {  	_ =	shalt  }
0x56: {  	_ =	shalt  }
0x57: {  	_ =	shalt  }
0x58: {  	_ =	shalt  }
0x59: {  	_ =	shalt  }
0x5a: {  	_ =	shalt  }
0x5b: {  	_ =	shalt  }
0x5c: {  	_ =	shalt  }
0x5d: {  	_ =	shalt  }
0x5e: {  	_ =	shalt  }
0x5f: {  	_ =	shalt  }
0x60: {  	_ =	shalt  }
0x61: {  	_ =	shalt  }
0x62: {  	_ =	shalt  }
0x63: {  	_ =	shalt  }
0x64: {  	_ =	shalt  }
0x65: {  	_ =	shalt  }
0x66: {  	_ =	shalt  }
0x67: {  	_ =	shalt  }
0x68: {  	_ =	shalt  }
0x69: {  	_ =	shalt  }
0x6a: {  	_ =	shalt  }
0x6b: {  	_ =	shalt  }
0x6c: {  	_ =	shalt  }
0x6d: {  	_ =	shalt  }
0x6e: {  	_ =	shalt  }
0x6f: {  	_ =	shalt  }
0x70: {  	_ =	shalt  }
0x71: {  	_ =	shalt  }
0x72: {  	_ =	shalt  }
0x73: {  	_ =	shalt  }
0x74: {  	_ =	shalt  }
0x75: {  	_ =	shalt  }
0x76: {  	_ =	shalt  }
0x77: {  	_ =	shalt  }
0x78: {  	_ =	shalt  }
0x79: {  	_ =	shalt  }
0x7a: {  	_ =	shalt  }
0x7b: {  	_ =	shalt  }
0x7c: {  	_ =	shalt  }
0x7d: {  	_ =	shalt  }
0x7e: {  	_ =	shalt  }
0x7f: {  	_ =	shalt  }
0x80: {  	_ =	shalt  }
0x81: {  	_ =	shalt  }
0x82: {  	_ =	shalt  }
0x83: {  	_ =	shalt  }
0x84: {  	_ =	shalt  }
0x85: {  	_ =	shalt  }
0x86: {  	_ =	shalt  }
0x87: {  	_ =	shalt  }
.Lfunc_end0:
.L_simem_size_0:
called_computation_lowered:
.L_overlay_start_0:
0x88: {  	s2 =	sld [smem:$0x3FD9]  }
0x89: {  	s3 =	sld [smem:$0x3FFE];
	_ =	sdelay $0x1  }
0x8a: {  	s1 =	srdreg.scid  }
0x8b: {  	s0 =	sand.u32 $0x1, s1  }
0x8c: {  	s14 =	sshll.u32 s0, $0xA;
	s2 =	sadd.s32 s3, s2  }
0x8d: {  	s2 =	sadd.s32 s2, s14  }
0x8e: {  	[smem:$0x3FC1] =	sst s2  }
0x8f: {  	_ = 	snop  }
0x90: {  	s2 =	sld [smem:$0x3FD0]  }
0x91: {  	s15 =	sld [smem:$0x3FC7]  }
0x92: {  	s4 =	sld [smem:$0x3FC4]  }
0x93: {  	s6 =	simm.s32 $0xA;
	s7 =	simm.s32 $0x10;
	s5 =	sld [smem:$0x3FC3]  }
0x94: {  	[smem:s7], [sflag:s6] =	dma.local [hbm:s2], $0x1  }
0x95: {  	_ =	swait.eq [sflag:s6], $0x1  }
0x96: {  	[sflag:s6] =	ssyncset.done $0x0  }
0x97: {  	s16 =	sld [smem:$0x10];
	[sflag:s6] =	ssyncadd.s32 $0xFFFFFFFF  }
0x98: {  	s17 =	sld [smem:$0x11];
	(tm) =	ssettm $0x1  }
0x99: {  	s18 =	sld [smem:$0x3FFB];
	_ =	sdelay $0x3  }
0x9a: {  	_ =	strace s18  }
0x9b: {  	s7 =	sld [smem:$0x3FFC];
	_ =	sdelay $0x3  }
0x9c: {  	_ =	strace s7  }
0x9d: {  	s7 =	sld [smem:$0x3FFD];
	_ =	sdelay $0x3  }
0x9e: {  	_ =	strace s7  }
0x9f: {  	_ =	strace $0x8FFFFFFF  }
0xa0: {  	s19 =	sld [smem:$0x3FDB];
	_ =	sdelay $0x1  }
0xa1: {  	s8 =	simm.s32 $_scs_section_size  }
0xa2: {  	s9 =	simm.s32 $_size__tile_overlayer_lowered;
	s10 =	simm.s32 $_tile_overlayer_lowered  }
0xa3: {  	s22 =	simm.s32 $0x1BFF;
	s21 =	sshll.u32 s10, $0x1;
	s7 =	sadd.s32 s8, s19  }
0xa4: {  	s11 =	simm.s32 $0x0;
	s20 =	sshll.u32 s9, $0x1;
	s9 =	sadd.s32 s21, s7  }
0xa5: {  	[timem:s11], [sflag:s22] =	dma.local [hbm:s9], s20  }
0xa6: {  	_ =	swait.ge [sflag:s22], s20  }
0xa7: {  	s8 =	ssub.s32 $0x0, s20;
	[sflag:s22] =	ssyncset.done $0x0  }
0xa8: {  	[sflag:s22] =	ssyncadd.s32 s8;
	_ =	sdelay $0x1  }
0xa9: {  	s23 =	simm.s32 $0x1B8B  }
0xaa: {  	_ =	swait.ge [sflag:s23], $0x1  }
0xab: {  	[sflag:s23] =	ssyncset.done $0x0  }
0xac: {  	s25 =	simm.s32 $0x1B8E;
	s24 =	sld [smem:$0x3FFE];
	[sflag:s23] =	ssyncadd.s32 $0xFFFFFFFF  }
0xad: {  	s26 =	simm.s32 $execute0_lowered;
	[smem:$0x3FD2] =	sst s25  }
0xae: {  	s9 =	sshll.u32 s26, $0x1;
	_ =	strace $0x80000046;
	[dreg:$0x1] =	wrdreg $0xFFFFFFFF  }
0xaf: {  	s28 =	simm.s32 $_size_execute0_lowered;
	s7 =	sadd.s32 s7, s9;
	[dreg:$0x0] =	wrdreg $0x0  }
0xb0: {  	s9 =	sshll.u32 s28, $0x1;
	[dreg:$0x2] =	wrdreg s7  }
0xb1: {  	[dreg:$0x3] =	wrdreg s9  }
0xb2: {  	[dreg:$0x4] =	wrdreg $0xC0  }
0xb3: {  	_ =	task [dreg:s11], $0x5FFFF  }
0xb4: {  	[dreg:$0x1] =	wrdreg $0xFFFFFFFF  }
0xb5: {  	[dreg:$0x0] =	wrdreg $0x60  }
0xb6: {  	[dreg:$0x2] =	wrdreg s17  }
0xb7: {  	[dreg:$0x3] =	wrdreg s24  }
0xb8: {  	[dreg:$0x4] =	wrdreg s15  }
0xb9: {  	[dreg:$0x5] =	wrdreg s4  }
0xba: {  	[dreg:$0x6] =	wrdreg s5  }
0xbb: {  	[dreg:$0x7] =	wrdreg s16  }
0xbc: {  	[dreg:$0x8] =	wrdreg $0x9  }
0xbd: {  	_ =	task.clear_ibuf [dreg:s11], $0x9FFFF;
	_ =	strace $0x90000046  }
0xbe: {  	s29 =	simm.s32 $0x9;
	_ =	strace $0x80000048  }
0xbf: {  	_ =	swait.ge [sflag:s29], $0x1  }
0xc0: {  	[sflag:s29] =	ssyncadd.s32 $0xFFFFFFFF  }
0xc1: {  	_ =	strace $0x90000048  }
0xc2: {  	_ =	sfence  }
0xc3: {  	s30 =	sld [smem:$0x0];
	_ =	sdelay $0x2  }
0xc4: {  	s31 =	sshll.u32 s1, $0xD;
	s1 =	sshrl.u32 s1, $0x2  }
0xc5: {  	s3 =	sand.u32 $0x4000, s31;
	s1 =	sadd.s32 s1, s30  }
0xc6: {  	s0 =	sor.u32 s3, s0;
	s1 =	sshll.u32 s1, $0x11  }
0xc7: {  	s0 =	sor.u32 s1, s0  }
0xc8: {  	s0 =	sadd.s32 $0x8F2B, s0  }
0xc9: {  	[sflag:s0] =	ssyncadd.remote.s32 $0x1  }
0xca: {  	_ =	sfence.sel $0xFFFF  }
0xcb: {  	[dreg:$0x0] =	wrdreg $0xFFFFFFFF;
	(pc) =	sbr.abs _section_cstart, $3  }
0xcc: {  	[dreg:$0x1] =	wrdreg $0xFFFFFFFF  }
0xcd: {  	_ =	task.clear_ibuf [dreg:s11], $0x2FFFF;
	_ =	strace $0x9FFFFFFF  }
0xce: {  	(tm) =	ssettm $0x7FFFFFFF  }
0xcf: {  	_ =	shalt  }
tec
execute0_lowered:
.L_overlay_start_1:
0x0: {  	(tag) =	ssettag $0x1  }
0x1: {  	s0 =	rddreg [dreg:$0x0]  }
0x2: {  	s2 =	rddreg [dreg:$0x1]  }
0x3: {  	s1 =	rddreg [dreg:$0x2];
	v0 =	vlaneseq.u32  }
0x4: {  	s10 =	rddreg [dreg:$0x5];
	v8 =	vimm.s32 $0xEFCDAB89;
	v9 =	vimm.s32 $0x67452301;
	v12 =	vimm.s32 $0xDCFE98BA  }
0x5: {  	s3 =	srdreg.scid;
	s4 =	stileid.u32;
	v17 =	vimm.s32 $0x32107654;
	v18 =	vimm.s32 $0xFEDCBA98;
	v0 =	vmul.u32 $0x2, v0  }
0x6: {  	s6 =	simm.s32 $0x0;
	s23 =	simm.s32 $0x80;
	s29 =	simm.s32 $0x2;
	v10 =	vunpack.c.l.s4.s8 v8;
	v11 =	vunpack.c.l.s4.s8 v9;
	v15 =	vunpack.c.l.s4.s8 v12  }
0x7: {  	s31 =	simm.s32 $0x10200;
	s17 =	simm.s32 $0x6;
	s18 =	simm.s32 $0x4;
	v17 =	vunpack.c.l.s4.s8 v17;
	v18 =	vunpack.c.l.s4.s8 v18;
	v1 =	vor.u32 $0x20, v0  }
0x8: {  	s21 =	simm.s32 $0x7;
	s22 =	simm.s32 $0x8;
	s11 =	simm.s32 $0x0;
	v2 =	vor.u32 $0x40, v0;
	v3 =	vor.u32 $0x60, v0;
	v4 =	vor.u32 $0x80, v0  }
0x9: {  	s3 =	sand.u32 $0x1, s3;
	s4 =	sshll.u32 s4, $0xF;
	[smem:$0x7FF] =	sst s6;
	v5 =	vor.u32 $0xA0, v0;
	v13 =	vunpack.c.0.s8.s32 v10;
	v14 =	vunpack.c.0.s8.s32 v11  }
0xa: {  	s8 =	sadd.s32 $0x10A00, s2;
	s9 =	sadd.s32 $0x14A00, s2;
	s14 =	sadd.s32 $0x800, s10;
	v6 =	vor.u32 $0xC0, v0;
	v7 =	vor.u32 $0xE0, v0;
	v8 =	vor.u32 $0x100, v0  }
0xb: {  	s5 =	sshll.u32 s3, $0xE;
	_ =	strace $0x80000047;
	s3 =	ssub.s32 $0x2, s3;
	v9 =	vor.u32 $0x120, v0;
	v16 =	vcombine.low v14, v13;
	v13 =	vimm.s32 $0x54761032  }
0xc: {  	[dreg:$0x7] =	wrdreg s9;
	s7 =	sor.u32 s5, s4;
	s25 =	sshrl.u32 s3, $0x1;
	v14 =	vunpack.c.0.s8.s32 v15;
	v15 =	vimm.s32 $0xBA98FEDC;
	v13 =	vunpack.c.l.s4.s8 v13  }
0xd: {  	s9 =	simm.s32 $0x9;
	v10 =	vor.u32 $0x140, v0;
	v11 =	vor.u32 $0x160, v0;
	s4 =	sshrl.u32 s7, $0x3;
	s26 =	ssub.s32 s3, s25;
	v15 =	vunpack.c.l.s4.s8 v15  }
0xe: {  	v18 =	vunpack.c.0.s8.s32 v18;
	s13 =	sshll.u32 s7, $0x4;
	s25 =	simm.s32 $0xC200;
	s3 =	simm.s32 $0x14200;
	v19 =	vunpack.c.0.s8.s32 v13;
	v13 =	vimm.s32 $0x76543210  }
0xf: {  	v17 =	vunpack.c.0.s8.s32 v17;
	s24 =	sadd.s32 s4, s2;
	s2 =	sadd.s32 $0x14C00, s2;
	s0 =	sadd.s32 s0, s4;
	v15 =	vunpack.c.0.s8.s32 v15;
	v20 =	vunpack.c.l.s4.s8 v13  }
0x10: {  	v12 =	vor.u32 $0x180, v0;
	s15 =	sadd.s32 s10, s13;
	s30 =	smax.u32 s26, $0x1;
	v22 =	vand.u32 $0xF, v18;
	[dreg:$0x8] =	wrdreg s2;
	v16 =	vand.u32 $0xF, v16  }
0x11: {  	s26 =	simm.s32 $0x1;
	s4 =	simm.s32 $0x3;
	[dreg:$0x9] =	wrdreg s0;
	v19 =	vcombine.low v19, v14;
	v21 =	vcombine.low v17, v15;
	v20 =	vunpack.c.0.s8.s32 v20  }
0x12: {  	s10 =	simm.s32 $0xA;
	s28 =	sadd.s32 $0xA00, s24;
	[dreg:$0xb] =	wrdreg s30;
	v13 =	vor.u32 $0x1A0, v0;
	v14 =	vor.u32 $0x1C0, v0;
	v15 =	vor.u32 $0x1E0, v0  }
0x13: {  	s24 =	simm.s32 $0x8200;
	s0 =	simm.s32 $0x5;
	[dreg:$0xa] =	wrdreg s28;
	v17 =	vand.u32 $0xF, v19;
	v18 =	vand.u32 $0xF, v21;
	v19 =	vcombine.low v22, v20  }
.LBB2_1:
0x14: {  	[dreg:$0xc] =	wrdreg s11  }
0x15: {  	s2 =	rddreg [dreg:$0x7];
	s5 =	simm.s32 $0x18300  }
0x16: {  	[tilespmem:s5], [sflag:$0xD] =	stream.linear.gather [hbm4b:s2+s6], $0x1, $0x38;
	[tilespmem:$0x18400] =	vst v63  }
0x17: {  	s20 =	rddreg [dreg:$0x8];
	s28 =	simm.s32 $0x18380;
	s5 =	simm.s32 $0xD  }
0x18: {  	[tilespmem:s28], [sflag:$0xD] =	stream.linear.gather [hbm4b:s20+s6], $0x1, $0x38;
	[tilespmem:$0x18400] =	vst v63  }
0x19: {  	_ =	swait.ge [sflag:s5], $0x1  }
0x1a: {  	[sflag:s5] =	ssyncset.done $0x0  }
0x1b: {  	[sflag:s5] =	ssyncadd.s32 $0xFFFFFFFF  }
0x1c: {  	_ =	swait.ge [sflag:s5], $0x1  }
0x1d: {  	[sflag:s5] =	ssyncset.done $0x0  }
0x1e: {  	[sflag:s5] =	ssyncadd.s32 $0xFFFFFFFF  }
0x1f: {  	s30 =	rddreg [dreg:$0x9];
	v20 =	vld.msk [tilespmem:$0x18300 ss:$0x0], $0xffff  }
0x20: {  	v21 =	vld.msk [tilespmem:$0x18380 ss:$0x0], $0xffff;
	[tilespmem:s6], [sflag:$0xD] =	stream.linear.gather [hbm4b:s30+s6], $0x4000, $0x38  }
0x21: {  	_ =	swait.ge [sflag:s5], $0x4000  }
0x22: {  	[sflag:s5] =	ssyncset.done $0x0  }
0x23: {  	s12 =	simm.s32 $0x4000;
	s11 =	rddreg [dreg:$0xa];
	[sflag:s5] =	ssyncadd.s32 $0xFFFFC000  }
0x24: {  	[tilespmem:s12], [sflag:$0xD] =	stream.linear.gather [hbm4b:s11+s6], $0x4000, $0x38;
	[tilespmem:$0x18400] =	vst v63  }
0x25: {  	_ =	swait.ge [sflag:s5], $0x4000  }
0x26: {  	[sflag:s5] =	ssyncset.done $0x0  }
0x27: {  	[sflag:s5] =	ssyncadd.s32 $0xFFFFC000  }
0x28: {  	s19 =	simm.s32 $0x18200;
	s16 =	rddreg [dreg:$0x3]  }
0x29: {  	[tilespmem:s19], [sflag:$0xD] =	stream.linear.gather [hbm4b:s16+s6], $0x80, $0x38;
	[tilespmem:$0x18400] =	vst v63  }
0x2a: {  	_ =	swait.ge [sflag:s5], $0x80  }
0x2b: {  	[sflag:s5] =	ssyncset.done $0x0  }
0x2c: {  	[sflag:s5] =	ssyncadd.s32 $0xFFFFFF80  }
0x2d: {  	s28 =	simm.s32 $0x18280;
	s20 =	rddreg [dreg:$0x4]  }
0x2e: {  	[tilespmem:s28], [sflag:$0xD] =	stream.linear.gather [hbm4b:s20+s6], $0x80, $0x38;
	[tilespmem:$0x18400] =	vst v63  }
0x2f: {  	_ =	swait.ge [sflag:s5], $0x80  }
0x30: {  	[sflag:s5] =	ssyncset.done $0x0  }
0x31: {  	[sflag:s5] =	ssyncadd.s32 $0xFFFFFF80  }
0x32: {  	v22 =	vld [tilespmem:$0x18200]  }
0x33: {  	v23 =	vld [tilespmem:$0x18210]  }
0x34: {  	v24 =	vld [tilespmem:$0x18220]  }
0x35: {  	v25 =	vld [tilespmem:$0x18230]  }
0x36: {  	v26 =	vld [tilespmem:$0x18240]  }
0x37: {  	v27 =	vld [tilespmem:$0x18250]  }
0x38: {  	v28 =	vld [tilespmem:$0x18260]  }
0x39: {  	v29 =	vld [tilespmem:$0x18270]  }
0x3a: {  	v30 =	vld [tilespmem:$0x18280]  }
0x3b: {  	v32 =	vld [tilespmem:$0x4000]  }
0x3c: {  	v33 =	vld [tilespmem:$0x4010]  }
0x3d: {  	v34 =	vld [tilespmem:$0x4020]  }
0x3e: {  	v35 =	vld [tilespmem:$0x4030]  }
0x3f: {  	v36 =	vld [tilespmem:$0x4040]  }
0x40: {  	v37 =	vld [tilespmem:$0x4050];
	v32 =	vadd.s32 v0, v32  }
0x41: {  	v38 =	vld [tilespmem:$0x4060];
	v46 =	vadd.s32 v1, v33;
	[tilespmem:$0x8000] =	vst v32  }
0x42: {  	v39 =	vld [tilespmem:$0x4070];
	v47 =	vadd.s32 v2, v34;
	[tilespmem:$0x8010] =	vst v46  }
0x43: {  	v31 =	vld [tilespmem:$0x18290];
	v48 =	vadd.s32 v3, v35;
	[tilespmem:$0x8020] =	vst v47  }
0x44: {  	v33 =	vld [tilespmem:$0x182B0];
	v49 =	vadd.s32 v4, v36;
	[tilespmem:$0x8030] =	vst v48  }
0x45: {  	v34 =	vld [tilespmem:$0x182C0];
	v50 =	vadd.s32 v5, v37;
	[tilespmem:$0x8040] =	vst v49  }
0x46: {  	v35 =	vld [tilespmem:$0x182D0];
	v51 =	vadd.s32 v6, v38;
	[tilespmem:$0x8050] =	vst v50  }
0x47: {  	v36 =	vld [tilespmem:$0x182E0];
	v52 =	vadd.s32 v7, v39;
	[tilespmem:$0x8060] =	vst v51  }
0x48: {  	v37 =	vld [tilespmem:$0x182F0];
	[tilespmem:$0x8070] =	vst v52  }
0x49: {  	v32 =	vld [tilespmem:$0x182A0];
	[tilespmem:s24], [sflag:$0x1] =	stream.indirect.gather [hbm4b:s1+s23], $0x80, s6, s23, $0xb8  }
0x4a: {  	v53 =	vld [tilespmem:$0x4080]  }
0x4b: {  	v54 =	vld [tilespmem:$0x4090]  }
0x4c: {  	v40 =	vld [tilespmem:$0x40A0]  }
0x4d: {  	v41 =	vld [tilespmem:$0x40B0]  }
0x4e: {  	v42 =	vld [tilespmem:$0x40C0]  }
0x4f: {  	v43 =	vld [tilespmem:$0x40D0];
	v38 =	vadd.s32 v8, v53  }
0x50: {  	v56 =	vld [tilespmem:$0x40E0];
	v55 =	vadd.s32 v9, v54;
	[tilespmem:$0x8080] =	vst v38  }
0x51: {  	v58 =	vld [tilespmem:$0x40F0];
	v57 =	vadd.s32 v10, v40;
	[tilespmem:$0x8090] =	vst v55  }
0x52: {  	v59 =	vadd.s32 v11, v41;
	[tilespmem:$0x80A0] =	vst v57  }
0x53: {  	v60 =	vadd.s32 v12, v42;
	[tilespmem:$0x80B0] =	vst v59  }
0x54: {  	v61 =	vadd.s32 v13, v43;
	[tilespmem:$0x80C0] =	vst v60  }
0x55: {  	v62 =	vadd.s32 v14, v56;
	[tilespmem:$0x80D0] =	vst v61  }
0x56: {  	v63 =	vadd.s32 v15, v58;
	[tilespmem:$0x80E0] =	vst v62  }
0x57: {  	[tilespmem:$0x80F0] =	vst v63  }
0x58: {  	[tilespmem:s25], [sflag:$0x2] =	stream.indirect.gather [hbm4b:s1+s23], $0x80, s23, s23, $0xb8;
	[tilespmem:$0x18400] =	vst v63  }
0x59: {  	_ =	swait.ge [sflag:s26], $0x4000  }
0x5a: {  	[sflag:s26] =	ssyncset.done $0x0  }
0x5b: {  	s30 =	simm.s32 $0x8000;
	s11 =	simm.s32 $0x0;
	[sflag:s26] =	ssyncadd.s32 $0xFFFFC000  }
0x5c: {  	[tilespmem:s24], [sflag:$0x5] =	stream.indirect.gather.add.f32 [hbm:s8], $0x80, s30, s23, $0xb8;
	[tilespmem:$0x18400] =	vst v63  }
.LBB2_2:
0x5d: {  	_ =	swait.ge [sflag:s29], $0x4000  }
0x5e: {  	[sflag:s29] =	ssyncset.done $0x0  }
0x5f: {  	s2 =	simm.s32 $0x8080;
	p0 =	seq.s32 s11, $0x0;
	[sflag:s29] =	ssyncadd.s32 $0xFFFFC000  }
0x60: {  	[tilespmem:s25], [sflag:$0x6] =	stream.indirect.gather.add.f32 [hbm:s8], $0x80, s2, s23, $0xb8;
	[tilespmem:$0x18400] =	vst v63  }
0x61: {  	s2 =	simm.s32 @!p0 $0xB  }
0x62: {  	s12 =	sshll.u32 s11, $0x2;
	_ =	swait.ge @!p0 [sflag:s2], $0x4000  }
0x63: {  	s28 =	sor.u32 $0x2, s12;
	[sflag:s2] =	ssyncset.done @!p0 $0x0  }
0x64: {  	[sflag:s2] =	ssyncadd.s32 @!p0 $0xFFFFC000;
	s2 =	sshll.u32 s28, $0x7  }
0x65: {  	s5 =	sor.u32 s7, s2;
	v38 =	vld [tilespmem:s2+$0x4000]  }
0x66: {  	v39 =	vmov s5  }
0x67: {  	v39 =	vshll.u32 v39, $0x1  }
0x68: {  	v39 =	vor.u32 v0, v39  }
0x69: {  	v39 =	vand.u32 $0x31E, v39  }
0x6a: {  	v38 =	vadd.s32 v39, v38  }
0x6b: {  	s16 =	sand.u32 $0x3FFFFF80, s2;
	[tilespmem:$0x8100] =	vst v38  }
0x6c: {  	s19 =	sor.u32 $0x10, s5;
	v38 =	vld [tilespmem:s16+$0x4010]  }
0x6d: {  	v52 =	vmov s19  }
0x6e: {  	v39 =	vshll.u32 v52, $0x1  }
0x6f: {  	v39 =	vor.u32 v0, v39  }
0x70: {  	v39 =	vand.u32 $0x3FE, v39  }
0x71: {  	v38 =	vadd.s32 v39, v38  }
0x72: {  	[tilespmem:$0x8110] =	vst v38  }
0x73: {  	s30 =	sor.u32 $0x20, s5;
	v38 =	vld [tilespmem:s16+$0x4020]  }
0x74: {  	v53 =	vmov s30  }
0x75: {  	v39 =	vshll.u32 v53, $0x1  }
0x76: {  	v39 =	vor.u32 v0, v39  }
0x77: {  	v39 =	vand.u32 $0x3FE, v39  }
0x78: {  	v38 =	vadd.s32 v39, v38  }
0x79: {  	[tilespmem:$0x8120] =	vst v38  }
0x7a: {  	s20 =	sor.u32 $0x30, s5;
	v38 =	vld [tilespmem:s16+$0x4030]  }
0x7b: {  	v54 =	vmov s20  }
0x7c: {  	v39 =	vshll.u32 v54, $0x1  }
0x7d: {  	v39 =	vor.u32 v0, v39  }
0x7e: {  	v39 =	vand.u32 $0x3FE, v39  }
0x7f: {  	v38 =	vadd.s32 v39, v38  }
0x80: {  	[tilespmem:$0x8130] =	vst v38  }
0x81: {  	s30 =	sor.u32 $0x40, s5;
	v38 =	vld [tilespmem:s16+$0x4040]  }
0x82: {  	v55 =	vmov s30  }
0x83: {  	v39 =	vshll.u32 v55, $0x1  }
0x84: {  	v39 =	vor.u32 v0, v39  }
0x85: {  	v39 =	vand.u32 $0x3FE, v39  }
0x86: {  	v38 =	vadd.s32 v39, v38  }
0x87: {  	[tilespmem:$0x8140] =	vst v38  }
0x88: {  	s20 =	sor.u32 $0x50, s5;
	v38 =	vld [tilespmem:s16+$0x4050]  }
0x89: {  	v56 =	vmov s20  }
0x8a: {  	v39 =	vshll.u32 v56, $0x1  }
0x8b: {  	v39 =	vor.u32 v0, v39  }
0x8c: {  	v39 =	vand.u32 $0x3FE, v39  }
0x8d: {  	v38 =	vadd.s32 v39, v38  }
0x8e: {  	[tilespmem:$0x8150] =	vst v38  }
0x8f: {  	s30 =	sor.u32 $0x60, s5;
	v38 =	vld [tilespmem:s16+$0x4060]  }
0x90: {  	v57 =	vmov s30  }
0x91: {  	v39 =	vshll.u32 v57, $0x1  }
0x92: {  	v39 =	vor.u32 v0, v39  }
0x93: {  	v39 =	vand.u32 $0x3FE, v39  }
0x94: {  	v38 =	vadd.s32 v39, v38  }
0x95: {  	[tilespmem:$0x8160] =	vst v38  }
0x96: {  	s5 =	sor.u32 $0x70, s5;
	v38 =	vld [tilespmem:s16+$0x4070]  }
0x97: {  	v58 =	vmov s5  }
0x98: {  	v39 =	vshll.u32 v58, $0x1  }
0x99: {  	v39 =	vor.u32 v0, v39  }
0x9a: {  	v39 =	vand.u32 $0x3FE, v39  }
0x9b: {  	v38 =	vadd.s32 v39, v38  }
0x9c: {  	[tilespmem:$0x8170] =	vst v38  }
0x9d: {  	[tilespmem:s31], [sflag:$0x3] =	stream.indirect.gather [hbm4b:s1+s23], $0x80, s2, s23, $0xb8;
	[tilespmem:$0x18400] =	vst v63  }
0x9e: {  	_ =	swait.ge [sflag:s0], $0x4000  }
0x9f: {  	[sflag:s0] =	ssyncset.done $0x0  }
0xa0: {  	s16 =	simm.s32 $0x8280;
	[sflag:s0] =	ssyncadd.s32 $0xFFFFC000  }
0xa1: {  	v39 =	vld [tilespmem:s16+$0x10]  }
0xa2: {  	v40 =	vld [tilespmem:s16+$0x0];
	_ =	sdelay $0x1  }
0xa3: {  	v41 =	vld [tilespmem:s16+$0x20];
	_ =	sdelay $0x1  }
0xa4: {  	v38 =	vld [tilespmem:s16+$0x30]  }
0xa5: {  	v45 =	vld [tilespmem:s16+$0x40];
	v42 =	vmul.f32 v39, v39;
	v43 =	vmul.f32 v40, v40;
	v44 =	vadd.f32 v39, v40  }
0xa6: {  	v46 =	vld [tilespmem:s16+$0xFFFFFF80]  }
0xa7: {  	v49 =	vld [tilespmem:s16+$0xFFFFFF90];
	v47 =	vmul.f32 v41, v41;
	v42 =	vadd.f32 v42, v43;
	v59 =	vadd.f32 v41, v44  }
0xa8: {  	v44 =	vld [tilespmem:s16+$0x50]  }
0xa9: {  	v50 =	vld [tilespmem:s16+$0xFFFFFFA0];
	v60 =	vmul.f32 v38, v38;
	v42 =	vadd.f32 v47, v42;
	v43 =	vadd.f32 v38, v59  }
0xaa: {  	v48 =	vld [tilespmem:s16+$0x60]  }
0xab: {  	v53 =	vld [tilespmem:s16+$0xFFFFFFB0];
	v51 =	vmul.f32 v45, v45;
	v42 =	vadd.f32 v60, v42;
	v43 =	vadd.f32 v45, v43  }
0xac: {  	v61 =	vmul.f32 v46, v46;
	v54 =	vadd.f32 v49, v46;
	v55 =	vmul.f32 v49, v49;
	v47 =	vld [tilespmem:s16+$0x70]  }
0xad: {  	v56 =	vld [tilespmem:s16+$0xFFFFFFC0];
	v52 =	vmul.f32 v44, v44;
	v42 =	vadd.f32 v51, v42;
	v43 =	vadd.f32 v44, v43  }
0xae: {  	v57 =	vmul.f32 v50, v50;
	v54 =	vadd.f32 v50, v54;
	v51 =	vadd.f32 v55, v61  }
0xaf: {  	v62 =	vmul.f32 v48, v48;
	v55 =	vld [tilespmem:s16+$0xFFFFFFD0];
	v42 =	vadd.f32 v52, v42;
	v43 =	vadd.f32 v48, v43  }
0xb0: {  	v54 =	vadd.f32 v53, v54;
	v60 =	vmul.f32 v53, v53;
	v51 =	vadd.f32 v57, v51  }
0xb1: {  	v58 =	vld [tilespmem:s16+$0xFFFFFFE0];
	v63 =	vmul.f32 v47, v47;
	v42 =	vadd.f32 v62, v42;
	v43 =	vadd.f32 v47, v43  }
0xb2: {  	v51 =	vadd.f32 v60, v51;
	v62 =	vmul.f32 v56, v56  }
0xb3: {  	v59 =	vld [tilespmem:s16+$0xFFFFFFF0];
	v54 =	vadd.f32 v56, v54;
	v42 =	vadd.f32 v63, v42;
	v61 =	vperm.xlane v43, v16  }
0xb4: {  	v57 =	vmul.f32 v55, v55;
	v51 =	vadd.f32 v62, v51  }
0xb5: {  	v54 =	vadd.f32 v55, v54;
	v43 =	vadd.f32 v61, v43;
	v52 =	vperm.xlane v42, v16  }
0xb6: {  	v51 =	vadd.f32 v57, v51;
	v61 =	vmul.f32 v58, v58  }
0xb7: {  	v63 =	vadd.f32 v58, v54;
	v60 =	vperm.xlane v43, v17;
	v42 =	vadd.f32 v52, v42  }
0xb8: {  	v54 =	vmul.f32 v59, v59;
	v51 =	vadd.f32 v61, v51  }
0xb9: {  	v52 =	vadd.f32 v59, v63;
	v43 =	vadd.f32 v60, v43;
	v57 =	vperm.xlane v42, v17  }
0xba: {  	v51 =	vadd.f32 v54, v51  }
0xbb: {  	v62 =	vperm.xlane v52, v16;
	v60 =	vperm.xlane v43, v18;
	v42 =	vadd.f32 v57, v42  }
0xbc: {  	v54 =	vperm.xlane v51, v16  }
0xbd: {  	v52 =	vadd.f32 v62, v52;
	v43 =	vadd.f32 v60, v43;
	v57 =	vperm.xlane v42, v18  }
0xbe: {  	v51 =	vadd.f32 v54, v51  }
0xbf: {  	v63 =	vperm.xlane v52, v17;
	v60 =	vperm.xlane v43, v19;
	v42 =	vadd.f32 v57, v42  }
0xc0: {  	v61 =	vperm.xlane v51, v17  }
0xc1: {  	v52 =	vadd.f32 v63, v52;
	v43 =	vadd.f32 v60, v43;
	v60 =	vperm.xlane v42, v19  }
0xc2: {  	v51 =	vadd.f32 v61, v51  }
0xc3: {  	v62 =	vperm.xlane v52, v18;
	v43 =	vmul.f32 v43, v20;
	v42 =	vadd.f32 v60, v42  }
0xc4: {  	v60 =	vperm.xlane v51, v18  }
0xc5: {  	v52 =	vadd.f32 v62, v52;
	v42 =	vmul.f32 v42, v20;
	v63 =	vmul.f32 v43, v43  }
0xc6: {  	v51 =	vadd.f32 v60, v51  }
0xc7: {  	v61 =	vperm.xlane v52, v19;
	v42 =	vsub.f32 v42, v63  }
0xc8: {  	v54 =	vperm.xlane v51, v19  }
0xc9: {  	v52 =	vadd.f32 v61, v52;
	v42 =	vadd.f32 v42, v21  }
0xca: {  	v51 =	vadd.f32 v54, v51  }
0xcb: {  	v52 =	vmul.f32 v52, v20;
	v62 =	vshrl.u32 v42, $0x1;
	v42 =	vmul.f32 $5.000000000e-01, v42  }
0xcc: {  	v51 =	vmul.f32 v51, v20;
	v54 =	vsub.s32 $0x5F3759DF, v62  }
0xcd: {  	v60 =	vmul.f32 v52, v52;
	v57 =	vmul.f32 v54, v42;
	_ =	sdelay $0x1  }
0xce: {  	v51 =	vsub.f32 v51, v60;
	v57 =	vmul.f32 v54, v57;
	_ =	sdelay $0x1  }
0xcf: {  	v51 =	vadd.f32 v51, v21;
	v57 =	vsub.f32 $1.500000000e+00, v57;
	_ =	sdelay $0x1  }
0xd0: {  	v63 =	vshrl.u32 v51, $0x1;
	v51 =	vmul.f32 $5.000000000e-01, v51;
	v54 =	vmul.f32 v54, v57  }
0xd1: {  	v57 =	vsub.s32 $0x5F3759DF, v63  }
0xd2: {  	v61 =	vmul.f32 v57, v51;
	v60 =	vmul.f32 v54, v42;
	_ =	sdelay $0x1  }
0xd3: {  	v61 =	vmul.f32 v57, v61;
	v60 =	vmul.f32 v60, v54;
	_ =	sdelay $0x1  }
0xd4: {  	v61 =	vsub.f32 $1.500000000e+00, v61;
	v60 =	vsub.f32 $1.500000000e+00, v60;
	_ =	sdelay $0x1  }
0xd5: {  	v57 =	vmul.f32 v57, v61;
	v54 =	vmul.f32 v60, v54;
	_ =	sdelay $0x1  }
0xd6: {  	v60 =	vmul.f32 v57, v51;
	v42 =	vmul.f32 v54, v42  }
0xd7: {  	v40 =	vsub.f32 v40, v43;
	v39 =	vsub.f32 v39, v43  }
0xd8: {  	v61 =	vsub.f32 v47, v43;
	v47 =	vmul.f32 v60, v57;
	v42 =	vmul.f32 v42, v54  }
0xd9: {  	v41 =	vsub.f32 v41, v43;
	v62 =	vsub.f32 v44, v43  }
0xda: {  	v44 =	vsub.f32 $1.500000000e+00, v47;
	v42 =	vsub.f32 $1.500000000e+00, v42  }
0xdb: {  	v60 =	vsub.f32 v45, v43;
	v47 =	vsub.f32 v38, v43  }
0xdc: {  	v38 =	vsub.f32 v49, v52;
	v49 =	vmul.f32 v44, v57;
	v45 =	vmul.f32 v42, v54  }
0xdd: {  	v63 =	vsub.f32 v48, v43;
	v48 =	vsub.f32 v46, v52  }
0xde: {  	v42 =	vsub.f32 v56, v52;
	v51 =	vmul.f32 v49, v51;
	v56 =	vmul.f32 v45, v40  }
0xdf: {  	v43 =	vsub.f32 v58, v52;
	v46 =	vmul.f32 v45, v39;
	v57 =	vmul.f32 v45, v61  }
0xe0: {  	v44 =	vsub.f32 v59, v52;
	v54 =	vmul.f32 v45, v41;
	v59 =	vmul.f32 v45, v60  }
0xe1: {  	v39 =	vsub.f32 v50, v52;
	v62 =	vmul.f32 v45, v62;
	v60 =	vmul.f32 v51, v49  }
0xe2: {  	v41 =	vsub.f32 v53, v52;
	v51 =	vmul.f32 v45, v63;
	v54 =	vmul.f32 v54, v24  }
0xe3: {  	v53 =	vmul.f32 v56, v22;
	v50 =	vmul.f32 v62, v27;
	v56 =	vsub.f32 $1.500000000e+00, v60  }
0xe4: {  	s19 =	simm.s32 $0x0;
	s5 =	simm.s32 $0x8280;
	v40 =	vsub.f32 v55, v52;
	v55 =	vmul.f32 v59, v26;
	v52 =	vmul.f32 v57, v29  }
.LBB2_3:
0xe5: {  	s19 =	sadd.s32 $0x2, s19;
	v49 =	vmul.f32 v56, v49;
	v54 =	vadd.f32 v54, v32;
	v45 =	vmul.f32 v45, v47;
	s16 =	sadd.s32 $0x100, s16  }
0xe6: {  	v46 =	vmul.f32 v46, v23;
	p1 =	slt.u32 s19, $0x7E;
	v47 =	vadd.f32 v55, v34;
	v52 =	vadd.f32 v52, v37  }
0xe7: {  	v48 =	vmul.f32 v49, v48;
	v55 =	vmul.f32 v49, v42;
	v42 =	vadd.f32 v53, v30;
	[tilespmem:s5+$0x20] =	vst v54  }
0xe8: {  	v46 =	vadd.f32 v46, v31;
	v45 =	vmul.f32 v45, v25;
	[tilespmem:s5+$0x40] =	vst v47;
	v47 =	vmul.f32 v51, v28  }
0xe9: {  	v51 =	vmul.f32 v49, v38;
	v38 =	vadd.f32 v50, v35;
	v48 =	vmul.f32 v48, v22;
	[tilespmem:s5+$0x0] =	vst v42  }
0xea: {  	v44 =	vmul.f32 v49, v44;
	v42 =	vmul.f32 v49, v39;
	[tilespmem:s5+$0x10] =	vst v46;
	v46 =	vadd.f32 v47, v36  }
0xeb: {  	v39 =	vld [tilespmem:s16+$0x10];
	v47 =	vadd.f32 v48, v30;
	v48 =	vmul.f32 v49, v41;
	v41 =	vmul.f32 v49, v43;
	[tilespmem:s5+$0x50] =	vst v38  }
0xec: {  	v44 =	vmul.f32 v44, v29;
	v45 =	vadd.f32 v45, v33;
	v50 =	vmul.f32 v42, v24;
	v43 =	vld [tilespmem:s16+$0x0];
	[tilespmem:s5+$0x60] =	vst v46  }
0xed: {  	v40 =	vmul.f32 v49, v40;
	v42 =	vld [tilespmem:s16+$0x20];
	[tilespmem:s5+$0xFFFFFF80] =	vst v47;
	v41 =	vmul.f32 v41, v28  }
0xee: {  	v49 =	vadd.f32 v44, v37;
	v46 =	vadd.f32 v50, v32;
	v47 =	vmul.f32 v55, v26;
	v38 =	vld [tilespmem:s16+$0xFFFFFF80];
	[tilespmem:s5+$0x30] =	vst v45  }
0xef: {  	v50 =	vmul.f32 v40, v27;
	v45 =	vmul.f32 v51, v23;
	v44 =	vld [tilespmem:s16+$0x40];
	v51 =	vadd.f32 v41, v36;
	[tilespmem:s5+$0x70] =	vst v52  }
0xf0: {  	v48 =	vmul.f32 v48, v25;
	v47 =	vadd.f32 v47, v34;
	v41 =	vld [tilespmem:s16+$0x30];
	v52 =	vmul.f32 v39, v39;
	[tilespmem:s5+$0xFFFFFFF0] =	vst v49  }
0xf1: {  	v45 =	vadd.f32 v45, v31;
	v49 =	vmul.f32 v43, v43;
	v53 =	vadd.f32 v39, v43;
	[tilespmem:s5+$0xFFFFFFA0] =	vst v46  }
0xf2: {  	v48 =	vadd.f32 v48, v33;
	v50 =	vadd.f32 v50, v35;
	v40 =	vld [tilespmem:s16+$0xFFFFFFA0];
	v46 =	vmul.f32 v42, v42;
	[tilespmem:s5+$0xFFFFFFC0] =	vst v47  }
0xf3: {  	v54 =	vmul.f32 v38, v38;
	v47 =	vld [tilespmem:s16+$0x50];
	v49 =	vadd.f32 v52, v49;
	v52 =	vadd.f32 v42, v53;
	[tilespmem:s5+$0xFFFFFFE0] =	vst v51  }
0xf4: {  	[tilespmem:s5+$0xFFFFFF90] =	vst v45  }
0xf5: {  	v45 =	vld [tilespmem:s16+$0xFFFFFF90];
	v46 =	vadd.f32 v46, v49;
	v49 =	vadd.f32 v41, v52;
	v51 =	vmul.f32 v41, v41;
	[tilespmem:s5+$0xFFFFFFD0] =	vst v50  }
0xf6: {  	v52 =	vmul.f32 v44, v44;
	v50 =	vld [tilespmem:s16+$0x60];
	[tilespmem:s5+$0xFFFFFFB0] =	vst v48;
	s5 =	smov.u32 s16  }
0xf7: {  	v48 =	vmul.f32 v40, v40;
	v51 =	vadd.f32 v51, v46;
	v49 =	vadd.f32 v44, v49  }
0xf8: {  	v53 =	vld [tilespmem:s16+$0x70];
	v55 =	vmul.f32 v47, v47  }
0xf9: {  	v46 =	vld [tilespmem:s16+$0xFFFFFFB0];
	v51 =	vadd.f32 v52, v51;
	v49 =	vadd.f32 v47, v49  }
0xfa: {  	v52 =	vadd.f32 v45, v38;
	v56 =	vmul.f32 v45, v45  }
0xfb: {  	v57 =	vld [tilespmem:s16+$0xFFFFFFC0];
	v51 =	vadd.f32 v55, v51;
	v49 =	vadd.f32 v50, v49;
	v55 =	vmul.f32 v50, v50  }
0xfc: {  	v54 =	vadd.f32 v56, v54;
	v52 =	vadd.f32 v40, v52  }
0xfd: {  	v56 =	vld [tilespmem:s16+$0xFFFFFFD0];
	v51 =	vadd.f32 v55, v51;
	v49 =	vadd.f32 v53, v49;
	v55 =	vmul.f32 v53, v53  }
0xfe: {  	v48 =	vadd.f32 v48, v54;
	v52 =	vadd.f32 v46, v52;
	v54 =	vmul.f32 v46, v46  }
0xff: {  	v58 =	vld [tilespmem:s16+$0xFFFFFFE0];
	v51 =	vadd.f32 v55, v51;
	v55 =	vperm.xlane v49, v16  }
0x100: {  	v48 =	vadd.f32 v54, v48;
	v52 =	vadd.f32 v57, v52;
	v54 =	vmul.f32 v57, v57  }
0x101: {  	v59 =	vld [tilespmem:s16+$0xFFFFFFF0];
	v49 =	vadd.f32 v55, v49;
	v55 =	vperm.xlane v51, v16  }
0x102: {  	v48 =	vadd.f32 v54, v48;
	v52 =	vadd.f32 v56, v52;
	v54 =	vmul.f32 v56, v56  }
0x103: {  	v60 =	vperm.xlane v49, v17;
	v51 =	vadd.f32 v55, v51  }
0x104: {  	v48 =	vadd.f32 v54, v48;
	v52 =	vadd.f32 v58, v52;
	v54 =	vmul.f32 v58, v58  }
0x105: {  	v49 =	vadd.f32 v60, v49;
	v55 =	vperm.xlane v51, v17  }
0x106: {  	v48 =	vadd.f32 v54, v48;
	v52 =	vadd.f32 v59, v52;
	v54 =	vmul.f32 v59, v59  }
0x107: {  	v60 =	vperm.xlane v49, v18;
	v51 =	vadd.f32 v55, v51  }
0x108: {  	v48 =	vadd.f32 v54, v48;
	v54 =	vperm.xlane v52, v16  }
0x109: {  	v49 =	vadd.f32 v60, v49;
	v55 =	vperm.xlane v51, v18  }
0x10a: {  	v52 =	vadd.f32 v54, v52;
	v54 =	vperm.xlane v48, v16  }
0x10b: {  	v60 =	vperm.xlane v49, v19;
	v51 =	vadd.f32 v55, v51  }
0x10c: {  	v55 =	vperm.xlane v52, v17;
	v48 =	vadd.f32 v54, v48  }
0x10d: {  	v49 =	vadd.f32 v60, v49;
	v54 =	vperm.xlane v51, v19  }
0x10e: {  	v52 =	vadd.f32 v55, v52;
	v55 =	vperm.xlane v48, v17  }
0x10f: {  	v49 =	vmul.f32 v49, v20;
	v51 =	vadd.f32 v54, v51  }
0x110: {  	v54 =	vperm.xlane v52, v18;
	v48 =	vadd.f32 v55, v48  }
0x111: {  	v51 =	vmul.f32 v51, v20;
	v55 =	vmul.f32 v49, v49;
	v60 =	vsub.f32 v43, v49  }
0x112: {  	v43 =	vadd.f32 v54, v52;
	v52 =	vperm.xlane v48, v18;
	v54 =	vsub.f32 v39, v49  }
0x113: {  	v39 =	vsub.f32 v51, v55;
	v51 =	vsub.f32 v53, v49  }
0x114: {  	v53 =	vperm.xlane v43, v19;
	v48 =	vadd.f32 v52, v48;
	v52 =	vsub.f32 v42, v49  }
0x115: {  	v55 =	vsub.f32 v44, v49;
	v39 =	vadd.f32 v39, v21  }
0x116: {  	v42 =	vadd.f32 v53, v43;
	v43 =	vperm.xlane v48, v19;
	v53 =	vsub.f32 v47, v49  }
0x117: {  	v50 =	vsub.f32 v50, v49;
	v44 =	vshrl.u32 v39, $0x1;
	v61 =	vmul.f32 $5.000000000e-01, v39  }
0x118: {  	v62 =	vmul.f32 v42, v20;
	v39 =	vadd.f32 v43, v48;
	v63 =	vsub.s32 $0x5F3759DF, v44  }
0x119: {  	v47 =	vsub.f32 v41, v49;
	v43 =	vmul.f32 v63, v61  }
0x11a: {  	v39 =	vmul.f32 v39, v20;
	v41 =	vmul.f32 v62, v62;
	v48 =	vsub.f32 v38, v62  }
0x11b: {  	v38 =	vsub.f32 v45, v62;
	v42 =	vsub.f32 v57, v62;
	v43 =	vmul.f32 v63, v43  }
0x11c: {  	v41 =	vsub.f32 v39, v41;
	v39 =	vsub.f32 v40, v62  }
0x11d: {  	v44 =	vsub.f32 v59, v62;
	v45 =	vsub.f32 $1.500000000e+00, v43  }
0x11e: {  	v49 =	vadd.f32 v41, v21;
	v41 =	vsub.f32 v46, v62  }
0x11f: {  	v40 =	vsub.f32 v56, v62;
	v43 =	vsub.f32 v58, v62;
	v45 =	vmul.f32 v63, v45  }
0x120: {  	v46 =	vshrl.u32 v49, $0x1;
	v56 =	vmul.f32 $5.000000000e-01, v49  }
0x121: {  	v46 =	vsub.s32 $0x5F3759DF, v46;
	v49 =	vmul.f32 v45, v61  }
0x122: {  	v57 =	vmul.f32 v46, v56  }
0x123: {  	v49 =	vmul.f32 v49, v45  }
0x124: {  	v57 =	vmul.f32 v46, v57  }
0x125: {  	v49 =	vsub.f32 $1.500000000e+00, v49  }
0x126: {  	v57 =	vsub.f32 $1.500000000e+00, v57  }
0x127: {  	v45 =	vmul.f32 v49, v45  }
0x128: {  	v46 =	vmul.f32 v46, v57  }
0x129: {  	v49 =	vmul.f32 v45, v61  }
0x12a: {  	v57 =	vmul.f32 v46, v56  }
0x12b: {  	v49 =	vmul.f32 v49, v45  }
0x12c: {  	v57 =	vmul.f32 v57, v46  }
0x12d: {  	v49 =	vsub.f32 $1.500000000e+00, v49  }
0x12e: {  	v57 =	vsub.f32 $1.500000000e+00, v57  }
0x12f: {  	v45 =	vmul.f32 v49, v45  }
0x130: {  	v49 =	vmul.f32 v57, v46  }
0x131: {  	v57 =	vmul.f32 v45, v60;
	v46 =	vmul.f32 v45, v54  }
0x132: {  	v58 =	vmul.f32 v45, v51;
	v54 =	vmul.f32 v49, v56  }
.Ltmp0:
0x133: {  	v51 =	vmul.f32 v45, v52;
	v52 =	vmul.f32 v45, v55;
	(pc) =	sbr.rel @p1 .LBB2_3-.Ltmp0, $4  }
0x134: {  	v59 =	vmul.f32 v45, v53;
	v55 =	vmul.f32 v54, v49  }
0x135: {  	v54 =	vmul.f32 v51, v24;
	v51 =	vmul.f32 v45, v50  }
0x136: {  	v53 =	vmul.f32 v57, v22;
	v50 =	vmul.f32 v59, v27;
	v56 =	vsub.f32 $1.500000000e+00, v55  }
0x137: {  	v55 =	vmul.f32 v52, v26;
	v52 =	vmul.f32 v58, v29  }
0x138: {  	v54 =	vadd.f32 v54, v32  }
0x139: {  	v53 =	vadd.f32 v53, v30  }
0x13a: {  	v49 =	vmul.f32 v56, v49;
	v50 =	vadd.f32 v50, v35;
	[tilespmem:s5+$0x20] =	vst v54  }
0x13b: {  	v46 =	vmul.f32 v46, v23;
	v45 =	vmul.f32 v45, v47;
	v55 =	vadd.f32 v55, v34;
	[tilespmem:s5+$0x0] =	vst v53  }
0x13c: {  	v60 =	vmul.f32 v51, v28;
	v63 =	vadd.f32 v52, v37;
	v48 =	vmul.f32 v49, v48;
	[tilespmem:s5+$0x50] =	vst v50  }
0x13d: {  	v46 =	vadd.f32 v46, v31;
	v45 =	vmul.f32 v45, v25;
	v44 =	vmul.f32 v49, v44;
	[tilespmem:s5+$0x40] =	vst v55  }
0x13e: {  	v61 =	vadd.f32 v60, v36;
	v39 =	vmul.f32 v49, v39;
	[tilespmem:s5+$0x70] =	vst v63;
	v48 =	vmul.f32 v48, v22  }
0x13f: {  	v42 =	vmul.f32 v49, v42;
	[tilespmem:s5+$0x10] =	vst v46;
	v44 =	vmul.f32 v44, v29;
	v45 =	vadd.f32 v45, v33  }
0x140: {  	v43 =	vmul.f32 v49, v43;
	[tilespmem:s5+$0x60] =	vst v61;
	v39 =	vmul.f32 v39, v24;
	v62 =	vadd.f32 v48, v30  }
0x141: {  	v38 =	vmul.f32 v49, v38;
	v42 =	vmul.f32 v42, v26;
	v44 =	vadd.f32 v44, v37;
	[tilespmem:s5+$0x30] =	vst v45  }
0x142: {  	v40 =	vmul.f32 v49, v40;
	v43 =	vmul.f32 v43, v28;
	v39 =	vadd.f32 v39, v32;
	[tilespmem:s5+$0xFFFFFF80] =	vst v62  }
0x143: {  	v41 =	vmul.f32 v49, v41;
	v38 =	vmul.f32 v38, v23;
	v42 =	vadd.f32 v42, v34;
	[tilespmem:s5+$0xFFFFFFF0] =	vst v44  }
0x144: {  	v40 =	vmul.f32 v40, v27;
	v43 =	vadd.f32 v43, v36;
	[tilespmem:s5+$0xFFFFFFA0] =	vst v39  }
0x145: {  	v45 =	vmul.f32 v41, v25;
	v38 =	vadd.f32 v38, v31;
	[tilespmem:s5+$0xFFFFFFC0] =	vst v42  }
0x146: {  	v40 =	vadd.f32 v40, v35;
	[tilespmem:s5+$0xFFFFFFE0] =	vst v43  }
0x147: {  	s2 =	sshll.u32 s11, $0xD;
	v39 =	vadd.f32 v45, v33;
	[tilespmem:s5+$0xFFFFFF90] =	vst v38  }
0x148: {  	s16 =	rddreg [dreg:$0x5];
	s19 =	sadd.s32 s13, s2;
	[tilespmem:s5+$0xFFFFFFD0] =	vst v40  }
0x149: {  	s2 =	sadd.s32 s16, s19;
	[tilespmem:s5+$0xFFFFFFB0] =	vst v39  }
0x14a: {  	[hbm4b:s2+s6] =	stream.linear.scatter [tilespmem:s24], [sflag:$0x9], $0x4000, $0x38;
	[tilespmem:$0x18400] =	vst v63  }
0x14b: {  	_ =	swait.ge [sflag:s4], $0x4000  }
0x14c: {  	[sflag:s4] =	ssyncset.done $0x0  }
0x14d: {  	s20 =	simm.s32 $0x8100;
	s2 =	simm.s32 @!p0 $0xC;
	[sflag:s4] =	ssyncadd.s32 $0xFFFFC000  }
0x14e: {  	[tilespmem:s31], [sflag:$0x7] =	stream.indirect.gather.add.f32 [hbm:s8], $0x80, s20, s23, $0xb8;
	[tilespmem:$0x18400] =	vst v63  }
0x14f: {  	_ =	swait.ge @!p0 [sflag:s2], $0x4000  }
0x150: {  	s16 =	sor.u32 $0x3, s12;
	[sflag:s2] =	ssyncset.done @!p0 $0x0  }
0x151: {  	[sflag:s2] =	ssyncadd.s32 @!p0 $0xFFFFC000;
	s2 =	sshll.u32 s16, $0x7  }
0x152: {  	v46 =	vld [tilespmem:s2+$0x4000];
	_ =	sdelay $0x3  }
0x153: {  	v47 =	vor.u32 $0x300, v0  }
0x154: {  	v38 =	vadd.s32 v47, v46  }
0x155: {  	s5 =	sor.u32 s7, s2;
	s30 =	sand.u32 $0x3FFFFF80, s2;
	[tilespmem:$0x8180] =	vst v38  }
0x156: {  	s20 =	sor.u32 $0x10, s5;
	v38 =	vld [tilespmem:s30+$0x4010]  }
0x157: {  	v48 =	vmov s20  }
0x158: {  	v39 =	vshll.u32 v48, $0x1  }
0x159: {  	v39 =	vor.u32 v0, v39  }
0x15a: {  	v39 =	vand.u32 $0x3FE, v39  }
0x15b: {  	v38 =	vadd.s32 v39, v38  }
0x15c: {  	[tilespmem:$0x8190] =	vst v38  }
0x15d: {  	s20 =	sor.u32 $0x20, s5;
	v38 =	vld [tilespmem:s30+$0x4020]  }
0x15e: {  	v49 =	vmov s20  }
0x15f: {  	v39 =	vshll.u32 v49, $0x1  }
0x160: {  	v39 =	vor.u32 v0, v39  }
0x161: {  	v39 =	vand.u32 $0x3FE, v39  }
0x162: {  	v38 =	vadd.s32 v39, v38  }
0x163: {  	[tilespmem:$0x81A0] =	vst v38  }
0x164: {  	s20 =	sor.u32 $0x30, s5;
	v38 =	vld [tilespmem:s30+$0x4030]  }
0x165: {  	v50 =	vmov s20  }
0x166: {  	v39 =	vshll.u32 v50, $0x1  }
0x167: {  	v39 =	vor.u32 v0, v39  }
0x168: {  	v39 =	vand.u32 $0x3FE, v39  }
0x169: {  	v38 =	vadd.s32 v39, v38  }
0x16a: {  	[tilespmem:$0x81B0] =	vst v38  }
0x16b: {  	s20 =	sor.u32 $0x40, s5;
	v38 =	vld [tilespmem:s30+$0x4040]  }
0x16c: {  	v51 =	vmov s20  }
0x16d: {  	v39 =	vshll.u32 v51, $0x1  }
0x16e: {  	v39 =	vor.u32 v0, v39  }
0x16f: {  	v39 =	vand.u32 $0x3FE, v39  }
0x170: {  	v38 =	vadd.s32 v39, v38  }
0x171: {  	[tilespmem:$0x81C0] =	vst v38  }
0x172: {  	s20 =	sor.u32 $0x50, s5;
	v38 =	vld [tilespmem:s30+$0x4050]  }
0x173: {  	v52 =	vmov s20  }
0x174: {  	v39 =	vshll.u32 v52, $0x1  }
0x175: {  	v39 =	vor.u32 v0, v39  }
0x176: {  	v39 =	vand.u32 $0x3FE, v39  }
0x177: {  	v38 =	vadd.s32 v39, v38  }
0x178: {  	[tilespmem:$0x81D0] =	vst v38  }
0x179: {  	s20 =	sor.u32 $0x60, s5;
	v38 =	vld [tilespmem:s30+$0x4060]  }
0x17a: {  	v53 =	vmov s20  }
0x17b: {  	v39 =	vshll.u32 v53, $0x1  }
0x17c: {  	v39 =	vor.u32 v0, v39  }
0x17d: {  	v39 =	vand.u32 $0x3FE, v39  }
0x17e: {  	v38 =	vadd.s32 v39, v38  }
0x17f: {  	[tilespmem:$0x81E0] =	vst v38  }
0x180: {  	s5 =	sor.u32 $0x70, s5;
	v38 =	vld [tilespmem:s30+$0x4070]  }
0x181: {  	v54 =	vmov s5  }
0x182: {  	v39 =	vshll.u32 v54, $0x1  }
0x183: {  	v39 =	vor.u32 v0, v39  }
0x184: {  	v39 =	vand.u32 $0x3FE, v39  }
0x185: {  	v38 =	vadd.s32 v39, v38  }
0x186: {  	[tilespmem:$0x81F0] =	vst v38  }
0x187: {  	[tilespmem:s3], [sflag:$0x4] =	stream.indirect.gather [hbm4b:s1+s23], $0x80, s2, s23, $0xb8;
	[tilespmem:$0x18400] =	vst v63  }
0x188: {  	_ =	swait.ge [sflag:s17], $0x4000  }
0x189: {  	[sflag:s17] =	ssyncset.done $0x0  }
0x18a: {  	s5 =	simm.s32 $0xC200;
	[sflag:s17] =	ssyncadd.s32 $0xFFFFC000  }
0x18b: {  	v39 =	vld [tilespmem:s5+$0x90]  }
0x18c: {  	v40 =	vld [tilespmem:s5+$0x80];
	_ =	sdelay $0x1  }
0x18d: {  	v41 =	vld [tilespmem:s5+$0xA0];
	_ =	sdelay $0x1  }
0x18e: {  	v38 =	vld [tilespmem:s5+$0xB0]  }
0x18f: {  	v55 =	vmul.f32 v39, v39;
	v56 =	vmul.f32 v40, v40;
	v57 =	vadd.f32 v39, v40  }
0x190: {  	v45 =	vld [tilespmem:s5+$0xC0]  }
0x191: {  	v46 =	vld [tilespmem:s5+$0x0];
	v58 =	vmul.f32 v41, v41;
	v42 =	vadd.f32 v55, v56;
	v59 =	vadd.f32 v41, v57  }
0x192: {  	v44 =	vld [tilespmem:s5+$0xD0]  }
0x193: {  	v49 =	vld [tilespmem:s5+$0x10];
	v60 =	vmul.f32 v38, v38;
	v42 =	vadd.f32 v58, v42;
	v43 =	vadd.f32 v38, v59  }
0x194: {  	v48 =	vld [tilespmem:s5+$0xE0]  }
0x195: {  	v50 =	vld [tilespmem:s5+$0x20];
	v61 =	vmul.f32 v45, v45;
	v42 =	vadd.f32 v60, v42;
	v43 =	vadd.f32 v45, v43  }
0x196: {  	v47 =	vld [tilespmem:s5+$0xF0]  }
0x197: {  	v53 =	vld [tilespmem:s5+$0x30];
	v62 =	vmul.f32 v44, v44;
	v42 =	vadd.f32 v61, v42;
	v43 =	vadd.f32 v44, v43  }
0x198: {  	v63 =	vmul.f32 v46, v46;
	v60 =	vadd.f32 v49, v46;
	v61 =	vmul.f32 v49, v49  }
0x199: {  	v56 =	vld [tilespmem:s5+$0x40];
	v42 =	vadd.f32 v62, v42;
	v43 =	vadd.f32 v48, v43;
	v62 =	vmul.f32 v48, v48  }
0x19a: {  	v57 =	vmul.f32 v50, v50;
	v54 =	vadd.f32 v50, v60;
	v51 =	vadd.f32 v61, v63  }
0x19b: {  	v55 =	vld [tilespmem:s5+$0x50];
	v63 =	vmul.f32 v47, v47;
	v42 =	vadd.f32 v62, v42;
	v43 =	vadd.f32 v47, v43  }
0x19c: {  	v60 =	vmul.f32 v53, v53;
	v54 =	vadd.f32 v53, v54;
	v51 =	vadd.f32 v57, v51  }
0x19d: {  	v58 =	vld [tilespmem:s5+$0x60];
	v42 =	vadd.f32 v63, v42;
	v61 =	vperm.xlane v43, v16  }
0x19e: {  	v54 =	vadd.f32 v56, v54;
	v62 =	vmul.f32 v56, v56;
	v51 =	vadd.f32 v60, v51  }
0x19f: {  	v59 =	vld [tilespmem:s5+$0x70];
	v43 =	vadd.f32 v61, v43;
	v52 =	vperm.xlane v42, v16  }
0x1a0: {  	v57 =	vmul.f32 v55, v55;
	v54 =	vadd.f32 v55, v54;
	v51 =	vadd.f32 v62, v51  }
0x1a1: {  	v60 =	vperm.xlane v43, v17;
	v42 =	vadd.f32 v52, v42  }
0x1a2: {  	v63 =	vadd.f32 v58, v54;
	v61 =	vmul.f32 v58, v58;
	v51 =	vadd.f32 v57, v51  }
0x1a3: {  	v43 =	vadd.f32 v60, v43;
	v57 =	vperm.xlane v42, v17  }
0x1a4: {  	v54 =	vmul.f32 v59, v59;
	v52 =	vadd.f32 v59, v63;
	v51 =	vadd.f32 v61, v51  }
0x1a5: {  	v60 =	vperm.xlane v43, v18;
	v42 =	vadd.f32 v57, v42  }
0x1a6: {  	v62 =	vperm.xlane v52, v16;
	v51 =	vadd.f32 v54, v51  }
0x1a7: {  	v43 =	vadd.f32 v60, v43;
	v57 =	vperm.xlane v42, v18  }
0x1a8: {  	v52 =	vadd.f32 v62, v52;
	v54 =	vperm.xlane v51, v16  }
0x1a9: {  	v60 =	vperm.xlane v43, v19;
	v42 =	vadd.f32 v57, v42  }
0x1aa: {  	v63 =	vperm.xlane v52, v17;
	v51 =	vadd.f32 v54, v51  }
0x1ab: {  	v43 =	vadd.f32 v60, v43;
	v60 =	vperm.xlane v42, v19  }
0x1ac: {  	v52 =	vadd.f32 v63, v52;
	v61 =	vperm.xlane v51, v17  }
0x1ad: {  	v43 =	vmul.f32 v43, v20;
	v42 =	vadd.f32 v60, v42  }
0x1ae: {  	v62 =	vperm.xlane v52, v18;
	v51 =	vadd.f32 v61, v51  }
0x1af: {  	v42 =	vmul.f32 v42, v20;
	v63 =	vmul.f32 v43, v43  }
0x1b0: {  	v52 =	vadd.f32 v62, v52;
	v60 =	vperm.xlane v51, v18  }
0x1b1: {  	v42 =	vsub.f32 v42, v63  }
0x1b2: {  	v61 =	vperm.xlane v52, v19;
	v51 =	vadd.f32 v60, v51  }
0x1b3: {  	v42 =	vadd.f32 v42, v21  }
0x1b4: {  	v52 =	vadd.f32 v61, v52;
	v54 =	vperm.xlane v51, v19  }
0x1b5: {  	v62 =	vshrl.u32 v42, $0x1;
	v42 =	vmul.f32 $5.000000000e-01, v42  }
0x1b6: {  	v52 =	vmul.f32 v52, v20;
	v51 =	vadd.f32 v54, v51;
	v54 =	vsub.s32 $0x5F3759DF, v62  }
0x1b7: {  	v57 =	vmul.f32 v54, v42  }
0x1b8: {  	v60 =	vmul.f32 v52, v52;
	v51 =	vmul.f32 v51, v20  }
0x1b9: {  	v57 =	vmul.f32 v54, v57  }
0x1ba: {  	v51 =	vsub.f32 v51, v60  }
0x1bb: {  	v57 =	vsub.f32 $1.500000000e+00, v57  }
0x1bc: {  	v51 =	vadd.f32 v51, v21  }
0x1bd: {  	v54 =	vmul.f32 v54, v57  }
0x1be: {  	v63 =	vshrl.u32 v51, $0x1;
	v51 =	vmul.f32 $5.000000000e-01, v51  }
0x1bf: {  	v57 =	vsub.s32 $0x5F3759DF, v63;
	v60 =	vmul.f32 v54, v42  }
0x1c0: {  	v61 =	vmul.f32 v57, v51  }
0x1c1: {  	v60 =	vmul.f32 v60, v54  }
0x1c2: {  	v61 =	vmul.f32 v57, v61  }
0x1c3: {  	v60 =	vsub.f32 $1.500000000e+00, v60  }
0x1c4: {  	v61 =	vsub.f32 $1.500000000e+00, v61  }
0x1c5: {  	v54 =	vmul.f32 v60, v54  }
0x1c6: {  	v57 =	vmul.f32 v57, v61  }
0x1c7: {  	v42 =	vmul.f32 v54, v42  }
0x1c8: {  	v60 =	vmul.f32 v57, v51  }
0x1c9: {  	v40 =	vsub.f32 v40, v43;
	v39 =	vsub.f32 v39, v43;
	v42 =	vmul.f32 v42, v54  }
0x1ca: {  	v41 =	vsub.f32 v41, v43;
	v61 =	vsub.f32 v47, v43;
	v47 =	vmul.f32 v60, v57  }
0x1cb: {  	v62 =	vsub.f32 v44, v43;
	v42 =	vsub.f32 $1.500000000e+00, v42  }
0x1cc: {  	v63 =	vsub.f32 v48, v43;
	v44 =	vsub.f32 $1.500000000e+00, v47  }
0x1cd: {  	v48 =	vsub.f32 v46, v52;
	v60 =	vsub.f32 v45, v43;
	v45 =	vmul.f32 v42, v54  }
0x1ce: {  	v47 =	vsub.f32 v38, v43;
	v38 =	vsub.f32 v49, v52;
	v49 =	vmul.f32 v44, v57  }
0x1cf: {  	v42 =	vsub.f32 v56, v52;
	v56 =	vmul.f32 v45, v40;
	v46 =	vmul.f32 v45, v39  }
0x1d0: {  	v43 =	vsub.f32 v58, v52;
	v51 =	vmul.f32 v49, v51;
	v57 =	vmul.f32 v45, v61  }
0x1d1: {  	v44 =	vsub.f32 v59, v52;
	v54 =	vmul.f32 v45, v41;
	v59 =	vmul.f32 v45, v60  }
0x1d2: {  	v39 =	vsub.f32 v50, v52;
	v62 =	vmul.f32 v45, v62;
	v60 =	vmul.f32 v51, v49  }
0x1d3: {  	v41 =	vsub.f32 v53, v52;
	v54 =	vmul.f32 v54, v24;
	v51 =	vmul.f32 v45, v63  }
0x1d4: {  	v53 =	vmul.f32 v56, v22;
	v50 =	vmul.f32 v62, v27;
	v56 =	vsub.f32 $1.500000000e+00, v60  }
0x1d5: {  	s30 =	simm.s32 $0xC200;
	s2 =	simm.s32 $0x0;
	v40 =	vsub.f32 v55, v52;
	v55 =	vmul.f32 v59, v26;
	v52 =	vmul.f32 v57, v29  }
.LBB2_5:
0x1d6: {  	s2 =	sadd.s32 $0x2, s2;
	v49 =	vmul.f32 v56, v49;
	v54 =	vadd.f32 v54, v32;
	v45 =	vmul.f32 v45, v47;
	s5 =	sadd.s32 $0x100, s5  }
0x1d7: {  	v46 =	vmul.f32 v46, v23;
	p0 =	slt.u32 s2, $0x7E;
	v47 =	vadd.f32 v55, v34;
	v52 =	vadd.f32 v52, v37  }
0x1d8: {  	v48 =	vmul.f32 v49, v48;
	v55 =	vmul.f32 v49, v42;
	v42 =	vadd.f32 v53, v30;
	[tilespmem:s30+$0xA0] =	vst v54  }
0x1d9: {  	v46 =	vadd.f32 v46, v31;
	v45 =	vmul.f32 v45, v25;
	[tilespmem:s30+$0xC0] =	vst v47;
	v47 =	vmul.f32 v51, v28  }
0x1da: {  	v51 =	vmul.f32 v49, v38;
	v38 =	vadd.f32 v50, v35;
	v48 =	vmul.f32 v48, v22;
	[tilespmem:s30+$0x80] =	vst v42  }
0x1db: {  	v44 =	vmul.f32 v49, v44;
	v42 =	vmul.f32 v49, v39;
	[tilespmem:s30+$0x90] =	vst v46;
	v46 =	vadd.f32 v47, v36  }
0x1dc: {  	v39 =	vld [tilespmem:s5+$0x90];
	v47 =	vadd.f32 v48, v30;
	v48 =	vmul.f32 v49, v41;
	v41 =	vmul.f32 v49, v43;
	[tilespmem:s30+$0xD0] =	vst v38  }
0x1dd: {  	v44 =	vmul.f32 v44, v29;
	v45 =	vadd.f32 v45, v33;
	v50 =	vmul.f32 v42, v24;
	v43 =	vld [tilespmem:s5+$0x80];
	[tilespmem:s30+$0xE0] =	vst v46  }
0x1de: {  	v40 =	vmul.f32 v49, v40;
	v42 =	vld [tilespmem:s5+$0xA0];
	[tilespmem:s30+$0x0] =	vst v47;
	v41 =	vmul.f32 v41, v28  }
0x1df: {  	v49 =	vadd.f32 v44, v37;
	v46 =	vadd.f32 v50, v32;
	v47 =	vmul.f32 v55, v26;
	v38 =	vld [tilespmem:s5+$0x0];
	[tilespmem:s30+$0xB0] =	vst v45  }
0x1e0: {  	v50 =	vmul.f32 v40, v27;
	v45 =	vmul.f32 v51, v23;
	v44 =	vld [tilespmem:s5+$0xC0];
	v51 =	vadd.f32 v41, v36;
	[tilespmem:s30+$0xF0] =	vst v52  }
0x1e1: {  	v48 =	vmul.f32 v48, v25;
	v47 =	vadd.f32 v47, v34;
	v41 =	vld [tilespmem:s5+$0xB0];
	v52 =	vmul.f32 v39, v39;
	[tilespmem:s30+$0x70] =	vst v49  }
0x1e2: {  	v45 =	vadd.f32 v45, v31;
	v49 =	vmul.f32 v43, v43;
	v53 =	vadd.f32 v39, v43;
	[tilespmem:s30+$0x20] =	vst v46  }
0x1e3: {  	v48 =	vadd.f32 v48, v33;
	v50 =	vadd.f32 v50, v35;
	v40 =	vld [tilespmem:s5+$0x20];
	v46 =	vmul.f32 v42, v42;
	[tilespmem:s30+$0x40] =	vst v47  }
0x1e4: {  	v54 =	vmul.f32 v38, v38;
	v47 =	vld [tilespmem:s5+$0xD0];
	v49 =	vadd.f32 v52, v49;
	v52 =	vadd.f32 v42, v53;
	[tilespmem:s30+$0x60] =	vst v51  }
0x1e5: {  	[tilespmem:s30+$0x10] =	vst v45  }
0x1e6: {  	v45 =	vld [tilespmem:s5+$0x10];
	v46 =	vadd.f32 v46, v49;
	v49 =	vadd.f32 v41, v52;
	v51 =	vmul.f32 v41, v41;
	[tilespmem:s30+$0x50] =	vst v50  }
0x1e7: {  	v52 =	vmul.f32 v44, v44;
	v50 =	vld [tilespmem:s5+$0xE0];
	[tilespmem:s30+$0x30] =	vst v48;
	s30 =	smov.u32 s5  }
0x1e8: {  	v48 =	vmul.f32 v40, v40;
	v51 =	vadd.f32 v51, v46;
	v49 =	vadd.f32 v44, v49  }
0x1e9: {  	v53 =	vld [tilespmem:s5+$0xF0];
	v55 =	vmul.f32 v47, v47  }
0x1ea: {  	v46 =	vld [tilespmem:s5+$0x30];
	v51 =	vadd.f32 v52, v51;
	v49 =	vadd.f32 v47, v49  }
0x1eb: {  	v52 =	vadd.f32 v45, v38;
	v56 =	vmul.f32 v45, v45  }
0x1ec: {  	v57 =	vld [tilespmem:s5+$0x40];
	v51 =	vadd.f32 v55, v51;
	v49 =	vadd.f32 v50, v49;
	v55 =	vmul.f32 v50, v50  }
0x1ed: {  	v54 =	vadd.f32 v56, v54;
	v52 =	vadd.f32 v40, v52  }
0x1ee: {  	v56 =	vld [tilespmem:s5+$0x50];
	v51 =	vadd.f32 v55, v51;
	v49 =	vadd.f32 v53, v49;
	v55 =	vmul.f32 v53, v53  }
0x1ef: {  	v48 =	vadd.f32 v48, v54;
	v52 =	vadd.f32 v46, v52;
	v54 =	vmul.f32 v46, v46  }
0x1f0: {  	v58 =	vld [tilespmem:s5+$0x60];
	v51 =	vadd.f32 v55, v51;
	v55 =	vperm.xlane v49, v16  }
0x1f1: {  	v48 =	vadd.f32 v54, v48;
	v52 =	vadd.f32 v57, v52;
	v54 =	vmul.f32 v57, v57  }
0x1f2: {  	v59 =	vld [tilespmem:s5+$0x70];
	v49 =	vadd.f32 v55, v49;
	v55 =	vperm.xlane v51, v16  }
0x1f3: {  	v48 =	vadd.f32 v54, v48;
	v52 =	vadd.f32 v56, v52;
	v54 =	vmul.f32 v56, v56  }
0x1f4: {  	v60 =	vperm.xlane v49, v17;
	v51 =	vadd.f32 v55, v51  }
0x1f5: {  	v48 =	vadd.f32 v54, v48;
	v52 =	vadd.f32 v58, v52;
	v54 =	vmul.f32 v58, v58  }
0x1f6: {  	v49 =	vadd.f32 v60, v49;
	v55 =	vperm.xlane v51, v17  }
0x1f7: {  	v48 =	vadd.f32 v54, v48;
	v52 =	vadd.f32 v59, v52;
	v54 =	vmul.f32 v59, v59  }
0x1f8: {  	v60 =	vperm.xlane v49, v18;
	v51 =	vadd.f32 v55, v51  }
0x1f9: {  	v48 =	vadd.f32 v54, v48;
	v54 =	vperm.xlane v52, v16  }
0x1fa: {  	v49 =	vadd.f32 v60, v49;
	v55 =	vperm.xlane v51, v18  }
0x1fb: {  	v52 =	vadd.f32 v54, v52;
	v54 =	vperm.xlane v48, v16  }
0x1fc: {  	v60 =	vperm.xlane v49, v19;
	v51 =	vadd.f32 v55, v51  }
0x1fd: {  	v55 =	vperm.xlane v52, v17;
	v48 =	vadd.f32 v54, v48  }
0x1fe: {  	v49 =	vadd.f32 v60, v49;
	v54 =	vperm.xlane v51, v19  }
0x1ff: {  	v52 =	vadd.f32 v55, v52;
	v55 =	vperm.xlane v48, v17  }
0x200: {  	v49 =	vmul.f32 v49, v20;
	v51 =	vadd.f32 v54, v51  }
0x201: {  	v54 =	vperm.xlane v52, v18;
	v48 =	vadd.f32 v55, v48  }
0x202: {  	v51 =	vmul.f32 v51, v20;
	v55 =	vmul.f32 v49, v49;
	v60 =	vsub.f32 v43, v49  }
0x203: {  	v43 =	vadd.f32 v54, v52;
	v52 =	vperm.xlane v48, v18;
	v54 =	vsub.f32 v39, v49  }
0x204: {  	v39 =	vsub.f32 v51, v55;
	v51 =	vsub.f32 v53, v49  }
0x205: {  	v53 =	vperm.xlane v43, v19;
	v48 =	vadd.f32 v52, v48;
	v52 =	vsub.f32 v42, v49  }
0x206: {  	v55 =	vsub.f32 v44, v49;
	v39 =	vadd.f32 v39, v21  }
0x207: {  	v42 =	vadd.f32 v53, v43;
	v43 =	vperm.xlane v48, v19;
	v53 =	vsub.f32 v47, v49  }
0x208: {  	v50 =	vsub.f32 v50, v49;
	v44 =	vshrl.u32 v39, $0x1;
	v61 =	vmul.f32 $5.000000000e-01, v39  }
0x209: {  	v62 =	vmul.f32 v42, v20;
	v39 =	vadd.f32 v43, v48;
	v63 =	vsub.s32 $0x5F3759DF, v44  }
0x20a: {  	v47 =	vsub.f32 v41, v49;
	v43 =	vmul.f32 v63, v61  }
0x20b: {  	v39 =	vmul.f32 v39, v20;
	v41 =	vmul.f32 v62, v62;
	v48 =	vsub.f32 v38, v62  }
0x20c: {  	v38 =	vsub.f32 v45, v62;
	v42 =	vsub.f32 v57, v62;
	v43 =	vmul.f32 v63, v43  }
0x20d: {  	v41 =	vsub.f32 v39, v41;
	v39 =	vsub.f32 v40, v62  }
0x20e: {  	v44 =	vsub.f32 v59, v62;
	v45 =	vsub.f32 $1.500000000e+00, v43  }
0x20f: {  	v49 =	vadd.f32 v41, v21;
	v41 =	vsub.f32 v46, v62  }
0x210: {  	v40 =	vsub.f32 v56, v62;
	v43 =	vsub.f32 v58, v62;
	v45 =	vmul.f32 v63, v45  }
0x211: {  	v46 =	vshrl.u32 v49, $0x1;
	v56 =	vmul.f32 $5.000000000e-01, v49  }
0x212: {  	v46 =	vsub.s32 $0x5F3759DF, v46;
	v49 =	vmul.f32 v45, v61  }
0x213: {  	v57 =	vmul.f32 v46, v56  }
0x214: {  	v49 =	vmul.f32 v49, v45  }
0x215: {  	v57 =	vmul.f32 v46, v57  }
0x216: {  	v49 =	vsub.f32 $1.500000000e+00, v49  }
0x217: {  	v57 =	vsub.f32 $1.500000000e+00, v57  }
0x218: {  	v45 =	vmul.f32 v49, v45  }
0x219: {  	v46 =	vmul.f32 v46, v57  }
0x21a: {  	v49 =	vmul.f32 v45, v61  }
0x21b: {  	v57 =	vmul.f32 v46, v56  }
0x21c: {  	v49 =	vmul.f32 v49, v45  }
0x21d: {  	v57 =	vmul.f32 v57, v46  }
0x21e: {  	v49 =	vsub.f32 $1.500000000e+00, v49  }
0x21f: {  	v57 =	vsub.f32 $1.500000000e+00, v57  }
0x220: {  	v45 =	vmul.f32 v49, v45  }
0x221: {  	v49 =	vmul.f32 v57, v46  }
0x222: {  	v57 =	vmul.f32 v45, v60;
	v46 =	vmul.f32 v45, v54  }
0x223: {  	v58 =	vmul.f32 v45, v51;
	v54 =	vmul.f32 v49, v56  }
.Ltmp1:
0x224: {  	v51 =	vmul.f32 v45, v52;
	v52 =	vmul.f32 v45, v55;
	(pc) =	sbr.rel @p0 .LBB2_5-.Ltmp1, $4  }
0x225: {  	v59 =	vmul.f32 v45, v53;
	v55 =	vmul.f32 v54, v49  }
0x226: {  	v54 =	vmul.f32 v51, v24;
	v51 =	vmul.f32 v45, v50  }
0x227: {  	v53 =	vmul.f32 v57, v22;
	v50 =	vmul.f32 v59, v27;
	v56 =	vsub.f32 $1.500000000e+00, v55  }
0x228: {  	v55 =	vmul.f32 v52, v26;
	v52 =	vmul.f32 v58, v29  }
0x229: {  	v54 =	vadd.f32 v54, v32  }
0x22a: {  	v53 =	vadd.f32 v53, v30  }
0x22b: {  	v49 =	vmul.f32 v56, v49;
	v50 =	vadd.f32 v50, v35;
	[tilespmem:s30+$0xA0] =	vst v54  }
0x22c: {  	v46 =	vmul.f32 v46, v23;
	v45 =	vmul.f32 v45, v47;
	v55 =	vadd.f32 v55, v34;
	[tilespmem:s30+$0x80] =	vst v53  }
0x22d: {  	v59 =	vmul.f32 v51, v28;
	v62 =	vadd.f32 v52, v37;
	v48 =	vmul.f32 v49, v48;
	[tilespmem:s30+$0xD0] =	vst v50  }
0x22e: {  	v46 =	vadd.f32 v46, v31;
	v45 =	vmul.f32 v45, v25;
	v44 =	vmul.f32 v49, v44;
	[tilespmem:s30+$0xC0] =	vst v55  }
0x22f: {  	v60 =	vadd.f32 v59, v36;
	v39 =	vmul.f32 v49, v39;
	[tilespmem:s30+$0xF0] =	vst v62;
	v48 =	vmul.f32 v48, v22  }
0x230: {  	v42 =	vmul.f32 v49, v42;
	[tilespmem:s30+$0x90] =	vst v46;
	v44 =	vmul.f32 v44, v29;
	v45 =	vadd.f32 v45, v33  }
0x231: {  	v43 =	vmul.f32 v49, v43;
	[tilespmem:s30+$0xE0] =	vst v60;
	v39 =	vmul.f32 v39, v24;
	v61 =	vadd.f32 v48, v30  }
0x232: {  	v38 =	vmul.f32 v49, v38;
	v42 =	vmul.f32 v42, v26;
	v44 =	vadd.f32 v44, v37;
	[tilespmem:s30+$0xB0] =	vst v45  }
0x233: {  	v40 =	vmul.f32 v49, v40;
	v43 =	vmul.f32 v43, v28;
	v39 =	vadd.f32 v39, v32;
	[tilespmem:s30+$0x0] =	vst v61  }
0x234: {  	v41 =	vmul.f32 v49, v41;
	v38 =	vmul.f32 v38, v23;
	v42 =	vadd.f32 v42, v34;
	[tilespmem:s30+$0x70] =	vst v44  }
0x235: {  	v40 =	vmul.f32 v40, v27;
	v43 =	vadd.f32 v43, v36;
	[tilespmem:s30+$0x20] =	vst v39  }
0x236: {  	v63 =	vmul.f32 v41, v25;
	v38 =	vadd.f32 v38, v31;
	[tilespmem:s30+$0x40] =	vst v42  }
0x237: {  	v40 =	vadd.f32 v40, v35;
	[tilespmem:s30+$0x60] =	vst v43  }
0x238: {  	v39 =	vadd.f32 v63, v33;
	[tilespmem:s30+$0x10] =	vst v38  }
0x239: {  	[tilespmem:s30+$0x50] =	vst v40  }
0x23a: {  	s2 =	sadd.s32 s19, s14;
	p0 =	seq.s32 s11, $0x1F;
	[tilespmem:s30+$0x30] =	vst v39  }
0x23b: {  	[hbm4b:s2+s6] =	stream.linear.scatter [tilespmem:s25], [sflag:$0xA], $0x4000, $0x38;
	[tilespmem:$0x18400] =	vst v63  }
.Ltmp2:
0x23c: {  	_ = 	snop;
	(pc) =	sbr.rel @p0 .LBB2_8-.Ltmp2, $4  }
0x23d: {  	_ =	swait.ge [sflag:s18], $0x4000  }
0x23e: {  	[sflag:s18] =	ssyncset.done $0x0  }
0x23f: {  	s30 =	simm.s32 $0x8180;
	[sflag:s18] =	ssyncadd.s32 $0xFFFFC000  }
0x240: {  	[tilespmem:s3], [sflag:$0x8] =	stream.indirect.gather.add.f32 [hbm:s8], $0x80, s30, s23, $0xb8;
	[tilespmem:$0x18400] =	vst v63  }
0x241: {  	_ =	swait.ge [sflag:s9], $0x4000  }
0x242: {  	s5 =	sshll.u32 s12, $0x7;
	[sflag:s9] =	ssyncset.done $0x0  }
0x243: {  	s2 =	sadd.s32 $0x200, s5;
	[sflag:s9] =	ssyncadd.s32 $0xFFFFC000  }
0x244: {  	s19 =	sadd.s32 s7, s2;
	v38 =	vld [tilespmem:s5+$0x4200]  }
0x245: {  	v39 =	vmov s19  }
0x246: {  	v39 =	vshll.u32 v39, $0x1  }
0x247: {  	v39 =	vor.u32 v0, v39  }
0x248: {  	v39 =	vand.u32 $0x31E, v39  }
0x249: {  	v38 =	vadd.s32 v39, v38  }
0x24a: {  	s5 =	sand.u32 $0x3FFFFF80, s2;
	[tilespmem:$0x8000] =	vst v38  }
0x24b: {  	s20 =	sor.u32 $0x10, s19;
	v38 =	vld [tilespmem:s5+$0x4010]  }
0x24c: {  	v57 =	vmov s20  }
0x24d: {  	v39 =	vshll.u32 v57, $0x1  }
0x24e: {  	v39 =	vor.u32 v0, v39  }
0x24f: {  	v39 =	vand.u32 $0x3FE, v39  }
0x250: {  	v38 =	vadd.s32 v39, v38  }
0x251: {  	[tilespmem:$0x8010] =	vst v38  }
0x252: {  	s30 =	sor.u32 $0x20, s19;
	v38 =	vld [tilespmem:s5+$0x4020]  }
0x253: {  	v58 =	vmov s30  }
0x254: {  	v39 =	vshll.u32 v58, $0x1  }
0x255: {  	v39 =	vor.u32 v0, v39  }
0x256: {  	v39 =	vand.u32 $0x3FE, v39  }
0x257: {  	v38 =	vadd.s32 v39, v38  }
0x258: {  	[tilespmem:$0x8020] =	vst v38  }
0x259: {  	s30 =	sor.u32 $0x30, s19;
	v38 =	vld [tilespmem:s5+$0x4030]  }
0x25a: {  	v59 =	vmov s30  }
0x25b: {  	v39 =	vshll.u32 v59, $0x1  }
0x25c: {  	v39 =	vor.u32 v0, v39  }
0x25d: {  	v39 =	vand.u32 $0x3FE, v39  }
0x25e: {  	v38 =	vadd.s32 v39, v38  }
0x25f: {  	[tilespmem:$0x8030] =	vst v38  }
0x260: {  	s30 =	sor.u32 $0x40, s19;
	v38 =	vld [tilespmem:s5+$0x4040]  }
0x261: {  	v60 =	vmov s30  }
0x262: {  	v39 =	vshll.u32 v60, $0x1  }
0x263: {  	v39 =	vor.u32 v0, v39  }
0x264: {  	v39 =	vand.u32 $0x3FE, v39  }
0x265: {  	v38 =	vadd.s32 v39, v38  }
0x266: {  	[tilespmem:$0x8040] =	vst v38  }
0x267: {  	s30 =	sor.u32 $0x50, s19;
	v38 =	vld [tilespmem:s5+$0x4050]  }
0x268: {  	v61 =	vmov s30  }
0x269: {  	v39 =	vshll.u32 v61, $0x1  }
0x26a: {  	v39 =	vor.u32 v0, v39  }
0x26b: {  	v39 =	vand.u32 $0x3FE, v39  }
0x26c: {  	v38 =	vadd.s32 v39, v38  }
0x26d: {  	[tilespmem:$0x8050] =	vst v38  }
0x26e: {  	s30 =	sor.u32 $0x60, s19;
	v38 =	vld [tilespmem:s5+$0x4060]  }
0x26f: {  	v62 =	vmov s30  }
0x270: {  	v39 =	vshll.u32 v62, $0x1  }
0x271: {  	v39 =	vor.u32 v0, v39  }
0x272: {  	v39 =	vand.u32 $0x3FE, v39  }
0x273: {  	v38 =	vadd.s32 v39, v38  }
0x274: {  	[tilespmem:$0x8060] =	vst v38  }
0x275: {  	s30 =	sor.u32 $0x70, s19;
	v38 =	vld [tilespmem:s5+$0x4070]  }
0x276: {  	v63 =	vmov s30  }
0x277: {  	v39 =	vshll.u32 v63, $0x1  }
0x278: {  	v39 =	vor.u32 v0, v39  }
0x279: {  	v39 =	vand.u32 $0x3FE, v39  }
0x27a: {  	v38 =	vadd.s32 v39, v38  }
0x27b: {  	[tilespmem:$0x8070] =	vst v38  }
0x27c: {  	[tilespmem:s24], [sflag:$0x1] =	stream.indirect.gather [hbm4b:s1+s23], $0x80, s2, s23, $0xb8;
	[tilespmem:$0x18400] =	vst v63  }
.LBB2_8:
0x27d: {  	_ =	swait.ge [sflag:s21], $0x4000  }
0x27e: {  	[sflag:s21] =	ssyncset.done $0x0  }
0x27f: {  	s5 =	simm.s32 $0x10200;
	[sflag:s21] =	ssyncadd.s32 $0xFFFFC000  }
0x280: {  	v39 =	vld [tilespmem:s5+$0x90]  }
0x281: {  	v40 =	vld [tilespmem:s5+$0x80];
	_ =	sdelay $0x1  }
0x282: {  	v41 =	vld [tilespmem:s5+$0xA0];
	_ =	sdelay $0x1  }
0x283: {  	v38 =	vld [tilespmem:s5+$0xB0]  }
0x284: {  	v45 =	vld [tilespmem:s5+$0xC0];
	v42 =	vmul.f32 v39, v39;
	v43 =	vmul.f32 v40, v40;
	v44 =	vadd.f32 v39, v40  }
0x285: {  	v46 =	vld [tilespmem:s5+$0x0]  }
0x286: {  	v49 =	vld [tilespmem:s5+$0x10];
	v47 =	vmul.f32 v41, v41;
	v42 =	vadd.f32 v42, v43;
	v59 =	vadd.f32 v41, v44  }
0x287: {  	v44 =	vld [tilespmem:s5+$0xD0]  }
0x288: {  	v50 =	vld [tilespmem:s5+$0x20];
	v60 =	vmul.f32 v38, v38;
	v42 =	vadd.f32 v47, v42;
	v43 =	vadd.f32 v38, v59  }
0x289: {  	v48 =	vld [tilespmem:s5+$0xE0]  }
0x28a: {  	v53 =	vld [tilespmem:s5+$0x30];
	v51 =	vmul.f32 v45, v45;
	v42 =	vadd.f32 v60, v42;
	v43 =	vadd.f32 v45, v43  }
0x28b: {  	v61 =	vmul.f32 v46, v46;
	v54 =	vadd.f32 v49, v46;
	v55 =	vmul.f32 v49, v49;
	v47 =	vld [tilespmem:s5+$0xF0]  }
0x28c: {  	v56 =	vld [tilespmem:s5+$0x40];
	v52 =	vmul.f32 v44, v44;
	v42 =	vadd.f32 v51, v42;
	v43 =	vadd.f32 v44, v43  }
0x28d: {  	v57 =	vmul.f32 v50, v50;
	v54 =	vadd.f32 v50, v54;
	v51 =	vadd.f32 v55, v61  }
0x28e: {  	v62 =	vmul.f32 v48, v48;
	v55 =	vld [tilespmem:s5+$0x50];
	v42 =	vadd.f32 v52, v42;
	v43 =	vadd.f32 v48, v43  }
0x28f: {  	v54 =	vadd.f32 v53, v54;
	v60 =	vmul.f32 v53, v53;
	v51 =	vadd.f32 v57, v51  }
0x290: {  	v58 =	vld [tilespmem:s5+$0x60];
	v63 =	vmul.f32 v47, v47;
	v42 =	vadd.f32 v62, v42;
	v43 =	vadd.f32 v47, v43  }
0x291: {  	v51 =	vadd.f32 v60, v51;
	v62 =	vmul.f32 v56, v56  }
0x292: {  	v59 =	vld [tilespmem:s5+$0x70];
	v54 =	vadd.f32 v56, v54;
	v42 =	vadd.f32 v63, v42;
	v61 =	vperm.xlane v43, v16  }
0x293: {  	v57 =	vmul.f32 v55, v55;
	v51 =	vadd.f32 v62, v51  }
0x294: {  	v54 =	vadd.f32 v55, v54;
	v43 =	vadd.f32 v61, v43;
	v52 =	vperm.xlane v42, v16  }
0x295: {  	v51 =	vadd.f32 v57, v51;
	v61 =	vmul.f32 v58, v58  }
0x296: {  	v63 =	vadd.f32 v58, v54;
	v60 =	vperm.xlane v43, v17;
	v42 =	vadd.f32 v52, v42  }
0x297: {  	v54 =	vmul.f32 v59, v59;
	v51 =	vadd.f32 v61, v51  }
0x298: {  	v52 =	vadd.f32 v59, v63;
	v43 =	vadd.f32 v60, v43;
	v57 =	vperm.xlane v42, v17  }
0x299: {  	v51 =	vadd.f32 v54, v51  }
0x29a: {  	v62 =	vperm.xlane v52, v16;
	v60 =	vperm.xlane v43, v18;
	v42 =	vadd.f32 v57, v42  }
0x29b: {  	v54 =	vperm.xlane v51, v16  }
0x29c: {  	v52 =	vadd.f32 v62, v52;
	v43 =	vadd.f32 v60, v43;
	v57 =	vperm.xlane v42, v18  }
0x29d: {  	v51 =	vadd.f32 v54, v51  }
0x29e: {  	v63 =	vperm.xlane v52, v17;
	v60 =	vperm.xlane v43, v19;
	v42 =	vadd.f32 v57, v42  }
0x29f: {  	v61 =	vperm.xlane v51, v17  }
0x2a0: {  	v52 =	vadd.f32 v63, v52;
	v43 =	vadd.f32 v60, v43;
	v60 =	vperm.xlane v42, v19  }
0x2a1: {  	v51 =	vadd.f32 v61, v51  }
0x2a2: {  	v62 =	vperm.xlane v52, v18;
	v43 =	vmul.f32 v43, v20;
	v42 =	vadd.f32 v60, v42  }
0x2a3: {  	v60 =	vperm.xlane v51, v18  }
0x2a4: {  	v52 =	vadd.f32 v62, v52;
	v42 =	vmul.f32 v42, v20;
	v63 =	vmul.f32 v43, v43  }
0x2a5: {  	v51 =	vadd.f32 v60, v51  }
0x2a6: {  	v61 =	vperm.xlane v52, v19;
	v42 =	vsub.f32 v42, v63  }
0x2a7: {  	v54 =	vperm.xlane v51, v19  }
0x2a8: {  	v52 =	vadd.f32 v61, v52;
	v42 =	vadd.f32 v42, v21  }
0x2a9: {  	v51 =	vadd.f32 v54, v51  }
0x2aa: {  	v52 =	vmul.f32 v52, v20;
	v62 =	vshrl.u32 v42, $0x1;
	v42 =	vmul.f32 $5.000000000e-01, v42  }
0x2ab: {  	v51 =	vmul.f32 v51, v20;
	v54 =	vsub.s32 $0x5F3759DF, v62  }
0x2ac: {  	v60 =	vmul.f32 v52, v52;
	v57 =	vmul.f32 v54, v42;
	_ =	sdelay $0x1  }
0x2ad: {  	v51 =	vsub.f32 v51, v60;
	v57 =	vmul.f32 v54, v57;
	_ =	sdelay $0x1  }
0x2ae: {  	v51 =	vadd.f32 v51, v21;
	v57 =	vsub.f32 $1.500000000e+00, v57;
	_ =	sdelay $0x1  }
0x2af: {  	v63 =	vshrl.u32 v51, $0x1;
	v51 =	vmul.f32 $5.000000000e-01, v51;
	v54 =	vmul.f32 v54, v57  }
0x2b0: {  	v57 =	vsub.s32 $0x5F3759DF, v63  }
0x2b1: {  	v61 =	vmul.f32 v57, v51;
	v60 =	vmul.f32 v54, v42;
	_ =	sdelay $0x1  }
0x2b2: {  	v61 =	vmul.f32 v57, v61;
	v60 =	vmul.f32 v60, v54;
	_ =	sdelay $0x1  }
0x2b3: {  	v61 =	vsub.f32 $1.500000000e+00, v61;
	v60 =	vsub.f32 $1.500000000e+00, v60;
	_ =	sdelay $0x1  }
0x2b4: {  	v57 =	vmul.f32 v57, v61;
	v54 =	vmul.f32 v60, v54;
	_ =	sdelay $0x1  }
0x2b5: {  	v60 =	vmul.f32 v57, v51;
	v42 =	vmul.f32 v54, v42  }
0x2b6: {  	v40 =	vsub.f32 v40, v43;
	v39 =	vsub.f32 v39, v43  }
0x2b7: {  	v61 =	vsub.f32 v47, v43;
	v47 =	vmul.f32 v60, v57;
	v42 =	vmul.f32 v42, v54  }
0x2b8: {  	v41 =	vsub.f32 v41, v43;
	v62 =	vsub.f32 v44, v43  }
0x2b9: {  	v44 =	vsub.f32 $1.500000000e+00, v47;
	v42 =	vsub.f32 $1.500000000e+00, v42  }
0x2ba: {  	v60 =	vsub.f32 v45, v43;
	v47 =	vsub.f32 v38, v43  }
0x2bb: {  	v38 =	vsub.f32 v49, v52;
	v49 =	vmul.f32 v44, v57;
	v45 =	vmul.f32 v42, v54  }
0x2bc: {  	v63 =	vsub.f32 v48, v43;
	v48 =	vsub.f32 v46, v52  }
0x2bd: {  	v42 =	vsub.f32 v56, v52;
	v51 =	vmul.f32 v49, v51;
	v56 =	vmul.f32 v45, v40  }
0x2be: {  	v43 =	vsub.f32 v58, v52;
	v46 =	vmul.f32 v45, v39;
	v57 =	vmul.f32 v45, v61  }
0x2bf: {  	v44 =	vsub.f32 v59, v52;
	v54 =	vmul.f32 v45, v41;
	v59 =	vmul.f32 v45, v60  }
0x2c0: {  	v39 =	vsub.f32 v50, v52;
	v62 =	vmul.f32 v45, v62;
	v60 =	vmul.f32 v51, v49  }
0x2c1: {  	v41 =	vsub.f32 v53, v52;
	v51 =	vmul.f32 v45, v63;
	v54 =	vmul.f32 v54, v24  }
0x2c2: {  	v53 =	vmul.f32 v56, v22;
	v50 =	vmul.f32 v62, v27;
	v56 =	vsub.f32 $1.500000000e+00, v60  }
0x2c3: {  	s2 =	simm.s32 $0x0;
	s19 =	simm.s32 $0x10200;
	v40 =	vsub.f32 v55, v52;
	v55 =	vmul.f32 v59, v26;
	v52 =	vmul.f32 v57, v29  }
.LBB2_9:
0x2c4: {  	s2 =	sadd.s32 $0x2, s2;
	v49 =	vmul.f32 v56, v49;
	v54 =	vadd.f32 v54, v32;
	v45 =	vmul.f32 v45, v47;
	s5 =	sadd.s32 $0x100, s5  }
0x2c5: {  	v46 =	vmul.f32 v46, v23;
	p1 =	slt.u32 s2, $0x7E;
	v47 =	vadd.f32 v55, v34;
	v52 =	vadd.f32 v52, v37  }
0x2c6: {  	v48 =	vmul.f32 v49, v48;
	v55 =	vmul.f32 v49, v42;
	v42 =	vadd.f32 v53, v30;
	[tilespmem:s19+$0xA0] =	vst v54  }
0x2c7: {  	v46 =	vadd.f32 v46, v31;
	v45 =	vmul.f32 v45, v25;
	[tilespmem:s19+$0xC0] =	vst v47;
	v47 =	vmul.f32 v51, v28  }
0x2c8: {  	v51 =	vmul.f32 v49, v38;
	v38 =	vadd.f32 v50, v35;
	v48 =	vmul.f32 v48, v22;
	[tilespmem:s19+$0x80] =	vst v42  }
0x2c9: {  	v44 =	vmul.f32 v49, v44;
	v42 =	vmul.f32 v49, v39;
	[tilespmem:s19+$0x90] =	vst v46;
	v46 =	vadd.f32 v47, v36  }
0x2ca: {  	v39 =	vld [tilespmem:s5+$0x90];
	v47 =	vadd.f32 v48, v30;
	v48 =	vmul.f32 v49, v41;
	v41 =	vmul.f32 v49, v43;
	[tilespmem:s19+$0xD0] =	vst v38  }
0x2cb: {  	v44 =	vmul.f32 v44, v29;
	v45 =	vadd.f32 v45, v33;
	v50 =	vmul.f32 v42, v24;
	v43 =	vld [tilespmem:s5+$0x80];
	[tilespmem:s19+$0xE0] =	vst v46  }
0x2cc: {  	v40 =	vmul.f32 v49, v40;
	v42 =	vld [tilespmem:s5+$0xA0];
	[tilespmem:s19+$0x0] =	vst v47;
	v41 =	vmul.f32 v41, v28  }
0x2cd: {  	v49 =	vadd.f32 v44, v37;
	v46 =	vadd.f32 v50, v32;
	v47 =	vmul.f32 v55, v26;
	v38 =	vld [tilespmem:s5+$0x0];
	[tilespmem:s19+$0xB0] =	vst v45  }
0x2ce: {  	v50 =	vmul.f32 v40, v27;
	v45 =	vmul.f32 v51, v23;
	v44 =	vld [tilespmem:s5+$0xC0];
	v51 =	vadd.f32 v41, v36;
	[tilespmem:s19+$0xF0] =	vst v52  }
0x2cf: {  	v48 =	vmul.f32 v48, v25;
	v47 =	vadd.f32 v47, v34;
	v41 =	vld [tilespmem:s5+$0xB0];
	v52 =	vmul.f32 v39, v39;
	[tilespmem:s19+$0x70] =	vst v49  }
0x2d0: {  	v45 =	vadd.f32 v45, v31;
	v49 =	vmul.f32 v43, v43;
	v53 =	vadd.f32 v39, v43;
	[tilespmem:s19+$0x20] =	vst v46  }
0x2d1: {  	v48 =	vadd.f32 v48, v33;
	v50 =	vadd.f32 v50, v35;
	v40 =	vld [tilespmem:s5+$0x20];
	v46 =	vmul.f32 v42, v42;
	[tilespmem:s19+$0x40] =	vst v47  }
0x2d2: {  	v54 =	vmul.f32 v38, v38;
	v47 =	vld [tilespmem:s5+$0xD0];
	v49 =	vadd.f32 v52, v49;
	v52 =	vadd.f32 v42, v53;
	[tilespmem:s19+$0x60] =	vst v51  }
0x2d3: {  	[tilespmem:s19+$0x10] =	vst v45  }
0x2d4: {  	v45 =	vld [tilespmem:s5+$0x10];
	v46 =	vadd.f32 v46, v49;
	v49 =	vadd.f32 v41, v52;
	v51 =	vmul.f32 v41, v41;
	[tilespmem:s19+$0x50] =	vst v50  }
0x2d5: {  	v52 =	vmul.f32 v44, v44;
	v50 =	vld [tilespmem:s5+$0xE0];
	[tilespmem:s19+$0x30] =	vst v48;
	s19 =	smov.u32 s5  }
0x2d6: {  	v48 =	vmul.f32 v40, v40;
	v51 =	vadd.f32 v51, v46;
	v49 =	vadd.f32 v44, v49  }
0x2d7: {  	v53 =	vld [tilespmem:s5+$0xF0];
	v55 =	vmul.f32 v47, v47  }
0x2d8: {  	v46 =	vld [tilespmem:s5+$0x30];
	v51 =	vadd.f32 v52, v51;
	v49 =	vadd.f32 v47, v49  }
0x2d9: {  	v52 =	vadd.f32 v45, v38;
	v56 =	vmul.f32 v45, v45  }
0x2da: {  	v57 =	vld [tilespmem:s5+$0x40];
	v51 =	vadd.f32 v55, v51;
	v49 =	vadd.f32 v50, v49;
	v55 =	vmul.f32 v50, v50  }
0x2db: {  	v54 =	vadd.f32 v56, v54;
	v52 =	vadd.f32 v40, v52  }
0x2dc: {  	v56 =	vld [tilespmem:s5+$0x50];
	v51 =	vadd.f32 v55, v51;
	v49 =	vadd.f32 v53, v49;
	v55 =	vmul.f32 v53, v53  }
0x2dd: {  	v48 =	vadd.f32 v48, v54;
	v52 =	vadd.f32 v46, v52;
	v54 =	vmul.f32 v46, v46  }
0x2de: {  	v58 =	vld [tilespmem:s5+$0x60];
	v51 =	vadd.f32 v55, v51;
	v55 =	vperm.xlane v49, v16  }
0x2df: {  	v48 =	vadd.f32 v54, v48;
	v52 =	vadd.f32 v57, v52;
	v54 =	vmul.f32 v57, v57  }
0x2e0: {  	v59 =	vld [tilespmem:s5+$0x70];
	v49 =	vadd.f32 v55, v49;
	v55 =	vperm.xlane v51, v16  }
0x2e1: {  	v48 =	vadd.f32 v54, v48;
	v52 =	vadd.f32 v56, v52;
	v54 =	vmul.f32 v56, v56  }
0x2e2: {  	v60 =	vperm.xlane v49, v17;
	v51 =	vadd.f32 v55, v51  }
0x2e3: {  	v48 =	vadd.f32 v54, v48;
	v52 =	vadd.f32 v58, v52;
	v54 =	vmul.f32 v58, v58  }
0x2e4: {  	v49 =	vadd.f32 v60, v49;
	v55 =	vperm.xlane v51, v17  }
0x2e5: {  	v48 =	vadd.f32 v54, v48;
	v52 =	vadd.f32 v59, v52;
	v54 =	vmul.f32 v59, v59  }
0x2e6: {  	v60 =	vperm.xlane v49, v18;
	v51 =	vadd.f32 v55, v51  }
0x2e7: {  	v48 =	vadd.f32 v54, v48;
	v54 =	vperm.xlane v52, v16  }
0x2e8: {  	v49 =	vadd.f32 v60, v49;
	v55 =	vperm.xlane v51, v18  }
0x2e9: {  	v52 =	vadd.f32 v54, v52;
	v54 =	vperm.xlane v48, v16  }
0x2ea: {  	v60 =	vperm.xlane v49, v19;
	v51 =	vadd.f32 v55, v51  }
0x2eb: {  	v55 =	vperm.xlane v52, v17;
	v48 =	vadd.f32 v54, v48  }
0x2ec: {  	v49 =	vadd.f32 v60, v49;
	v54 =	vperm.xlane v51, v19  }
0x2ed: {  	v52 =	vadd.f32 v55, v52;
	v55 =	vperm.xlane v48, v17  }
0x2ee: {  	v49 =	vmul.f32 v49, v20;
	v51 =	vadd.f32 v54, v51  }
0x2ef: {  	v54 =	vperm.xlane v52, v18;
	v48 =	vadd.f32 v55, v48  }
0x2f0: {  	v51 =	vmul.f32 v51, v20;
	v55 =	vmul.f32 v49, v49;
	v60 =	vsub.f32 v43, v49  }
0x2f1: {  	v43 =	vadd.f32 v54, v52;
	v52 =	vperm.xlane v48, v18;
	v54 =	vsub.f32 v39, v49  }
0x2f2: {  	v39 =	vsub.f32 v51, v55;
	v51 =	vsub.f32 v53, v49  }
0x2f3: {  	v53 =	vperm.xlane v43, v19;
	v48 =	vadd.f32 v52, v48;
	v52 =	vsub.f32 v42, v49  }
0x2f4: {  	v55 =	vsub.f32 v44, v49;
	v39 =	vadd.f32 v39, v21  }
0x2f5: {  	v42 =	vadd.f32 v53, v43;
	v43 =	vperm.xlane v48, v19;
	v53 =	vsub.f32 v47, v49  }
0x2f6: {  	v50 =	vsub.f32 v50, v49;
	v44 =	vshrl.u32 v39, $0x1;
	v61 =	vmul.f32 $5.000000000e-01, v39  }
0x2f7: {  	v62 =	vmul.f32 v42, v20;
	v39 =	vadd.f32 v43, v48;
	v63 =	vsub.s32 $0x5F3759DF, v44  }
0x2f8: {  	v47 =	vsub.f32 v41, v49;
	v43 =	vmul.f32 v63, v61  }
0x2f9: {  	v39 =	vmul.f32 v39, v20;
	v41 =	vmul.f32 v62, v62;
	v48 =	vsub.f32 v38, v62  }
0x2fa: {  	v38 =	vsub.f32 v45, v62;
	v42 =	vsub.f32 v57, v62;
	v43 =	vmul.f32 v63, v43  }
0x2fb: {  	v41 =	vsub.f32 v39, v41;
	v39 =	vsub.f32 v40, v62  }
0x2fc: {  	v44 =	vsub.f32 v59, v62;
	v45 =	vsub.f32 $1.500000000e+00, v43  }
0x2fd: {  	v49 =	vadd.f32 v41, v21;
	v41 =	vsub.f32 v46, v62  }
0x2fe: {  	v40 =	vsub.f32 v56, v62;
	v43 =	vsub.f32 v58, v62;
	v45 =	vmul.f32 v63, v45  }
0x2ff: {  	v46 =	vshrl.u32 v49, $0x1;
	v56 =	vmul.f32 $5.000000000e-01, v49  }
0x300: {  	v46 =	vsub.s32 $0x5F3759DF, v46;
	v49 =	vmul.f32 v45, v61  }
0x301: {  	v57 =	vmul.f32 v46, v56  }
0x302: {  	v49 =	vmul.f32 v49, v45  }
0x303: {  	v57 =	vmul.f32 v46, v57  }
0x304: {  	v49 =	vsub.f32 $1.500000000e+00, v49  }
0x305: {  	v57 =	vsub.f32 $1.500000000e+00, v57  }
0x306: {  	v45 =	vmul.f32 v49, v45  }
0x307: {  	v46 =	vmul.f32 v46, v57  }
0x308: {  	v49 =	vmul.f32 v45, v61  }
0x309: {  	v57 =	vmul.f32 v46, v56  }
0x30a: {  	v49 =	vmul.f32 v49, v45  }
0x30b: {  	v57 =	vmul.f32 v57, v46  }
0x30c: {  	v49 =	vsub.f32 $1.500000000e+00, v49  }
0x30d: {  	v57 =	vsub.f32 $1.500000000e+00, v57  }
0x30e: {  	v45 =	vmul.f32 v49, v45  }
0x30f: {  	v49 =	vmul.f32 v57, v46  }
0x310: {  	v57 =	vmul.f32 v45, v60;
	v46 =	vmul.f32 v45, v54  }
0x311: {  	v58 =	vmul.f32 v45, v51;
	v54 =	vmul.f32 v49, v56  }
.Ltmp3:
0x312: {  	v51 =	vmul.f32 v45, v52;
	v52 =	vmul.f32 v45, v55;
	(pc) =	sbr.rel @p1 .LBB2_9-.Ltmp3, $4  }
0x313: {  	v59 =	vmul.f32 v45, v53;
	v55 =	vmul.f32 v54, v49  }
0x314: {  	v54 =	vmul.f32 v51, v24;
	v51 =	vmul.f32 v45, v50  }
0x315: {  	v53 =	vmul.f32 v57, v22;
	v50 =	vmul.f32 v59, v27;
	v56 =	vsub.f32 $1.500000000e+00, v55  }
0x316: {  	v55 =	vmul.f32 v52, v26;
	v52 =	vmul.f32 v58, v29  }
0x317: {  	v54 =	vadd.f32 v54, v32  }
0x318: {  	v53 =	vadd.f32 v53, v30  }
0x319: {  	v49 =	vmul.f32 v56, v49;
	v50 =	vadd.f32 v50, v35;
	[tilespmem:s19+$0xA0] =	vst v54  }
0x31a: {  	v46 =	vmul.f32 v46, v23;
	v45 =	vmul.f32 v45, v47;
	v55 =	vadd.f32 v55, v34;
	[tilespmem:s19+$0x80] =	vst v53  }
0x31b: {  	v59 =	vmul.f32 v51, v28;
	v62 =	vadd.f32 v52, v37;
	v48 =	vmul.f32 v49, v48;
	[tilespmem:s19+$0xD0] =	vst v50  }
0x31c: {  	v46 =	vadd.f32 v46, v31;
	v45 =	vmul.f32 v45, v25;
	v44 =	vmul.f32 v49, v44;
	[tilespmem:s19+$0xC0] =	vst v55  }
0x31d: {  	v60 =	vadd.f32 v59, v36;
	v39 =	vmul.f32 v49, v39;
	[tilespmem:s19+$0xF0] =	vst v62;
	v48 =	vmul.f32 v48, v22  }
0x31e: {  	v42 =	vmul.f32 v49, v42;
	[tilespmem:s19+$0x90] =	vst v46;
	v44 =	vmul.f32 v44, v29;
	v45 =	vadd.f32 v45, v33  }
0x31f: {  	v43 =	vmul.f32 v49, v43;
	[tilespmem:s19+$0xE0] =	vst v60;
	v39 =	vmul.f32 v39, v24;
	v61 =	vadd.f32 v48, v30  }
0x320: {  	v38 =	vmul.f32 v49, v38;
	v42 =	vmul.f32 v42, v26;
	v44 =	vadd.f32 v44, v37;
	[tilespmem:s19+$0xB0] =	vst v45  }
0x321: {  	v40 =	vmul.f32 v49, v40;
	v43 =	vmul.f32 v43, v28;
	v39 =	vadd.f32 v39, v32;
	[tilespmem:s19+$0x0] =	vst v61  }
0x322: {  	v41 =	vmul.f32 v49, v41;
	v38 =	vmul.f32 v38, v23;
	v42 =	vadd.f32 v42, v34;
	[tilespmem:s19+$0x70] =	vst v44  }
0x323: {  	v40 =	vmul.f32 v40, v27;
	v43 =	vadd.f32 v43, v36;
	[tilespmem:s19+$0x20] =	vst v39  }
0x324: {  	v63 =	vmul.f32 v41, v25;
	v38 =	vadd.f32 v38, v31;
	[tilespmem:s19+$0x40] =	vst v42  }
.Ltmp4:
0x325: {  	v40 =	vadd.f32 v40, v35;
	[tilespmem:s19+$0x60] =	vst v43;
	(pc) =	sbr.rel @p0 .LBB2_12-.Ltmp4, $4  }
0x326: {  	v39 =	vadd.f32 v63, v33;
	[tilespmem:s19+$0x10] =	vst v38  }
0x327: {  	s2 =	sshll.u32 s28, $0xB;
	[tilespmem:s19+$0x50] =	vst v40  }
0x328: {  	s2 =	sadd.s32 s2, s15;
	[tilespmem:s19+$0x30] =	vst v39  }
0x329: {  	[hbm4b:s2+s6] =	stream.linear.scatter [tilespmem:s31], [sflag:$0xB], $0x4000, $0x38;
	[tilespmem:$0x18400] =	vst v63  }
0x32a: {  	_ =	swait.ge [sflag:s26], $0x4000  }
0x32b: {  	[sflag:s26] =	ssyncset.done $0x0  }
0x32c: {  	s2 =	simm.s32 $0x8000;
	[sflag:s26] =	ssyncadd.s32 $0xFFFFC000  }
0x32d: {  	[tilespmem:s24], [sflag:$0x5] =	stream.indirect.gather.add.f32 [hbm:s8], $0x80, s2, s23, $0xb8;
	[tilespmem:$0x18400] =	vst v63  }
0x32e: {  	_ =	swait.ge [sflag:s10], $0x4000  }
0x32f: {  	s5 =	sshll.u32 s12, $0x7;
	[sflag:s10] =	ssyncset.done $0x0  }
0x330: {  	s2 =	sadd.s32 $0x280, s5;
	[sflag:s10] =	ssyncadd.s32 $0xFFFFC000  }
0x331: {  	s12 =	sadd.s32 s7, s2;
	v38 =	vld [tilespmem:s5+$0x4280]  }
0x332: {  	v39 =	vmov s12  }
0x333: {  	v39 =	vshll.u32 v39, $0x1  }
0x334: {  	v39 =	vor.u32 v0, v39  }
0x335: {  	v39 =	vand.u32 $0x31E, v39  }
0x336: {  	v38 =	vadd.s32 v39, v38  }
0x337: {  	s5 =	sand.u32 $0x3FFFFF80, s2;
	[tilespmem:$0x8080] =	vst v38  }
0x338: {  	s19 =	sor.u32 $0x10, s12;
	v38 =	vld [tilespmem:s5+$0x4010]  }
0x339: {  	v57 =	vmov s19  }
0x33a: {  	v39 =	vshll.u32 v57, $0x1  }
0x33b: {  	v39 =	vor.u32 v0, v39  }
0x33c: {  	v39 =	vand.u32 $0x3FE, v39  }
0x33d: {  	v38 =	vadd.s32 v39, v38  }
0x33e: {  	[tilespmem:$0x8090] =	vst v38  }
0x33f: {  	s20 =	sor.u32 $0x20, s12;
	v38 =	vld [tilespmem:s5+$0x4020]  }
0x340: {  	v58 =	vmov s20  }
0x341: {  	v39 =	vshll.u32 v58, $0x1  }
0x342: {  	v39 =	vor.u32 v0, v39  }
0x343: {  	v39 =	vand.u32 $0x3FE, v39  }
0x344: {  	v38 =	vadd.s32 v39, v38  }
0x345: {  	[tilespmem:$0x80A0] =	vst v38  }
0x346: {  	s28 =	sor.u32 $0x30, s12;
	v38 =	vld [tilespmem:s5+$0x4030]  }
0x347: {  	v59 =	vmov s28  }
0x348: {  	v39 =	vshll.u32 v59, $0x1  }
0x349: {  	v39 =	vor.u32 v0, v39  }
0x34a: {  	v39 =	vand.u32 $0x3FE, v39  }
0x34b: {  	v38 =	vadd.s32 v39, v38  }
0x34c: {  	[tilespmem:$0x80B0] =	vst v38  }
0x34d: {  	s30 =	sor.u32 $0x40, s12;
	v38 =	vld [tilespmem:s5+$0x4040]  }
0x34e: {  	v60 =	vmov s30  }
0x34f: {  	v39 =	vshll.u32 v60, $0x1  }
0x350: {  	v39 =	vor.u32 v0, v39  }
0x351: {  	v39 =	vand.u32 $0x3FE, v39  }
0x352: {  	v38 =	vadd.s32 v39, v38  }
0x353: {  	[tilespmem:$0x80C0] =	vst v38  }
0x354: {  	s20 =	sor.u32 $0x50, s12;
	v38 =	vld [tilespmem:s5+$0x4050]  }
0x355: {  	v61 =	vmov s20  }
0x356: {  	v39 =	vshll.u32 v61, $0x1  }
0x357: {  	v39 =	vor.u32 v0, v39  }
0x358: {  	v39 =	vand.u32 $0x3FE, v39  }
0x359: {  	v38 =	vadd.s32 v39, v38  }
0x35a: {  	[tilespmem:$0x80D0] =	vst v38  }
0x35b: {  	s28 =	sor.u32 $0x60, s12;
	v38 =	vld [tilespmem:s5+$0x4060]  }
0x35c: {  	v62 =	vmov s28  }
0x35d: {  	v39 =	vshll.u32 v62, $0x1  }
0x35e: {  	v39 =	vor.u32 v0, v39  }
0x35f: {  	v39 =	vand.u32 $0x3FE, v39  }
0x360: {  	v38 =	vadd.s32 v39, v38  }
0x361: {  	[tilespmem:$0x80E0] =	vst v38  }
0x362: {  	s30 =	sor.u32 $0x70, s12;
	v38 =	vld [tilespmem:s5+$0x4070]  }
0x363: {  	v63 =	vmov s30  }
0x364: {  	v39 =	vshll.u32 v63, $0x1  }
0x365: {  	v39 =	vor.u32 v0, v39  }
0x366: {  	v39 =	vand.u32 $0x3FE, v39  }
0x367: {  	v38 =	vadd.s32 v39, v38  }
0x368: {  	[tilespmem:$0x80F0] =	vst v38  }
0x369: {  	[tilespmem:s25], [sflag:$0x2] =	stream.indirect.gather [hbm4b:s1+s23], $0x80, s2, s23, $0xb8;
	[tilespmem:$0x18400] =	vst v63  }
.LBB2_12:
0x36a: {  	_ =	swait.ge [sflag:s22], $0x4000  }
0x36b: {  	[sflag:s22] =	ssyncset.done $0x0  }
0x36c: {  	s5 =	simm.s32 $0x14200;
	[sflag:s22] =	ssyncadd.s32 $0xFFFFC000  }
0x36d: {  	v39 =	vld [tilespmem:s5+$0x90]  }
0x36e: {  	v40 =	vld [tilespmem:s5+$0x80];
	_ =	sdelay $0x1  }
0x36f: {  	v41 =	vld [tilespmem:s5+$0xA0];
	_ =	sdelay $0x1  }
0x370: {  	v38 =	vld [tilespmem:s5+$0xB0]  }
0x371: {  	v45 =	vld [tilespmem:s5+$0xC0];
	v42 =	vmul.f32 v39, v39;
	v43 =	vmul.f32 v40, v40;
	v44 =	vadd.f32 v39, v40  }
0x372: {  	v46 =	vld [tilespmem:s5+$0x0]  }
0x373: {  	v49 =	vld [tilespmem:s5+$0x10];
	v47 =	vmul.f32 v41, v41;
	v42 =	vadd.f32 v42, v43;
	v59 =	vadd.f32 v41, v44  }
0x374: {  	v44 =	vld [tilespmem:s5+$0xD0]  }
0x375: {  	v50 =	vld [tilespmem:s5+$0x20];
	v60 =	vmul.f32 v38, v38;
	v42 =	vadd.f32 v47, v42;
	v43 =	vadd.f32 v38, v59  }
0x376: {  	v48 =	vld [tilespmem:s5+$0xE0]  }
0x377: {  	v53 =	vld [tilespmem:s5+$0x30];
	v51 =	vmul.f32 v45, v45;
	v42 =	vadd.f32 v60, v42;
	v43 =	vadd.f32 v45, v43  }
0x378: {  	v61 =	vmul.f32 v46, v46;
	v54 =	vadd.f32 v49, v46;
	v55 =	vmul.f32 v49, v49;
	v47 =	vld [tilespmem:s5+$0xF0]  }
0x379: {  	v56 =	vld [tilespmem:s5+$0x40];
	v52 =	vmul.f32 v44, v44;
	v42 =	vadd.f32 v51, v42;
	v43 =	vadd.f32 v44, v43  }
0x37a: {  	v57 =	vmul.f32 v50, v50;
	v54 =	vadd.f32 v50, v54;
	v51 =	vadd.f32 v55, v61  }
0x37b: {  	v62 =	vmul.f32 v48, v48;
	v55 =	vld [tilespmem:s5+$0x50];
	v42 =	vadd.f32 v52, v42;
	v43 =	vadd.f32 v48, v43  }
0x37c: {  	v54 =	vadd.f32 v53, v54;
	v60 =	vmul.f32 v53, v53;
	v51 =	vadd.f32 v57, v51  }
0x37d: {  	v58 =	vld [tilespmem:s5+$0x60];
	v63 =	vmul.f32 v47, v47;
	v42 =	vadd.f32 v62, v42;
	v43 =	vadd.f32 v47, v43  }
0x37e: {  	v51 =	vadd.f32 v60, v51;
	v62 =	vmul.f32 v56, v56  }
0x37f: {  	v59 =	vld [tilespmem:s5+$0x70];
	v54 =	vadd.f32 v56, v54;
	v42 =	vadd.f32 v63, v42;
	v61 =	vperm.xlane v43, v16  }
0x380: {  	v57 =	vmul.f32 v55, v55;
	v51 =	vadd.f32 v62, v51  }
0x381: {  	v54 =	vadd.f32 v55, v54;
	v43 =	vadd.f32 v61, v43;
	v52 =	vperm.xlane v42, v16  }
0x382: {  	v51 =	vadd.f32 v57, v51;
	v61 =	vmul.f32 v58, v58  }
0x383: {  	v63 =	vadd.f32 v58, v54;
	v60 =	vperm.xlane v43, v17;
	v42 =	vadd.f32 v52, v42  }
0x384: {  	v54 =	vmul.f32 v59, v59;
	v51 =	vadd.f32 v61, v51  }
0x385: {  	v52 =	vadd.f32 v59, v63;
	v43 =	vadd.f32 v60, v43;
	v57 =	vperm.xlane v42, v17  }
0x386: {  	v51 =	vadd.f32 v54, v51  }
0x387: {  	v62 =	vperm.xlane v52, v16;
	v60 =	vperm.xlane v43, v18;
	v42 =	vadd.f32 v57, v42  }
0x388: {  	v54 =	vperm.xlane v51, v16  }
0x389: {  	v52 =	vadd.f32 v62, v52;
	v43 =	vadd.f32 v60, v43;
	v57 =	vperm.xlane v42, v18  }
0x38a: {  	v51 =	vadd.f32 v54, v51  }
0x38b: {  	v63 =	vperm.xlane v52, v17;
	v60 =	vperm.xlane v43, v19;
	v42 =	vadd.f32 v57, v42  }
0x38c: {  	v61 =	vperm.xlane v51, v17  }
0x38d: {  	v52 =	vadd.f32 v63, v52;
	v43 =	vadd.f32 v60, v43;
	v60 =	vperm.xlane v42, v19  }
0x38e: {  	v51 =	vadd.f32 v61, v51  }
0x38f: {  	v62 =	vperm.xlane v52, v18;
	v43 =	vmul.f32 v43, v20;
	v42 =	vadd.f32 v60, v42  }
0x390: {  	v60 =	vperm.xlane v51, v18  }
0x391: {  	v52 =	vadd.f32 v62, v52;
	v42 =	vmul.f32 v42, v20;
	v63 =	vmul.f32 v43, v43  }
0x392: {  	v51 =	vadd.f32 v60, v51  }
0x393: {  	v61 =	vperm.xlane v52, v19;
	v42 =	vsub.f32 v42, v63  }
0x394: {  	v54 =	vperm.xlane v51, v19  }
0x395: {  	v52 =	vadd.f32 v61, v52;
	v42 =	vadd.f32 v42, v21  }
0x396: {  	v51 =	vadd.f32 v54, v51  }
0x397: {  	v52 =	vmul.f32 v52, v20;
	v62 =	vshrl.u32 v42, $0x1;
	v42 =	vmul.f32 $5.000000000e-01, v42  }
0x398: {  	v51 =	vmul.f32 v51, v20;
	v54 =	vsub.s32 $0x5F3759DF, v62  }
0x399: {  	v60 =	vmul.f32 v52, v52;
	v57 =	vmul.f32 v54, v42;
	_ =	sdelay $0x1  }
0x39a: {  	v51 =	vsub.f32 v51, v60;
	v57 =	vmul.f32 v54, v57;
	_ =	sdelay $0x1  }
0x39b: {  	v51 =	vadd.f32 v51, v21;
	v57 =	vsub.f32 $1.500000000e+00, v57;
	_ =	sdelay $0x1  }
0x39c: {  	v63 =	vshrl.u32 v51, $0x1;
	v51 =	vmul.f32 $5.000000000e-01, v51;
	v54 =	vmul.f32 v54, v57  }
0x39d: {  	v57 =	vsub.s32 $0x5F3759DF, v63  }
0x39e: {  	v61 =	vmul.f32 v57, v51;
	v60 =	vmul.f32 v54, v42;
	_ =	sdelay $0x1  }
0x39f: {  	v61 =	vmul.f32 v57, v61;
	v60 =	vmul.f32 v60, v54;
	_ =	sdelay $0x1  }
0x3a0: {  	v61 =	vsub.f32 $1.500000000e+00, v61;
	v60 =	vsub.f32 $1.500000000e+00, v60;
	_ =	sdelay $0x1  }
0x3a1: {  	v57 =	vmul.f32 v57, v61;
	v54 =	vmul.f32 v60, v54;
	_ =	sdelay $0x1  }
0x3a2: {  	v60 =	vmul.f32 v57, v51;
	v42 =	vmul.f32 v54, v42  }
0x3a3: {  	v40 =	vsub.f32 v40, v43;
	v39 =	vsub.f32 v39, v43  }
0x3a4: {  	v61 =	vsub.f32 v47, v43;
	v47 =	vmul.f32 v60, v57;
	v42 =	vmul.f32 v42, v54  }
0x3a5: {  	v41 =	vsub.f32 v41, v43;
	v62 =	vsub.f32 v44, v43  }
0x3a6: {  	v44 =	vsub.f32 $1.500000000e+00, v47;
	v42 =	vsub.f32 $1.500000000e+00, v42  }
0x3a7: {  	v60 =	vsub.f32 v45, v43;
	v47 =	vsub.f32 v38, v43  }
0x3a8: {  	v38 =	vsub.f32 v49, v52;
	v49 =	vmul.f32 v44, v57;
	v45 =	vmul.f32 v42, v54  }
0x3a9: {  	v63 =	vsub.f32 v48, v43;
	v48 =	vsub.f32 v46, v52  }
0x3aa: {  	v42 =	vsub.f32 v56, v52;
	v51 =	vmul.f32 v49, v51;
	v56 =	vmul.f32 v45, v40  }
0x3ab: {  	v43 =	vsub.f32 v58, v52;
	v46 =	vmul.f32 v45, v39;
	v57 =	vmul.f32 v45, v61  }
0x3ac: {  	v44 =	vsub.f32 v59, v52;
	v54 =	vmul.f32 v45, v41;
	v59 =	vmul.f32 v45, v60  }
0x3ad: {  	v39 =	vsub.f32 v50, v52;
	v62 =	vmul.f32 v45, v62;
	v60 =	vmul.f32 v51, v49  }
0x3ae: {  	v41 =	vsub.f32 v53, v52;
	v51 =	vmul.f32 v45, v63;
	v54 =	vmul.f32 v54, v24  }
0x3af: {  	v53 =	vmul.f32 v56, v22;
	v50 =	vmul.f32 v62, v27;
	v56 =	vsub.f32 $1.500000000e+00, v60  }
0x3b0: {  	s2 =	simm.s32 $0x0;
	s12 =	simm.s32 $0x14200;
	v40 =	vsub.f32 v55, v52;
	v55 =	vmul.f32 v59, v26;
	v52 =	vmul.f32 v57, v29  }
.LBB2_13:
0x3b1: {  	s2 =	sadd.s32 $0x2, s2;
	v49 =	vmul.f32 v56, v49;
	v54 =	vadd.f32 v54, v32;
	v45 =	vmul.f32 v45, v47;
	s5 =	sadd.s32 $0x100, s5  }
0x3b2: {  	v46 =	vmul.f32 v46, v23;
	p0 =	slt.u32 s2, $0x7E;
	v47 =	vadd.f32 v55, v34;
	v52 =	vadd.f32 v52, v37  }
0x3b3: {  	v48 =	vmul.f32 v49, v48;
	v55 =	vmul.f32 v49, v42;
	v42 =	vadd.f32 v53, v30;
	[tilespmem:s12+$0xA0] =	vst v54  }
0x3b4: {  	v46 =	vadd.f32 v46, v31;
	v45 =	vmul.f32 v45, v25;
	[tilespmem:s12+$0xC0] =	vst v47;
	v47 =	vmul.f32 v51, v28  }
0x3b5: {  	v51 =	vmul.f32 v49, v38;
	v38 =	vadd.f32 v50, v35;
	v48 =	vmul.f32 v48, v22;
	[tilespmem:s12+$0x80] =	vst v42  }
0x3b6: {  	v44 =	vmul.f32 v49, v44;
	v42 =	vmul.f32 v49, v39;
	[tilespmem:s12+$0x90] =	vst v46;
	v46 =	vadd.f32 v47, v36  }
0x3b7: {  	v39 =	vld [tilespmem:s5+$0x90];
	v47 =	vadd.f32 v48, v30;
	v48 =	vmul.f32 v49, v41;
	v41 =	vmul.f32 v49, v43;
	[tilespmem:s12+$0xD0] =	vst v38  }
0x3b8: {  	v44 =	vmul.f32 v44, v29;
	v45 =	vadd.f32 v45, v33;
	v50 =	vmul.f32 v42, v24;
	v43 =	vld [tilespmem:s5+$0x80];
	[tilespmem:s12+$0xE0] =	vst v46  }
0x3b9: {  	v40 =	vmul.f32 v49, v40;
	v42 =	vld [tilespmem:s5+$0xA0];
	[tilespmem:s12+$0x0] =	vst v47;
	v41 =	vmul.f32 v41, v28  }
0x3ba: {  	v49 =	vadd.f32 v44, v37;
	v46 =	vadd.f32 v50, v32;
	v47 =	vmul.f32 v55, v26;
	v38 =	vld [tilespmem:s5+$0x0];
	[tilespmem:s12+$0xB0] =	vst v45  }
0x3bb: {  	v50 =	vmul.f32 v40, v27;
	v45 =	vmul.f32 v51, v23;
	v44 =	vld [tilespmem:s5+$0xC0];
	v51 =	vadd.f32 v41, v36;
	[tilespmem:s12+$0xF0] =	vst v52  }
0x3bc: {  	v48 =	vmul.f32 v48, v25;
	v47 =	vadd.f32 v47, v34;
	v41 =	vld [tilespmem:s5+$0xB0];
	v52 =	vmul.f32 v39, v39;
	[tilespmem:s12+$0x70] =	vst v49  }
0x3bd: {  	v45 =	vadd.f32 v45, v31;
	v49 =	vmul.f32 v43, v43;
	v53 =	vadd.f32 v39, v43;
	[tilespmem:s12+$0x20] =	vst v46  }
0x3be: {  	v48 =	vadd.f32 v48, v33;
	v50 =	vadd.f32 v50, v35;
	v40 =	vld [tilespmem:s5+$0x20];
	v46 =	vmul.f32 v42, v42;
	[tilespmem:s12+$0x40] =	vst v47  }
0x3bf: {  	v54 =	vmul.f32 v38, v38;
	v47 =	vld [tilespmem:s5+$0xD0];
	v49 =	vadd.f32 v52, v49;
	v52 =	vadd.f32 v42, v53;
	[tilespmem:s12+$0x60] =	vst v51  }
0x3c0: {  	[tilespmem:s12+$0x10] =	vst v45  }
0x3c1: {  	v45 =	vld [tilespmem:s5+$0x10];
	v46 =	vadd.f32 v46, v49;
	v49 =	vadd.f32 v41, v52;
	v51 =	vmul.f32 v41, v41;
	[tilespmem:s12+$0x50] =	vst v50  }
0x3c2: {  	v52 =	vmul.f32 v44, v44;
	v50 =	vld [tilespmem:s5+$0xE0];
	[tilespmem:s12+$0x30] =	vst v48;
	s12 =	smov.u32 s5  }
0x3c3: {  	v48 =	vmul.f32 v40, v40;
	v51 =	vadd.f32 v51, v46;
	v49 =	vadd.f32 v44, v49  }
0x3c4: {  	v53 =	vld [tilespmem:s5+$0xF0];
	v55 =	vmul.f32 v47, v47  }
0x3c5: {  	v46 =	vld [tilespmem:s5+$0x30];
	v51 =	vadd.f32 v52, v51;
	v49 =	vadd.f32 v47, v49  }
0x3c6: {  	v52 =	vadd.f32 v45, v38;
	v56 =	vmul.f32 v45, v45  }
0x3c7: {  	v57 =	vld [tilespmem:s5+$0x40];
	v51 =	vadd.f32 v55, v51;
	v49 =	vadd.f32 v50, v49;
	v55 =	vmul.f32 v50, v50  }
0x3c8: {  	v54 =	vadd.f32 v56, v54;
	v52 =	vadd.f32 v40, v52  }
0x3c9: {  	v56 =	vld [tilespmem:s5+$0x50];
	v51 =	vadd.f32 v55, v51;
	v49 =	vadd.f32 v53, v49;
	v55 =	vmul.f32 v53, v53  }
0x3ca: {  	v48 =	vadd.f32 v48, v54;
	v52 =	vadd.f32 v46, v52;
	v54 =	vmul.f32 v46, v46  }
0x3cb: {  	v58 =	vld [tilespmem:s5+$0x60];
	v51 =	vadd.f32 v55, v51;
	v55 =	vperm.xlane v49, v16  }
0x3cc: {  	v48 =	vadd.f32 v54, v48;
	v52 =	vadd.f32 v57, v52;
	v54 =	vmul.f32 v57, v57  }
0x3cd: {  	v59 =	vld [tilespmem:s5+$0x70];
	v49 =	vadd.f32 v55, v49;
	v55 =	vperm.xlane v51, v16  }
0x3ce: {  	v48 =	vadd.f32 v54, v48;
	v52 =	vadd.f32 v56, v52;
	v54 =	vmul.f32 v56, v56  }
0x3cf: {  	v60 =	vperm.xlane v49, v17;
	v51 =	vadd.f32 v55, v51  }
0x3d0: {  	v48 =	vadd.f32 v54, v48;
	v52 =	vadd.f32 v58, v52;
	v54 =	vmul.f32 v58, v58  }
0x3d1: {  	v49 =	vadd.f32 v60, v49;
	v55 =	vperm.xlane v51, v17  }
0x3d2: {  	v48 =	vadd.f32 v54, v48;
	v52 =	vadd.f32 v59, v52;
	v54 =	vmul.f32 v59, v59  }
0x3d3: {  	v60 =	vperm.xlane v49, v18;
	v51 =	vadd.f32 v55, v51  }
0x3d4: {  	v48 =	vadd.f32 v54, v48;
	v54 =	vperm.xlane v52, v16  }
0x3d5: {  	v49 =	vadd.f32 v60, v49;
	v55 =	vperm.xlane v51, v18  }
0x3d6: {  	v52 =	vadd.f32 v54, v52;
	v54 =	vperm.xlane v48, v16  }
0x3d7: {  	v60 =	vperm.xlane v49, v19;
	v51 =	vadd.f32 v55, v51  }
0x3d8: {  	v55 =	vperm.xlane v52, v17;
	v48 =	vadd.f32 v54, v48  }
0x3d9: {  	v49 =	vadd.f32 v60, v49;
	v54 =	vperm.xlane v51, v19  }
0x3da: {  	v52 =	vadd.f32 v55, v52;
	v55 =	vperm.xlane v48, v17  }
0x3db: {  	v49 =	vmul.f32 v49, v20;
	v51 =	vadd.f32 v54, v51  }
0x3dc: {  	v54 =	vperm.xlane v52, v18;
	v48 =	vadd.f32 v55, v48  }
0x3dd: {  	v51 =	vmul.f32 v51, v20;
	v55 =	vmul.f32 v49, v49;
	v60 =	vsub.f32 v43, v49  }
0x3de: {  	v43 =	vadd.f32 v54, v52;
	v52 =	vperm.xlane v48, v18;
	v54 =	vsub.f32 v39, v49  }
0x3df: {  	v39 =	vsub.f32 v51, v55;
	v51 =	vsub.f32 v53, v49  }
0x3e0: {  	v53 =	vperm.xlane v43, v19;
	v48 =	vadd.f32 v52, v48;
	v52 =	vsub.f32 v42, v49  }
0x3e1: {  	v55 =	vsub.f32 v44, v49;
	v39 =	vadd.f32 v39, v21  }
0x3e2: {  	v42 =	vadd.f32 v53, v43;
	v43 =	vperm.xlane v48, v19;
	v53 =	vsub.f32 v47, v49  }
0x3e3: {  	v50 =	vsub.f32 v50, v49;
	v44 =	vshrl.u32 v39, $0x1;
	v61 =	vmul.f32 $5.000000000e-01, v39  }
0x3e4: {  	v62 =	vmul.f32 v42, v20;
	v39 =	vadd.f32 v43, v48;
	v63 =	vsub.s32 $0x5F3759DF, v44  }
0x3e5: {  	v47 =	vsub.f32 v41, v49;
	v43 =	vmul.f32 v63, v61  }
0x3e6: {  	v39 =	vmul.f32 v39, v20;
	v41 =	vmul.f32 v62, v62;
	v48 =	vsub.f32 v38, v62  }
0x3e7: {  	v38 =	vsub.f32 v45, v62;
	v42 =	vsub.f32 v57, v62;
	v43 =	vmul.f32 v63, v43  }
0x3e8: {  	v41 =	vsub.f32 v39, v41;
	v39 =	vsub.f32 v40, v62  }
0x3e9: {  	v44 =	vsub.f32 v59, v62;
	v45 =	vsub.f32 $1.500000000e+00, v43  }
0x3ea: {  	v49 =	vadd.f32 v41, v21;
	v41 =	vsub.f32 v46, v62  }
0x3eb: {  	v40 =	vsub.f32 v56, v62;
	v43 =	vsub.f32 v58, v62;
	v45 =	vmul.f32 v63, v45  }
0x3ec: {  	v46 =	vshrl.u32 v49, $0x1;
	v56 =	vmul.f32 $5.000000000e-01, v49  }
0x3ed: {  	v46 =	vsub.s32 $0x5F3759DF, v46;
	v49 =	vmul.f32 v45, v61  }
0x3ee: {  	v57 =	vmul.f32 v46, v56  }
0x3ef: {  	v49 =	vmul.f32 v49, v45  }
0x3f0: {  	v57 =	vmul.f32 v46, v57  }
0x3f1: {  	v49 =	vsub.f32 $1.500000000e+00, v49  }
0x3f2: {  	v57 =	vsub.f32 $1.500000000e+00, v57  }
0x3f3: {  	v45 =	vmul.f32 v49, v45  }
0x3f4: {  	v46 =	vmul.f32 v46, v57  }
0x3f5: {  	v49 =	vmul.f32 v45, v61  }
0x3f6: {  	v57 =	vmul.f32 v46, v56  }
0x3f7: {  	v49 =	vmul.f32 v49, v45  }
0x3f8: {  	v57 =	vmul.f32 v57, v46  }
0x3f9: {  	v49 =	vsub.f32 $1.500000000e+00, v49  }
0x3fa: {  	v57 =	vsub.f32 $1.500000000e+00, v57  }
0x3fb: {  	v45 =	vmul.f32 v49, v45  }
0x3fc: {  	v49 =	vmul.f32 v57, v46  }
0x3fd: {  	v57 =	vmul.f32 v45, v60;
	v46 =	vmul.f32 v45, v54  }
0x3fe: {  	v58 =	vmul.f32 v45, v51;
	v54 =	vmul.f32 v49, v56  }
.Ltmp5:
0x3ff: {  	v51 =	vmul.f32 v45, v52;
	v52 =	vmul.f32 v45, v55;
	(pc) =	sbr.rel @p0 .LBB2_13-.Ltmp5, $4  }
0x400: {  	v59 =	vmul.f32 v45, v53;
	v55 =	vmul.f32 v54, v49  }
0x401: {  	v54 =	vmul.f32 v51, v24;
	v51 =	vmul.f32 v45, v50  }
0x402: {  	v53 =	vmul.f32 v57, v22;
	v50 =	vmul.f32 v59, v27;
	v56 =	vsub.f32 $1.500000000e+00, v55  }
0x403: {  	v55 =	vmul.f32 v52, v26;
	v52 =	vmul.f32 v58, v29  }
0x404: {  	v54 =	vadd.f32 v54, v32  }
0x405: {  	v53 =	vadd.f32 v53, v30  }
0x406: {  	v49 =	vmul.f32 v56, v49;
	v50 =	vadd.f32 v50, v35;
	[tilespmem:s12+$0xA0] =	vst v54  }
0x407: {  	v46 =	vmul.f32 v46, v23;
	v45 =	vmul.f32 v45, v47;
	v55 =	vadd.f32 v55, v34;
	[tilespmem:s12+$0x80] =	vst v53  }
0x408: {  	v59 =	vmul.f32 v51, v28;
	v62 =	vadd.f32 v52, v37;
	v48 =	vmul.f32 v49, v48;
	[tilespmem:s12+$0xD0] =	vst v50  }
0x409: {  	v46 =	vadd.f32 v46, v31;
	v45 =	vmul.f32 v45, v25;
	v44 =	vmul.f32 v49, v44;
	[tilespmem:s12+$0xC0] =	vst v55  }
0x40a: {  	v60 =	vadd.f32 v59, v36;
	v39 =	vmul.f32 v49, v39;
	[tilespmem:s12+$0xF0] =	vst v62;
	v48 =	vmul.f32 v48, v22  }
0x40b: {  	v42 =	vmul.f32 v49, v42;
	[tilespmem:s12+$0x90] =	vst v46;
	v44 =	vmul.f32 v44, v29;
	v45 =	vadd.f32 v45, v33  }
0x40c: {  	v43 =	vmul.f32 v49, v43;
	[tilespmem:s12+$0xE0] =	vst v60;
	v39 =	vmul.f32 v39, v24;
	v61 =	vadd.f32 v48, v30  }
0x40d: {  	v38 =	vmul.f32 v49, v38;
	v42 =	vmul.f32 v42, v26;
	v44 =	vadd.f32 v44, v37;
	[tilespmem:s12+$0xB0] =	vst v45  }
0x40e: {  	v40 =	vmul.f32 v49, v40;
	v43 =	vmul.f32 v43, v28;
	v39 =	vadd.f32 v39, v32;
	[tilespmem:s12+$0x0] =	vst v61  }
0x40f: {  	v41 =	vmul.f32 v49, v41;
	v38 =	vmul.f32 v38, v23;
	v42 =	vadd.f32 v42, v34;
	[tilespmem:s12+$0x70] =	vst v44  }
0x410: {  	s11 =	sadd.s32 $0x1, s11;
	v40 =	vmul.f32 v40, v27;
	v43 =	vadd.f32 v43, v36;
	[tilespmem:s12+$0x20] =	vst v39  }
0x411: {  	p0 =	sne.s32 s11, $0x20;
	v63 =	vmul.f32 v41, v25;
	v38 =	vadd.f32 v38, v31;
	[tilespmem:s12+$0x40] =	vst v42  }
.Ltmp6:
0x412: {  	v40 =	vadd.f32 v40, v35;
	[tilespmem:s12+$0x60] =	vst v43;
	(pc) =	sbr.rel @p0 .LBB2_2-.Ltmp6, $4  }
0x413: {  	v39 =	vadd.f32 v63, v33;
	[tilespmem:s12+$0x10] =	vst v38  }
0x414: {  	s2 =	sshll.u32 s16, $0xB;
	[tilespmem:s12+$0x50] =	vst v40  }
0x415: {  	s2 =	sadd.s32 s2, s15;
	[tilespmem:s12+$0x30] =	vst v39  }
0x416: {  	[hbm4b:s2+s6] =	stream.linear.scatter [tilespmem:s3], [sflag:$0xC], $0x4000, $0x38;
	[tilespmem:$0x18400] =	vst v63  }
0x417: {  	_ =	swait.ge [sflag:s9], $0x4000  }
0x418: {  	[sflag:s9] =	ssyncset.done $0x0  }
0x419: {  	[sflag:s9] =	ssyncadd.s32 $0xFFFFC000  }
0x41a: {  	_ =	swait.ge [sflag:s10], $0x4000  }
0x41b: {  	[sflag:s10] =	ssyncset.done $0x0  }
0x41c: {  	s2 =	simm.s32 $0xB;
	[sflag:s10] =	ssyncadd.s32 $0xFFFFC000  }
0x41d: {  	_ =	swait.ge [sflag:s2], $0x4000  }
0x41e: {  	[sflag:s2] =	ssyncset.done $0x0  }
0x41f: {  	s5 =	simm.s32 $0xC;
	[sflag:s2] =	ssyncadd.s32 $0xFFFFC000  }
0x420: {  	_ =	swait.ge [sflag:s5], $0x4000  }
0x421: {  	s11 =	rddreg [dreg:$0xc]  }
0x422: {  	s30 =	rddreg [dreg:$0xb];
	s11 =	sadd.s32 $0x1, s11  }
0x423: {  	p0 =	sne.s32 s11, s30  }
.Ltmp7:
0x424: {  	_ = 	snop;
	(pc) =	sbr.rel @p0 .LBB2_1-.Ltmp7, $3  }
0x425: {  	_ =	sdelay $0x1  }
0x426: {  	[sflag:s5] =	ssyncset.done $0x0  }
0x427: {  	[sflag:s5] =	ssyncadd.s32 $0xFFFFC000  }
0x428: {  	_ =	sfence.sel $0x180000  }
0x429: {  	[bflag:$0x0] =	sbarrier.arrive $0xFFFF  }
0x42a: {  	_ =	strace $0x90000047  }
0x42b: {  	s0 =	stileid.u32;
	[bflag:$0x2] =	sbarrier.arrive $0xFFFF  }
0x42c: {  	p0 =	sne.s32 s0, $0x0;
	s0 =	rddreg [dreg:$0x6]  }
0x42d: {  	s0 =	sadd.s32 @!p0 $0x100000, s0  }
0x42e: {  	[sflag:s0] =	ssyncadd.tile.s32 @!p0 $0x1;
	_ =	shalt  }
.Lfunc_end2:
_tile_overlayer_lowered:
.L_overlay_start_2:
0x42f: {  	(tag) =	ssettag $0x2  }
0x430: {  	s0 =	rddreg [dreg:$0x0];
	s2 =	stileid.u32  }
0x431: {  	s1 =	rddreg [dreg:$0x1];
	p0 =	sne.s32 s2, $0x0  }
0x432: {  	s3 =	rddreg [dreg:$0x2];
	[bflag:$0x3] =	sbarrier.arrive $0xFFFF;
	s2 =	simm.s32 @!p0 $0x1C0D  }
0x433: {  	[timem:s3], [sflag:s2] =	dma.local @!p0 [hbm:s0], s1  }
0x434: {  	s0 =	simm.s32 @!p0 $0xD  }
0x435: {  	_ =	swait.ge @!p0 [sflag:s0], s1  }
0x436: {  	s1 =	ssub.s32 @!p0 $0x0, s1;
	[sflag:s0] =	ssyncset.done @!p0 $0x0  }
0x437: {  	[sflag:s0] =	ssyncadd.s32 @!p0 s1  }
0x438: {  	[bflag:$0x3] =	sbarrier.arrive $0xFFFF  }
0x439: {  	_ =	shalt  }

</sc_bundles>
